<compile_context>
chip_gen: v7x
topology: tpu7x:2x2x1
jax: 0.10.2.dev20260603
libtpu: 0.0.44.dev20260713+nightly
codegen_flags: <defaults>
</compile_context>

<pallas_src>
import functools

import jax
import jax.numpy as jnp
from jax import lax
from jax.experimental import pallas as pl
from jax.experimental.pallas import tpu as pltpu
from jax.experimental.pallas import tpu_sc as plsc

NC = 2
NS = 16
NW = NC * NS
CHUNK = 128
NBUF = 3

_mesh = plsc.VectorSubcoreMesh(core_axis_name="c", subcore_axis_name="s")


def _round_up(a, m):
    return ((a + m - 1) // m) * m


def _fill(buf, rows, d, value):
    @pl.loop(0, rows)
    def _(i):
        @pl.loop(0, d // 16)
        def _(j):
            buf[pl.ds(i, 1), pl.ds(j * 16, 16)] = jnp.full((1, 16), value,
                                                           jnp.float32)


def _zero_stripe(zbuf, acc, sid, stripe, d, chunk=CHUNK):
    full, rem = stripe // chunk, stripe % chunk

    @pl.loop(0, full)
    def _(t):
        pltpu.sync_copy(zbuf, acc.at[pl.ds(sid * stripe + t * chunk, chunk)])

    if rem:
        pltpu.sync_copy(zbuf.at[pl.ds(0, rem)],
                        acc.at[pl.ds(sid * stripe + full * chunk, rem)])


def _read_stripe(acc, out_hbm, cid, sid, stripe):
    full, rem = stripe // CHUNK, stripe % CHUNK

    @pl.loop(0, full)
    def _(t):
        r0 = sid * stripe + t * CHUNK
        pltpu.sync_copy(acc.at[pl.ds(r0, CHUNK)], out_hbm.at[cid, pl.ds(r0, CHUNK)])

    if rem:
        r0 = sid * stripe + full * CHUNK
        pltpu.sync_copy(acc.at[pl.ds(r0, rem)], out_hbm.at[cid, pl.ds(r0, rem)])


def _make_count(npad, epad):
    per_w = epad // NW
    n_chunks = per_w // CHUNK
    n_rounds = n_chunks // NBUF
    stripe = npad // NS
    d = 128

    @functools.partial(
        pl.kernel,
        out_type=jax.ShapeDtypeStruct((NC, npad, d), jnp.float32),
        mesh=_mesh,
        scratch_types=[pltpu.VMEM((CHUNK, d), jnp.float32),
                       pltpu.VMEM_SHARED((npad, d), jnp.float32)]
        + [pltpu.VMEM((CHUNK,), jnp.int32) for _ in range(NBUF)]
        + [pltpu.SemaphoreType.DMA for _ in range(2 * NBUF)],
    )
    def count(row_hbm, out_hbm, ones_v, acc, *rest):
        ridx = rest[:NBUF]
        risem = rest[NBUF:2 * NBUF]
        ssem = rest[2 * NBUF:]

        cid = lax.axis_index("c")
        sid = lax.axis_index("s")
        wid = sid * NC + cid
        base = wid * per_w

        for b in range(NBUF):
            pltpu.async_copy(row_hbm.at[pl.ds(base + b * CHUNK, CHUNK)],
                             ridx[b], risem[b])

        _fill(ones_v, CHUNK, d, 0.0)
        _zero_stripe(ones_v, acc, sid, stripe, d)
        _fill(ones_v, CHUNK, d, 1.0 / d)
        plsc.subcore_barrier()

        @pl.loop(0, n_rounds)
        def _(r):
            c0 = r * NBUF
            for b in range(NBUF):
                c = c0 + b
                pltpu.make_async_copy(
                    row_hbm.at[pl.ds(base + c * CHUNK, CHUNK)], ridx[b],
                    risem[b]).wait()
                pltpu.async_copy(ones_v, acc.at[ridx[b]], ssem[b], add=True)
            for b in range(NBUF):
                c = c0 + b

                @pl.when(r < n_rounds - 1)
                def _():
                    pltpu.make_async_copy(ones_v, acc.at[ridx[b]],
                                          ssem[b]).wait()
                    pltpu.async_copy(
                        row_hbm.at[pl.ds(base + (c + NBUF) * CHUNK, CHUNK)],
                        ridx[b], risem[b])

        for b in range(NBUF):
            pltpu.make_async_copy(ones_v, acc.at[ridx[b]], ssem[b]).wait()

        plsc.subcore_barrier()
        _read_stripe(acc, out_hbm, cid, sid, stripe)

    return count


def _make_scatter(npad, epad, d, chunk=48, nbuf=7):
    per_w = epad // NW
    n_chunks = per_w // chunk
    n_rounds = n_chunks // nbuf
    stripe = npad // NS
    CHUNK, NBUF = chunk, nbuf

    @functools.partial(
        pl.kernel,
        out_type=jax.ShapeDtypeStruct((NC, npad, d), jnp.float32),
        mesh=_mesh,
        scratch_types=[pltpu.VMEM_SHARED((npad, d), jnp.float32)]
        + [pltpu.VMEM((CHUNK, d), jnp.float32) for _ in range(NBUF)]
        + [pltpu.VMEM((CHUNK,), jnp.int32) for _ in range(2 * NBUF)]
        + [pltpu.SemaphoreType.DMA for _ in range(4 * NBUF)],
    )
    def scatter(h_hbm, row_hbm, col_hbm, out_hbm, acc, *rest):
        rows = rest[:NBUF]
        ridx = rest[NBUF:2 * NBUF]
        cidx = rest[2 * NBUF:3 * NBUF]
        risem = rest[3 * NBUF:4 * NBUF]
        cisem = rest[4 * NBUF:5 * NBUF]
        gsem = rest[5 * NBUF:6 * NBUF]
        ssem = rest[6 * NBUF:]

        cid = lax.axis_index("c")
        sid = lax.axis_index("s")
        wid = sid * NC + cid
        base = wid * per_w

        def g_cp(b):
            return pltpu.make_async_copy(h_hbm.at[ridx[b]], rows[b], gsem[b])

        def s_cp(b):
            return pltpu.make_async_copy(rows[b], acc.at[cidx[b]], ssem[b])

        for b in range(NBUF):
            pltpu.async_copy(row_hbm.at[pl.ds(base + b * CHUNK, CHUNK)],
                             ridx[b], risem[b])
            pltpu.async_copy(col_hbm.at[pl.ds(base + b * CHUNK, CHUNK)],
                             cidx[b], cisem[b])

        _fill(rows[0], CHUNK, d, 0.0)
        _zero_stripe(rows[0], acc, sid, stripe, d, chunk=CHUNK)

        for b in range(NBUF):
            pltpu.make_async_copy(
                row_hbm.at[pl.ds(base + b * CHUNK, CHUNK)], ridx[b],
                risem[b]).wait()
            pltpu.async_copy(h_hbm.at[ridx[b]], rows[b], gsem[b])

        plsc.subcore_barrier()

        @pl.loop(0, n_rounds)
        def _(r):
            c0 = r * NBUF
            for b in range(NBUF):
                c = c0 + b
                g_cp(b).wait()
                pltpu.make_async_copy(
                    col_hbm.at[pl.ds(base + c * CHUNK, CHUNK)], cidx[b],
                    cisem[b]).wait()
                pltpu.async_copy(rows[b], acc.at[cidx[b]], ssem[b], add=True)

                @pl.when(r < n_rounds - 1)
                def _():
                    pltpu.async_copy(
                        row_hbm.at[pl.ds(base + (c + NBUF) * CHUNK, CHUNK)],
                        ridx[b], risem[b])

            for b in range(NBUF):
                c = c0 + b

                @pl.when(r < n_rounds - 1)
                def _():
                    s_cp(b).wait()
                    pltpu.async_copy(
                        col_hbm.at[pl.ds(base + (c + NBUF) * CHUNK, CHUNK)],
                        cidx[b], cisem[b])
                    pltpu.make_async_copy(
                        row_hbm.at[pl.ds(base + (c + NBUF) * CHUNK, CHUNK)],
                        ridx[b], risem[b]).wait()
                    pltpu.async_copy(h_hbm.at[ridx[b]], rows[b], gsem[b])

        for b in range(NBUF):
            s_cp(b).wait()

        plsc.subcore_barrier()
        _read_stripe(acc, out_hbm, cid, sid, stripe)

    return scatter


def _tc_matmul(x, w):
    def body(x_ref, w_ref, o_ref):
        o_ref[...] = jnp.dot(x_ref[...], w_ref[...],
                             preferred_element_type=jnp.float32)

    return pl.pallas_call(
        body,
        out_shape=jax.ShapeDtypeStruct((x.shape[0], w.shape[1]), jnp.float32),
    )(x, w)


def _dis(degp_ref):
    deg = jnp.sum(degp_ref[0] + degp_ref[1], axis=1, keepdims=True) + 1.0
    return lax.rsqrt(deg)


def _tc_scale(xw, degp):
    def body(xw_ref, degp_ref, o_ref):
        o_ref[...] = _dis(degp_ref) * xw_ref[...]

    return pl.pallas_call(
        body,
        out_shape=jax.ShapeDtypeStruct(xw.shape, jnp.float32),
    )(xw, degp)


def _tc_layer(sp, hp, degp, b, w):
    def body(sp_ref, hp_ref, degp_ref, b_ref, w_ref, o_ref):
        dis = _dis(degp_ref)
        aggr = dis * (sp_ref[0] + sp_ref[1] + hp_ref[...]) + b_ref[...]
        h = jnp.maximum(aggr, 0.0)
        o_ref[...] = dis * jnp.dot(h, w_ref[...],
                                   preferred_element_type=jnp.float32)

    return pl.pallas_call(
        body,
        out_shape=jax.ShapeDtypeStruct((hp.shape[0], w.shape[1]), jnp.float32),
    )(sp, hp, degp, b, w)


def _tc_finish(sp, hp, degp, b):
    def body(sp_ref, hp_ref, degp_ref, b_ref, o_ref):
        dis = _dis(degp_ref)
        o_ref[...] = dis * (sp_ref[0] + sp_ref[1] + hp_ref[...]) + b_ref[...]

    return pl.pallas_call(
        body,
        out_shape=jax.ShapeDtypeStruct(hp.shape, jnp.float32),
    )(sp, hp, degp, b)


def kernel(x, edge_index, W1, b1, W2, b2):
    n, in_ch = x.shape
    e = edge_index.shape[1]
    npad = _round_up(n + 1, CHUNK)
    epad_c = _round_up(e, NW * CHUNK * NBUF)
    epad_s = _round_up(e, NW * 48 * 7)
    epad = max(epad_c, epad_s)

    out_ch = W2.shape[1]
    oc_pad = _round_up(out_ch, 128)

    xpad = jnp.zeros((npad, in_ch), x.dtype).at[:n].set(x)
    pad_idx = n + (jnp.arange(epad - e, dtype=jnp.int32) % (npad - n))
    rowp = jnp.concatenate([edge_index[0], pad_idx])
    colp = jnp.concatenate([edge_index[1], pad_idx])
    b1r = b1.reshape(1, -1)
    b2r = jnp.zeros((1, oc_pad), b2.dtype).at[0, :out_ch].set(b2)
    W2p = jnp.zeros((W2.shape[0], oc_pad), W2.dtype).at[:, :out_ch].set(W2)

    count = _make_count(npad, epad_c)
    scat1 = _make_scatter(npad, epad_s, W1.shape[1])
    scat2 = _make_scatter(npad, epad_s, oc_pad)

    degp = count(rowp)
    xw = _tc_matmul(xpad, W1)
    hp1 = _tc_scale(xw, degp)
    s1 = scat1(hp1, rowp, colp)
    hp2 = _tc_layer(s1, hp1, degp, b1r, W2p)
    s2 = scat2(hp2, rowp, colp)
    outp = _tc_finish(s2, hp2, degp, b2r)
    return outp[:n, :out_ch]

# --- scband reference (transcript-rebuilt; emitter-appended) ---
"""Pipeline reference for scband-gcnencoder-88562225644058 (READ-ONLY COPY).

The authoritative reference and input builder live on the scoring server;
editing this copy changes nothing except your own understanding.
"""

import jax, jax.numpy as jnp
import numpy as np

N = 10000
E = 320000
IN_CH = 128
OUT_CH = 64
HID = 2 * OUT_CH


def _glorot(key, shape):
    s = float(np.sqrt(6.0 / (shape[0] + shape[1])))
    return jax.random.uniform(key, shape, jnp.float32, -s, s)


def setup_inputs(seed: int = 0) -> dict:
    key = jax.random.key(seed)
    k1, k2, k3, k4 = jax.random.split(key, 4)
    x = jax.random.normal(k1, (N, IN_CH), jnp.float32)
    edge_index = jax.random.randint(k2, (2, E), 0, N, jnp.int32)
    W1 = _glorot(k3, (IN_CH, HID))
    b1 = jnp.zeros((HID,), jnp.float32)
    W2 = _glorot(k4, (HID, OUT_CH))
    b2 = jnp.zeros((OUT_CH,), jnp.float32)
    return {"x": x, "edge_index": edge_index, "W1": W1, "b1": b1, "W2": W2, "b2": b2}


def _gcn_conv(x, edge_index, W, b):
    n = x.shape[0]
    loop = jnp.arange(n, dtype=edge_index.dtype)
    ei = jnp.concatenate([edge_index, jnp.stack([loop, loop], axis=0)], axis=1)
    x = x @ W
    row, col = ei[0], ei[1]
    edge_weight = jnp.ones((ei.shape[1],), x.dtype)
    deg = jax.ops.segment_sum(edge_weight, row, num_segments=n)
    deg_inv_sqrt = jnp.where(deg > 0, deg ** -0.5, 0.0)
    norm = deg_inv_sqrt[row] * edge_weight * deg_inv_sqrt[col]
    msg = norm[:, None] * x[row]
    aggr = jax.ops.segment_sum(msg, col, num_segments=n)
    return aggr + b


def reference(x, edge_index, W1, b1, W2, b2):
    h = jax.nn.relu(_gcn_conv(x, edge_index, W1, b1))
    return _gcn_conv(h, edge_index, W2, b2)

if __name__ == "__main__":
    import jax
    _d = setup_inputs()
    print(jax.jit(kernel)(*tuple(_d.values())))

</pallas_src>

<mosaic_0001>
#map = affine_map<(d0, d1) -> (0, 0)>
#map1 = affine_map<(d0, d1) -> (0)>
#map2 = affine_map<(d0, d1) -> (0, 0, 0)>
module attributes {stable_mosaic.version = 14 : i64} {
  func.func @scatter(%arg0: i32, %arg1: i32, %arg2: memref<10112x128xf32, #tpu.memory_space<hbm>>, %arg3: memref<331776xi32, #tpu.memory_space<hbm>>, %arg4: memref<331776xi32, #tpu.memory_space<hbm>>, %arg5: memref<2x10112x128xf32, #tpu.memory_space<hbm>>, %arg6: memref<10112x128xf32, #tpu.memory_space<vmem_shared>>, %arg7: memref<48x128xf32, #tpu.memory_space<vmem>>, %arg8: memref<48x128xf32, #tpu.memory_space<vmem>>, %arg9: memref<48x128xf32, #tpu.memory_space<vmem>>, %arg10: memref<48x128xf32, #tpu.memory_space<vmem>>, %arg11: memref<48x128xf32, #tpu.memory_space<vmem>>, %arg12: memref<48x128xf32, #tpu.memory_space<vmem>>, %arg13: memref<48x128xf32, #tpu.memory_space<vmem>>, %arg14: memref<48xi32, #tpu.memory_space<vmem>>, %arg15: memref<48xi32, #tpu.memory_space<vmem>>, %arg16: memref<48xi32, #tpu.memory_space<vmem>>, %arg17: memref<48xi32, #tpu.memory_space<vmem>>, %arg18: memref<48xi32, #tpu.memory_space<vmem>>, %arg19: memref<48xi32, #tpu.memory_space<vmem>>, %arg20: memref<48xi32, #tpu.memory_space<vmem>>, %arg21: memref<48xi32, #tpu.memory_space<vmem>>, %arg22: memref<48xi32, #tpu.memory_space<vmem>>, %arg23: memref<48xi32, #tpu.memory_space<vmem>>, %arg24: memref<48xi32, #tpu.memory_space<vmem>>, %arg25: memref<48xi32, #tpu.memory_space<vmem>>, %arg26: memref<48xi32, #tpu.memory_space<vmem>>, %arg27: memref<48xi32, #tpu.memory_space<vmem>>, %arg28: memref<!tpu.dma_semaphore, #tpu.memory_space<semaphore_mem>>, %arg29: memref<!tpu.dma_semaphore, #tpu.memory_space<semaphore_mem>>, %arg30: memref<!tpu.dma_semaphore, #tpu.memory_space<semaphore_mem>>, %arg31: memref<!tpu.dma_semaphore, #tpu.memory_space<semaphore_mem>>, %arg32: memref<!tpu.dma_semaphore, #tpu.memory_space<semaphore_mem>>, %arg33: memref<!tpu.dma_semaphore, #tpu.memory_space<semaphore_mem>>, %arg34: memref<!tpu.dma_semaphore, #tpu.memory_space<semaphore_mem>>, %arg35: memref<!tpu.dma_semaphore, #tpu.memory_space<semaphore_mem>>, %arg36: memref<!tpu.dma_semaphore, #tpu.memory_space<semaphore_mem>>, %arg37: memref<!tpu.dma_semaphore, #tpu.memory_space<semaphore_mem>>, %arg38: memref<!tpu.dma_semaphore, #tpu.memory_space<semaphore_mem>>, %arg39: memref<!tpu.dma_semaphore, #tpu.memory_space<semaphore_mem>>, %arg40: memref<!tpu.dma_semaphore, #tpu.memory_space<semaphore_mem>>, %arg41: memref<!tpu.dma_semaphore, #tpu.memory_space<semaphore_mem>>, %arg42: memref<!tpu.dma_semaphore, #tpu.memory_space<semaphore_mem>>, %arg43: memref<!tpu.dma_semaphore, #tpu.memory_space<semaphore_mem>>, %arg44: memref<!tpu.dma_semaphore, #tpu.memory_space<semaphore_mem>>, %arg45: memref<!tpu.dma_semaphore, #tpu.memory_space<semaphore_mem>>, %arg46: memref<!tpu.dma_semaphore, #tpu.memory_space<semaphore_mem>>, %arg47: memref<!tpu.dma_semaphore, #tpu.memory_space<semaphore_mem>>, %arg48: memref<!tpu.dma_semaphore, #tpu.memory_space<semaphore_mem>>, %arg49: memref<!tpu.dma_semaphore, #tpu.memory_space<semaphore_mem>>, %arg50: memref<!tpu.dma_semaphore, #tpu.memory_space<semaphore_mem>>, %arg51: memref<!tpu.dma_semaphore, #tpu.memory_space<semaphore_mem>>, %arg52: memref<!tpu.dma_semaphore, #tpu.memory_space<semaphore_mem>>, %arg53: memref<!tpu.dma_semaphore, #tpu.memory_space<semaphore_mem>>, %arg54: memref<!tpu.dma_semaphore, #tpu.memory_space<semaphore_mem>>, %arg55: memref<!tpu.dma_semaphore, #tpu.memory_space<semaphore_mem>>) attributes {dimension_semantics = [#tpu.dimension_semantics<core_parallel>, #tpu.dimension_semantics<subcore_parallel>], iteration_bounds = array<i64: 2, 16>, scalar_prefetch = 0 : i64, scratch_operands = 50 : i64, tpu.core_type = #tpu.core_type<sc_vector_subcore>, window_params = [{transform_indices = #map}, {transform_indices = #map1}, {transform_indices = #map1}, {transform_indices = #map2}]} {
    %mul3A = arith.constant 2 : i32
    %mul3A_0 = arith.muli %arg1, %mul3A : i32
    %add3A = arith.addi %mul3A_0, %arg0 : i32
    %mul3A_1 = arith.constant 10080 : i32
    %mul3A_2 = arith.muli %add3A, %mul3A_1 : i32
    %add3A_3 = arith.constant 0 : i32
    %add3A_4 = arith.addi %mul3A_2, %add3A_3 : i32
    %dma_start3A = tpu.memref_slice %arg3[%add3A_4] : memref<331776xi32, #tpu.memory_space<hbm>> -> memref<48xi32, #tpu.memory_space<hbm>>
    %dma_start3A_5 = tpu.memref_slice %arg3[%add3A_4] : memref<331776xi32, #tpu.memory_space<hbm>> -> memref<48xi32, #tpu.memory_space<hbm>>
    tpu.enqueue_dma source(%dma_start3A_5 : memref<48xi32, #tpu.memory_space<hbm>>) target(%arg14 : memref<48xi32, #tpu.memory_space<vmem>>) target_semaphore(%arg28 : memref<!tpu.dma_semaphore, #tpu.memory_space<semaphore_mem>>)
    %add3A_6 = arith.constant 0 : i32
    %add3A_7 = arith.addi %mul3A_2, %add3A_6 : i32
    %dma_start3A_8 = tpu.memref_slice %arg4[%add3A_7] : memref<331776xi32, #tpu.memory_space<hbm>> -> memref<48xi32, #tpu.memory_space<hbm>>
    %dma_start3A_9 = tpu.memref_slice %arg4[%add3A_7] : memref<331776xi32, #tpu.memory_space<hbm>> -> memref<48xi32, #tpu.memory_space<hbm>>
    tpu.enqueue_dma source(%dma_start3A_9 : memref<48xi32, #tpu.memory_space<hbm>>) target(%arg21 : memref<48xi32, #tpu.memory_space<vmem>>) target_semaphore(%arg35 : memref<!tpu.dma_semaphore, #tpu.memory_space<semaphore_mem>>)
    %add3A_10 = arith.constant 48 : i32
    %add3A_11 = arith.addi %mul3A_2, %add3A_10 : i32
    %dma_start3A_12 = tpu.memref_slice %arg3[%add3A_11] : memref<331776xi32, #tpu.memory_space<hbm>> -> memref<48xi32, #tpu.memory_space<hbm>>
    %dma_start3A_13 = tpu.memref_slice %arg3[%add3A_11] : memref<331776xi32, #tpu.memory_space<hbm>> -> memref<48xi32, #tpu.memory_space<hbm>>
    tpu.enqueue_dma source(%dma_start3A_13 : memref<48xi32, #tpu.memory_space<hbm>>) target(%arg15 : memref<48xi32, #tpu.memory_space<vmem>>) target_semaphore(%arg29 : memref<!tpu.dma_semaphore, #tpu.memory_space<semaphore_mem>>)
    %add3A_14 = arith.constant 48 : i32
    %add3A_15 = arith.addi %mul3A_2, %add3A_14 : i32
    %dma_start3A_16 = tpu.memref_slice %arg4[%add3A_15] : memref<331776xi32, #tpu.memory_space<hbm>> -> memref<48xi32, #tpu.memory_space<hbm>>
    %dma_start3A_17 = tpu.memref_slice %arg4[%add3A_15] : memref<331776xi32, #tpu.memory_space<hbm>> -> memref<48xi32, #tpu.memory_space<hbm>>
    tpu.enqueue_dma source(%dma_start3A_17 : memref<48xi32, #tpu.memory_space<hbm>>) target(%arg22 : memref<48xi32, #tpu.memory_space<vmem>>) target_semaphore(%arg36 : memref<!tpu.dma_semaphore, #tpu.memory_space<semaphore_mem>>)
    %add3A_18 = arith.constant 96 : i32
    %add3A_19 = arith.addi %mul3A_2, %add3A_18 : i32
    %dma_start3A_20 = tpu.memref_slice %arg3[%add3A_19] : memref<331776xi32, #tpu.memory_space<hbm>> -> memref<48xi32, #tpu.memory_space<hbm>>
    %dma_start3A_21 = tpu.memref_slice %arg3[%add3A_19] : memref<331776xi32, #tpu.memory_space<hbm>> -> memref<48xi32, #tpu.memory_space<hbm>>
    tpu.enqueue_dma source(%dma_start3A_21 : memref<48xi32, #tpu.memory_space<hbm>>) target(%arg16 : memref<48xi32, #tpu.memory_space<vmem>>) target_semaphore(%arg30 : memref<!tpu.dma_semaphore, #tpu.memory_space<semaphore_mem>>)
    %add3A_22 = arith.constant 96 : i32
    %add3A_23 = arith.addi %mul3A_2, %add3A_22 : i32
    %dma_start3A_24 = tpu.memref_slice %arg4[%add3A_23] : memref<331776xi32, #tpu.memory_space<hbm>> -> memref<48xi32, #tpu.memory_space<hbm>>
    %dma_start3A_25 = tpu.memref_slice %arg4[%add3A_23] : memref<331776xi32, #tpu.memory_space<hbm>> -> memref<48xi32, #tpu.memory_space<hbm>>
    tpu.enqueue_dma source(%dma_start3A_25 : memref<48xi32, #tpu.memory_space<hbm>>) target(%arg23 : memref<48xi32, #tpu.memory_space<vmem>>) target_semaphore(%arg37 : memref<!tpu.dma_semaphore, #tpu.memory_space<semaphore_mem>>)
    %add3A_26 = arith.constant 144 : i32
    %add3A_27 = arith.addi %mul3A_2, %add3A_26 : i32
    %dma_start3A_28 = tpu.memref_slice %arg3[%add3A_27] : memref<331776xi32, #tpu.memory_space<hbm>> -> memref<48xi32, #tpu.memory_space<hbm>>
    %dma_start3A_29 = tpu.memref_slice %arg3[%add3A_27] : memref<331776xi32, #tpu.memory_space<hbm>> -> memref<48xi32, #tpu.memory_space<hbm>>
    tpu.enqueue_dma source(%dma_start3A_29 : memref<48xi32, #tpu.memory_space<hbm>>) target(%arg17 : memref<48xi32, #tpu.memory_space<vmem>>) target_semaphore(%arg31 : memref<!tpu.dma_semaphore, #tpu.memory_space<semaphore_mem>>)
    %add3A_30 = arith.constant 144 : i32
    %add3A_31 = arith.addi %mul3A_2, %add3A_30 : i32
    %dma_start3A_32 = tpu.memref_slice %arg4[%add3A_31] : memref<331776xi32, #tpu.memory_space<hbm>> -> memref<48xi32, #tpu.memory_space<hbm>>
    %dma_start3A_33 = tpu.memref_slice %arg4[%add3A_31] : memref<331776xi32, #tpu.memory_space<hbm>> -> memref<48xi32, #tpu.memory_space<hbm>>
    tpu.enqueue_dma source(%dma_start3A_33 : memref<48xi32, #tpu.memory_space<hbm>>) target(%arg24 : memref<48xi32, #tpu.memory_space<vmem>>) target_semaphore(%arg38 : memref<!tpu.dma_semaphore, #tpu.memory_space<semaphore_mem>>)
    %add3A_34 = arith.constant 192 : i32
    %add3A_35 = arith.addi %mul3A_2, %add3A_34 : i32
    %dma_start3A_36 = tpu.memref_slice %arg3[%add3A_35] : memref<331776xi32, #tpu.memory_space<hbm>> -> memref<48xi32, #tpu.memory_space<hbm>>
    %dma_start3A_37 = tpu.memref_slice %arg3[%add3A_35] : memref<331776xi32, #tpu.memory_space<hbm>> -> memref<48xi32, #tpu.memory_space<hbm>>
    tpu.enqueue_dma source(%dma_start3A_37 : memref<48xi32, #tpu.memory_space<hbm>>) target(%arg18 : memref<48xi32, #tpu.memory_space<vmem>>) target_semaphore(%arg32 : memref<!tpu.dma_semaphore, #tpu.memory_space<semaphore_mem>>)
    %add3A_38 = arith.constant 192 : i32
    %add3A_39 = arith.addi %mul3A_2, %add3A_38 : i32
    %dma_start3A_40 = tpu.memref_slice %arg4[%add3A_39] : memref<331776xi32, #tpu.memory_space<hbm>> -> memref<48xi32, #tpu.memory_space<hbm>>
    %dma_start3A_41 = tpu.memref_slice %arg4[%add3A_39] : memref<331776xi32, #tpu.memory_space<hbm>> -> memref<48xi32, #tpu.memory_space<hbm>>
    tpu.enqueue_dma source(%dma_start3A_41 : memref<48xi32, #tpu.memory_space<hbm>>) target(%arg25 : memref<48xi32, #tpu.memory_space<vmem>>) target_semaphore(%arg39 : memref<!tpu.dma_semaphore, #tpu.memory_space<semaphore_mem>>)
    %add3A_42 = arith.constant 240 : i32
    %add3A_43 = arith.addi %mul3A_2, %add3A_42 : i32
    %dma_start3A_44 = tpu.memref_slice %arg3[%add3A_43] : memref<331776xi32, #tpu.memory_space<hbm>> -> memref<48xi32, #tpu.memory_space<hbm>>
    %dma_start3A_45 = tpu.memref_slice %arg3[%add3A_43] : memref<331776xi32, #tpu.memory_space<hbm>> -> memref<48xi32, #tpu.memory_space<hbm>>
    tpu.enqueue_dma source(%dma_start3A_45 : memref<48xi32, #tpu.memory_space<hbm>>) target(%arg19 : memref<48xi32, #tpu.memory_space<vmem>>) target_semaphore(%arg33 : memref<!tpu.dma_semaphore, #tpu.memory_space<semaphore_mem>>)
    %add3A_46 = arith.constant 240 : i32
    %add3A_47 = arith.addi %mul3A_2, %add3A_46 : i32
    %dma_start3A_48 = tpu.memref_slice %arg4[%add3A_47] : memref<331776xi32, #tpu.memory_space<hbm>> -> memref<48xi32, #tpu.memory_space<hbm>>
    %dma_start3A_49 = tpu.memref_slice %arg4[%add3A_47] : memref<331776xi32, #tpu.memory_space<hbm>> -> memref<48xi32, #tpu.memory_space<hbm>>
    tpu.enqueue_dma source(%dma_start3A_49 : memref<48xi32, #tpu.memory_space<hbm>>) target(%arg26 : memref<48xi32, #tpu.memory_space<vmem>>) target_semaphore(%arg40 : memref<!tpu.dma_semaphore, #tpu.memory_space<semaphore_mem>>)
    %add3A_50 = arith.constant 288 : i32
    %add3A_51 = arith.addi %mul3A_2, %add3A_50 : i32
    %dma_start3A_52 = tpu.memref_slice %arg3[%add3A_51] : memref<331776xi32, #tpu.memory_space<hbm>> -> memref<48xi32, #tpu.memory_space<hbm>>
    %dma_start3A_53 = tpu.memref_slice %arg3[%add3A_51] : memref<331776xi32, #tpu.memory_space<hbm>> -> memref<48xi32, #tpu.memory_space<hbm>>
    tpu.enqueue_dma source(%dma_start3A_53 : memref<48xi32, #tpu.memory_space<hbm>>) target(%arg20 : memref<48xi32, #tpu.memory_space<vmem>>) target_semaphore(%arg34 : memref<!tpu.dma_semaphore, #tpu.memory_space<semaphore_mem>>)
    %add3A_54 = arith.constant 288 : i32
    %add3A_55 = arith.addi %mul3A_2, %add3A_54 : i32
    %dma_start3A_56 = tpu.memref_slice %arg4[%add3A_55] : memref<331776xi32, #tpu.memory_space<hbm>> -> memref<48xi32, #tpu.memory_space<hbm>>
    %dma_start3A_57 = tpu.memref_slice %arg4[%add3A_55] : memref<331776xi32, #tpu.memory_space<hbm>> -> memref<48xi32, #tpu.memory_space<hbm>>
    tpu.enqueue_dma source(%dma_start3A_57 : memref<48xi32, #tpu.memory_space<hbm>>) target(%arg27 : memref<48xi32, #tpu.memory_space<vmem>>) target_semaphore(%arg41 : memref<!tpu.dma_semaphore, #tpu.memory_space<semaphore_mem>>)
    %scan3A = arith.constant 0 : i32
    %scan3A_58 = arith.constant 48 : i32
    %scan3A_59 = arith.addi %scan3A, %scan3A_58 : i32
    %scan3A_60 = arith.constant 1 : i32
    scf.for %scan3A_155 = %scan3A to %scan3A_59 step %scan3A_60  : i32 {
      %mul3A_156 = arith.constant 1 : i32
      %mul3A_157 = arith.muli %scan3A_155, %mul3A_156 : i32
      %add3A_158 = arith.constant 0 : i32
      %add3A_159 = arith.addi %add3A_158, %mul3A_157 : i32
      %scan3A_160 = arith.constant 0 : i32
      %scan3A_161 = arith.constant 8 : i32
      %scan3A_162 = arith.addi %scan3A_160, %scan3A_161 : i32
      %scan3A_163 = arith.constant 1 : i32
      scf.for %scan3A_165 = %scan3A_160 to %scan3A_162 step %scan3A_163  : i32 {
        %mul3A_166 = arith.constant 1 : i32
        %mul3A_167 = arith.muli %scan3A_165, %mul3A_166 : i32
        %add3A_168 = arith.constant 0 : i32
        %add3A_169 = arith.addi %add3A_168, %mul3A_167 : i32
        %broadcast_in_dim3A = arith.constant 0.000000e+00 : f32
        %broadcast_in_dim3A_170 = vector.broadcast %broadcast_in_dim3A : f32 to vector<1x16xf32>
        %mul3A_171 = arith.constant 16 : i32
        %mul3A_172 = arith.muli %add3A_169, %mul3A_171 : i32
        %swap3A = arith.index_cast %add3A_159 : i32 to index
        %swap3A_173 = arith.index_cast %mul3A_172 : i32 to index
        %swap3A_174 = tpu.vector_load %arg7[%swap3A, %swap3A_173] {strides = array<i32>} : memref<48x128xf32, #tpu.memory_space<vmem>>, vector<1x16xf32>,
        %swap3A_175 = vector.shape_cast %swap3A_174 : vector<1x16xf32> to vector<1x16xf32>
        %swap3A_176 = vector.shape_cast %broadcast_in_dim3A_170 : vector<1x16xf32> to vector<1x16xf32>
        tpu.vector_store %arg7[%swap3A, %swap3A_173], %swap3A_176 {strides = array<i32>} : memref<48x128xf32, #tpu.memory_space<vmem>>, vector<1x16xf32>,
      }
      %scan3A_164 = arith.constant 8 : i32
    }
    %scan3A_61 = arith.constant 48 : i32
    %scan3A_62 = arith.constant 0 : i32
    %scan3A_63 = arith.constant 13 : i32
    %scan3A_64 = arith.addi %scan3A_62, %scan3A_63 : i32
    %scan3A_65 = arith.constant 1 : i32
    scf.for %scan3A_155 = %scan3A_62 to %scan3A_64 step %scan3A_65  : i32 {
      %mul3A_156 = arith.constant 1 : i32
      %mul3A_157 = arith.muli %scan3A_155, %mul3A_156 : i32
      %add3A_158 = arith.constant 0 : i32
      %add3A_159 = arith.addi %add3A_158, %mul3A_157 : i32
      %mul3A_160 = arith.constant 632 : i32
      %mul3A_161 = arith.muli %arg1, %mul3A_160 : i32
      %mul3A_162 = arith.constant 48 : i32
      %mul3A_163 = arith.muli %add3A_159, %mul3A_162 : i32
      %add3A_164 = arith.addi %mul3A_161, %mul3A_163 : i32
      "tpu.region"() ({
        %run_scoped3A = tpu.sem_alloc : memref<!tpu.dma_semaphore, #tpu.memory_space<semaphore_mem>>
        %dma_start3A_165 = arith.constant 0 : i32
        %dma_start3A_166 = tpu.memref_slice %arg6[%add3A_164, %dma_start3A_165] : memref<10112x128xf32, #tpu.memory_space<vmem_shared>> -> memref<48x128xf32, #tpu.memory_space<vmem_shared>>
        %dma_start3A_167 = arith.constant 0 : i32
        %dma_start3A_168 = tpu.memref_slice %arg6[%add3A_164, %dma_start3A_167] : memref<10112x128xf32, #tpu.memory_space<vmem_shared>> -> memref<48x128xf32, #tpu.memory_space<vmem_shared>>
        tpu.enqueue_dma source(%arg7 : memref<48x128xf32, #tpu.memory_space<vmem>>) target(%dma_start3A_168 : memref<48x128xf32, #tpu.memory_space<vmem_shared>>) target_semaphore(%run_scoped3A : memref<!tpu.dma_semaphore, #tpu.memory_space<semaphore_mem>>)
        %dma_wait3A_169 = arith.constant 0 : i32
        %dma_wait3A_170 = tpu.memref_slice %arg6[%add3A_164, %dma_wait3A_169] : memref<10112x128xf32, #tpu.memory_space<vmem_shared>> -> memref<48x128xf32, #tpu.memory_space<vmem_shared>>
        %dma_wait3A_171 = arith.constant 0 : i32
        %dma_wait3A_172 = tpu.memref_slice %arg6[%add3A_164, %dma_wait3A_171] : memref<10112x128xf32, #tpu.memory_space<vmem_shared>> -> memref<48x128xf32, #tpu.memory_space<vmem_shared>>
        tpu.wait_dma2 semaphore(%run_scoped3A : memref<!tpu.dma_semaphore, #tpu.memory_space<semaphore_mem>>) src(%arg7 : memref<48x128xf32, #tpu.memory_space<vmem>>) dst(%dma_wait3A_172 : memref<48x128xf32, #tpu.memory_space<vmem_shared>>)
        tpu.yield
      }) : () -> ()
    }
    %scan3A_66 = arith.constant 13 : i32
    %mul3A_67 = arith.constant 632 : i32
    %mul3A_68 = arith.muli %arg1, %mul3A_67 : i32
    %add3A_69 = arith.constant 624 : i32
    %add3A_70 = arith.addi %mul3A_68, %add3A_69 : i32
    "tpu.region"() ({
      %run_scoped3A = tpu.sem_alloc : memref<!tpu.dma_semaphore, #tpu.memory_space<semaphore_mem>>
      %dma_start3A_155 = arith.constant 0 : i32
      %dma_start3A_156 = arith.constant 0 : i32
      %dma_start3A_157 = tpu.memref_slice %arg7[%dma_start3A_155, %dma_start3A_156] : memref<48x128xf32, #tpu.memory_space<vmem>> -> memref<8x128xf32, #tpu.memory_space<vmem>>
      %dma_start3A_158 = arith.constant 0 : i32
      %dma_start3A_159 = tpu.memref_slice %arg6[%add3A_70, %dma_start3A_158] : memref<10112x128xf32, #tpu.memory_space<vmem_shared>> -> memref<8x128xf32, #tpu.memory_space<vmem_shared>>
      %dma_start3A_160 = arith.constant 0 : i32
      %dma_start3A_161 = tpu.memref_slice %arg6[%add3A_70, %dma_start3A_160] : memref<10112x128xf32, #tpu.memory_space<vmem_shared>> -> memref<8x128xf32, #tpu.memory_space<vmem_shared>>
      %dma_start3A_162 = arith.constant 0 : i32
      %dma_start3A_163 = arith.constant 0 : i32
      %dma_start3A_164 = tpu.memref_slice %arg7[%dma_start3A_162, %dma_start3A_163] : memref<48x128xf32, #tpu.memory_space<vmem>> -> memref<8x128xf32, #tpu.memory_space<vmem>>
      tpu.enqueue_dma source(%dma_start3A_164 : memref<8x128xf32, #tpu.memory_space<vmem>>) target(%dma_start3A_161 : memref<8x128xf32, #tpu.memory_space<vmem_shared>>) target_semaphore(%run_scoped3A : memref<!tpu.dma_semaphore, #tpu.memory_space<semaphore_mem>>)
      %dma_wait3A_165 = arith.constant 0 : i32
      %dma_wait3A_166 = arith.constant 0 : i32
      %dma_wait3A_167 = tpu.memref_slice %arg7[%dma_wait3A_165, %dma_wait3A_166] : memref<48x128xf32, #tpu.memory_space<vmem>> -> memref<8x128xf32, #tpu.memory_space<vmem>>
      %dma_wait3A_168 = arith.constant 0 : i32
      %dma_wait3A_169 = tpu.memref_slice %arg6[%add3A_70, %dma_wait3A_168] : memref<10112x128xf32, #tpu.memory_space<vmem_shared>> -> memref<8x128xf32, #tpu.memory_space<vmem_shared>>
      %dma_wait3A_170 = arith.constant 0 : i32
      %dma_wait3A_171 = tpu.memref_slice %arg6[%add3A_70, %dma_wait3A_170] : memref<10112x128xf32, #tpu.memory_space<vmem_shared>> -> memref<8x128xf32, #tpu.memory_space<vmem_shared>>
      %dma_wait3A_172 = arith.constant 0 : i32
      %dma_wait3A_173 = arith.constant 0 : i32
      %dma_wait3A_174 = tpu.memref_slice %arg7[%dma_wait3A_172, %dma_wait3A_173] : memref<48x128xf32, #tpu.memory_space<vmem>> -> memref<8x128xf32, #tpu.memory_space<vmem>>
      tpu.wait_dma2 semaphore(%run_scoped3A : memref<!tpu.dma_semaphore, #tpu.memory_space<semaphore_mem>>) src(%dma_wait3A_174 : memref<8x128xf32, #tpu.memory_space<vmem>>) dst(%dma_wait3A_171 : memref<8x128xf32, #tpu.memory_space<vmem_shared>>)
      tpu.yield
    }) : () -> ()
    %add3A_71 = arith.constant 0 : i32
    %add3A_72 = arith.addi %mul3A_2, %add3A_71 : i32
    %dma_wait3A = tpu.memref_slice %arg3[%add3A_72] : memref<331776xi32, #tpu.memory_space<hbm>> -> memref<48xi32, #tpu.memory_space<hbm>>
    %dma_wait3A_73 = tpu.memref_slice %arg3[%add3A_72] : memref<331776xi32, #tpu.memory_space<hbm>> -> memref<48xi32, #tpu.memory_space<hbm>>
    tpu.wait_dma2 semaphore(%arg28 : memref<!tpu.dma_semaphore, #tpu.memory_space<semaphore_mem>>) src(%dma_wait3A_73 : memref<48xi32, #tpu.memory_space<hbm>>) dst(%arg14 : memref<48xi32, #tpu.memory_space<vmem>>)
    %dma_start3A_74 = arith.constant 0 : i32
    %dma_start3A_75 = arith.constant 0 : i32
    %dma_start3A_76 = tpu.memref_slice %arg2[%dma_start3A_74, %dma_start3A_75] : memref<10112x128xf32, #tpu.memory_space<hbm>> -> memref<10112x128xf32, #tpu.memory_space<hbm>>
    tpu.enqueue_indirect_dma source(%dma_start3A_76 : memref<10112x128xf32, #tpu.memory_space<hbm>>) target(%arg7 : memref<48x128xf32, #tpu.memory_space<vmem>>) offsets(%arg14 : memref<48xi32, #tpu.memory_space<vmem>>) semaphore(%arg42 : memref<!tpu.dma_semaphore, #tpu.memory_space<semaphore_mem>>)
    %add3A_77 = arith.constant 48 : i32
    %add3A_78 = arith.addi %mul3A_2, %add3A_77 : i32
    %dma_wait3A_79 = tpu.memref_slice %arg3[%add3A_78] : memref<331776xi32, #tpu.memory_space<hbm>> -> memref<48xi32, #tpu.memory_space<hbm>>
    %dma_wait3A_80 = tpu.memref_slice %arg3[%add3A_78] : memref<331776xi32, #tpu.memory_space<hbm>> -> memref<48xi32, #tpu.memory_space<hbm>>
    tpu.wait_dma2 semaphore(%arg29 : memref<!tpu.dma_semaphore, #tpu.memory_space<semaphore_mem>>) src(%dma_wait3A_80 : memref<48xi32, #tpu.memory_space<hbm>>) dst(%arg15 : memref<48xi32, #tpu.memory_space<vmem>>)
    %dma_start3A_81 = arith.constant 0 : i32
    %dma_start3A_82 = arith.constant 0 : i32
    %dma_start3A_83 = tpu.memref_slice %arg2[%dma_start3A_81, %dma_start3A_82] : memref<10112x128xf32, #tpu.memory_space<hbm>> -> memref<10112x128xf32, #tpu.memory_space<hbm>>
    tpu.enqueue_indirect_dma source(%dma_start3A_83 : memref<10112x128xf32, #tpu.memory_space<hbm>>) target(%arg8 : memref<48x128xf32, #tpu.memory_space<vmem>>) offsets(%arg15 : memref<48xi32, #tpu.memory_space<vmem>>) semaphore(%arg43 : memref<!tpu.dma_semaphore, #tpu.memory_space<semaphore_mem>>)
    %add3A_84 = arith.constant 96 : i32
    %add3A_85 = arith.addi %mul3A_2, %add3A_84 : i32
    %dma_wait3A_86 = tpu.memref_slice %arg3[%add3A_85] : memref<331776xi32, #tpu.memory_space<hbm>> -> memref<48xi32, #tpu.memory_space<hbm>>
    %dma_wait3A_87 = tpu.memref_slice %arg3[%add3A_85] : memref<331776xi32, #tpu.memory_space<hbm>> -> memref<48xi32, #tpu.memory_space<hbm>>
    tpu.wait_dma2 semaphore(%arg30 : memref<!tpu.dma_semaphore, #tpu.memory_space<semaphore_mem>>) src(%dma_wait3A_87 : memref<48xi32, #tpu.memory_space<hbm>>) dst(%arg16 : memref<48xi32, #tpu.memory_space<vmem>>)
    %dma_start3A_88 = arith.constant 0 : i32
    %dma_start3A_89 = arith.constant 0 : i32
    %dma_start3A_90 = tpu.memref_slice %arg2[%dma_start3A_88, %dma_start3A_89] : memref<10112x128xf32, #tpu.memory_space<hbm>> -> memref<10112x128xf32, #tpu.memory_space<hbm>>
    tpu.enqueue_indirect_dma source(%dma_start3A_90 : memref<10112x128xf32, #tpu.memory_space<hbm>>) target(%arg9 : memref<48x128xf32, #tpu.memory_space<vmem>>) offsets(%arg16 : memref<48xi32, #tpu.memory_space<vmem>>) semaphore(%arg44 : memref<!tpu.dma_semaphore, #tpu.memory_space<semaphore_mem>>)
    %add3A_91 = arith.constant 144 : i32
    %add3A_92 = arith.addi %mul3A_2, %add3A_91 : i32
    %dma_wait3A_93 = tpu.memref_slice %arg3[%add3A_92] : memref<331776xi32, #tpu.memory_space<hbm>> -> memref<48xi32, #tpu.memory_space<hbm>>
    %dma_wait3A_94 = tpu.memref_slice %arg3[%add3A_92] : memref<331776xi32, #tpu.memory_space<hbm>> -> memref<48xi32, #tpu.memory_space<hbm>>
    tpu.wait_dma2 semaphore(%arg31 : memref<!tpu.dma_semaphore, #tpu.memory_space<semaphore_mem>>) src(%dma_wait3A_94 : memref<48xi32, #tpu.memory_space<hbm>>) dst(%arg17 : memref<48xi32, #tpu.memory_space<vmem>>)
    %dma_start3A_95 = arith.constant 0 : i32
    %dma_start3A_96 = arith.constant 0 : i32
    %dma_start3A_97 = tpu.memref_slice %arg2[%dma_start3A_95, %dma_start3A_96] : memref<10112x128xf32, #tpu.memory_space<hbm>> -> memref<10112x128xf32, #tpu.memory_space<hbm>>
    tpu.enqueue_indirect_dma source(%dma_start3A_97 : memref<10112x128xf32, #tpu.memory_space<hbm>>) target(%arg10 : memref<48x128xf32, #tpu.memory_space<vmem>>) offsets(%arg17 : memref<48xi32, #tpu.memory_space<vmem>>) semaphore(%arg45 : memref<!tpu.dma_semaphore, #tpu.memory_space<semaphore_mem>>)
    %add3A_98 = arith.constant 192 : i32
    %add3A_99 = arith.addi %mul3A_2, %add3A_98 : i32
    %dma_wait3A_100 = tpu.memref_slice %arg3[%add3A_99] : memref<331776xi32, #tpu.memory_space<hbm>> -> memref<48xi32, #tpu.memory_space<hbm>>
    %dma_wait3A_101 = tpu.memref_slice %arg3[%add3A_99] : memref<331776xi32, #tpu.memory_space<hbm>> -> memref<48xi32, #tpu.memory_space<hbm>>
    tpu.wait_dma2 semaphore(%arg32 : memref<!tpu.dma_semaphore, #tpu.memory_space<semaphore_mem>>) src(%dma_wait3A_101 : memref<48xi32, #tpu.memory_space<hbm>>) dst(%arg18 : memref<48xi32, #tpu.memory_space<vmem>>)
    %dma_start3A_102 = arith.constant 0 : i32
    %dma_start3A_103 = arith.constant 0 : i32
    %dma_start3A_104 = tpu.memref_slice %arg2[%dma_start3A_102, %dma_start3A_103] : memref<10112x128xf32, #tpu.memory_space<hbm>> -> memref<10112x128xf32, #tpu.memory_space<hbm>>
    tpu.enqueue_indirect_dma source(%dma_start3A_104 : memref<10112x128xf32, #tpu.memory_space<hbm>>) target(%arg11 : memref<48x128xf32, #tpu.memory_space<vmem>>) offsets(%arg18 : memref<48xi32, #tpu.memory_space<vmem>>) semaphore(%arg46 : memref<!tpu.dma_semaphore, #tpu.memory_space<semaphore_mem>>)
    %add3A_105 = arith.constant 240 : i32
    %add3A_106 = arith.addi %mul3A_2, %add3A_105 : i32
    %dma_wait3A_107 = tpu.memref_slice %arg3[%add3A_106] : memref<331776xi32, #tpu.memory_space<hbm>> -> memref<48xi32, #tpu.memory_space<hbm>>
    %dma_wait3A_108 = tpu.memref_slice %arg3[%add3A_106] : memref<331776xi32, #tpu.memory_space<hbm>> -> memref<48xi32, #tpu.memory_space<hbm>>
    tpu.wait_dma2 semaphore(%arg33 : memref<!tpu.dma_semaphore, #tpu.memory_space<semaphore_mem>>) src(%dma_wait3A_108 : memref<48xi32, #tpu.memory_space<hbm>>) dst(%arg19 : memref<48xi32, #tpu.memory_space<vmem>>)
    %dma_start3A_109 = arith.constant 0 : i32
    %dma_start3A_110 = arith.constant 0 : i32
    %dma_start3A_111 = tpu.memref_slice %arg2[%dma_start3A_109, %dma_start3A_110] : memref<10112x128xf32, #tpu.memory_space<hbm>> -> memref<10112x128xf32, #tpu.memory_space<hbm>>
    tpu.enqueue_indirect_dma source(%dma_start3A_111 : memref<10112x128xf32, #tpu.memory_space<hbm>>) target(%arg12 : memref<48x128xf32, #tpu.memory_space<vmem>>) offsets(%arg19 : memref<48xi32, #tpu.memory_space<vmem>>) semaphore(%arg47 : memref<!tpu.dma_semaphore, #tpu.memory_space<semaphore_mem>>)
    %add3A_112 = arith.constant 288 : i32
    %add3A_113 = arith.addi %mul3A_2, %add3A_112 : i32
    %dma_wait3A_114 = tpu.memref_slice %arg3[%add3A_113] : memref<331776xi32, #tpu.memory_space<hbm>> -> memref<48xi32, #tpu.memory_space<hbm>>
    %dma_wait3A_115 = tpu.memref_slice %arg3[%add3A_113] : memref<331776xi32, #tpu.memory_space<hbm>> -> memref<48xi32, #tpu.memory_space<hbm>>
    tpu.wait_dma2 semaphore(%arg34 : memref<!tpu.dma_semaphore, #tpu.memory_space<semaphore_mem>>) src(%dma_wait3A_115 : memref<48xi32, #tpu.memory_space<hbm>>) dst(%arg20 : memref<48xi32, #tpu.memory_space<vmem>>)
    %dma_start3A_116 = arith.constant 0 : i32
    %dma_start3A_117 = arith.constant 0 : i32
    %dma_start3A_118 = tpu.memref_slice %arg2[%dma_start3A_116, %dma_start3A_117] : memref<10112x128xf32, #tpu.memory_space<hbm>> -> memref<10112x128xf32, #tpu.memory_space<hbm>>
    tpu.enqueue_indirect_dma source(%dma_start3A_118 : memref<10112x128xf32, #tpu.memory_space<hbm>>) target(%arg13 : memref<48x128xf32, #tpu.memory_space<vmem>>) offsets(%arg20 : memref<48xi32, #tpu.memory_space<vmem>>) semaphore(%arg48 : memref<!tpu.dma_semaphore, #tpu.memory_space<semaphore_mem>>)
    %barrier3A = arith.constant 0 : index
    tpu.barrier barrier_id(%barrier3A)
    %scan3A_119 = arith.constant 0 : i32
    %scan3A_120 = arith.constant 30 : i32
    %scan3A_121 = arith.addi %scan3A_119, %scan3A_120 : i32
    %scan3A_122 = arith.constant 1 : i32
    scf.for %scan3A_155 = %scan3A_119 to %scan3A_121 step %scan3A_122  : i32 {
      %mul3A_156 = arith.constant 1 : i32
      %mul3A_157 = arith.muli %scan3A_155, %mul3A_156 : i32
      %add3A_158 = arith.constant 0 : i32
      %add3A_159 = arith.addi %add3A_158, %mul3A_157 : i32
      %mul3A_160 = arith.constant 7 : i32
      %mul3A_161 = arith.muli %add3A_159, %mul3A_160 : i32
      %add3A_162 = arith.constant 0 : i32
      %add3A_163 = arith.addi %mul3A_161, %add3A_162 : i32
      %dma_wait3A_164 = arith.constant 0 : i32
      %dma_wait3A_165 = arith.constant 0 : i32
      %dma_wait3A_166 = tpu.memref_slice %arg2[%dma_wait3A_164, %dma_wait3A_165] : memref<10112x128xf32, #tpu.memory_space<hbm>> -> memref<10112x128xf32, #tpu.memory_space<hbm>>
      tpu.wait_indirect_dma semaphore(%arg42 : memref<!tpu.dma_semaphore, #tpu.memory_space<semaphore_mem>>) src(%dma_wait3A_166 : memref<10112x128xf32, #tpu.memory_space<hbm>>) dst(%arg7 : memref<48x128xf32, #tpu.memory_space<vmem>>)
      %mul3A_167 = arith.constant 48 : i32
      %mul3A_168 = arith.muli %add3A_163, %mul3A_167 : i32
      %add3A_169 = arith.addi %mul3A_2, %mul3A_168 : i32
      %dma_wait3A_170 = tpu.memref_slice %arg4[%add3A_169] : memref<331776xi32, #tpu.memory_space<hbm>> -> memref<48xi32, #tpu.memory_space<hbm>>
      %dma_wait3A_171 = tpu.memref_slice %arg4[%add3A_169] : memref<331776xi32, #tpu.memory_space<hbm>> -> memref<48xi32, #tpu.memory_space<hbm>>
      tpu.wait_dma2 semaphore(%arg35 : memref<!tpu.dma_semaphore, #tpu.memory_space<semaphore_mem>>) src(%dma_wait3A_171 : memref<48xi32, #tpu.memory_space<hbm>>) dst(%arg21 : memref<48xi32, #tpu.memory_space<vmem>>)
      %dma_start3A_172 = arith.constant 0 : i32
      %dma_start3A_173 = arith.constant 0 : i32
      %dma_start3A_174 = tpu.memref_slice %arg6[%dma_start3A_172, %dma_start3A_173] : memref<10112x128xf32, #tpu.memory_space<vmem_shared>> -> memref<10112x128xf32, #tpu.memory_space<vmem_shared>>
      tpu.enqueue_indirect_dma source(%arg7 : memref<48x128xf32, #tpu.memory_space<vmem>>) target(%dma_start3A_174 : memref<10112x128xf32, #tpu.memory_space<vmem_shared>>) offsets(%arg21 : memref<48xi32, #tpu.memory_space<vmem>>) semaphore(%arg49 : memref<!tpu.dma_semaphore, #tpu.memory_space<semaphore_mem>>) {add = true}
      %lt3A = arith.constant 29 : i32
      %lt3A_175 = arith.cmpi slt, %add3A_159, %lt3A : i32
      %convert_element_type3A = arith.extui %lt3A_175 : i1 to i32
      %cond3A = arith.constant 0 : i32
      %cond3A_176 = arith.cmpi ne, %convert_element_type3A, %cond3A : i32
      scf.if %cond3A_176 {
        %add3A_334 = arith.constant 7 : i32
        %add3A_335 = arith.addi %add3A_163, %add3A_334 : i32
        %mul3A_336 = arith.constant 48 : i32
        %mul3A_337 = arith.muli %add3A_335, %mul3A_336 : i32
        %add3A_338 = arith.addi %mul3A_2, %mul3A_337 : i32
        %dma_start3A_339 = tpu.memref_slice %arg3[%add3A_338] : memref<331776xi32, #tpu.memory_space<hbm>> -> memref<48xi32, #tpu.memory_space<hbm>>
        %dma_start3A_340 = tpu.memref_slice %arg3[%add3A_338] : memref<331776xi32, #tpu.memory_space<hbm>> -> memref<48xi32, #tpu.memory_space<hbm>>
        tpu.enqueue_dma source(%dma_start3A_340 : memref<48xi32, #tpu.memory_space<hbm>>) target(%arg14 : memref<48xi32, #tpu.memory_space<vmem>>) target_semaphore(%arg28 : memref<!tpu.dma_semaphore, #tpu.memory_space<semaphore_mem>>)
      } else {
      }
      %add3A_177 = arith.constant 1 : i32
      %add3A_178 = arith.addi %mul3A_161, %add3A_177 : i32
      %dma_wait3A_179 = arith.constant 0 : i32
      %dma_wait3A_180 = arith.constant 0 : i32
      %dma_wait3A_181 = tpu.memref_slice %arg2[%dma_wait3A_179, %dma_wait3A_180] : memref<10112x128xf32, #tpu.memory_space<hbm>> -> memref<10112x128xf32, #tpu.memory_space<hbm>>
      tpu.wait_indirect_dma semaphore(%arg43 : memref<!tpu.dma_semaphore, #tpu.memory_space<semaphore_mem>>) src(%dma_wait3A_181 : memref<10112x128xf32, #tpu.memory_space<hbm>>) dst(%arg8 : memref<48x128xf32, #tpu.memory_space<vmem>>)
      %mul3A_182 = arith.constant 48 : i32
      %mul3A_183 = arith.muli %add3A_178, %mul3A_182 : i32
      %add3A_184 = arith.addi %mul3A_2, %mul3A_183 : i32
      %dma_wait3A_185 = tpu.memref_slice %arg4[%add3A_184] : memref<331776xi32, #tpu.memory_space<hbm>> -> memref<48xi32, #tpu.memory_space<hbm>>
      %dma_wait3A_186 = tpu.memref_slice %arg4[%add3A_184] : memref<331776xi32, #tpu.memory_space<hbm>> -> memref<48xi32, #tpu.memory_space<hbm>>
      tpu.wait_dma2 semaphore(%arg36 : memref<!tpu.dma_semaphore, #tpu.memory_space<semaphore_mem>>) src(%dma_wait3A_186 : memref<48xi32, #tpu.memory_space<hbm>>) dst(%arg22 : memref<48xi32, #tpu.memory_space<vmem>>)
      %dma_start3A_187 = arith.constant 0 : i32
      %dma_start3A_188 = arith.constant 0 : i32
      %dma_start3A_189 = tpu.memref_slice %arg6[%dma_start3A_187, %dma_start3A_188] : memref<10112x128xf32, #tpu.memory_space<vmem_shared>> -> memref<10112x128xf32, #tpu.memory_space<vmem_shared>>
      tpu.enqueue_indirect_dma source(%arg8 : memref<48x128xf32, #tpu.memory_space<vmem>>) target(%dma_start3A_189 : memref<10112x128xf32, #tpu.memory_space<vmem_shared>>) offsets(%arg22 : memref<48xi32, #tpu.memory_space<vmem>>) semaphore(%arg50 : memref<!tpu.dma_semaphore, #tpu.memory_space<semaphore_mem>>) {add = true}
      %lt3A_190 = arith.constant 29 : i32
      %lt3A_191 = arith.cmpi slt, %add3A_159, %lt3A_190 : i32
      %convert_element_type3A_192 = arith.extui %lt3A_191 : i1 to i32
      %cond3A_193 = arith.constant 0 : i32
      %cond3A_194 = arith.cmpi ne, %convert_element_type3A_192, %cond3A_193 : i32
      scf.if %cond3A_194 {
        %add3A_334 = arith.constant 7 : i32
        %add3A_335 = arith.addi %add3A_178, %add3A_334 : i32
        %mul3A_336 = arith.constant 48 : i32
        %mul3A_337 = arith.muli %add3A_335, %mul3A_336 : i32
        %add3A_338 = arith.addi %mul3A_2, %mul3A_337 : i32
        %dma_start3A_339 = tpu.memref_slice %arg3[%add3A_338] : memref<331776xi32, #tpu.memory_space<hbm>> -> memref<48xi32, #tpu.memory_space<hbm>>
        %dma_start3A_340 = tpu.memref_slice %arg3[%add3A_338] : memref<331776xi32, #tpu.memory_space<hbm>> -> memref<48xi32, #tpu.memory_space<hbm>>
        tpu.enqueue_dma source(%dma_start3A_340 : memref<48xi32, #tpu.memory_space<hbm>>) target(%arg15 : memref<48xi32, #tpu.memory_space<vmem>>) target_semaphore(%arg29 : memref<!tpu.dma_semaphore, #tpu.memory_space<semaphore_mem>>)
      } else {
      }
      %add3A_195 = arith.constant 2 : i32
      %add3A_196 = arith.addi %mul3A_161, %add3A_195 : i32
      %dma_wait3A_197 = arith.constant 0 : i32
      %dma_wait3A_198 = arith.constant 0 : i32
      %dma_wait3A_199 = tpu.memref_slice %arg2[%dma_wait3A_197, %dma_wait3A_198] : memref<10112x128xf32, #tpu.memory_space<hbm>> -> memref<10112x128xf32, #tpu.memory_space<hbm>>
      tpu.wait_indirect_dma semaphore(%arg44 : memref<!tpu.dma_semaphore, #tpu.memory_space<semaphore_mem>>) src(%dma_wait3A_199 : memref<10112x128xf32, #tpu.memory_space<hbm>>) dst(%arg9 : memref<48x128xf32, #tpu.memory_space<vmem>>)
      %mul3A_200 = arith.constant 48 : i32
      %mul3A_201 = arith.muli %add3A_196, %mul3A_200 : i32
      %add3A_202 = arith.addi %mul3A_2, %mul3A_201 : i32
      %dma_wait3A_203 = tpu.memref_slice %arg4[%add3A_202] : memref<331776xi32, #tpu.memory_space<hbm>> -> memref<48xi32, #tpu.memory_space<hbm>>
      %dma_wait3A_204 = tpu.memref_slice %arg4[%add3A_202] : memref<331776xi32, #tpu.memory_space<hbm>> -> memref<48xi32, #tpu.memory_space<hbm>>
      tpu.wait_dma2 semaphore(%arg37 : memref<!tpu.dma_semaphore, #tpu.memory_space<semaphore_mem>>) src(%dma_wait3A_204 : memref<48xi32, #tpu.memory_space<hbm>>) dst(%arg23 : memref<48xi32, #tpu.memory_space<vmem>>)
      %dma_start3A_205 = arith.constant 0 : i32
      %dma_start3A_206 = arith.constant 0 : i32
      %dma_start3A_207 = tpu.memref_slice %arg6[%dma_start3A_205, %dma_start3A_206] : memref<10112x128xf32, #tpu.memory_space<vmem_shared>> -> memref<10112x128xf32, #tpu.memory_space<vmem_shared>>
      tpu.enqueue_indirect_dma source(%arg9 : memref<48x128xf32, #tpu.memory_space<vmem>>) target(%dma_start3A_207 : memref<10112x128xf32, #tpu.memory_space<vmem_shared>>) offsets(%arg23 : memref<48xi32, #tpu.memory_space<vmem>>) semaphore(%arg51 : memref<!tpu.dma_semaphore, #tpu.memory_space<semaphore_mem>>) {add = true}
      %lt3A_208 = arith.constant 29 : i32
      %lt3A_209 = arith.cmpi slt, %add3A_159, %lt3A_208 : i32
      %convert_element_type3A_210 = arith.extui %lt3A_209 : i1 to i32
      %cond3A_211 = arith.constant 0 : i32
      %cond3A_212 = arith.cmpi ne, %convert_element_type3A_210, %cond3A_211 : i32
      scf.if %cond3A_212 {
        %add3A_334 = arith.constant 7 : i32
        %add3A_335 = arith.addi %add3A_196, %add3A_334 : i32
        %mul3A_336 = arith.constant 48 : i32
        %mul3A_337 = arith.muli %add3A_335, %mul3A_336 : i32
        %add3A_338 = arith.addi %mul3A_2, %mul3A_337 : i32
        %dma_start3A_339 = tpu.memref_slice %arg3[%add3A_338] : memref<331776xi32, #tpu.memory_space<hbm>> -> memref<48xi32, #tpu.memory_space<hbm>>
        %dma_start3A_340 = tpu.memref_slice %arg3[%add3A_338] : memref<331776xi32, #tpu.memory_space<hbm>> -> memref<48xi32, #tpu.memory_space<hbm>>
        tpu.enqueue_dma source(%dma_start3A_340 : memref<48xi32, #tpu.memory_space<hbm>>) target(%arg16 : memref<48xi32, #tpu.memory_space<vmem>>) target_semaphore(%arg30 : memref<!tpu.dma_semaphore, #tpu.memory_space<semaphore_mem>>)
      } else {
      }
      %add3A_213 = arith.constant 3 : i32
      %add3A_214 = arith.addi %mul3A_161, %add3A_213 : i32
      %dma_wait3A_215 = arith.constant 0 : i32
      %dma_wait3A_216 = arith.constant 0 : i32
      %dma_wait3A_217 = tpu.memref_slice %arg2[%dma_wait3A_215, %dma_wait3A_216] : memref<10112x128xf32, #tpu.memory_space<hbm>> -> memref<10112x128xf32, #tpu.memory_space<hbm>>
      tpu.wait_indirect_dma semaphore(%arg45 : memref<!tpu.dma_semaphore, #tpu.memory_space<semaphore_mem>>) src(%dma_wait3A_217 : memref<10112x128xf32, #tpu.memory_space<hbm>>) dst(%arg10 : memref<48x128xf32, #tpu.memory_space<vmem>>)
      %mul3A_218 = arith.constant 48 : i32
      %mul3A_219 = arith.muli %add3A_214, %mul3A_218 : i32
      %add3A_220 = arith.addi %mul3A_2, %mul3A_219 : i32
      %dma_wait3A_221 = tpu.memref_slice %arg4[%add3A_220] : memref<331776xi32, #tpu.memory_space<hbm>> -> memref<48xi32, #tpu.memory_space<hbm>>
      %dma_wait3A_222 = tpu.memref_slice %arg4[%add3A_220] : memref<331776xi32, #tpu.memory_space<hbm>> -> memref<48xi32, #tpu.memory_space<hbm>>
      tpu.wait_dma2 semaphore(%arg38 : memref<!tpu.dma_semaphore, #tpu.memory_space<semaphore_mem>>) src(%dma_wait3A_222 : memref<48xi32, #tpu.memory_space<hbm>>) dst(%arg24 : memref<48xi32, #tpu.memory_space<vmem>>)
      %dma_start3A_223 = arith.constant 0 : i32
      %dma_start3A_224 = arith.constant 0 : i32
      %dma_start3A_225 = tpu.memref_slice %arg6[%dma_start3A_223, %dma_start3A_224] : memref<10112x128xf32, #tpu.memory_space<vmem_shared>> -> memref<10112x128xf32, #tpu.memory_space<vmem_shared>>
      tpu.enqueue_indirect_dma source(%arg10 : memref<48x128xf32, #tpu.memory_space<vmem>>) target(%dma_start3A_225 : memref<10112x128xf32, #tpu.memory_space<vmem_shared>>) offsets(%arg24 : memref<48xi32, #tpu.memory_space<vmem>>) semaphore(%arg52 : memref<!tpu.dma_semaphore, #tpu.memory_space<semaphore_mem>>) {add = true}
      %lt3A_226 = arith.constant 29 : i32
      %lt3A_227 = arith.cmpi slt, %add3A_159, %lt3A_226 : i32
      %convert_element_type3A_228 = arith.extui %lt3A_227 : i1 to i32
      %cond3A_229 = arith.constant 0 : i32
      %cond3A_230 = arith.cmpi ne, %convert_element_type3A_228, %cond3A_229 : i32
      scf.if %cond3A_230 {
        %add3A_334 = arith.constant 7 : i32
        %add3A_335 = arith.addi %add3A_214, %add3A_334 : i32
        %mul3A_336 = arith.constant 48 : i32
        %mul3A_337 = arith.muli %add3A_335, %mul3A_336 : i32
        %add3A_338 = arith.addi %mul3A_2, %mul3A_337 : i32
        %dma_start3A_339 = tpu.memref_slice %arg3[%add3A_338] : memref<331776xi32, #tpu.memory_space<hbm>> -> memref<48xi32, #tpu.memory_space<hbm>>
        %dma_start3A_340 = tpu.memref_slice %arg3[%add3A_338] : memref<331776xi32, #tpu.memory_space<hbm>> -> memref<48xi32, #tpu.memory_space<hbm>>
        tpu.enqueue_dma source(%dma_start3A_340 : memref<48xi32, #tpu.memory_space<hbm>>) target(%arg17 : memref<48xi32, #tpu.memory_space<vmem>>) target_semaphore(%arg31 : memref<!tpu.dma_semaphore, #tpu.memory_space<semaphore_mem>>)
      } else {
      }
      %add3A_231 = arith.constant 4 : i32
      %add3A_232 = arith.addi %mul3A_161, %add3A_231 : i32
      %dma_wait3A_233 = arith.constant 0 : i32
      %dma_wait3A_234 = arith.constant 0 : i32
      %dma_wait3A_235 = tpu.memref_slice %arg2[%dma_wait3A_233, %dma_wait3A_234] : memref<10112x128xf32, #tpu.memory_space<hbm>> -> memref<10112x128xf32, #tpu.memory_space<hbm>>
      tpu.wait_indirect_dma semaphore(%arg46 : memref<!tpu.dma_semaphore, #tpu.memory_space<semaphore_mem>>) src(%dma_wait3A_235 : memref<10112x128xf32, #tpu.memory_space<hbm>>) dst(%arg11 : memref<48x128xf32, #tpu.memory_space<vmem>>)
      %mul3A_236 = arith.constant 48 : i32
      %mul3A_237 = arith.muli %add3A_232, %mul3A_236 : i32
      %add3A_238 = arith.addi %mul3A_2, %mul3A_237 : i32
      %dma_wait3A_239 = tpu.memref_slice %arg4[%add3A_238] : memref<331776xi32, #tpu.memory_space<hbm>> -> memref<48xi32, #tpu.memory_space<hbm>>
      %dma_wait3A_240 = tpu.memref_slice %arg4[%add3A_238] : memref<331776xi32, #tpu.memory_space<hbm>> -> memref<48xi32, #tpu.memory_space<hbm>>
      tpu.wait_dma2 semaphore(%arg39 : memref<!tpu.dma_semaphore, #tpu.memory_space<semaphore_mem>>) src(%dma_wait3A_240 : memref<48xi32, #tpu.memory_space<hbm>>) dst(%arg25 : memref<48xi32, #tpu.memory_space<vmem>>)
      %dma_start3A_241 = arith.constant 0 : i32
      %dma_start3A_242 = arith.constant 0 : i32
      %dma_start3A_243 = tpu.memref_slice %arg6[%dma_start3A_241, %dma_start3A_242] : memref<10112x128xf32, #tpu.memory_space<vmem_shared>> -> memref<10112x128xf32, #tpu.memory_space<vmem_shared>>
      tpu.enqueue_indirect_dma source(%arg11 : memref<48x128xf32, #tpu.memory_space<vmem>>) target(%dma_start3A_243 : memref<10112x128xf32, #tpu.memory_space<vmem_shared>>) offsets(%arg25 : memref<48xi32, #tpu.memory_space<vmem>>) semaphore(%arg53 : memref<!tpu.dma_semaphore, #tpu.memory_space<semaphore_mem>>) {add = true}
      %lt3A_244 = arith.constant 29 : i32
      %lt3A_245 = arith.cmpi slt, %add3A_159, %lt3A_244 : i32
      %convert_element_type3A_246 = arith.extui %lt3A_245 : i1 to i32
      %cond3A_247 = arith.constant 0 : i32
      %cond3A_248 = arith.cmpi ne, %convert_element_type3A_246, %cond3A_247 : i32
      scf.if %cond3A_248 {
        %add3A_334 = arith.constant 7 : i32
        %add3A_335 = arith.addi %add3A_232, %add3A_334 : i32
        %mul3A_336 = arith.constant 48 : i32
        %mul3A_337 = arith.muli %add3A_335, %mul3A_336 : i32
        %add3A_338 = arith.addi %mul3A_2, %mul3A_337 : i32
        %dma_start3A_339 = tpu.memref_slice %arg3[%add3A_338] : memref<331776xi32, #tpu.memory_space<hbm>> -> memref<48xi32, #tpu.memory_space<hbm>>
        %dma_start3A_340 = tpu.memref_slice %arg3[%add3A_338] : memref<331776xi32, #tpu.memory_space<hbm>> -> memref<48xi32, #tpu.memory_space<hbm>>
        tpu.enqueue_dma source(%dma_start3A_340 : memref<48xi32, #tpu.memory_space<hbm>>) target(%arg18 : memref<48xi32, #tpu.memory_space<vmem>>) target_semaphore(%arg32 : memref<!tpu.dma_semaphore, #tpu.memory_space<semaphore_mem>>)
      } else {
      }
      %add3A_249 = arith.constant 5 : i32
      %add3A_250 = arith.addi %mul3A_161, %add3A_249 : i32
      %dma_wait3A_251 = arith.constant 0 : i32
      %dma_wait3A_252 = arith.constant 0 : i32
      %dma_wait3A_253 = tpu.memref_slice %arg2[%dma_wait3A_251, %dma_wait3A_252] : memref<10112x128xf32, #tpu.memory_space<hbm>> -> memref<10112x128xf32, #tpu.memory_space<hbm>>
      tpu.wait_indirect_dma semaphore(%arg47 : memref<!tpu.dma_semaphore, #tpu.memory_space<semaphore_mem>>) src(%dma_wait3A_253 : memref<10112x128xf32, #tpu.memory_space<hbm>>) dst(%arg12 : memref<48x128xf32, #tpu.memory_space<vmem>>)
      %mul3A_254 = arith.constant 48 : i32
      %mul3A_255 = arith.muli %add3A_250, %mul3A_254 : i32
      %add3A_256 = arith.addi %mul3A_2, %mul3A_255 : i32
      %dma_wait3A_257 = tpu.memref_slice %arg4[%add3A_256] : memref<331776xi32, #tpu.memory_space<hbm>> -> memref<48xi32, #tpu.memory_space<hbm>>
      %dma_wait3A_258 = tpu.memref_slice %arg4[%add3A_256] : memref<331776xi32, #tpu.memory_space<hbm>> -> memref<48xi32, #tpu.memory_space<hbm>>
      tpu.wait_dma2 semaphore(%arg40 : memref<!tpu.dma_semaphore, #tpu.memory_space<semaphore_mem>>) src(%dma_wait3A_258 : memref<48xi32, #tpu.memory_space<hbm>>) dst(%arg26 : memref<48xi32, #tpu.memory_space<vmem>>)
      %dma_start3A_259 = arith.constant 0 : i32
      %dma_start3A_260 = arith.constant 0 : i32
      %dma_start3A_261 = tpu.memref_slice %arg6[%dma_start3A_259, %dma_start3A_260] : memref<10112x128xf32, #tpu.memory_space<vmem_shared>> -> memref<10112x128xf32, #tpu.memory_space<vmem_shared>>
      tpu.enqueue_indirect_dma source(%arg12 : memref<48x128xf32, #tpu.memory_space<vmem>>) target(%dma_start3A_261 : memref<10112x128xf32, #tpu.memory_space<vmem_shared>>) offsets(%arg26 : memref<48xi32, #tpu.memory_space<vmem>>) semaphore(%arg54 : memref<!tpu.dma_semaphore, #tpu.memory_space<semaphore_mem>>) {add = true}
      %lt3A_262 = arith.constant 29 : i32
      %lt3A_263 = arith.cmpi slt, %add3A_159, %lt3A_262 : i32
      %convert_element_type3A_264 = arith.extui %lt3A_263 : i1 to i32
      %cond3A_265 = arith.constant 0 : i32
      %cond3A_266 = arith.cmpi ne, %convert_element_type3A_264, %cond3A_265 : i32
      scf.if %cond3A_266 {
        %add3A_334 = arith.constant 7 : i32
        %add3A_335 = arith.addi %add3A_250, %add3A_334 : i32
        %mul3A_336 = arith.constant 48 : i32
        %mul3A_337 = arith.muli %add3A_335, %mul3A_336 : i32
        %add3A_338 = arith.addi %mul3A_2, %mul3A_337 : i32
        %dma_start3A_339 = tpu.memref_slice %arg3[%add3A_338] : memref<331776xi32, #tpu.memory_space<hbm>> -> memref<48xi32, #tpu.memory_space<hbm>>
        %dma_start3A_340 = tpu.memref_slice %arg3[%add3A_338] : memref<331776xi32, #tpu.memory_space<hbm>> -> memref<48xi32, #tpu.memory_space<hbm>>
        tpu.enqueue_dma source(%dma_start3A_340 : memref<48xi32, #tpu.memory_space<hbm>>) target(%arg19 : memref<48xi32, #tpu.memory_space<vmem>>) target_semaphore(%arg33 : memref<!tpu.dma_semaphore, #tpu.memory_space<semaphore_mem>>)
      } else {
      }
      %add3A_267 = arith.constant 6 : i32
      %add3A_268 = arith.addi %mul3A_161, %add3A_267 : i32
      %dma_wait3A_269 = arith.constant 0 : i32
      %dma_wait3A_270 = arith.constant 0 : i32
      %dma_wait3A_271 = tpu.memref_slice %arg2[%dma_wait3A_269, %dma_wait3A_270] : memref<10112x128xf32, #tpu.memory_space<hbm>> -> memref<10112x128xf32, #tpu.memory_space<hbm>>
      tpu.wait_indirect_dma semaphore(%arg48 : memref<!tpu.dma_semaphore, #tpu.memory_space<semaphore_mem>>) src(%dma_wait3A_271 : memref<10112x128xf32, #tpu.memory_space<hbm>>) dst(%arg13 : memref<48x128xf32, #tpu.memory_space<vmem>>)
      %mul3A_272 = arith.constant 48 : i32
      %mul3A_273 = arith.muli %add3A_268, %mul3A_272 : i32
      %add3A_274 = arith.addi %mul3A_2, %mul3A_273 : i32
      %dma_wait3A_275 = tpu.memref_slice %arg4[%add3A_274] : memref<331776xi32, #tpu.memory_space<hbm>> -> memref<48xi32, #tpu.memory_space<hbm>>
      %dma_wait3A_276 = tpu.memref_slice %arg4[%add3A_274] : memref<331776xi32, #tpu.memory_space<hbm>> -> memref<48xi32, #tpu.memory_space<hbm>>
      tpu.wait_dma2 semaphore(%arg41 : memref<!tpu.dma_semaphore, #tpu.memory_space<semaphore_mem>>) src(%dma_wait3A_276 : memref<48xi32, #tpu.memory_space<hbm>>) dst(%arg27 : memref<48xi32, #tpu.memory_space<vmem>>)
      %dma_start3A_277 = arith.constant 0 : i32
      %dma_start3A_278 = arith.constant 0 : i32
      %dma_start3A_279 = tpu.memref_slice %arg6[%dma_start3A_277, %dma_start3A_278] : memref<10112x128xf32, #tpu.memory_space<vmem_shared>> -> memref<10112x128xf32, #tpu.memory_space<vmem_shared>>
      tpu.enqueue_indirect_dma source(%arg13 : memref<48x128xf32, #tpu.memory_space<vmem>>) target(%dma_start3A_279 : memref<10112x128xf32, #tpu.memory_space<vmem_shared>>) offsets(%arg27 : memref<48xi32, #tpu.memory_space<vmem>>) semaphore(%arg55 : memref<!tpu.dma_semaphore, #tpu.memory_space<semaphore_mem>>) {add = true}
      %lt3A_280 = arith.constant 29 : i32
      %lt3A_281 = arith.cmpi slt, %add3A_159, %lt3A_280 : i32
      %convert_element_type3A_282 = arith.extui %lt3A_281 : i1 to i32
      %cond3A_283 = arith.constant 0 : i32
      %cond3A_284 = arith.cmpi ne, %convert_element_type3A_282, %cond3A_283 : i32
      scf.if %cond3A_284 {
        %add3A_334 = arith.constant 7 : i32
        %add3A_335 = arith.addi %add3A_268, %add3A_334 : i32
        %mul3A_336 = arith.constant 48 : i32
        %mul3A_337 = arith.muli %add3A_335, %mul3A_336 : i32
        %add3A_338 = arith.addi %mul3A_2, %mul3A_337 : i32
        %dma_start3A_339 = tpu.memref_slice %arg3[%add3A_338] : memref<331776xi32, #tpu.memory_space<hbm>> -> memref<48xi32, #tpu.memory_space<hbm>>
        %dma_start3A_340 = tpu.memref_slice %arg3[%add3A_338] : memref<331776xi32, #tpu.memory_space<hbm>> -> memref<48xi32, #tpu.memory_space<hbm>>
        tpu.enqueue_dma source(%dma_start3A_340 : memref<48xi32, #tpu.memory_space<hbm>>) target(%arg20 : memref<48xi32, #tpu.memory_space<vmem>>) target_semaphore(%arg34 : memref<!tpu.dma_semaphore, #tpu.memory_space<semaphore_mem>>)
      } else {
      }
      %add3A_285 = arith.constant 0 : i32
      %add3A_286 = arith.addi %mul3A_161, %add3A_285 : i32
      %lt3A_287 = arith.constant 29 : i32
      %lt3A_288 = arith.cmpi slt, %add3A_159, %lt3A_287 : i32
      %convert_element_type3A_289 = arith.extui %lt3A_288 : i1 to i32
      %cond3A_290 = arith.constant 0 : i32
      %cond3A_291 = arith.cmpi ne, %convert_element_type3A_289, %cond3A_290 : i32
      scf.if %cond3A_291 {
        %dma_wait3A_334 = arith.constant 0 : i32
        %dma_wait3A_335 = arith.constant 0 : i32
        %dma_wait3A_336 = tpu.memref_slice %arg6[%dma_wait3A_334, %dma_wait3A_335] : memref<10112x128xf32, #tpu.memory_space<vmem_shared>> -> memref<10112x128xf32, #tpu.memory_space<vmem_shared>>
        tpu.wait_indirect_dma semaphore(%arg49 : memref<!tpu.dma_semaphore, #tpu.memory_space<semaphore_mem>>) src(%arg7 : memref<48x128xf32, #tpu.memory_space<vmem>>) dst(%dma_wait3A_336 : memref<10112x128xf32, #tpu.memory_space<vmem_shared>>)
        %add3A_337 = arith.constant 7 : i32
        %add3A_338 = arith.addi %add3A_286, %add3A_337 : i32
        %mul3A_339 = arith.constant 48 : i32
        %mul3A_340 = arith.muli %add3A_338, %mul3A_339 : i32
        %add3A_341 = arith.addi %mul3A_2, %mul3A_340 : i32
        %dma_start3A_342 = tpu.memref_slice %arg4[%add3A_341] : memref<331776xi32, #tpu.memory_space<hbm>> -> memref<48xi32, #tpu.memory_space<hbm>>
        %dma_start3A_343 = tpu.memref_slice %arg4[%add3A_341] : memref<331776xi32, #tpu.memory_space<hbm>> -> memref<48xi32, #tpu.memory_space<hbm>>
        tpu.enqueue_dma source(%dma_start3A_343 : memref<48xi32, #tpu.memory_space<hbm>>) target(%arg21 : memref<48xi32, #tpu.memory_space<vmem>>) target_semaphore(%arg35 : memref<!tpu.dma_semaphore, #tpu.memory_space<semaphore_mem>>)
        %add3A_344 = arith.constant 7 : i32
        %add3A_345 = arith.addi %add3A_286, %add3A_344 : i32
        %mul3A_346 = arith.constant 48 : i32
        %mul3A_347 = arith.muli %add3A_345, %mul3A_346 : i32
        %add3A_348 = arith.addi %mul3A_2, %mul3A_347 : i32
        %dma_wait3A_349 = tpu.memref_slice %arg3[%add3A_348] : memref<331776xi32, #tpu.memory_space<hbm>> -> memref<48xi32, #tpu.memory_space<hbm>>
        %dma_wait3A_350 = tpu.memref_slice %arg3[%add3A_348] : memref<331776xi32, #tpu.memory_space<hbm>> -> memref<48xi32, #tpu.memory_space<hbm>>
        tpu.wait_dma2 semaphore(%arg28 : memref<!tpu.dma_semaphore, #tpu.memory_space<semaphore_mem>>) src(%dma_wait3A_350 : memref<48xi32, #tpu.memory_space<hbm>>) dst(%arg14 : memref<48xi32, #tpu.memory_space<vmem>>)
        %dma_start3A_351 = arith.constant 0 : i32
        %dma_start3A_352 = arith.constant 0 : i32
        %dma_start3A_353 = tpu.memref_slice %arg2[%dma_start3A_351, %dma_start3A_352] : memref<10112x128xf32, #tpu.memory_space<hbm>> -> memref<10112x128xf32, #tpu.memory_space<hbm>>
        tpu.enqueue_indirect_dma source(%dma_start3A_353 : memref<10112x128xf32, #tpu.memory_space<hbm>>) target(%arg7 : memref<48x128xf32, #tpu.memory_space<vmem>>) offsets(%arg14 : memref<48xi32, #tpu.memory_space<vmem>>) semaphore(%arg42 : memref<!tpu.dma_semaphore, #tpu.memory_space<semaphore_mem>>)
      } else {
      }
      %add3A_292 = arith.constant 1 : i32
      %add3A_293 = arith.addi %mul3A_161, %add3A_292 : i32
      %lt3A_294 = arith.constant 29 : i32
      %lt3A_295 = arith.cmpi slt, %add3A_159, %lt3A_294 : i32
      %convert_element_type3A_296 = arith.extui %lt3A_295 : i1 to i32
      %cond3A_297 = arith.constant 0 : i32
      %cond3A_298 = arith.cmpi ne, %convert_element_type3A_296, %cond3A_297 : i32
      scf.if %cond3A_298 {
        %dma_wait3A_334 = arith.constant 0 : i32
        %dma_wait3A_335 = arith.constant 0 : i32
        %dma_wait3A_336 = tpu.memref_slice %arg6[%dma_wait3A_334, %dma_wait3A_335] : memref<10112x128xf32, #tpu.memory_space<vmem_shared>> -> memref<10112x128xf32, #tpu.memory_space<vmem_shared>>
        tpu.wait_indirect_dma semaphore(%arg50 : memref<!tpu.dma_semaphore, #tpu.memory_space<semaphore_mem>>) src(%arg8 : memref<48x128xf32, #tpu.memory_space<vmem>>) dst(%dma_wait3A_336 : memref<10112x128xf32, #tpu.memory_space<vmem_shared>>)
        %add3A_337 = arith.constant 7 : i32
        %add3A_338 = arith.addi %add3A_293, %add3A_337 : i32
        %mul3A_339 = arith.constant 48 : i32
        %mul3A_340 = arith.muli %add3A_338, %mul3A_339 : i32
        %add3A_341 = arith.addi %mul3A_2, %mul3A_340 : i32
        %dma_start3A_342 = tpu.memref_slice %arg4[%add3A_341] : memref<331776xi32, #tpu.memory_space<hbm>> -> memref<48xi32, #tpu.memory_space<hbm>>
        %dma_start3A_343 = tpu.memref_slice %arg4[%add3A_341] : memref<331776xi32, #tpu.memory_space<hbm>> -> memref<48xi32, #tpu.memory_space<hbm>>
        tpu.enqueue_dma source(%dma_start3A_343 : memref<48xi32, #tpu.memory_space<hbm>>) target(%arg22 : memref<48xi32, #tpu.memory_space<vmem>>) target_semaphore(%arg36 : memref<!tpu.dma_semaphore, #tpu.memory_space<semaphore_mem>>)
        %add3A_344 = arith.constant 7 : i32
        %add3A_345 = arith.addi %add3A_293, %add3A_344 : i32
        %mul3A_346 = arith.constant 48 : i32
        %mul3A_347 = arith.muli %add3A_345, %mul3A_346 : i32
        %add3A_348 = arith.addi %mul3A_2, %mul3A_347 : i32
        %dma_wait3A_349 = tpu.memref_slice %arg3[%add3A_348] : memref<331776xi32, #tpu.memory_space<hbm>> -> memref<48xi32, #tpu.memory_space<hbm>>
        %dma_wait3A_350 = tpu.memref_slice %arg3[%add3A_348] : memref<331776xi32, #tpu.memory_space<hbm>> -> memref<48xi32, #tpu.memory_space<hbm>>
        tpu.wait_dma2 semaphore(%arg29 : memref<!tpu.dma_semaphore, #tpu.memory_space<semaphore_mem>>) src(%dma_wait3A_350 : memref<48xi32, #tpu.memory_space<hbm>>) dst(%arg15 : memref<48xi32, #tpu.memory_space<vmem>>)
        %dma_start3A_351 = arith.constant 0 : i32
        %dma_start3A_352 = arith.constant 0 : i32
        %dma_start3A_353 = tpu.memref_slice %arg2[%dma_start3A_351, %dma_start3A_352] : memref<10112x128xf32, #tpu.memory_space<hbm>> -> memref<10112x128xf32, #tpu.memory_space<hbm>>
        tpu.enqueue_indirect_dma source(%dma_start3A_353 : memref<10112x128xf32, #tpu.memory_space<hbm>>) target(%arg8 : memref<48x128xf32, #tpu.memory_space<vmem>>) offsets(%arg15 : memref<48xi32, #tpu.memory_space<vmem>>) semaphore(%arg43 : memref<!tpu.dma_semaphore, #tpu.memory_space<semaphore_mem>>)
      } else {
      }
      %add3A_299 = arith.constant 2 : i32
      %add3A_300 = arith.addi %mul3A_161, %add3A_299 : i32
      %lt3A_301 = arith.constant 29 : i32
      %lt3A_302 = arith.cmpi slt, %add3A_159, %lt3A_301 : i32
      %convert_element_type3A_303 = arith.extui %lt3A_302 : i1 to i32
      %cond3A_304 = arith.constant 0 : i32
      %cond3A_305 = arith.cmpi ne, %convert_element_type3A_303, %cond3A_304 : i32
      scf.if %cond3A_305 {
        %dma_wait3A_334 = arith.constant 0 : i32
        %dma_wait3A_335 = arith.constant 0 : i32
        %dma_wait3A_336 = tpu.memref_slice %arg6[%dma_wait3A_334, %dma_wait3A_335] : memref<10112x128xf32, #tpu.memory_space<vmem_shared>> -> memref<10112x128xf32, #tpu.memory_space<vmem_shared>>
        tpu.wait_indirect_dma semaphore(%arg51 : memref<!tpu.dma_semaphore, #tpu.memory_space<semaphore_mem>>) src(%arg9 : memref<48x128xf32, #tpu.memory_space<vmem>>) dst(%dma_wait3A_336 : memref<10112x128xf32, #tpu.memory_space<vmem_shared>>)
        %add3A_337 = arith.constant 7 : i32
        %add3A_338 = arith.addi %add3A_300, %add3A_337 : i32
        %mul3A_339 = arith.constant 48 : i32
        %mul3A_340 = arith.muli %add3A_338, %mul3A_339 : i32
        %add3A_341 = arith.addi %mul3A_2, %mul3A_340 : i32
        %dma_start3A_342 = tpu.memref_slice %arg4[%add3A_341] : memref<331776xi32, #tpu.memory_space<hbm>> -> memref<48xi32, #tpu.memory_space<hbm>>
        %dma_start3A_343 = tpu.memref_slice %arg4[%add3A_341] : memref<331776xi32, #tpu.memory_space<hbm>> -> memref<48xi32, #tpu.memory_space<hbm>>
        tpu.enqueue_dma source(%dma_start3A_343 : memref<48xi32, #tpu.memory_space<hbm>>) target(%arg23 : memref<48xi32, #tpu.memory_space<vmem>>) target_semaphore(%arg37 : memref<!tpu.dma_semaphore, #tpu.memory_space<semaphore_mem>>)
        %add3A_344 = arith.constant 7 : i32
        %add3A_345 = arith.addi %add3A_300, %add3A_344 : i32
        %mul3A_346 = arith.constant 48 : i32
        %mul3A_347 = arith.muli %add3A_345, %mul3A_346 : i32
        %add3A_348 = arith.addi %mul3A_2, %mul3A_347 : i32
        %dma_wait3A_349 = tpu.memref_slice %arg3[%add3A_348] : memref<331776xi32, #tpu.memory_space<hbm>> -> memref<48xi32, #tpu.memory_space<hbm>>
        %dma_wait3A_350 = tpu.memref_slice %arg3[%add3A_348] : memref<331776xi32, #tpu.memory_space<hbm>> -> memref<48xi32, #tpu.memory_space<hbm>>
        tpu.wait_dma2 semaphore(%arg30 : memref<!tpu.dma_semaphore, #tpu.memory_space<semaphore_mem>>) src(%dma_wait3A_350 : memref<48xi32, #tpu.memory_space<hbm>>) dst(%arg16 : memref<48xi32, #tpu.memory_space<vmem>>)
        %dma_start3A_351 = arith.constant 0 : i32
        %dma_start3A_352 = arith.constant 0 : i32
        %dma_start3A_353 = tpu.memref_slice %arg2[%dma_start3A_351, %dma_start3A_352] : memref<10112x128xf32, #tpu.memory_space<hbm>> -> memref<10112x128xf32, #tpu.memory_space<hbm>>
        tpu.enqueue_indirect_dma source(%dma_start3A_353 : memref<10112x128xf32, #tpu.memory_space<hbm>>) target(%arg9 : memref<48x128xf32, #tpu.memory_space<vmem>>) offsets(%arg16 : memref<48xi32, #tpu.memory_space<vmem>>) semaphore(%arg44 : memref<!tpu.dma_semaphore, #tpu.memory_space<semaphore_mem>>)
      } else {
      }
      %add3A_306 = arith.constant 3 : i32
      %add3A_307 = arith.addi %mul3A_161, %add3A_306 : i32
      %lt3A_308 = arith.constant 29 : i32
      %lt3A_309 = arith.cmpi slt, %add3A_159, %lt3A_308 : i32
      %convert_element_type3A_310 = arith.extui %lt3A_309 : i1 to i32
      %cond3A_311 = arith.constant 0 : i32
      %cond3A_312 = arith.cmpi ne, %convert_element_type3A_310, %cond3A_311 : i32
      scf.if %cond3A_312 {
        %dma_wait3A_334 = arith.constant 0 : i32
        %dma_wait3A_335 = arith.constant 0 : i32
        %dma_wait3A_336 = tpu.memref_slice %arg6[%dma_wait3A_334, %dma_wait3A_335] : memref<10112x128xf32, #tpu.memory_space<vmem_shared>> -> memref<10112x128xf32, #tpu.memory_space<vmem_shared>>
        tpu.wait_indirect_dma semaphore(%arg52 : memref<!tpu.dma_semaphore, #tpu.memory_space<semaphore_mem>>) src(%arg10 : memref<48x128xf32, #tpu.memory_space<vmem>>) dst(%dma_wait3A_336 : memref<10112x128xf32, #tpu.memory_space<vmem_shared>>)
        %add3A_337 = arith.constant 7 : i32
        %add3A_338 = arith.addi %add3A_307, %add3A_337 : i32
        %mul3A_339 = arith.constant 48 : i32
        %mul3A_340 = arith.muli %add3A_338, %mul3A_339 : i32
        %add3A_341 = arith.addi %mul3A_2, %mul3A_340 : i32
        %dma_start3A_342 = tpu.memref_slice %arg4[%add3A_341] : memref<331776xi32, #tpu.memory_space<hbm>> -> memref<48xi32, #tpu.memory_space<hbm>>
        %dma_start3A_343 = tpu.memref_slice %arg4[%add3A_341] : memref<331776xi32, #tpu.memory_space<hbm>> -> memref<48xi32, #tpu.memory_space<hbm>>
        tpu.enqueue_dma source(%dma_start3A_343 : memref<48xi32, #tpu.memory_space<hbm>>) target(%arg24 : memref<48xi32, #tpu.memory_space<vmem>>) target_semaphore(%arg38 : memref<!tpu.dma_semaphore, #tpu.memory_space<semaphore_mem>>)
        %add3A_344 = arith.constant 7 : i32
        %add3A_345 = arith.addi %add3A_307, %add3A_344 : i32
        %mul3A_346 = arith.constant 48 : i32
        %mul3A_347 = arith.muli %add3A_345, %mul3A_346 : i32
        %add3A_348 = arith.addi %mul3A_2, %mul3A_347 : i32
        %dma_wait3A_349 = tpu.memref_slice %arg3[%add3A_348] : memref<331776xi32, #tpu.memory_space<hbm>> -> memref<48xi32, #tpu.memory_space<hbm>>
        %dma_wait3A_350 = tpu.memref_slice %arg3[%add3A_348] : memref<331776xi32, #tpu.memory_space<hbm>> -> memref<48xi32, #tpu.memory_space<hbm>>
        tpu.wait_dma2 semaphore(%arg31 : memref<!tpu.dma_semaphore, #tpu.memory_space<semaphore_mem>>) src(%dma_wait3A_350 : memref<48xi32, #tpu.memory_space<hbm>>) dst(%arg17 : memref<48xi32, #tpu.memory_space<vmem>>)
        %dma_start3A_351 = arith.constant 0 : i32
        %dma_start3A_352 = arith.constant 0 : i32
        %dma_start3A_353 = tpu.memref_slice %arg2[%dma_start3A_351, %dma_start3A_352] : memref<10112x128xf32, #tpu.memory_space<hbm>> -> memref<10112x128xf32, #tpu.memory_space<hbm>>
        tpu.enqueue_indirect_dma source(%dma_start3A_353 : memref<10112x128xf32, #tpu.memory_space<hbm>>) target(%arg10 : memref<48x128xf32, #tpu.memory_space<vmem>>) offsets(%arg17 : memref<48xi32, #tpu.memory_space<vmem>>) semaphore(%arg45 : memref<!tpu.dma_semaphore, #tpu.memory_space<semaphore_mem>>)
      } else {
      }
      %add3A_313 = arith.constant 4 : i32
      %add3A_314 = arith.addi %mul3A_161, %add3A_313 : i32
      %lt3A_315 = arith.constant 29 : i32
      %lt3A_316 = arith.cmpi slt, %add3A_159, %lt3A_315 : i32
      %convert_element_type3A_317 = arith.extui %lt3A_316 : i1 to i32
      %cond3A_318 = arith.constant 0 : i32
      %cond3A_319 = arith.cmpi ne, %convert_element_type3A_317, %cond3A_318 : i32
      scf.if %cond3A_319 {
        %dma_wait3A_334 = arith.constant 0 : i32
        %dma_wait3A_335 = arith.constant 0 : i32
        %dma_wait3A_336 = tpu.memref_slice %arg6[%dma_wait3A_334, %dma_wait3A_335] : memref<10112x128xf32, #tpu.memory_space<vmem_shared>> -> memref<10112x128xf32, #tpu.memory_space<vmem_shared>>
        tpu.wait_indirect_dma semaphore(%arg53 : memref<!tpu.dma_semaphore, #tpu.memory_space<semaphore_mem>>) src(%arg11 : memref<48x128xf32, #tpu.memory_space<vmem>>) dst(%dma_wait3A_336 : memref<10112x128xf32, #tpu.memory_space<vmem_shared>>)
        %add3A_337 = arith.constant 7 : i32
        %add3A_338 = arith.addi %add3A_314, %add3A_337 : i32
        %mul3A_339 = arith.constant 48 : i32
        %mul3A_340 = arith.muli %add3A_338, %mul3A_339 : i32
        %add3A_341 = arith.addi %mul3A_2, %mul3A_340 : i32
        %dma_start3A_342 = tpu.memref_slice %arg4[%add3A_341] : memref<331776xi32, #tpu.memory_space<hbm>> -> memref<48xi32, #tpu.memory_space<hbm>>
        %dma_start3A_343 = tpu.memref_slice %arg4[%add3A_341] : memref<331776xi32, #tpu.memory_space<hbm>> -> memref<48xi32, #tpu.memory_space<hbm>>
        tpu.enqueue_dma source(%dma_start3A_343 : memref<48xi32, #tpu.memory_space<hbm>>) target(%arg25 : memref<48xi32, #tpu.memory_space<vmem>>) target_semaphore(%arg39 : memref<!tpu.dma_semaphore, #tpu.memory_space<semaphore_mem>>)
        %add3A_344 = arith.constant 7 : i32
        %add3A_345 = arith.addi %add3A_314, %add3A_344 : i32
        %mul3A_346 = arith.constant 48 : i32
        %mul3A_347 = arith.muli %add3A_345, %mul3A_346 : i32
        %add3A_348 = arith.addi %mul3A_2, %mul3A_347 : i32
        %dma_wait3A_349 = tpu.memref_slice %arg3[%add3A_348] : memref<331776xi32, #tpu.memory_space<hbm>> -> memref<48xi32, #tpu.memory_space<hbm>>
        %dma_wait3A_350 = tpu.memref_slice %arg3[%add3A_348] : memref<331776xi32, #tpu.memory_space<hbm>> -> memref<48xi32, #tpu.memory_space<hbm>>
        tpu.wait_dma2 semaphore(%arg32 : memref<!tpu.dma_semaphore, #tpu.memory_space<semaphore_mem>>) src(%dma_wait3A_350 : memref<48xi32, #tpu.memory_space<hbm>>) dst(%arg18 : memref<48xi32, #tpu.memory_space<vmem>>)
        %dma_start3A_351 = arith.constant 0 : i32
        %dma_start3A_352 = arith.constant 0 : i32
        %dma_start3A_353 = tpu.memref_slice %arg2[%dma_start3A_351, %dma_start3A_352] : memref<10112x128xf32, #tpu.memory_space<hbm>> -> memref<10112x128xf32, #tpu.memory_space<hbm>>
        tpu.enqueue_indirect_dma source(%dma_start3A_353 : memref<10112x128xf32, #tpu.memory_space<hbm>>) target(%arg11 : memref<48x128xf32, #tpu.memory_space<vmem>>) offsets(%arg18 : memref<48xi32, #tpu.memory_space<vmem>>) semaphore(%arg46 : memref<!tpu.dma_semaphore, #tpu.memory_space<semaphore_mem>>)
      } else {
      }
      %add3A_320 = arith.constant 5 : i32
      %add3A_321 = arith.addi %mul3A_161, %add3A_320 : i32
      %lt3A_322 = arith.constant 29 : i32
      %lt3A_323 = arith.cmpi slt, %add3A_159, %lt3A_322 : i32
      %convert_element_type3A_324 = arith.extui %lt3A_323 : i1 to i32
      %cond3A_325 = arith.constant 0 : i32
      %cond3A_326 = arith.cmpi ne, %convert_element_type3A_324, %cond3A_325 : i32
      scf.if %cond3A_326 {
        %dma_wait3A_334 = arith.constant 0 : i32
        %dma_wait3A_335 = arith.constant 0 : i32
        %dma_wait3A_336 = tpu.memref_slice %arg6[%dma_wait3A_334, %dma_wait3A_335] : memref<10112x128xf32, #tpu.memory_space<vmem_shared>> -> memref<10112x128xf32, #tpu.memory_space<vmem_shared>>
        tpu.wait_indirect_dma semaphore(%arg54 : memref<!tpu.dma_semaphore, #tpu.memory_space<semaphore_mem>>) src(%arg12 : memref<48x128xf32, #tpu.memory_space<vmem>>) dst(%dma_wait3A_336 : memref<10112x128xf32, #tpu.memory_space<vmem_shared>>)
        %add3A_337 = arith.constant 7 : i32
        %add3A_338 = arith.addi %add3A_321, %add3A_337 : i32
        %mul3A_339 = arith.constant 48 : i32
        %mul3A_340 = arith.muli %add3A_338, %mul3A_339 : i32
        %add3A_341 = arith.addi %mul3A_2, %mul3A_340 : i32
        %dma_start3A_342 = tpu.memref_slice %arg4[%add3A_341] : memref<331776xi32, #tpu.memory_space<hbm>> -> memref<48xi32, #tpu.memory_space<hbm>>
        %dma_start3A_343 = tpu.memref_slice %arg4[%add3A_341] : memref<331776xi32, #tpu.memory_space<hbm>> -> memref<48xi32, #tpu.memory_space<hbm>>
        tpu.enqueue_dma source(%dma_start3A_343 : memref<48xi32, #tpu.memory_space<hbm>>) target(%arg26 : memref<48xi32, #tpu.memory_space<vmem>>) target_semaphore(%arg40 : memref<!tpu.dma_semaphore, #tpu.memory_space<semaphore_mem>>)
        %add3A_344 = arith.constant 7 : i32
        %add3A_345 = arith.addi %add3A_321, %add3A_344 : i32
        %mul3A_346 = arith.constant 48 : i32
        %mul3A_347 = arith.muli %add3A_345, %mul3A_346 : i32
        %add3A_348 = arith.addi %mul3A_2, %mul3A_347 : i32
        %dma_wait3A_349 = tpu.memref_slice %arg3[%add3A_348] : memref<331776xi32, #tpu.memory_space<hbm>> -> memref<48xi32, #tpu.memory_space<hbm>>
        %dma_wait3A_350 = tpu.memref_slice %arg3[%add3A_348] : memref<331776xi32, #tpu.memory_space<hbm>> -> memref<48xi32, #tpu.memory_space<hbm>>
        tpu.wait_dma2 semaphore(%arg33 : memref<!tpu.dma_semaphore, #tpu.memory_space<semaphore_mem>>) src(%dma_wait3A_350 : memref<48xi32, #tpu.memory_space<hbm>>) dst(%arg19 : memref<48xi32, #tpu.memory_space<vmem>>)
        %dma_start3A_351 = arith.constant 0 : i32
        %dma_start3A_352 = arith.constant 0 : i32
        %dma_start3A_353 = tpu.memref_slice %arg2[%dma_start3A_351, %dma_start3A_352] : memref<10112x128xf32, #tpu.memory_space<hbm>> -> memref<10112x128xf32, #tpu.memory_space<hbm>>
        tpu.enqueue_indirect_dma source(%dma_start3A_353 : memref<10112x128xf32, #tpu.memory_space<hbm>>) target(%arg12 : memref<48x128xf32, #tpu.memory_space<vmem>>) offsets(%arg19 : memref<48xi32, #tpu.memory_space<vmem>>) semaphore(%arg47 : memref<!tpu.dma_semaphore, #tpu.memory_space<semaphore_mem>>)
      } else {
      }
      %add3A_327 = arith.constant 6 : i32
      %add3A_328 = arith.addi %mul3A_161, %add3A_327 : i32
      %lt3A_329 = arith.constant 29 : i32
      %lt3A_330 = arith.cmpi slt, %add3A_159, %lt3A_329 : i32
      %convert_element_type3A_331 = arith.extui %lt3A_330 : i1 to i32
      %cond3A_332 = arith.constant 0 : i32
      %cond3A_333 = arith.cmpi ne, %convert_element_type3A_331, %cond3A_332 : i32
      scf.if %cond3A_333 {
        %dma_wait3A_334 = arith.constant 0 : i32
        %dma_wait3A_335 = arith.constant 0 : i32
        %dma_wait3A_336 = tpu.memref_slice %arg6[%dma_wait3A_334, %dma_wait3A_335] : memref<10112x128xf32, #tpu.memory_space<vmem_shared>> -> memref<10112x128xf32, #tpu.memory_space<vmem_shared>>
        tpu.wait_indirect_dma semaphore(%arg55 : memref<!tpu.dma_semaphore, #tpu.memory_space<semaphore_mem>>) src(%arg13 : memref<48x128xf32, #tpu.memory_space<vmem>>) dst(%dma_wait3A_336 : memref<10112x128xf32, #tpu.memory_space<vmem_shared>>)
        %add3A_337 = arith.constant 7 : i32
        %add3A_338 = arith.addi %add3A_328, %add3A_337 : i32
        %mul3A_339 = arith.constant 48 : i32
        %mul3A_340 = arith.muli %add3A_338, %mul3A_339 : i32
        %add3A_341 = arith.addi %mul3A_2, %mul3A_340 : i32
        %dma_start3A_342 = tpu.memref_slice %arg4[%add3A_341] : memref<331776xi32, #tpu.memory_space<hbm>> -> memref<48xi32, #tpu.memory_space<hbm>>
        %dma_start3A_343 = tpu.memref_slice %arg4[%add3A_341] : memref<331776xi32, #tpu.memory_space<hbm>> -> memref<48xi32, #tpu.memory_space<hbm>>
        tpu.enqueue_dma source(%dma_start3A_343 : memref<48xi32, #tpu.memory_space<hbm>>) target(%arg27 : memref<48xi32, #tpu.memory_space<vmem>>) target_semaphore(%arg41 : memref<!tpu.dma_semaphore, #tpu.memory_space<semaphore_mem>>)
        %add3A_344 = arith.constant 7 : i32
        %add3A_345 = arith.addi %add3A_328, %add3A_344 : i32
        %mul3A_346 = arith.constant 48 : i32
        %mul3A_347 = arith.muli %add3A_345, %mul3A_346 : i32
        %add3A_348 = arith.addi %mul3A_2, %mul3A_347 : i32
        %dma_wait3A_349 = tpu.memref_slice %arg3[%add3A_348] : memref<331776xi32, #tpu.memory_space<hbm>> -> memref<48xi32, #tpu.memory_space<hbm>>
        %dma_wait3A_350 = tpu.memref_slice %arg3[%add3A_348] : memref<331776xi32, #tpu.memory_space<hbm>> -> memref<48xi32, #tpu.memory_space<hbm>>
        tpu.wait_dma2 semaphore(%arg34 : memref<!tpu.dma_semaphore, #tpu.memory_space<semaphore_mem>>) src(%dma_wait3A_350 : memref<48xi32, #tpu.memory_space<hbm>>) dst(%arg20 : memref<48xi32, #tpu.memory_space<vmem>>)
        %dma_start3A_351 = arith.constant 0 : i32
        %dma_start3A_352 = arith.constant 0 : i32
        %dma_start3A_353 = tpu.memref_slice %arg2[%dma_start3A_351, %dma_start3A_352] : memref<10112x128xf32, #tpu.memory_space<hbm>> -> memref<10112x128xf32, #tpu.memory_space<hbm>>
        tpu.enqueue_indirect_dma source(%dma_start3A_353 : memref<10112x128xf32, #tpu.memory_space<hbm>>) target(%arg13 : memref<48x128xf32, #tpu.memory_space<vmem>>) offsets(%arg20 : memref<48xi32, #tpu.memory_space<vmem>>) semaphore(%arg48 : memref<!tpu.dma_semaphore, #tpu.memory_space<semaphore_mem>>)
      } else {
      }
    }
    %scan3A_123 = arith.constant 30 : i32
    %dma_wait3A_124 = arith.constant 0 : i32
    %dma_wait3A_125 = arith.constant 0 : i32
    %dma_wait3A_126 = tpu.memref_slice %arg6[%dma_wait3A_124, %dma_wait3A_125] : memref<10112x128xf32, #tpu.memory_space<vmem_shared>> -> memref<10112x128xf32, #tpu.memory_space<vmem_shared>>
    tpu.wait_indirect_dma semaphore(%arg49 : memref<!tpu.dma_semaphore, #tpu.memory_space<semaphore_mem>>) src(%arg7 : memref<48x128xf32, #tpu.memory_space<vmem>>) dst(%dma_wait3A_126 : memref<10112x128xf32, #tpu.memory_space<vmem_shared>>)
    %dma_wait3A_127 = arith.constant 0 : i32
    %dma_wait3A_128 = arith.constant 0 : i32
    %dma_wait3A_129 = tpu.memref_slice %arg6[%dma_wait3A_127, %dma_wait3A_128] : memref<10112x128xf32, #tpu.memory_space<vmem_shared>> -> memref<10112x128xf32, #tpu.memory_space<vmem_shared>>
    tpu.wait_indirect_dma semaphore(%arg50 : memref<!tpu.dma_semaphore, #tpu.memory_space<semaphore_mem>>) src(%arg8 : memref<48x128xf32, #tpu.memory_space<vmem>>) dst(%dma_wait3A_129 : memref<10112x128xf32, #tpu.memory_space<vmem_shared>>)
    %dma_wait3A_130 = arith.constant 0 : i32
    %dma_wait3A_131 = arith.constant 0 : i32
    %dma_wait3A_132 = tpu.memref_slice %arg6[%dma_wait3A_130, %dma_wait3A_131] : memref<10112x128xf32, #tpu.memory_space<vmem_shared>> -> memref<10112x128xf32, #tpu.memory_space<vmem_shared>>
    tpu.wait_indirect_dma semaphore(%arg51 : memref<!tpu.dma_semaphore, #tpu.memory_space<semaphore_mem>>) src(%arg9 : memref<48x128xf32, #tpu.memory_space<vmem>>) dst(%dma_wait3A_132 : memref<10112x128xf32, #tpu.memory_space<vmem_shared>>)
    %dma_wait3A_133 = arith.constant 0 : i32
    %dma_wait3A_134 = arith.constant 0 : i32
    %dma_wait3A_135 = tpu.memref_slice %arg6[%dma_wait3A_133, %dma_wait3A_134] : memref<10112x128xf32, #tpu.memory_space<vmem_shared>> -> memref<10112x128xf32, #tpu.memory_space<vmem_shared>>
    tpu.wait_indirect_dma semaphore(%arg52 : memref<!tpu.dma_semaphore, #tpu.memory_space<semaphore_mem>>) src(%arg10 : memref<48x128xf32, #tpu.memory_space<vmem>>) dst(%dma_wait3A_135 : memref<10112x128xf32, #tpu.memory_space<vmem_shared>>)
    %dma_wait3A_136 = arith.constant 0 : i32
    %dma_wait3A_137 = arith.constant 0 : i32
    %dma_wait3A_138 = tpu.memref_slice %arg6[%dma_wait3A_136, %dma_wait3A_137] : memref<10112x128xf32, #tpu.memory_space<vmem_shared>> -> memref<10112x128xf32, #tpu.memory_space<vmem_shared>>
    tpu.wait_indirect_dma semaphore(%arg53 : memref<!tpu.dma_semaphore, #tpu.memory_space<semaphore_mem>>) src(%arg11 : memref<48x128xf32, #tpu.memory_space<vmem>>) dst(%dma_wait3A_138 : memref<10112x128xf32, #tpu.memory_space<vmem_shared>>)
    %dma_wait3A_139 = arith.constant 0 : i32
    %dma_wait3A_140 = arith.constant 0 : i32
    %dma_wait3A_141 = tpu.memref_slice %arg6[%dma_wait3A_139, %dma_wait3A_140] : memref<10112x128xf32, #tpu.memory_space<vmem_shared>> -> memref<10112x128xf32, #tpu.memory_space<vmem_shared>>
    tpu.wait_indirect_dma semaphore(%arg54 : memref<!tpu.dma_semaphore, #tpu.memory_space<semaphore_mem>>) src(%arg12 : memref<48x128xf32, #tpu.memory_space<vmem>>) dst(%dma_wait3A_141 : memref<10112x128xf32, #tpu.memory_space<vmem_shared>>)
    %dma_wait3A_142 = arith.constant 0 : i32
    %dma_wait3A_143 = arith.constant 0 : i32
    %dma_wait3A_144 = tpu.memref_slice %arg6[%dma_wait3A_142, %dma_wait3A_143] : memref<10112x128xf32, #tpu.memory_space<vmem_shared>> -> memref<10112x128xf32, #tpu.memory_space<vmem_shared>>
    tpu.wait_indirect_dma semaphore(%arg55 : memref<!tpu.dma_semaphore, #tpu.memory_space<semaphore_mem>>) src(%arg13 : memref<48x128xf32, #tpu.memory_space<vmem>>) dst(%dma_wait3A_144 : memref<10112x128xf32, #tpu.memory_space<vmem_shared>>)
    %barrier3A_145 = arith.constant 0 : index
    tpu.barrier barrier_id(%barrier3A_145)
    %scan3A_146 = arith.constant 0 : i32
    %scan3A_147 = arith.constant 4 : i32
    %scan3A_148 = arith.addi %scan3A_146, %scan3A_147 : i32
    %scan3A_149 = arith.constant 1 : i32
    scf.for %scan3A_155 = %scan3A_146 to %scan3A_148 step %scan3A_149  : i32 {
      %mul3A_156 = arith.constant 1 : i32
      %mul3A_157 = arith.muli %scan3A_155, %mul3A_156 : i32
      %add3A_158 = arith.constant 0 : i32
      %add3A_159 = arith.addi %add3A_158, %mul3A_157 : i32
      %mul3A_160 = arith.constant 632 : i32
      %mul3A_161 = arith.muli %arg1, %mul3A_160 : i32
      %mul3A_162 = arith.constant 128 : i32
      %mul3A_163 = arith.muli %add3A_159, %mul3A_162 : i32
      %add3A_164 = arith.addi %mul3A_161, %mul3A_163 : i32
      "tpu.region"() ({
        %run_scoped3A = tpu.sem_alloc : memref<!tpu.dma_semaphore, #tpu.memory_space<semaphore_mem>>
        %dma_start3A_165 = arith.constant 0 : i32
        %dma_start3A_166 = tpu.memref_slice %arg5[%arg0, %add3A_164, %dma_start3A_165] : memref<2x10112x128xf32, #tpu.memory_space<hbm>> -> memref<1x128x128xf32, #tpu.memory_space<hbm>>
        %dma_start3A_167 = tpu.memref_squeeze %dma_start3A_166 : memref<1x128x128xf32, #tpu.memory_space<hbm>> -> memref<128x128xf32, #tpu.memory_space<hbm>>
        %dma_start3A_168 = arith.constant 0 : i32
        %dma_start3A_169 = tpu.memref_slice %arg6[%add3A_164, %dma_start3A_168] : memref<10112x128xf32, #tpu.memory_space<vmem_shared>> -> memref<128x128xf32, #tpu.memory_space<vmem_shared>>
        tpu.enqueue_dma source(%dma_start3A_169 : memref<128x128xf32, #tpu.memory_space<vmem_shared>>) target(%dma_start3A_167 : memref<128x128xf32, #tpu.memory_space<hbm>>) target_semaphore(%run_scoped3A : memref<!tpu.dma_semaphore, #tpu.memory_space<semaphore_mem>>)
        %dma_wait3A_170 = arith.constant 0 : i32
        %dma_wait3A_171 = tpu.memref_slice %arg5[%arg0, %add3A_164, %dma_wait3A_170] : memref<2x10112x128xf32, #tpu.memory_space<hbm>> -> memref<1x128x128xf32, #tpu.memory_space<hbm>>
        %dma_wait3A_172 = tpu.memref_squeeze %dma_wait3A_171 : memref<1x128x128xf32, #tpu.memory_space<hbm>> -> memref<128x128xf32, #tpu.memory_space<hbm>>
        %dma_wait3A_173 = arith.constant 0 : i32
        %dma_wait3A_174 = tpu.memref_slice %arg6[%add3A_164, %dma_wait3A_173] : memref<10112x128xf32, #tpu.memory_space<vmem_shared>> -> memref<128x128xf32, #tpu.memory_space<vmem_shared>>
        tpu.wait_dma2 semaphore(%run_scoped3A : memref<!tpu.dma_semaphore, #tpu.memory_space<semaphore_mem>>) src(%dma_wait3A_174 : memref<128x128xf32, #tpu.memory_space<vmem_shared>>) dst(%dma_wait3A_172 : memref<128x128xf32, #tpu.memory_space<hbm>>)
        tpu.yield
      }) : () -> ()
    }
    %scan3A_150 = arith.constant 4 : i32
    %mul3A_151 = arith.constant 632 : i32
    %mul3A_152 = arith.muli %arg1, %mul3A_151 : i32
    %add3A_153 = arith.constant 512 : i32
    %add3A_154 = arith.addi %mul3A_152, %add3A_153 : i32
    "tpu.region"() ({
      %run_scoped3A = tpu.sem_alloc : memref<!tpu.dma_semaphore, #tpu.memory_space<semaphore_mem>>
      %dma_start3A_155 = arith.constant 0 : i32
      %dma_start3A_156 = tpu.memref_slice %arg5[%arg0, %add3A_154, %dma_start3A_155] : memref<2x10112x128xf32, #tpu.memory_space<hbm>> -> memref<1x120x128xf32, #tpu.memory_space<hbm>>
      %dma_start3A_157 = tpu.memref_squeeze %dma_start3A_156 : memref<1x120x128xf32, #tpu.memory_space<hbm>> -> memref<120x128xf32, #tpu.memory_space<hbm>>
      %dma_start3A_158 = arith.constant 0 : i32
      %dma_start3A_159 = tpu.memref_slice %arg6[%add3A_154, %dma_start3A_158] : memref<10112x128xf32, #tpu.memory_space<vmem_shared>> -> memref<120x128xf32, #tpu.memory_space<vmem_shared>>
      tpu.enqueue_dma source(%dma_start3A_159 : memref<120x128xf32, #tpu.memory_space<vmem_shared>>) target(%dma_start3A_157 : memref<120x128xf32, #tpu.memory_space<hbm>>) target_semaphore(%run_scoped3A : memref<!tpu.dma_semaphore, #tpu.memory_space<semaphore_mem>>)
      %dma_wait3A_160 = arith.constant 0 : i32
      %dma_wait3A_161 = tpu.memref_slice %arg5[%arg0, %add3A_154, %dma_wait3A_160] : memref<2x10112x128xf32, #tpu.memory_space<hbm>> -> memref<1x120x128xf32, #tpu.memory_space<hbm>>
      %dma_wait3A_162 = tpu.memref_squeeze %dma_wait3A_161 : memref<1x120x128xf32, #tpu.memory_space<hbm>> -> memref<120x128xf32, #tpu.memory_space<hbm>>
      %dma_wait3A_163 = arith.constant 0 : i32
      %dma_wait3A_164 = tpu.memref_slice %arg6[%add3A_154, %dma_wait3A_163] : memref<10112x128xf32, #tpu.memory_space<vmem_shared>> -> memref<120x128xf32, #tpu.memory_space<vmem_shared>>
      tpu.wait_dma2 semaphore(%run_scoped3A : memref<!tpu.dma_semaphore, #tpu.memory_space<semaphore_mem>>) src(%dma_wait3A_164 : memref<120x128xf32, #tpu.memory_space<vmem_shared>>) dst(%dma_wait3A_162 : memref<120x128xf32, #tpu.memory_space<hbm>>)
      tpu.yield
    }) : () -> ()
    return
  }
}

#map = affine_map<(d0, d1) -> (0)>
#map1 = affine_map<(d0, d1) -> (0, 0, 0)>
module attributes {stable_mosaic.version = 14 : i64} {
  func.func @count(%arg0: i32, %arg1: i32, %arg2: memref<331776xi32, #tpu.memory_space<hbm>>, %arg3: memref<2x10112x128xf32, #tpu.memory_space<hbm>>, %arg4: memref<128x128xf32, #tpu.memory_space<vmem>>, %arg5: memref<10112x128xf32, #tpu.memory_space<vmem_shared>>, %arg6: memref<128xi32, #tpu.memory_space<vmem>>, %arg7: memref<128xi32, #tpu.memory_space<vmem>>, %arg8: memref<128xi32, #tpu.memory_space<vmem>>, %arg9: memref<!tpu.dma_semaphore, #tpu.memory_space<semaphore_mem>>, %arg10: memref<!tpu.dma_semaphore, #tpu.memory_space<semaphore_mem>>, %arg11: memref<!tpu.dma_semaphore, #tpu.memory_space<semaphore_mem>>, %arg12: memref<!tpu.dma_semaphore, #tpu.memory_space<semaphore_mem>>, %arg13: memref<!tpu.dma_semaphore, #tpu.memory_space<semaphore_mem>>, %arg14: memref<!tpu.dma_semaphore, #tpu.memory_space<semaphore_mem>>) attributes {dimension_semantics = [#tpu.dimension_semantics<core_parallel>, #tpu.dimension_semantics<subcore_parallel>], iteration_bounds = array<i64: 2, 16>, scalar_prefetch = 0 : i64, scratch_operands = 11 : i64, tpu.core_type = #tpu.core_type<sc_vector_subcore>, window_params = [{transform_indices = #map}, {transform_indices = #map1}]} {
    %mul3A = arith.constant 2 : i32
    %mul3A_0 = arith.muli %arg1, %mul3A : i32
    %add3A = arith.addi %mul3A_0, %arg0 : i32
    %mul3A_1 = arith.constant 10368 : i32
    %mul3A_2 = arith.muli %add3A, %mul3A_1 : i32
    %add3A_3 = arith.constant 0 : i32
    %add3A_4 = arith.addi %mul3A_2, %add3A_3 : i32
    %dma_start3A = tpu.memref_slice %arg2[%add3A_4] : memref<331776xi32, #tpu.memory_space<hbm>> -> memref<128xi32, #tpu.memory_space<hbm>>
    %dma_start3A_5 = tpu.memref_slice %arg2[%add3A_4] : memref<331776xi32, #tpu.memory_space<hbm>> -> memref<128xi32, #tpu.memory_space<hbm>>
    tpu.enqueue_dma source(%dma_start3A_5 : memref<128xi32, #tpu.memory_space<hbm>>) target(%arg6 : memref<128xi32, #tpu.memory_space<vmem>>) target_semaphore(%arg9 : memref<!tpu.dma_semaphore, #tpu.memory_space<semaphore_mem>>)
    %add3A_6 = arith.constant 128 : i32
    %add3A_7 = arith.addi %mul3A_2, %add3A_6 : i32
    %dma_start3A_8 = tpu.memref_slice %arg2[%add3A_7] : memref<331776xi32, #tpu.memory_space<hbm>> -> memref<128xi32, #tpu.memory_space<hbm>>
    %dma_start3A_9 = tpu.memref_slice %arg2[%add3A_7] : memref<331776xi32, #tpu.memory_space<hbm>> -> memref<128xi32, #tpu.memory_space<hbm>>
    tpu.enqueue_dma source(%dma_start3A_9 : memref<128xi32, #tpu.memory_space<hbm>>) target(%arg7 : memref<128xi32, #tpu.memory_space<vmem>>) target_semaphore(%arg10 : memref<!tpu.dma_semaphore, #tpu.memory_space<semaphore_mem>>)
    %add3A_10 = arith.constant 256 : i32
    %add3A_11 = arith.addi %mul3A_2, %add3A_10 : i32
    %dma_start3A_12 = tpu.memref_slice %arg2[%add3A_11] : memref<331776xi32, #tpu.memory_space<hbm>> -> memref<128xi32, #tpu.memory_space<hbm>>
    %dma_start3A_13 = tpu.memref_slice %arg2[%add3A_11] : memref<331776xi32, #tpu.memory_space<hbm>> -> memref<128xi32, #tpu.memory_space<hbm>>
    tpu.enqueue_dma source(%dma_start3A_13 : memref<128xi32, #tpu.memory_space<hbm>>) target(%arg8 : memref<128xi32, #tpu.memory_space<vmem>>) target_semaphore(%arg11 : memref<!tpu.dma_semaphore, #tpu.memory_space<semaphore_mem>>)
    %scan3A = arith.constant 0 : i32
    %scan3A_14 = arith.constant 128 : i32
    %scan3A_15 = arith.addi %scan3A, %scan3A_14 : i32
    %scan3A_16 = arith.constant 1 : i32
    scf.for %scan3A_55 = %scan3A to %scan3A_15 step %scan3A_16  : i32 {
      %mul3A_56 = arith.constant 1 : i32
      %mul3A_57 = arith.muli %scan3A_55, %mul3A_56 : i32
      %add3A_58 = arith.constant 0 : i32
      %add3A_59 = arith.addi %add3A_58, %mul3A_57 : i32
      %scan3A_60 = arith.constant 0 : i32
      %scan3A_61 = arith.constant 8 : i32
      %scan3A_62 = arith.addi %scan3A_60, %scan3A_61 : i32
      %scan3A_63 = arith.constant 1 : i32
      scf.for %scan3A_65 = %scan3A_60 to %scan3A_62 step %scan3A_63  : i32 {
        %mul3A_66 = arith.constant 1 : i32
        %mul3A_67 = arith.muli %scan3A_65, %mul3A_66 : i32
        %add3A_68 = arith.constant 0 : i32
        %add3A_69 = arith.addi %add3A_68, %mul3A_67 : i32
        %broadcast_in_dim3A = arith.constant 0.000000e+00 : f32
        %broadcast_in_dim3A_70 = vector.broadcast %broadcast_in_dim3A : f32 to vector<1x16xf32>
        %mul3A_71 = arith.constant 16 : i32
        %mul3A_72 = arith.muli %add3A_69, %mul3A_71 : i32
        %swap3A = arith.index_cast %add3A_59 : i32 to index
        %swap3A_73 = arith.index_cast %mul3A_72 : i32 to index
        %swap3A_74 = tpu.vector_load %arg4[%swap3A, %swap3A_73] {strides = array<i32>} : memref<128x128xf32, #tpu.memory_space<vmem>>, vector<1x16xf32>,
        %swap3A_75 = vector.shape_cast %swap3A_74 : vector<1x16xf32> to vector<1x16xf32>
        %swap3A_76 = vector.shape_cast %broadcast_in_dim3A_70 : vector<1x16xf32> to vector<1x16xf32>
        tpu.vector_store %arg4[%swap3A, %swap3A_73], %swap3A_76 {strides = array<i32>} : memref<128x128xf32, #tpu.memory_space<vmem>>, vector<1x16xf32>,
      }
      %scan3A_64 = arith.constant 8 : i32
    }
    %scan3A_17 = arith.constant 128 : i32
    %scan3A_18 = arith.constant 0 : i32
    %scan3A_19 = arith.constant 4 : i32
    %scan3A_20 = arith.addi %scan3A_18, %scan3A_19 : i32
    %scan3A_21 = arith.constant 1 : i32
    scf.for %scan3A_55 = %scan3A_18 to %scan3A_20 step %scan3A_21  : i32 {
      %mul3A_56 = arith.constant 1 : i32
      %mul3A_57 = arith.muli %scan3A_55, %mul3A_56 : i32
      %add3A_58 = arith.constant 0 : i32
      %add3A_59 = arith.addi %add3A_58, %mul3A_57 : i32
      %mul3A_60 = arith.constant 632 : i32
      %mul3A_61 = arith.muli %arg1, %mul3A_60 : i32
      %mul3A_62 = arith.constant 128 : i32
      %mul3A_63 = arith.muli %add3A_59, %mul3A_62 : i32
      %add3A_64 = arith.addi %mul3A_61, %mul3A_63 : i32
      "tpu.region"() ({
        %run_scoped3A = tpu.sem_alloc : memref<!tpu.dma_semaphore, #tpu.memory_space<semaphore_mem>>
        %dma_start3A_65 = arith.constant 0 : i32
        %dma_start3A_66 = tpu.memref_slice %arg5[%add3A_64, %dma_start3A_65] : memref<10112x128xf32, #tpu.memory_space<vmem_shared>> -> memref<128x128xf32, #tpu.memory_space<vmem_shared>>
        %dma_start3A_67 = arith.constant 0 : i32
        %dma_start3A_68 = tpu.memref_slice %arg5[%add3A_64, %dma_start3A_67] : memref<10112x128xf32, #tpu.memory_space<vmem_shared>> -> memref<128x128xf32, #tpu.memory_space<vmem_shared>>
        tpu.enqueue_dma source(%arg4 : memref<128x128xf32, #tpu.memory_space<vmem>>) target(%dma_start3A_68 : memref<128x128xf32, #tpu.memory_space<vmem_shared>>) target_semaphore(%run_scoped3A : memref<!tpu.dma_semaphore, #tpu.memory_space<semaphore_mem>>)
        %dma_wait3A_69 = arith.constant 0 : i32
        %dma_wait3A_70 = tpu.memref_slice %arg5[%add3A_64, %dma_wait3A_69] : memref<10112x128xf32, #tpu.memory_space<vmem_shared>> -> memref<128x128xf32, #tpu.memory_space<vmem_shared>>
        %dma_wait3A_71 = arith.constant 0 : i32
        %dma_wait3A_72 = tpu.memref_slice %arg5[%add3A_64, %dma_wait3A_71] : memref<10112x128xf32, #tpu.memory_space<vmem_shared>> -> memref<128x128xf32, #tpu.memory_space<vmem_shared>>
        tpu.wait_dma2 semaphore(%run_scoped3A : memref<!tpu.dma_semaphore, #tpu.memory_space<semaphore_mem>>) src(%arg4 : memref<128x128xf32, #tpu.memory_space<vmem>>) dst(%dma_wait3A_72 : memref<128x128xf32, #tpu.memory_space<vmem_shared>>)
        tpu.yield
      }) : () -> ()
    }
    %scan3A_22 = arith.constant 4 : i32
    %mul3A_23 = arith.constant 632 : i32
    %mul3A_24 = arith.muli %arg1, %mul3A_23 : i32
    %add3A_25 = arith.constant 512 : i32
    %add3A_26 = arith.addi %mul3A_24, %add3A_25 : i32
    "tpu.region"() ({
      %run_scoped3A = tpu.sem_alloc : memref<!tpu.dma_semaphore, #tpu.memory_space<semaphore_mem>>
      %dma_start3A_55 = arith.constant 0 : i32
      %dma_start3A_56 = arith.constant 0 : i32
      %dma_start3A_57 = tpu.memref_slice %arg4[%dma_start3A_55, %dma_start3A_56] : memref<128x128xf32, #tpu.memory_space<vmem>> -> memref<120x128xf32, #tpu.memory_space<vmem>>
      %dma_start3A_58 = arith.constant 0 : i32
      %dma_start3A_59 = tpu.memref_slice %arg5[%add3A_26, %dma_start3A_58] : memref<10112x128xf32, #tpu.memory_space<vmem_shared>> -> memref<120x128xf32, #tpu.memory_space<vmem_shared>>
      %dma_start3A_60 = arith.constant 0 : i32
      %dma_start3A_61 = tpu.memref_slice %arg5[%add3A_26, %dma_start3A_60] : memref<10112x128xf32, #tpu.memory_space<vmem_shared>> -> memref<120x128xf32, #tpu.memory_space<vmem_shared>>
      %dma_start3A_62 = arith.constant 0 : i32
      %dma_start3A_63 = arith.constant 0 : i32
      %dma_start3A_64 = tpu.memref_slice %arg4[%dma_start3A_62, %dma_start3A_63] : memref<128x128xf32, #tpu.memory_space<vmem>> -> memref<120x128xf32, #tpu.memory_space<vmem>>
      tpu.enqueue_dma source(%dma_start3A_64 : memref<120x128xf32, #tpu.memory_space<vmem>>) target(%dma_start3A_61 : memref<120x128xf32, #tpu.memory_space<vmem_shared>>) target_semaphore(%run_scoped3A : memref<!tpu.dma_semaphore, #tpu.memory_space<semaphore_mem>>)
      %dma_wait3A_65 = arith.constant 0 : i32
      %dma_wait3A_66 = arith.constant 0 : i32
      %dma_wait3A_67 = tpu.memref_slice %arg4[%dma_wait3A_65, %dma_wait3A_66] : memref<128x128xf32, #tpu.memory_space<vmem>> -> memref<120x128xf32, #tpu.memory_space<vmem>>
      %dma_wait3A_68 = arith.constant 0 : i32
      %dma_wait3A_69 = tpu.memref_slice %arg5[%add3A_26, %dma_wait3A_68] : memref<10112x128xf32, #tpu.memory_space<vmem_shared>> -> memref<120x128xf32, #tpu.memory_space<vmem_shared>>
      %dma_wait3A_70 = arith.constant 0 : i32
      %dma_wait3A_71 = tpu.memref_slice %arg5[%add3A_26, %dma_wait3A_70] : memref<10112x128xf32, #tpu.memory_space<vmem_shared>> -> memref<120x128xf32, #tpu.memory_space<vmem_shared>>
      %dma_wait3A_72 = arith.constant 0 : i32
      %dma_wait3A_73 = arith.constant 0 : i32
      %dma_wait3A_74 = tpu.memref_slice %arg4[%dma_wait3A_72, %dma_wait3A_73] : memref<128x128xf32, #tpu.memory_space<vmem>> -> memref<120x128xf32, #tpu.memory_space<vmem>>
      tpu.wait_dma2 semaphore(%run_scoped3A : memref<!tpu.dma_semaphore, #tpu.memory_space<semaphore_mem>>) src(%dma_wait3A_74 : memref<120x128xf32, #tpu.memory_space<vmem>>) dst(%dma_wait3A_71 : memref<120x128xf32, #tpu.memory_space<vmem_shared>>)
      tpu.yield
    }) : () -> ()
    %scan3A_27 = arith.constant 0 : i32
    %scan3A_28 = arith.constant 128 : i32
    %scan3A_29 = arith.addi %scan3A_27, %scan3A_28 : i32
    %scan3A_30 = arith.constant 1 : i32
    scf.for %scan3A_55 = %scan3A_27 to %scan3A_29 step %scan3A_30  : i32 {
      %mul3A_56 = arith.constant 1 : i32
      %mul3A_57 = arith.muli %scan3A_55, %mul3A_56 : i32
      %add3A_58 = arith.constant 0 : i32
      %add3A_59 = arith.addi %add3A_58, %mul3A_57 : i32
      %scan3A_60 = arith.constant 0 : i32
      %scan3A_61 = arith.constant 8 : i32
      %scan3A_62 = arith.addi %scan3A_60, %scan3A_61 : i32
      %scan3A_63 = arith.constant 1 : i32
      scf.for %scan3A_65 = %scan3A_60 to %scan3A_62 step %scan3A_63  : i32 {
        %mul3A_66 = arith.constant 1 : i32
        %mul3A_67 = arith.muli %scan3A_65, %mul3A_66 : i32
        %add3A_68 = arith.constant 0 : i32
        %add3A_69 = arith.addi %add3A_68, %mul3A_67 : i32
        %broadcast_in_dim3A = arith.constant 7.812500e-03 : f32
        %broadcast_in_dim3A_70 = vector.broadcast %broadcast_in_dim3A : f32 to vector<1x16xf32>
        %mul3A_71 = arith.constant 16 : i32
        %mul3A_72 = arith.muli %add3A_69, %mul3A_71 : i32
        %swap3A = arith.index_cast %add3A_59 : i32 to index
        %swap3A_73 = arith.index_cast %mul3A_72 : i32 to index
        %swap3A_74 = tpu.vector_load %arg4[%swap3A, %swap3A_73] {strides = array<i32>} : memref<128x128xf32, #tpu.memory_space<vmem>>, vector<1x16xf32>,
        %swap3A_75 = vector.shape_cast %swap3A_74 : vector<1x16xf32> to vector<1x16xf32>
        %swap3A_76 = vector.shape_cast %broadcast_in_dim3A_70 : vector<1x16xf32> to vector<1x16xf32>
        tpu.vector_store %arg4[%swap3A, %swap3A_73], %swap3A_76 {strides = array<i32>} : memref<128x128xf32, #tpu.memory_space<vmem>>, vector<1x16xf32>,
      }
      %scan3A_64 = arith.constant 8 : i32
    }
    %scan3A_31 = arith.constant 128 : i32
    %barrier3A = arith.constant 0 : index
    tpu.barrier barrier_id(%barrier3A)
    %scan3A_32 = arith.constant 0 : i32
    %scan3A_33 = arith.constant 27 : i32
    %scan3A_34 = arith.addi %scan3A_32, %scan3A_33 : i32
    %scan3A_35 = arith.constant 1 : i32
    scf.for %scan3A_55 = %scan3A_32 to %scan3A_34 step %scan3A_35  : i32 {
      %mul3A_56 = arith.constant 1 : i32
      %mul3A_57 = arith.muli %scan3A_55, %mul3A_56 : i32
      %add3A_58 = arith.constant 0 : i32
      %add3A_59 = arith.addi %add3A_58, %mul3A_57 : i32
      %mul3A_60 = arith.constant 3 : i32
      %mul3A_61 = arith.muli %add3A_59, %mul3A_60 : i32
      %add3A_62 = arith.constant 0 : i32
      %add3A_63 = arith.addi %mul3A_61, %add3A_62 : i32
      %mul3A_64 = arith.constant 128 : i32
      %mul3A_65 = arith.muli %add3A_63, %mul3A_64 : i32
      %add3A_66 = arith.addi %mul3A_2, %mul3A_65 : i32
      %dma_wait3A_67 = tpu.memref_slice %arg2[%add3A_66] : memref<331776xi32, #tpu.memory_space<hbm>> -> memref<128xi32, #tpu.memory_space<hbm>>
      %dma_wait3A_68 = tpu.memref_slice %arg2[%add3A_66] : memref<331776xi32, #tpu.memory_space<hbm>> -> memref<128xi32, #tpu.memory_space<hbm>>
      tpu.wait_dma2 semaphore(%arg9 : memref<!tpu.dma_semaphore, #tpu.memory_space<semaphore_mem>>) src(%dma_wait3A_68 : memref<128xi32, #tpu.memory_space<hbm>>) dst(%arg6 : memref<128xi32, #tpu.memory_space<vmem>>)
      %dma_start3A_69 = arith.constant 0 : i32
      %dma_start3A_70 = arith.constant 0 : i32
      %dma_start3A_71 = tpu.memref_slice %arg5[%dma_start3A_69, %dma_start3A_70] : memref<10112x128xf32, #tpu.memory_space<vmem_shared>> -> memref<10112x128xf32, #tpu.memory_space<vmem_shared>>
      tpu.enqueue_indirect_dma source(%arg4 : memref<128x128xf32, #tpu.memory_space<vmem>>) target(%dma_start3A_71 : memref<10112x128xf32, #tpu.memory_space<vmem_shared>>) offsets(%arg6 : memref<128xi32, #tpu.memory_space<vmem>>) semaphore(%arg12 : memref<!tpu.dma_semaphore, #tpu.memory_space<semaphore_mem>>) {add = true}
      %add3A_72 = arith.constant 1 : i32
      %add3A_73 = arith.addi %mul3A_61, %add3A_72 : i32
      %mul3A_74 = arith.constant 128 : i32
      %mul3A_75 = arith.muli %add3A_73, %mul3A_74 : i32
      %add3A_76 = arith.addi %mul3A_2, %mul3A_75 : i32
      %dma_wait3A_77 = tpu.memref_slice %arg2[%add3A_76] : memref<331776xi32, #tpu.memory_space<hbm>> -> memref<128xi32, #tpu.memory_space<hbm>>
      %dma_wait3A_78 = tpu.memref_slice %arg2[%add3A_76] : memref<331776xi32, #tpu.memory_space<hbm>> -> memref<128xi32, #tpu.memory_space<hbm>>
      tpu.wait_dma2 semaphore(%arg10 : memref<!tpu.dma_semaphore, #tpu.memory_space<semaphore_mem>>) src(%dma_wait3A_78 : memref<128xi32, #tpu.memory_space<hbm>>) dst(%arg7 : memref<128xi32, #tpu.memory_space<vmem>>)
      %dma_start3A_79 = arith.constant 0 : i32
      %dma_start3A_80 = arith.constant 0 : i32
      %dma_start3A_81 = tpu.memref_slice %arg5[%dma_start3A_79, %dma_start3A_80] : memref<10112x128xf32, #tpu.memory_space<vmem_shared>> -> memref<10112x128xf32, #tpu.memory_space<vmem_shared>>
      tpu.enqueue_indirect_dma source(%arg4 : memref<128x128xf32, #tpu.memory_space<vmem>>) target(%dma_start3A_81 : memref<10112x128xf32, #tpu.memory_space<vmem_shared>>) offsets(%arg7 : memref<128xi32, #tpu.memory_space<vmem>>) semaphore(%arg13 : memref<!tpu.dma_semaphore, #tpu.memory_space<semaphore_mem>>) {add = true}
      %add3A_82 = arith.constant 2 : i32
      %add3A_83 = arith.addi %mul3A_61, %add3A_82 : i32
      %mul3A_84 = arith.constant 128 : i32
      %mul3A_85 = arith.muli %add3A_83, %mul3A_84 : i32
      %add3A_86 = arith.addi %mul3A_2, %mul3A_85 : i32
      %dma_wait3A_87 = tpu.memref_slice %arg2[%add3A_86] : memref<331776xi32, #tpu.memory_space<hbm>> -> memref<128xi32, #tpu.memory_space<hbm>>
      %dma_wait3A_88 = tpu.memref_slice %arg2[%add3A_86] : memref<331776xi32, #tpu.memory_space<hbm>> -> memref<128xi32, #tpu.memory_space<hbm>>
      tpu.wait_dma2 semaphore(%arg11 : memref<!tpu.dma_semaphore, #tpu.memory_space<semaphore_mem>>) src(%dma_wait3A_88 : memref<128xi32, #tpu.memory_space<hbm>>) dst(%arg8 : memref<128xi32, #tpu.memory_space<vmem>>)
      %dma_start3A_89 = arith.constant 0 : i32
      %dma_start3A_90 = arith.constant 0 : i32
      %dma_start3A_91 = tpu.memref_slice %arg5[%dma_start3A_89, %dma_start3A_90] : memref<10112x128xf32, #tpu.memory_space<vmem_shared>> -> memref<10112x128xf32, #tpu.memory_space<vmem_shared>>
      tpu.enqueue_indirect_dma source(%arg4 : memref<128x128xf32, #tpu.memory_space<vmem>>) target(%dma_start3A_91 : memref<10112x128xf32, #tpu.memory_space<vmem_shared>>) offsets(%arg8 : memref<128xi32, #tpu.memory_space<vmem>>) semaphore(%arg14 : memref<!tpu.dma_semaphore, #tpu.memory_space<semaphore_mem>>) {add = true}
      %add3A_92 = arith.constant 0 : i32
      %add3A_93 = arith.addi %mul3A_61, %add3A_92 : i32
      %lt3A = arith.constant 26 : i32
      %lt3A_94 = arith.cmpi slt, %add3A_59, %lt3A : i32
      %convert_element_type3A = arith.extui %lt3A_94 : i1 to i32
      %cond3A = arith.constant 0 : i32
      %cond3A_95 = arith.cmpi ne, %convert_element_type3A, %cond3A : i32
      scf.if %cond3A_95 {
        %dma_wait3A_110 = arith.constant 0 : i32
        %dma_wait3A_111 = arith.constant 0 : i32
        %dma_wait3A_112 = tpu.memref_slice %arg5[%dma_wait3A_110, %dma_wait3A_111] : memref<10112x128xf32, #tpu.memory_space<vmem_shared>> -> memref<10112x128xf32, #tpu.memory_space<vmem_shared>>
        tpu.wait_indirect_dma semaphore(%arg12 : memref<!tpu.dma_semaphore, #tpu.memory_space<semaphore_mem>>) src(%arg4 : memref<128x128xf32, #tpu.memory_space<vmem>>) dst(%dma_wait3A_112 : memref<10112x128xf32, #tpu.memory_space<vmem_shared>>)
        %add3A_113 = arith.constant 3 : i32
        %add3A_114 = arith.addi %add3A_93, %add3A_113 : i32
        %mul3A_115 = arith.constant 128 : i32
        %mul3A_116 = arith.muli %add3A_114, %mul3A_115 : i32
        %add3A_117 = arith.addi %mul3A_2, %mul3A_116 : i32
        %dma_start3A_118 = tpu.memref_slice %arg2[%add3A_117] : memref<331776xi32, #tpu.memory_space<hbm>> -> memref<128xi32, #tpu.memory_space<hbm>>
        %dma_start3A_119 = tpu.memref_slice %arg2[%add3A_117] : memref<331776xi32, #tpu.memory_space<hbm>> -> memref<128xi32, #tpu.memory_space<hbm>>
        tpu.enqueue_dma source(%dma_start3A_119 : memref<128xi32, #tpu.memory_space<hbm>>) target(%arg6 : memref<128xi32, #tpu.memory_space<vmem>>) target_semaphore(%arg9 : memref<!tpu.dma_semaphore, #tpu.memory_space<semaphore_mem>>)
      } else {
      }
      %add3A_96 = arith.constant 1 : i32
      %add3A_97 = arith.addi %mul3A_61, %add3A_96 : i32
      %lt3A_98 = arith.constant 26 : i32
      %lt3A_99 = arith.cmpi slt, %add3A_59, %lt3A_98 : i32
      %convert_element_type3A_100 = arith.extui %lt3A_99 : i1 to i32
      %cond3A_101 = arith.constant 0 : i32
      %cond3A_102 = arith.cmpi ne, %convert_element_type3A_100, %cond3A_101 : i32
      scf.if %cond3A_102 {
        %dma_wait3A_110 = arith.constant 0 : i32
        %dma_wait3A_111 = arith.constant 0 : i32
        %dma_wait3A_112 = tpu.memref_slice %arg5[%dma_wait3A_110, %dma_wait3A_111] : memref<10112x128xf32, #tpu.memory_space<vmem_shared>> -> memref<10112x128xf32, #tpu.memory_space<vmem_shared>>
        tpu.wait_indirect_dma semaphore(%arg13 : memref<!tpu.dma_semaphore, #tpu.memory_space<semaphore_mem>>) src(%arg4 : memref<128x128xf32, #tpu.memory_space<vmem>>) dst(%dma_wait3A_112 : memref<10112x128xf32, #tpu.memory_space<vmem_shared>>)
        %add3A_113 = arith.constant 3 : i32
        %add3A_114 = arith.addi %add3A_97, %add3A_113 : i32
        %mul3A_115 = arith.constant 128 : i32
        %mul3A_116 = arith.muli %add3A_114, %mul3A_115 : i32
        %add3A_117 = arith.addi %mul3A_2, %mul3A_116 : i32
        %dma_start3A_118 = tpu.memref_slice %arg2[%add3A_117] : memref<331776xi32, #tpu.memory_space<hbm>> -> memref<128xi32, #tpu.memory_space<hbm>>
        %dma_start3A_119 = tpu.memref_slice %arg2[%add3A_117] : memref<331776xi32, #tpu.memory_space<hbm>> -> memref<128xi32, #tpu.memory_space<hbm>>
        tpu.enqueue_dma source(%dma_start3A_119 : memref<128xi32, #tpu.memory_space<hbm>>) target(%arg7 : memref<128xi32, #tpu.memory_space<vmem>>) target_semaphore(%arg10 : memref<!tpu.dma_semaphore, #tpu.memory_space<semaphore_mem>>)
      } else {
      }
      %add3A_103 = arith.constant 2 : i32
      %add3A_104 = arith.addi %mul3A_61, %add3A_103 : i32
      %lt3A_105 = arith.constant 26 : i32
      %lt3A_106 = arith.cmpi slt, %add3A_59, %lt3A_105 : i32
      %convert_element_type3A_107 = arith.extui %lt3A_106 : i1 to i32
      %cond3A_108 = arith.constant 0 : i32
      %cond3A_109 = arith.cmpi ne, %convert_element_type3A_107, %cond3A_108 : i32
      scf.if %cond3A_109 {
        %dma_wait3A_110 = arith.constant 0 : i32
        %dma_wait3A_111 = arith.constant 0 : i32
        %dma_wait3A_112 = tpu.memref_slice %arg5[%dma_wait3A_110, %dma_wait3A_111] : memref<10112x128xf32, #tpu.memory_space<vmem_shared>> -> memref<10112x128xf32, #tpu.memory_space<vmem_shared>>
        tpu.wait_indirect_dma semaphore(%arg14 : memref<!tpu.dma_semaphore, #tpu.memory_space<semaphore_mem>>) src(%arg4 : memref<128x128xf32, #tpu.memory_space<vmem>>) dst(%dma_wait3A_112 : memref<10112x128xf32, #tpu.memory_space<vmem_shared>>)
        %add3A_113 = arith.constant 3 : i32
        %add3A_114 = arith.addi %add3A_104, %add3A_113 : i32
        %mul3A_115 = arith.constant 128 : i32
        %mul3A_116 = arith.muli %add3A_114, %mul3A_115 : i32
        %add3A_117 = arith.addi %mul3A_2, %mul3A_116 : i32
        %dma_start3A_118 = tpu.memref_slice %arg2[%add3A_117] : memref<331776xi32, #tpu.memory_space<hbm>> -> memref<128xi32, #tpu.memory_space<hbm>>
        %dma_start3A_119 = tpu.memref_slice %arg2[%add3A_117] : memref<331776xi32, #tpu.memory_space<hbm>> -> memref<128xi32, #tpu.memory_space<hbm>>
        tpu.enqueue_dma source(%dma_start3A_119 : memref<128xi32, #tpu.memory_space<hbm>>) target(%arg8 : memref<128xi32, #tpu.memory_space<vmem>>) target_semaphore(%arg11 : memref<!tpu.dma_semaphore, #tpu.memory_space<semaphore_mem>>)
      } else {
      }
    }
    %scan3A_36 = arith.constant 27 : i32
    %dma_wait3A = arith.constant 0 : i32
    %dma_wait3A_37 = arith.constant 0 : i32
    %dma_wait3A_38 = tpu.memref_slice %arg5[%dma_wait3A, %dma_wait3A_37] : memref<10112x128xf32, #tpu.memory_space<vmem_shared>> -> memref<10112x128xf32, #tpu.memory_space<vmem_shared>>
    tpu.wait_indirect_dma semaphore(%arg12 : memref<!tpu.dma_semaphore, #tpu.memory_space<semaphore_mem>>) src(%arg4 : memref<128x128xf32, #tpu.memory_space<vmem>>) dst(%dma_wait3A_38 : memref<10112x128xf32, #tpu.memory_space<vmem_shared>>)
    %dma_wait3A_39 = arith.constant 0 : i32
    %dma_wait3A_40 = arith.constant 0 : i32
    %dma_wait3A_41 = tpu.memref_slice %arg5[%dma_wait3A_39, %dma_wait3A_40] : memref<10112x128xf32, #tpu.memory_space<vmem_shared>> -> memref<10112x128xf32, #tpu.memory_space<vmem_shared>>
    tpu.wait_indirect_dma semaphore(%arg13 : memref<!tpu.dma_semaphore, #tpu.memory_space<semaphore_mem>>) src(%arg4 : memref<128x128xf32, #tpu.memory_space<vmem>>) dst(%dma_wait3A_41 : memref<10112x128xf32, #tpu.memory_space<vmem_shared>>)
    %dma_wait3A_42 = arith.constant 0 : i32
    %dma_wait3A_43 = arith.constant 0 : i32
    %dma_wait3A_44 = tpu.memref_slice %arg5[%dma_wait3A_42, %dma_wait3A_43] : memref<10112x128xf32, #tpu.memory_space<vmem_shared>> -> memref<10112x128xf32, #tpu.memory_space<vmem_shared>>
    tpu.wait_indirect_dma semaphore(%arg14 : memref<!tpu.dma_semaphore, #tpu.memory_space<semaphore_mem>>) src(%arg4 : memref<128x128xf32, #tpu.memory_space<vmem>>) dst(%dma_wait3A_44 : memref<10112x128xf32, #tpu.memory_space<vmem_shared>>)
    %barrier3A_45 = arith.constant 0 : index
    tpu.barrier barrier_id(%barrier3A_45)
    %scan3A_46 = arith.constant 0 : i32
    %scan3A_47 = arith.constant 4 : i32
    %scan3A_48 = arith.addi %scan3A_46, %scan3A_47 : i32
    %scan3A_49 = arith.constant 1 : i32
    scf.for %scan3A_55 = %scan3A_46 to %scan3A_48 step %scan3A_49  : i32 {
      %mul3A_56 = arith.constant 1 : i32
      %mul3A_57 = arith.muli %scan3A_55, %mul3A_56 : i32
      %add3A_58 = arith.constant 0 : i32
      %add3A_59 = arith.addi %add3A_58, %mul3A_57 : i32
      %mul3A_60 = arith.constant 632 : i32
      %mul3A_61 = arith.muli %arg1, %mul3A_60 : i32
      %mul3A_62 = arith.constant 128 : i32
      %mul3A_63 = arith.muli %add3A_59, %mul3A_62 : i32
      %add3A_64 = arith.addi %mul3A_61, %mul3A_63 : i32
      "tpu.region"() ({
        %run_scoped3A = tpu.sem_alloc : memref<!tpu.dma_semaphore, #tpu.memory_space<semaphore_mem>>
        %dma_start3A_65 = arith.constant 0 : i32
        %dma_start3A_66 = tpu.memref_slice %arg3[%arg0, %add3A_64, %dma_start3A_65] : memref<2x10112x128xf32, #tpu.memory_space<hbm>> -> memref<1x128x128xf32, #tpu.memory_space<hbm>>
        %dma_start3A_67 = tpu.memref_squeeze %dma_start3A_66 : memref<1x128x128xf32, #tpu.memory_space<hbm>> -> memref<128x128xf32, #tpu.memory_space<hbm>>
        %dma_start3A_68 = arith.constant 0 : i32
        %dma_start3A_69 = tpu.memref_slice %arg5[%add3A_64, %dma_start3A_68] : memref<10112x128xf32, #tpu.memory_space<vmem_shared>> -> memref<128x128xf32, #tpu.memory_space<vmem_shared>>
        tpu.enqueue_dma source(%dma_start3A_69 : memref<128x128xf32, #tpu.memory_space<vmem_shared>>) target(%dma_start3A_67 : memref<128x128xf32, #tpu.memory_space<hbm>>) target_semaphore(%run_scoped3A : memref<!tpu.dma_semaphore, #tpu.memory_space<semaphore_mem>>)
        %dma_wait3A_70 = arith.constant 0 : i32
        %dma_wait3A_71 = tpu.memref_slice %arg3[%arg0, %add3A_64, %dma_wait3A_70] : memref<2x10112x128xf32, #tpu.memory_space<hbm>> -> memref<1x128x128xf32, #tpu.memory_space<hbm>>
        %dma_wait3A_72 = tpu.memref_squeeze %dma_wait3A_71 : memref<1x128x128xf32, #tpu.memory_space<hbm>> -> memref<128x128xf32, #tpu.memory_space<hbm>>
        %dma_wait3A_73 = arith.constant 0 : i32
        %dma_wait3A_74 = tpu.memref_slice %arg5[%add3A_64, %dma_wait3A_73] : memref<10112x128xf32, #tpu.memory_space<vmem_shared>> -> memref<128x128xf32, #tpu.memory_space<vmem_shared>>
        tpu.wait_dma2 semaphore(%run_scoped3A : memref<!tpu.dma_semaphore, #tpu.memory_space<semaphore_mem>>) src(%dma_wait3A_74 : memref<128x128xf32, #tpu.memory_space<vmem_shared>>) dst(%dma_wait3A_72 : memref<128x128xf32, #tpu.memory_space<hbm>>)
        tpu.yield
      }) : () -> ()
    }
    %scan3A_50 = arith.constant 4 : i32
    %mul3A_51 = arith.constant 632 : i32
    %mul3A_52 = arith.muli %arg1, %mul3A_51 : i32
    %add3A_53 = arith.constant 512 : i32
    %add3A_54 = arith.addi %mul3A_52, %add3A_53 : i32
    "tpu.region"() ({
      %run_scoped3A = tpu.sem_alloc : memref<!tpu.dma_semaphore, #tpu.memory_space<semaphore_mem>>
      %dma_start3A_55 = arith.constant 0 : i32
      %dma_start3A_56 = tpu.memref_slice %arg3[%arg0, %add3A_54, %dma_start3A_55] : memref<2x10112x128xf32, #tpu.memory_space<hbm>> -> memref<1x120x128xf32, #tpu.memory_space<hbm>>
      %dma_start3A_57 = tpu.memref_squeeze %dma_start3A_56 : memref<1x120x128xf32, #tpu.memory_space<hbm>> -> memref<120x128xf32, #tpu.memory_space<hbm>>
      %dma_start3A_58 = arith.constant 0 : i32
      %dma_start3A_59 = tpu.memref_slice %arg5[%add3A_54, %dma_start3A_58] : memref<10112x128xf32, #tpu.memory_space<vmem_shared>> -> memref<120x128xf32, #tpu.memory_space<vmem_shared>>
      tpu.enqueue_dma source(%dma_start3A_59 : memref<120x128xf32, #tpu.memory_space<vmem_shared>>) target(%dma_start3A_57 : memref<120x128xf32, #tpu.memory_space<hbm>>) target_semaphore(%run_scoped3A : memref<!tpu.dma_semaphore, #tpu.memory_space<semaphore_mem>>)
      %dma_wait3A_60 = arith.constant 0 : i32
      %dma_wait3A_61 = tpu.memref_slice %arg3[%arg0, %add3A_54, %dma_wait3A_60] : memref<2x10112x128xf32, #tpu.memory_space<hbm>> -> memref<1x120x128xf32, #tpu.memory_space<hbm>>
      %dma_wait3A_62 = tpu.memref_squeeze %dma_wait3A_61 : memref<1x120x128xf32, #tpu.memory_space<hbm>> -> memref<120x128xf32, #tpu.memory_space<hbm>>
      %dma_wait3A_63 = arith.constant 0 : i32
      %dma_wait3A_64 = tpu.memref_slice %arg5[%add3A_54, %dma_wait3A_63] : memref<10112x128xf32, #tpu.memory_space<vmem_shared>> -> memref<120x128xf32, #tpu.memory_space<vmem_shared>>
      tpu.wait_dma2 semaphore(%run_scoped3A : memref<!tpu.dma_semaphore, #tpu.memory_space<semaphore_mem>>) src(%dma_wait3A_64 : memref<120x128xf32, #tpu.memory_space<vmem_shared>>) dst(%dma_wait3A_62 : memref<120x128xf32, #tpu.memory_space<hbm>>)
      tpu.yield
    }) : () -> ()
    return
  }
}

#map = affine_map<(d0, d1) -> (0, 0)>
#map1 = affine_map<(d0, d1) -> (0)>
#map2 = affine_map<(d0, d1) -> (0, 0, 0)>
module attributes {stable_mosaic.version = 14 : i64} {
  func.func @scatter(%arg0: i32, %arg1: i32, %arg2: memref<10112x128xf32, #tpu.memory_space<hbm>>, %arg3: memref<331776xi32, #tpu.memory_space<hbm>>, %arg4: memref<331776xi32, #tpu.memory_space<hbm>>, %arg5: memref<2x10112x128xf32, #tpu.memory_space<hbm>>, %arg6: memref<10112x128xf32, #tpu.memory_space<vmem_shared>>, %arg7: memref<48x128xf32, #tpu.memory_space<vmem>>, %arg8: memref<48x128xf32, #tpu.memory_space<vmem>>, %arg9: memref<48x128xf32, #tpu.memory_space<vmem>>, %arg10: memref<48x128xf32, #tpu.memory_space<vmem>>, %arg11: memref<48x128xf32, #tpu.memory_space<vmem>>, %arg12: memref<48x128xf32, #tpu.memory_space<vmem>>, %arg13: memref<48x128xf32, #tpu.memory_space<vmem>>, %arg14: memref<48xi32, #tpu.memory_space<vmem>>, %arg15: memref<48xi32, #tpu.memory_space<vmem>>, %arg16: memref<48xi32, #tpu.memory_space<vmem>>, %arg17: memref<48xi32, #tpu.memory_space<vmem>>, %arg18: memref<48xi32, #tpu.memory_space<vmem>>, %arg19: memref<48xi32, #tpu.memory_space<vmem>>, %arg20: memref<48xi32, #tpu.memory_space<vmem>>, %arg21: memref<48xi32, #tpu.memory_space<vmem>>, %arg22: memref<48xi32, #tpu.memory_space<vmem>>, %arg23: memref<48xi32, #tpu.memory_space<vmem>>, %arg24: memref<48xi32, #tpu.memory_space<vmem>>, %arg25: memref<48xi32, #tpu.memory_space<vmem>>, %arg26: memref<48xi32, #tpu.memory_space<vmem>>, %arg27: memref<48xi32, #tpu.memory_space<vmem>>, %arg28: memref<!tpu.dma_semaphore, #tpu.memory_space<semaphore_mem>>, %arg29: memref<!tpu.dma_semaphore, #tpu.memory_space<semaphore_mem>>, %arg30: memref<!tpu.dma_semaphore, #tpu.memory_space<semaphore_mem>>, %arg31: memref<!tpu.dma_semaphore, #tpu.memory_space<semaphore_mem>>, %arg32: memref<!tpu.dma_semaphore, #tpu.memory_space<semaphore_mem>>, %arg33: memref<!tpu.dma_semaphore, #tpu.memory_space<semaphore_mem>>, %arg34: memref<!tpu.dma_semaphore, #tpu.memory_space<semaphore_mem>>, %arg35: memref<!tpu.dma_semaphore, #tpu.memory_space<semaphore_mem>>, %arg36: memref<!tpu.dma_semaphore, #tpu.memory_space<semaphore_mem>>, %arg37: memref<!tpu.dma_semaphore, #tpu.memory_space<semaphore_mem>>, %arg38: memref<!tpu.dma_semaphore, #tpu.memory_space<semaphore_mem>>, %arg39: memref<!tpu.dma_semaphore, #tpu.memory_space<semaphore_mem>>, %arg40: memref<!tpu.dma_semaphore, #tpu.memory_space<semaphore_mem>>, %arg41: memref<!tpu.dma_semaphore, #tpu.memory_space<semaphore_mem>>, %arg42: memref<!tpu.dma_semaphore, #tpu.memory_space<semaphore_mem>>, %arg43: memref<!tpu.dma_semaphore, #tpu.memory_space<semaphore_mem>>, %arg44: memref<!tpu.dma_semaphore, #tpu.memory_space<semaphore_mem>>, %arg45: memref<!tpu.dma_semaphore, #tpu.memory_space<semaphore_mem>>, %arg46: memref<!tpu.dma_semaphore, #tpu.memory_space<semaphore_mem>>, %arg47: memref<!tpu.dma_semaphore, #tpu.memory_space<semaphore_mem>>, %arg48: memref<!tpu.dma_semaphore, #tpu.memory_space<semaphore_mem>>, %arg49: memref<!tpu.dma_semaphore, #tpu.memory_space<semaphore_mem>>, %arg50: memref<!tpu.dma_semaphore, #tpu.memory_space<semaphore_mem>>, %arg51: memref<!tpu.dma_semaphore, #tpu.memory_space<semaphore_mem>>, %arg52: memref<!tpu.dma_semaphore, #tpu.memory_space<semaphore_mem>>, %arg53: memref<!tpu.dma_semaphore, #tpu.memory_space<semaphore_mem>>, %arg54: memref<!tpu.dma_semaphore, #tpu.memory_space<semaphore_mem>>, %arg55: memref<!tpu.dma_semaphore, #tpu.memory_space<semaphore_mem>>) attributes {dimension_semantics = [#tpu.dimension_semantics<core_parallel>, #tpu.dimension_semantics<subcore_parallel>], iteration_bounds = array<i64: 2, 16>, scalar_prefetch = 0 : i64, scratch_operands = 50 : i64, tpu.core_type = #tpu.core_type<sc_vector_subcore>, window_params = [{transform_indices = #map}, {transform_indices = #map1}, {transform_indices = #map1}, {transform_indices = #map2}]} {
    %mul3A = arith.constant 2 : i32
    %mul3A_0 = arith.muli %arg1, %mul3A : i32
    %add3A = arith.addi %mul3A_0, %arg0 : i32
    %mul3A_1 = arith.constant 10080 : i32
    %mul3A_2 = arith.muli %add3A, %mul3A_1 : i32
    %add3A_3 = arith.constant 0 : i32
    %add3A_4 = arith.addi %mul3A_2, %add3A_3 : i32
    %dma_start3A = tpu.memref_slice %arg3[%add3A_4] : memref<331776xi32, #tpu.memory_space<hbm>> -> memref<48xi32, #tpu.memory_space<hbm>>
    %dma_start3A_5 = tpu.memref_slice %arg3[%add3A_4] : memref<331776xi32, #tpu.memory_space<hbm>> -> memref<48xi32, #tpu.memory_space<hbm>>
    tpu.enqueue_dma source(%dma_start3A_5 : memref<48xi32, #tpu.memory_space<hbm>>) target(%arg14 : memref<48xi32, #tpu.memory_space<vmem>>) target_semaphore(%arg28 : memref<!tpu.dma_semaphore, #tpu.memory_space<semaphore_mem>>)
    %add3A_6 = arith.constant 0 : i32
    %add3A_7 = arith.addi %mul3A_2, %add3A_6 : i32
    %dma_start3A_8 = tpu.memref_slice %arg4[%add3A_7] : memref<331776xi32, #tpu.memory_space<hbm>> -> memref<48xi32, #tpu.memory_space<hbm>>
    %dma_start3A_9 = tpu.memref_slice %arg4[%add3A_7] : memref<331776xi32, #tpu.memory_space<hbm>> -> memref<48xi32, #tpu.memory_space<hbm>>
    tpu.enqueue_dma source(%dma_start3A_9 : memref<48xi32, #tpu.memory_space<hbm>>) target(%arg21 : memref<48xi32, #tpu.memory_space<vmem>>) target_semaphore(%arg35 : memref<!tpu.dma_semaphore, #tpu.memory_space<semaphore_mem>>)
    %add3A_10 = arith.constant 48 : i32
    %add3A_11 = arith.addi %mul3A_2, %add3A_10 : i32
    %dma_start3A_12 = tpu.memref_slice %arg3[%add3A_11] : memref<331776xi32, #tpu.memory_space<hbm>> -> memref<48xi32, #tpu.memory_space<hbm>>
    %dma_start3A_13 = tpu.memref_slice %arg3[%add3A_11] : memref<331776xi32, #tpu.memory_space<hbm>> -> memref<48xi32, #tpu.memory_space<hbm>>
    tpu.enqueue_dma source(%dma_start3A_13 : memref<48xi32, #tpu.memory_space<hbm>>) target(%arg15 : memref<48xi32, #tpu.memory_space<vmem>>) target_semaphore(%arg29 : memref<!tpu.dma_semaphore, #tpu.memory_space<semaphore_mem>>)
    %add3A_14 = arith.constant 48 : i32
    %add3A_15 = arith.addi %mul3A_2, %add3A_14 : i32
    %dma_start3A_16 = tpu.memref_slice %arg4[%add3A_15] : memref<331776xi32, #tpu.memory_space<hbm>> -> memref<48xi32, #tpu.memory_space<hbm>>
    %dma_start3A_17 = tpu.memref_slice %arg4[%add3A_15] : memref<331776xi32, #tpu.memory_space<hbm>> -> memref<48xi32, #tpu.memory_space<hbm>>
    tpu.enqueue_dma source(%dma_start3A_17 : memref<48xi32, #tpu.memory_space<hbm>>) target(%arg22 : memref<48xi32, #tpu.memory_space<vmem>>) target_semaphore(%arg36 : memref<!tpu.dma_semaphore, #tpu.memory_space<semaphore_mem>>)
    %add3A_18 = arith.constant 96 : i32
    %add3A_19 = arith.addi %mul3A_2, %add3A_18 : i32
    %dma_start3A_20 = tpu.memref_slice %arg3[%add3A_19] : memref<331776xi32, #tpu.memory_space<hbm>> -> memref<48xi32, #tpu.memory_space<hbm>>
    %dma_start3A_21 = tpu.memref_slice %arg3[%add3A_19] : memref<331776xi32, #tpu.memory_space<hbm>> -> memref<48xi32, #tpu.memory_space<hbm>>
    tpu.enqueue_dma source(%dma_start3A_21 : memref<48xi32, #tpu.memory_space<hbm>>) target(%arg16 : memref<48xi32, #tpu.memory_space<vmem>>) target_semaphore(%arg30 : memref<!tpu.dma_semaphore, #tpu.memory_space<semaphore_mem>>)
    %add3A_22 = arith.constant 96 : i32
    %add3A_23 = arith.addi %mul3A_2, %add3A_22 : i32
    %dma_start3A_24 = tpu.memref_slice %arg4[%add3A_23] : memref<331776xi32, #tpu.memory_space<hbm>> -> memref<48xi32, #tpu.memory_space<hbm>>
    %dma_start3A_25 = tpu.memref_slice %arg4[%add3A_23] : memref<331776xi32, #tpu.memory_space<hbm>> -> memref<48xi32, #tpu.memory_space<hbm>>
    tpu.enqueue_dma source(%dma_start3A_25 : memref<48xi32, #tpu.memory_space<hbm>>) target(%arg23 : memref<48xi32, #tpu.memory_space<vmem>>) target_semaphore(%arg37 : memref<!tpu.dma_semaphore, #tpu.memory_space<semaphore_mem>>)
    %add3A_26 = arith.constant 144 : i32
    %add3A_27 = arith.addi %mul3A_2, %add3A_26 : i32
    %dma_start3A_28 = tpu.memref_slice %arg3[%add3A_27] : memref<331776xi32, #tpu.memory_space<hbm>> -> memref<48xi32, #tpu.memory_space<hbm>>
    %dma_start3A_29 = tpu.memref_slice %arg3[%add3A_27] : memref<331776xi32, #tpu.memory_space<hbm>> -> memref<48xi32, #tpu.memory_space<hbm>>
    tpu.enqueue_dma source(%dma_start3A_29 : memref<48xi32, #tpu.memory_space<hbm>>) target(%arg17 : memref<48xi32, #tpu.memory_space<vmem>>) target_semaphore(%arg31 : memref<!tpu.dma_semaphore, #tpu.memory_space<semaphore_mem>>)
    %add3A_30 = arith.constant 144 : i32
    %add3A_31 = arith.addi %mul3A_2, %add3A_30 : i32
    %dma_start3A_32 = tpu.memref_slice %arg4[%add3A_31] : memref<331776xi32, #tpu.memory_space<hbm>> -> memref<48xi32, #tpu.memory_space<hbm>>
    %dma_start3A_33 = tpu.memref_slice %arg4[%add3A_31] : memref<331776xi32, #tpu.memory_space<hbm>> -> memref<48xi32, #tpu.memory_space<hbm>>
    tpu.enqueue_dma source(%dma_start3A_33 : memref<48xi32, #tpu.memory_space<hbm>>) target(%arg24 : memref<48xi32, #tpu.memory_space<vmem>>) target_semaphore(%arg38 : memref<!tpu.dma_semaphore, #tpu.memory_space<semaphore_mem>>)
    %add3A_34 = arith.constant 192 : i32
    %add3A_35 = arith.addi %mul3A_2, %add3A_34 : i32
    %dma_start3A_36 = tpu.memref_slice %arg3[%add3A_35] : memref<331776xi32, #tpu.memory_space<hbm>> -> memref<48xi32, #tpu.memory_space<hbm>>
    %dma_start3A_37 = tpu.memref_slice %arg3[%add3A_35] : memref<331776xi32, #tpu.memory_space<hbm>> -> memref<48xi32, #tpu.memory_space<hbm>>
    tpu.enqueue_dma source(%dma_start3A_37 : memref<48xi32, #tpu.memory_space<hbm>>) target(%arg18 : memref<48xi32, #tpu.memory_space<vmem>>) target_semaphore(%arg32 : memref<!tpu.dma_semaphore, #tpu.memory_space<semaphore_mem>>)
    %add3A_38 = arith.constant 192 : i32
    %add3A_39 = arith.addi %mul3A_2, %add3A_38 : i32
    %dma_start3A_40 = tpu.memref_slice %arg4[%add3A_39] : memref<331776xi32, #tpu.memory_space<hbm>> -> memref<48xi32, #tpu.memory_space<hbm>>
    %dma_start3A_41 = tpu.memref_slice %arg4[%add3A_39] : memref<331776xi32, #tpu.memory_space<hbm>> -> memref<48xi32, #tpu.memory_space<hbm>>
    tpu.enqueue_dma source(%dma_start3A_41 : memref<48xi32, #tpu.memory_space<hbm>>) target(%arg25 : memref<48xi32, #tpu.memory_space<vmem>>) target_semaphore(%arg39 : memref<!tpu.dma_semaphore, #tpu.memory_space<semaphore_mem>>)
    %add3A_42 = arith.constant 240 : i32
    %add3A_43 = arith.addi %mul3A_2, %add3A_42 : i32
    %dma_start3A_44 = tpu.memref_slice %arg3[%add3A_43] : memref<331776xi32, #tpu.memory_space<hbm>> -> memref<48xi32, #tpu.memory_space<hbm>>
    %dma_start3A_45 = tpu.memref_slice %arg3[%add3A_43] : memref<331776xi32, #tpu.memory_space<hbm>> -> memref<48xi32, #tpu.memory_space<hbm>>
    tpu.enqueue_dma source(%dma_start3A_45 : memref<48xi32, #tpu.memory_space<hbm>>) target(%arg19 : memref<48xi32, #tpu.memory_space<vmem>>) target_semaphore(%arg33 : memref<!tpu.dma_semaphore, #tpu.memory_space<semaphore_mem>>)
    %add3A_46 = arith.constant 240 : i32
    %add3A_47 = arith.addi %mul3A_2, %add3A_46 : i32
    %dma_start3A_48 = tpu.memref_slice %arg4[%add3A_47] : memref<331776xi32, #tpu.memory_space<hbm>> -> memref<48xi32, #tpu.memory_space<hbm>>
    %dma_start3A_49 = tpu.memref_slice %arg4[%add3A_47] : memref<331776xi32, #tpu.memory_space<hbm>> -> memref<48xi32, #tpu.memory_space<hbm>>
    tpu.enqueue_dma source(%dma_start3A_49 : memref<48xi32, #tpu.memory_space<hbm>>) target(%arg26 : memref<48xi32, #tpu.memory_space<vmem>>) target_semaphore(%arg40 : memref<!tpu.dma_semaphore, #tpu.memory_space<semaphore_mem>>)
    %add3A_50 = arith.constant 288 : i32
    %add3A_51 = arith.addi %mul3A_2, %add3A_50 : i32
    %dma_start3A_52 = tpu.memref_slice %arg3[%add3A_51] : memref<331776xi32, #tpu.memory_space<hbm>> -> memref<48xi32, #tpu.memory_space<hbm>>
    %dma_start3A_53 = tpu.memref_slice %arg3[%add3A_51] : memref<331776xi32, #tpu.memory_space<hbm>> -> memref<48xi32, #tpu.memory_space<hbm>>
    tpu.enqueue_dma source(%dma_start3A_53 : memref<48xi32, #tpu.memory_space<hbm>>) target(%arg20 : memref<48xi32, #tpu.memory_space<vmem>>) target_semaphore(%arg34 : memref<!tpu.dma_semaphore, #tpu.memory_space<semaphore_mem>>)
    %add3A_54 = arith.constant 288 : i32
    %add3A_55 = arith.addi %mul3A_2, %add3A_54 : i32
    %dma_start3A_56 = tpu.memref_slice %arg4[%add3A_55] : memref<331776xi32, #tpu.memory_space<hbm>> -> memref<48xi32, #tpu.memory_space<hbm>>
    %dma_start3A_57 = tpu.memref_slice %arg4[%add3A_55] : memref<331776xi32, #tpu.memory_space<hbm>> -> memref<48xi32, #tpu.memory_space<hbm>>
    tpu.enqueue_dma source(%dma_start3A_57 : memref<48xi32, #tpu.memory_space<hbm>>) target(%arg27 : memref<48xi32, #tpu.memory_space<vmem>>) target_semaphore(%arg41 : memref<!tpu.dma_semaphore, #tpu.memory_space<semaphore_mem>>)
    %scan3A = arith.constant 0 : i32
    %scan3A_58 = arith.constant 48 : i32
    %scan3A_59 = arith.addi %scan3A, %scan3A_58 : i32
    %scan3A_60 = arith.constant 1 : i32
    scf.for %scan3A_155 = %scan3A to %scan3A_59 step %scan3A_60  : i32 {
      %mul3A_156 = arith.constant 1 : i32
      %mul3A_157 = arith.muli %scan3A_155, %mul3A_156 : i32
      %add3A_158 = arith.constant 0 : i32
      %add3A_159 = arith.addi %add3A_158, %mul3A_157 : i32
      %scan3A_160 = arith.constant 0 : i32
      %scan3A_161 = arith.constant 8 : i32
      %scan3A_162 = arith.addi %scan3A_160, %scan3A_161 : i32
      %scan3A_163 = arith.constant 1 : i32
      scf.for %scan3A_165 = %scan3A_160 to %scan3A_162 step %scan3A_163  : i32 {
        %mul3A_166 = arith.constant 1 : i32
        %mul3A_167 = arith.muli %scan3A_165, %mul3A_166 : i32
        %add3A_168 = arith.constant 0 : i32
        %add3A_169 = arith.addi %add3A_168, %mul3A_167 : i32
        %broadcast_in_dim3A = arith.constant 0.000000e+00 : f32
        %broadcast_in_dim3A_170 = vector.broadcast %broadcast_in_dim3A : f32 to vector<1x16xf32>
        %mul3A_171 = arith.constant 16 : i32
        %mul3A_172 = arith.muli %add3A_169, %mul3A_171 : i32
        %swap3A = arith.index_cast %add3A_159 : i32 to index
        %swap3A_173 = arith.index_cast %mul3A_172 : i32 to index
        %swap3A_174 = tpu.vector_load %arg7[%swap3A, %swap3A_173] {strides = array<i32>} : memref<48x128xf32, #tpu.memory_space<vmem>>, vector<1x16xf32>,
        %swap3A_175 = vector.shape_cast %swap3A_174 : vector<1x16xf32> to vector<1x16xf32>
        %swap3A_176 = vector.shape_cast %broadcast_in_dim3A_170 : vector<1x16xf32> to vector<1x16xf32>
        tpu.vector_store %arg7[%swap3A, %swap3A_173], %swap3A_176 {strides = array<i32>} : memref<48x128xf32, #tpu.memory_space<vmem>>, vector<1x16xf32>,
      }
      %scan3A_164 = arith.constant 8 : i32
    }
    %scan3A_61 = arith.constant 48 : i32
    %scan3A_62 = arith.constant 0 : i32
    %scan3A_63 = arith.constant 13 : i32
    %scan3A_64 = arith.addi %scan3A_62, %scan3A_63 : i32
    %scan3A_65 = arith.constant 1 : i32
    scf.for %scan3A_155 = %scan3A_62 to %scan3A_64 step %scan3A_65  : i32 {
      %mul3A_156 = arith.constant 1 : i32
      %mul3A_157 = arith.muli %scan3A_155, %mul3A_156 : i32
      %add3A_158 = arith.constant 0 : i32
      %add3A_159 = arith.addi %add3A_158, %mul3A_157 : i32
      %mul3A_160 = arith.constant 632 : i32
      %mul3A_161 = arith.muli %arg1, %mul3A_160 : i32
      %mul3A_162 = arith.constant 48 : i32
      %mul3A_163 = arith.muli %add3A_159, %mul3A_162 : i32
      %add3A_164 = arith.addi %mul3A_161, %mul3A_163 : i32
      "tpu.region"() ({
        %run_scoped3A = tpu.sem_alloc : memref<!tpu.dma_semaphore, #tpu.memory_space<semaphore_mem>>
        %dma_start3A_165 = arith.constant 0 : i32
        %dma_start3A_166 = tpu.memref_slice %arg6[%add3A_164, %dma_start3A_165] : memref<10112x128xf32, #tpu.memory_space<vmem_shared>> -> memref<48x128xf32, #tpu.memory_space<vmem_shared>>
        %dma_start3A_167 = arith.constant 0 : i32
        %dma_start3A_168 = tpu.memref_slice %arg6[%add3A_164, %dma_start3A_167] : memref<10112x128xf32, #tpu.memory_space<vmem_shared>> -> memref<48x128xf32, #tpu.memory_space<vmem_shared>>
        tpu.enqueue_dma source(%arg7 : memref<48x128xf32, #tpu.memory_space<vmem>>) target(%dma_start3A_168 : memref<48x128xf32, #tpu.memory_space<vmem_shared>>) target_semaphore(%run_scoped3A : memref<!tpu.dma_semaphore, #tpu.memory_space<semaphore_mem>>)
        %dma_wait3A_169 = arith.constant 0 : i32
        %dma_wait3A_170 = tpu.memref_slice %arg6[%add3A_164, %dma_wait3A_169] : memref<10112x128xf32, #tpu.memory_space<vmem_shared>> -> memref<48x128xf32, #tpu.memory_space<vmem_shared>>
        %dma_wait3A_171 = arith.constant 0 : i32
        %dma_wait3A_172 = tpu.memref_slice %arg6[%add3A_164, %dma_wait3A_171] : memref<10112x128xf32, #tpu.memory_space<vmem_shared>> -> memref<48x128xf32, #tpu.memory_space<vmem_shared>>
        tpu.wait_dma2 semaphore(%run_scoped3A : memref<!tpu.dma_semaphore, #tpu.memory_space<semaphore_mem>>) src(%arg7 : memref<48x128xf32, #tpu.memory_space<vmem>>) dst(%dma_wait3A_172 : memref<48x128xf32, #tpu.memory_space<vmem_shared>>)
        tpu.yield
      }) : () -> ()
    }
    %scan3A_66 = arith.constant 13 : i32
    %mul3A_67 = arith.constant 632 : i32
    %mul3A_68 = arith.muli %arg1, %mul3A_67 : i32
    %add3A_69 = arith.constant 624 : i32
    %add3A_70 = arith.addi %mul3A_68, %add3A_69 : i32
    "tpu.region"() ({
      %run_scoped3A = tpu.sem_alloc : memref<!tpu.dma_semaphore, #tpu.memory_space<semaphore_mem>>
      %dma_start3A_155 = arith.constant 0 : i32
      %dma_start3A_156 = arith.constant 0 : i32
      %dma_start3A_157 = tpu.memref_slice %arg7[%dma_start3A_155, %dma_start3A_156] : memref<48x128xf32, #tpu.memory_space<vmem>> -> memref<8x128xf32, #tpu.memory_space<vmem>>
      %dma_start3A_158 = arith.constant 0 : i32
      %dma_start3A_159 = tpu.memref_slice %arg6[%add3A_70, %dma_start3A_158] : memref<10112x128xf32, #tpu.memory_space<vmem_shared>> -> memref<8x128xf32, #tpu.memory_space<vmem_shared>>
      %dma_start3A_160 = arith.constant 0 : i32
      %dma_start3A_161 = tpu.memref_slice %arg6[%add3A_70, %dma_start3A_160] : memref<10112x128xf32, #tpu.memory_space<vmem_shared>> -> memref<8x128xf32, #tpu.memory_space<vmem_shared>>
      %dma_start3A_162 = arith.constant 0 : i32
      %dma_start3A_163 = arith.constant 0 : i32
      %dma_start3A_164 = tpu.memref_slice %arg7[%dma_start3A_162, %dma_start3A_163] : memref<48x128xf32, #tpu.memory_space<vmem>> -> memref<8x128xf32, #tpu.memory_space<vmem>>
      tpu.enqueue_dma source(%dma_start3A_164 : memref<8x128xf32, #tpu.memory_space<vmem>>) target(%dma_start3A_161 : memref<8x128xf32, #tpu.memory_space<vmem_shared>>) target_semaphore(%run_scoped3A : memref<!tpu.dma_semaphore, #tpu.memory_space<semaphore_mem>>)
      %dma_wait3A_165 = arith.constant 0 : i32
      %dma_wait3A_166 = arith.constant 0 : i32
      %dma_wait3A_167 = tpu.memref_slice %arg7[%dma_wait3A_165, %dma_wait3A_166] : memref<48x128xf32, #tpu.memory_space<vmem>> -> memref<8x128xf32, #tpu.memory_space<vmem>>
      %dma_wait3A_168 = arith.constant 0 : i32
      %dma_wait3A_169 = tpu.memref_slice %arg6[%add3A_70, %dma_wait3A_168] : memref<10112x128xf32, #tpu.memory_space<vmem_shared>> -> memref<8x128xf32, #tpu.memory_space<vmem_shared>>
      %dma_wait3A_170 = arith.constant 0 : i32
      %dma_wait3A_171 = tpu.memref_slice %arg6[%add3A_70, %dma_wait3A_170] : memref<10112x128xf32, #tpu.memory_space<vmem_shared>> -> memref<8x128xf32, #tpu.memory_space<vmem_shared>>
      %dma_wait3A_172 = arith.constant 0 : i32
      %dma_wait3A_173 = arith.constant 0 : i32
      %dma_wait3A_174 = tpu.memref_slice %arg7[%dma_wait3A_172, %dma_wait3A_173] : memref<48x128xf32, #tpu.memory_space<vmem>> -> memref<8x128xf32, #tpu.memory_space<vmem>>
      tpu.wait_dma2 semaphore(%run_scoped3A : memref<!tpu.dma_semaphore, #tpu.memory_space<semaphore_mem>>) src(%dma_wait3A_174 : memref<8x128xf32, #tpu.memory_space<vmem>>) dst(%dma_wait3A_171 : memref<8x128xf32, #tpu.memory_space<vmem_shared>>)
      tpu.yield
    }) : () -> ()
    %add3A_71 = arith.constant 0 : i32
    %add3A_72 = arith.addi %mul3A_2, %add3A_71 : i32
    %dma_wait3A = tpu.memref_slice %arg3[%add3A_72] : memref<331776xi32, #tpu.memory_space<hbm>> -> memref<48xi32, #tpu.memory_space<hbm>>
    %dma_wait3A_73 = tpu.memref_slice %arg3[%add3A_72] : memref<331776xi32, #tpu.memory_space<hbm>> -> memref<48xi32, #tpu.memory_space<hbm>>
    tpu.wait_dma2 semaphore(%arg28 : memref<!tpu.dma_semaphore, #tpu.memory_space<semaphore_mem>>) src(%dma_wait3A_73 : memref<48xi32, #tpu.memory_space<hbm>>) dst(%arg14 : memref<48xi32, #tpu.memory_space<vmem>>)
    %dma_start3A_74 = arith.constant 0 : i32
    %dma_start3A_75 = arith.constant 0 : i32
    %dma_start3A_76 = tpu.memref_slice %arg2[%dma_start3A_74, %dma_start3A_75] : memref<10112x128xf32, #tpu.memory_space<hbm>> -> memref<10112x128xf32, #tpu.memory_space<hbm>>
    tpu.enqueue_indirect_dma source(%dma_start3A_76 : memref<10112x128xf32, #tpu.memory_space<hbm>>) target(%arg7 : memref<48x128xf32, #tpu.memory_space<vmem>>) offsets(%arg14 : memref<48xi32, #tpu.memory_space<vmem>>) semaphore(%arg42 : memref<!tpu.dma_semaphore, #tpu.memory_space<semaphore_mem>>)
    %add3A_77 = arith.constant 48 : i32
    %add3A_78 = arith.addi %mul3A_2, %add3A_77 : i32
    %dma_wait3A_79 = tpu.memref_slice %arg3[%add3A_78] : memref<331776xi32, #tpu.memory_space<hbm>> -> memref<48xi32, #tpu.memory_space<hbm>>
    %dma_wait3A_80 = tpu.memref_slice %arg3[%add3A_78] : memref<331776xi32, #tpu.memory_space<hbm>> -> memref<48xi32, #tpu.memory_space<hbm>>
    tpu.wait_dma2 semaphore(%arg29 : memref<!tpu.dma_semaphore, #tpu.memory_space<semaphore_mem>>) src(%dma_wait3A_80 : memref<48xi32, #tpu.memory_space<hbm>>) dst(%arg15 : memref<48xi32, #tpu.memory_space<vmem>>)
    %dma_start3A_81 = arith.constant 0 : i32
    %dma_start3A_82 = arith.constant 0 : i32
    %dma_start3A_83 = tpu.memref_slice %arg2[%dma_start3A_81, %dma_start3A_82] : memref<10112x128xf32, #tpu.memory_space<hbm>> -> memref<10112x128xf32, #tpu.memory_space<hbm>>
    tpu.enqueue_indirect_dma source(%dma_start3A_83 : memref<10112x128xf32, #tpu.memory_space<hbm>>) target(%arg8 : memref<48x128xf32, #tpu.memory_space<vmem>>) offsets(%arg15 : memref<48xi32, #tpu.memory_space<vmem>>) semaphore(%arg43 : memref<!tpu.dma_semaphore, #tpu.memory_space<semaphore_mem>>)
    %add3A_84 = arith.constant 96 : i32
    %add3A_85 = arith.addi %mul3A_2, %add3A_84 : i32
    %dma_wait3A_86 = tpu.memref_slice %arg3[%add3A_85] : memref<331776xi32, #tpu.memory_space<hbm>> -> memref<48xi32, #tpu.memory_space<hbm>>
    %dma_wait3A_87 = tpu.memref_slice %arg3[%add3A_85] : memref<331776xi32, #tpu.memory_space<hbm>> -> memref<48xi32, #tpu.memory_space<hbm>>
    tpu.wait_dma2 semaphore(%arg30 : memref<!tpu.dma_semaphore, #tpu.memory_space<semaphore_mem>>) src(%dma_wait3A_87 : memref<48xi32, #tpu.memory_space<hbm>>) dst(%arg16 : memref<48xi32, #tpu.memory_space<vmem>>)
    %dma_start3A_88 = arith.constant 0 : i32
    %dma_start3A_89 = arith.constant 0 : i32
    %dma_start3A_90 = tpu.memref_slice %arg2[%dma_start3A_88, %dma_start3A_89] : memref<10112x128xf32, #tpu.memory_space<hbm>> -> memref<10112x128xf32, #tpu.memory_space<hbm>>
    tpu.enqueue_indirect_dma source(%dma_start3A_90 : memref<10112x128xf32, #tpu.memory_space<hbm>>) target(%arg9 : memref<48x128xf32, #tpu.memory_space<vmem>>) offsets(%arg16 : memref<48xi32, #tpu.memory_space<vmem>>) semaphore(%arg44 : memref<!tpu.dma_semaphore, #tpu.memory_space<semaphore_mem>>)
    %add3A_91 = arith.constant 144 : i32
    %add3A_92 = arith.addi %mul3A_2, %add3A_91 : i32
    %dma_wait3A_93 = tpu.memref_slice %arg3[%add3A_92] : memref<331776xi32, #tpu.memory_space<hbm>> -> memref<48xi32, #tpu.memory_space<hbm>>
    %dma_wait3A_94 = tpu.memref_slice %arg3[%add3A_92] : memref<331776xi32, #tpu.memory_space<hbm>> -> memref<48xi32, #tpu.memory_space<hbm>>
    tpu.wait_dma2 semaphore(%arg31 : memref<!tpu.dma_semaphore, #tpu.memory_space<semaphore_mem>>) src(%dma_wait3A_94 : memref<48xi32, #tpu.memory_space<hbm>>) dst(%arg17 : memref<48xi32, #tpu.memory_space<vmem>>)
    %dma_start3A_95 = arith.constant 0 : i32
    %dma_start3A_96 = arith.constant 0 : i32
    %dma_start3A_97 = tpu.memref_slice %arg2[%dma_start3A_95, %dma_start3A_96] : memref<10112x128xf32, #tpu.memory_space<hbm>> -> memref<10112x128xf32, #tpu.memory_space<hbm>>
    tpu.enqueue_indirect_dma source(%dma_start3A_97 : memref<10112x128xf32, #tpu.memory_space<hbm>>) target(%arg10 : memref<48x128xf32, #tpu.memory_space<vmem>>) offsets(%arg17 : memref<48xi32, #tpu.memory_space<vmem>>) semaphore(%arg45 : memref<!tpu.dma_semaphore, #tpu.memory_space<semaphore_mem>>)
    %add3A_98 = arith.constant 192 : i32
    %add3A_99 = arith.addi %mul3A_2, %add3A_98 : i32
    %dma_wait3A_100 = tpu.memref_slice %arg3[%add3A_99] : memref<331776xi32, #tpu.memory_space<hbm>> -> memref<48xi32, #tpu.memory_space<hbm>>
    %dma_wait3A_101 = tpu.memref_slice %arg3[%add3A_99] : memref<331776xi32, #tpu.memory_space<hbm>> -> memref<48xi32, #tpu.memory_space<hbm>>
    tpu.wait_dma2 semaphore(%arg32 : memref<!tpu.dma_semaphore, #tpu.memory_space<semaphore_mem>>) src(%dma_wait3A_101 : memref<48xi32, #tpu.memory_space<hbm>>) dst(%arg18 : memref<48xi32, #tpu.memory_space<vmem>>)
    %dma_start3A_102 = arith.constant 0 : i32
    %dma_start3A_103 = arith.constant 0 : i32
    %dma_start3A_104 = tpu.memref_slice %arg2[%dma_start3A_102, %dma_start3A_103] : memref<10112x128xf32, #tpu.memory_space<hbm>> -> memref<10112x128xf32, #tpu.memory_space<hbm>>
    tpu.enqueue_indirect_dma source(%dma_start3A_104 : memref<10112x128xf32, #tpu.memory_space<hbm>>) target(%arg11 : memref<48x128xf32, #tpu.memory_space<vmem>>) offsets(%arg18 : memref<48xi32, #tpu.memory_space<vmem>>) semaphore(%arg46 : memref<!tpu.dma_semaphore, #tpu.memory_space<semaphore_mem>>)
    %add3A_105 = arith.constant 240 : i32
    %add3A_106 = arith.addi %mul3A_2, %add3A_105 : i32
    %dma_wait3A_107 = tpu.memref_slice %arg3[%add3A_106] : memref<331776xi32, #tpu.memory_space<hbm>> -> memref<48xi32, #tpu.memory_space<hbm>>
    %dma_wait3A_108 = tpu.memref_slice %arg3[%add3A_106] : memref<331776xi32, #tpu.memory_space<hbm>> -> memref<48xi32, #tpu.memory_space<hbm>>
    tpu.wait_dma2 semaphore(%arg33 : memref<!tpu.dma_semaphore, #tpu.memory_space<semaphore_mem>>) src(%dma_wait3A_108 : memref<48xi32, #tpu.memory_space<hbm>>) dst(%arg19 : memref<48xi32, #tpu.memory_space<vmem>>)
    %dma_start3A_109 = arith.constant 0 : i32
    %dma_start3A_110 = arith.constant 0 : i32
    %dma_start3A_111 = tpu.memref_slice %arg2[%dma_start3A_109, %dma_start3A_110] : memref<10112x128xf32, #tpu.memory_space<hbm>> -> memref<10112x128xf32, #tpu.memory_space<hbm>>
    tpu.enqueue_indirect_dma source(%dma_start3A_111 : memref<10112x128xf32, #tpu.memory_space<hbm>>) target(%arg12 : memref<48x128xf32, #tpu.memory_space<vmem>>) offsets(%arg19 : memref<48xi32, #tpu.memory_space<vmem>>) semaphore(%arg47 : memref<!tpu.dma_semaphore, #tpu.memory_space<semaphore_mem>>)
    %add3A_112 = arith.constant 288 : i32
    %add3A_113 = arith.addi %mul3A_2, %add3A_112 : i32
    %dma_wait3A_114 = tpu.memref_slice %arg3[%add3A_113] : memref<331776xi32, #tpu.memory_space<hbm>> -> memref<48xi32, #tpu.memory_space<hbm>>
    %dma_wait3A_115 = tpu.memref_slice %arg3[%add3A_113] : memref<331776xi32, #tpu.memory_space<hbm>> -> memref<48xi32, #tpu.memory_space<hbm>>
    tpu.wait_dma2 semaphore(%arg34 : memref<!tpu.dma_semaphore, #tpu.memory_space<semaphore_mem>>) src(%dma_wait3A_115 : memref<48xi32, #tpu.memory_space<hbm>>) dst(%arg20 : memref<48xi32, #tpu.memory_space<vmem>>)
    %dma_start3A_116 = arith.constant 0 : i32
    %dma_start3A_117 = arith.constant 0 : i32
    %dma_start3A_118 = tpu.memref_slice %arg2[%dma_start3A_116, %dma_start3A_117] : memref<10112x128xf32, #tpu.memory_space<hbm>> -> memref<10112x128xf32, #tpu.memory_space<hbm>>
    tpu.enqueue_indirect_dma source(%dma_start3A_118 : memref<10112x128xf32, #tpu.memory_space<hbm>>) target(%arg13 : memref<48x128xf32, #tpu.memory_space<vmem>>) offsets(%arg20 : memref<48xi32, #tpu.memory_space<vmem>>) semaphore(%arg48 : memref<!tpu.dma_semaphore, #tpu.memory_space<semaphore_mem>>)
    %barrier3A = arith.constant 0 : index
    tpu.barrier barrier_id(%barrier3A)
    %scan3A_119 = arith.constant 0 : i32
    %scan3A_120 = arith.constant 30 : i32
    %scan3A_121 = arith.addi %scan3A_119, %scan3A_120 : i32
    %scan3A_122 = arith.constant 1 : i32
    scf.for %scan3A_155 = %scan3A_119 to %scan3A_121 step %scan3A_122  : i32 {
      %mul3A_156 = arith.constant 1 : i32
      %mul3A_157 = arith.muli %scan3A_155, %mul3A_156 : i32
      %add3A_158 = arith.constant 0 : i32
      %add3A_159 = arith.addi %add3A_158, %mul3A_157 : i32
      %mul3A_160 = arith.constant 7 : i32
      %mul3A_161 = arith.muli %add3A_159, %mul3A_160 : i32
      %add3A_162 = arith.constant 0 : i32
      %add3A_163 = arith.addi %mul3A_161, %add3A_162 : i32
      %dma_wait3A_164 = arith.constant 0 : i32
      %dma_wait3A_165 = arith.constant 0 : i32
      %dma_wait3A_166 = tpu.memref_slice %arg2[%dma_wait3A_164, %dma_wait3A_165] : memref<10112x128xf32, #tpu.memory_space<hbm>> -> memref<10112x128xf32, #tpu.memory_space<hbm>>
      tpu.wait_indirect_dma semaphore(%arg42 : memref<!tpu.dma_semaphore, #tpu.memory_space<semaphore_mem>>) src(%dma_wait3A_166 : memref<10112x128xf32, #tpu.memory_space<hbm>>) dst(%arg7 : memref<48x128xf32, #tpu.memory_space<vmem>>)
      %mul3A_167 = arith.constant 48 : i32
      %mul3A_168 = arith.muli %add3A_163, %mul3A_167 : i32
      %add3A_169 = arith.addi %mul3A_2, %mul3A_168 : i32
      %dma_wait3A_170 = tpu.memref_slice %arg4[%add3A_169] : memref<331776xi32, #tpu.memory_space<hbm>> -> memref<48xi32, #tpu.memory_space<hbm>>
      %dma_wait3A_171 = tpu.memref_slice %arg4[%add3A_169] : memref<331776xi32, #tpu.memory_space<hbm>> -> memref<48xi32, #tpu.memory_space<hbm>>
      tpu.wait_dma2 semaphore(%arg35 : memref<!tpu.dma_semaphore, #tpu.memory_space<semaphore_mem>>) src(%dma_wait3A_171 : memref<48xi32, #tpu.memory_space<hbm>>) dst(%arg21 : memref<48xi32, #tpu.memory_space<vmem>>)
      %dma_start3A_172 = arith.constant 0 : i32
      %dma_start3A_173 = arith.constant 0 : i32
      %dma_start3A_174 = tpu.memref_slice %arg6[%dma_start3A_172, %dma_start3A_173] : memref<10112x128xf32, #tpu.memory_space<vmem_shared>> -> memref<10112x128xf32, #tpu.memory_space<vmem_shared>>
      tpu.enqueue_indirect_dma source(%arg7 : memref<48x128xf32, #tpu.memory_space<vmem>>) target(%dma_start3A_174 : memref<10112x128xf32, #tpu.memory_space<vmem_shared>>) offsets(%arg21 : memref<48xi32, #tpu.memory_space<vmem>>) semaphore(%arg49 : memref<!tpu.dma_semaphore, #tpu.memory_space<semaphore_mem>>) {add = true}
      %lt3A = arith.constant 29 : i32
      %lt3A_175 = arith.cmpi slt, %add3A_159, %lt3A : i32
      %convert_element_type3A = arith.extui %lt3A_175 : i1 to i32
      %cond3A = arith.constant 0 : i32
      %cond3A_176 = arith.cmpi ne, %convert_element_type3A, %cond3A : i32
      scf.if %cond3A_176 {
        %add3A_334 = arith.constant 7 : i32
        %add3A_335 = arith.addi %add3A_163, %add3A_334 : i32
        %mul3A_336 = arith.constant 48 : i32
        %mul3A_337 = arith.muli %add3A_335, %mul3A_336 : i32
        %add3A_338 = arith.addi %mul3A_2, %mul3A_337 : i32
        %dma_start3A_339 = tpu.memref_slice %arg3[%add3A_338] : memref<331776xi32, #tpu.memory_space<hbm>> -> memref<48xi32, #tpu.memory_space<hbm>>
        %dma_start3A_340 = tpu.memref_slice %arg3[%add3A_338] : memref<331776xi32, #tpu.memory_space<hbm>> -> memref<48xi32, #tpu.memory_space<hbm>>
        tpu.enqueue_dma source(%dma_start3A_340 : memref<48xi32, #tpu.memory_space<hbm>>) target(%arg14 : memref<48xi32, #tpu.memory_space<vmem>>) target_semaphore(%arg28 : memref<!tpu.dma_semaphore, #tpu.memory_space<semaphore_mem>>)
      } else {
      }
      %add3A_177 = arith.constant 1 : i32
      %add3A_178 = arith.addi %mul3A_161, %add3A_177 : i32
      %dma_wait3A_179 = arith.constant 0 : i32
      %dma_wait3A_180 = arith.constant 0 : i32
      %dma_wait3A_181 = tpu.memref_slice %arg2[%dma_wait3A_179, %dma_wait3A_180] : memref<10112x128xf32, #tpu.memory_space<hbm>> -> memref<10112x128xf32, #tpu.memory_space<hbm>>
      tpu.wait_indirect_dma semaphore(%arg43 : memref<!tpu.dma_semaphore, #tpu.memory_space<semaphore_mem>>) src(%dma_wait3A_181 : memref<10112x128xf32, #tpu.memory_space<hbm>>) dst(%arg8 : memref<48x128xf32, #tpu.memory_space<vmem>>)
      %mul3A_182 = arith.constant 48 : i32
      %mul3A_183 = arith.muli %add3A_178, %mul3A_182 : i32
      %add3A_184 = arith.addi %mul3A_2, %mul3A_183 : i32
      %dma_wait3A_185 = tpu.memref_slice %arg4[%add3A_184] : memref<331776xi32, #tpu.memory_space<hbm>> -> memref<48xi32, #tpu.memory_space<hbm>>
      %dma_wait3A_186 = tpu.memref_slice %arg4[%add3A_184] : memref<331776xi32, #tpu.memory_space<hbm>> -> memref<48xi32, #tpu.memory_space<hbm>>
      tpu.wait_dma2 semaphore(%arg36 : memref<!tpu.dma_semaphore, #tpu.memory_space<semaphore_mem>>) src(%dma_wait3A_186 : memref<48xi32, #tpu.memory_space<hbm>>) dst(%arg22 : memref<48xi32, #tpu.memory_space<vmem>>)
      %dma_start3A_187 = arith.constant 0 : i32
      %dma_start3A_188 = arith.constant 0 : i32
      %dma_start3A_189 = tpu.memref_slice %arg6[%dma_start3A_187, %dma_start3A_188] : memref<10112x128xf32, #tpu.memory_space<vmem_shared>> -> memref<10112x128xf32, #tpu.memory_space<vmem_shared>>
      tpu.enqueue_indirect_dma source(%arg8 : memref<48x128xf32, #tpu.memory_space<vmem>>) target(%dma_start3A_189 : memref<10112x128xf32, #tpu.memory_space<vmem_shared>>) offsets(%arg22 : memref<48xi32, #tpu.memory_space<vmem>>) semaphore(%arg50 : memref<!tpu.dma_semaphore, #tpu.memory_space<semaphore_mem>>) {add = true}
      %lt3A_190 = arith.constant 29 : i32
      %lt3A_191 = arith.cmpi slt, %add3A_159, %lt3A_190 : i32
      %convert_element_type3A_192 = arith.extui %lt3A_191 : i1 to i32
      %cond3A_193 = arith.constant 0 : i32
      %cond3A_194 = arith.cmpi ne, %convert_element_type3A_192, %cond3A_193 : i32
      scf.if %cond3A_194 {
        %add3A_334 = arith.constant 7 : i32
        %add3A_335 = arith.addi %add3A_178, %add3A_334 : i32
        %mul3A_336 = arith.constant 48 : i32
        %mul3A_337 = arith.muli %add3A_335, %mul3A_336 : i32
        %add3A_338 = arith.addi %mul3A_2, %mul3A_337 : i32
        %dma_start3A_339 = tpu.memref_slice %arg3[%add3A_338] : memref<331776xi32, #tpu.memory_space<hbm>> -> memref<48xi32, #tpu.memory_space<hbm>>
        %dma_start3A_340 = tpu.memref_slice %arg3[%add3A_338] : memref<331776xi32, #tpu.memory_space<hbm>> -> memref<48xi32, #tpu.memory_space<hbm>>
        tpu.enqueue_dma source(%dma_start3A_340 : memref<48xi32, #tpu.memory_space<hbm>>) target(%arg15 : memref<48xi32, #tpu.memory_space<vmem>>) target_semaphore(%arg29 : memref<!tpu.dma_semaphore, #tpu.memory_space<semaphore_mem>>)
      } else {
      }
      %add3A_195 = arith.constant 2 : i32
      %add3A_196 = arith.addi %mul3A_161, %add3A_195 : i32
      %dma_wait3A_197 = arith.constant 0 : i32
      %dma_wait3A_198 = arith.constant 0 : i32
      %dma_wait3A_199 = tpu.memref_slice %arg2[%dma_wait3A_197, %dma_wait3A_198] : memref<10112x128xf32, #tpu.memory_space<hbm>> -> memref<10112x128xf32, #tpu.memory_space<hbm>>
      tpu.wait_indirect_dma semaphore(%arg44 : memref<!tpu.dma_semaphore, #tpu.memory_space<semaphore_mem>>) src(%dma_wait3A_199 : memref<10112x128xf32, #tpu.memory_space<hbm>>) dst(%arg9 : memref<48x128xf32, #tpu.memory_space<vmem>>)
      %mul3A_200 = arith.constant 48 : i32
      %mul3A_201 = arith.muli %add3A_196, %mul3A_200 : i32
      %add3A_202 = arith.addi %mul3A_2, %mul3A_201 : i32
      %dma_wait3A_203 = tpu.memref_slice %arg4[%add3A_202] : memref<331776xi32, #tpu.memory_space<hbm>> -> memref<48xi32, #tpu.memory_space<hbm>>
      %dma_wait3A_204 = tpu.memref_slice %arg4[%add3A_202] : memref<331776xi32, #tpu.memory_space<hbm>> -> memref<48xi32, #tpu.memory_space<hbm>>
      tpu.wait_dma2 semaphore(%arg37 : memref<!tpu.dma_semaphore, #tpu.memory_space<semaphore_mem>>) src(%dma_wait3A_204 : memref<48xi32, #tpu.memory_space<hbm>>) dst(%arg23 : memref<48xi32, #tpu.memory_space<vmem>>)
      %dma_start3A_205 = arith.constant 0 : i32
      %dma_start3A_206 = arith.constant 0 : i32
      %dma_start3A_207 = tpu.memref_slice %arg6[%dma_start3A_205, %dma_start3A_206] : memref<10112x128xf32, #tpu.memory_space<vmem_shared>> -> memref<10112x128xf32, #tpu.memory_space<vmem_shared>>
      tpu.enqueue_indirect_dma source(%arg9 : memref<48x128xf32, #tpu.memory_space<vmem>>) target(%dma_start3A_207 : memref<10112x128xf32, #tpu.memory_space<vmem_shared>>) offsets(%arg23 : memref<48xi32, #tpu.memory_space<vmem>>) semaphore(%arg51 : memref<!tpu.dma_semaphore, #tpu.memory_space<semaphore_mem>>) {add = true}
      %lt3A_208 = arith.constant 29 : i32
      %lt3A_209 = arith.cmpi slt, %add3A_159, %lt3A_208 : i32
      %convert_element_type3A_210 = arith.extui %lt3A_209 : i1 to i32
      %cond3A_211 = arith.constant 0 : i32
      %cond3A_212 = arith.cmpi ne, %convert_element_type3A_210, %cond3A_211 : i32
      scf.if %cond3A_212 {
        %add3A_334 = arith.constant 7 : i32
        %add3A_335 = arith.addi %add3A_196, %add3A_334 : i32
        %mul3A_336 = arith.constant 48 : i32
        %mul3A_337 = arith.muli %add3A_335, %mul3A_336 : i32
        %add3A_338 = arith.addi %mul3A_2, %mul3A_337 : i32
        %dma_start3A_339 = tpu.memref_slice %arg3[%add3A_338] : memref<331776xi32, #tpu.memory_space<hbm>> -> memref<48xi32, #tpu.memory_space<hbm>>
        %dma_start3A_340 = tpu.memref_slice %arg3[%add3A_338] : memref<331776xi32, #tpu.memory_space<hbm>> -> memref<48xi32, #tpu.memory_space<hbm>>
        tpu.enqueue_dma source(%dma_start3A_340 : memref<48xi32, #tpu.memory_space<hbm>>) target(%arg16 : memref<48xi32, #tpu.memory_space<vmem>>) target_semaphore(%arg30 : memref<!tpu.dma_semaphore, #tpu.memory_space<semaphore_mem>>)
      } else {
      }
      %add3A_213 = arith.constant 3 : i32
      %add3A_214 = arith.addi %mul3A_161, %add3A_213 : i32
      %dma_wait3A_215 = arith.constant 0 : i32
      %dma_wait3A_216 = arith.constant 0 : i32
      %dma_wait3A_217 = tpu.memref_slice %arg2[%dma_wait3A_215, %dma_wait3A_216] : memref<10112x128xf32, #tpu.memory_space<hbm>> -> memref<10112x128xf32, #tpu.memory_space<hbm>>
      tpu.wait_indirect_dma semaphore(%arg45 : memref<!tpu.dma_semaphore, #tpu.memory_space<semaphore_mem>>) src(%dma_wait3A_217 : memref<10112x128xf32, #tpu.memory_space<hbm>>) dst(%arg10 : memref<48x128xf32, #tpu.memory_space<vmem>>)
      %mul3A_218 = arith.constant 48 : i32
      %mul3A_219 = arith.muli %add3A_214, %mul3A_218 : i32
      %add3A_220 = arith.addi %mul3A_2, %mul3A_219 : i32
      %dma_wait3A_221 = tpu.memref_slice %arg4[%add3A_220] : memref<331776xi32, #tpu.memory_space<hbm>> -> memref<48xi32, #tpu.memory_space<hbm>>
      %dma_wait3A_222 = tpu.memref_slice %arg4[%add3A_220] : memref<331776xi32, #tpu.memory_space<hbm>> -> memref<48xi32, #tpu.memory_space<hbm>>
      tpu.wait_dma2 semaphore(%arg38 : memref<!tpu.dma_semaphore, #tpu.memory_space<semaphore_mem>>) src(%dma_wait3A_222 : memref<48xi32, #tpu.memory_space<hbm>>) dst(%arg24 : memref<48xi32, #tpu.memory_space<vmem>>)
      %dma_start3A_223 = arith.constant 0 : i32
      %dma_start3A_224 = arith.constant 0 : i32
      %dma_start3A_225 = tpu.memref_slice %arg6[%dma_start3A_223, %dma_start3A_224] : memref<10112x128xf32, #tpu.memory_space<vmem_shared>> -> memref<10112x128xf32, #tpu.memory_space<vmem_shared>>
      tpu.enqueue_indirect_dma source(%arg10 : memref<48x128xf32, #tpu.memory_space<vmem>>) target(%dma_start3A_225 : memref<10112x128xf32, #tpu.memory_space<vmem_shared>>) offsets(%arg24 : memref<48xi32, #tpu.memory_space<vmem>>) semaphore(%arg52 : memref<!tpu.dma_semaphore, #tpu.memory_space<semaphore_mem>>) {add = true}
      %lt3A_226 = arith.constant 29 : i32
      %lt3A_227 = arith.cmpi slt, %add3A_159, %lt3A_226 : i32
      %convert_element_type3A_228 = arith.extui %lt3A_227 : i1 to i32
      %cond3A_229 = arith.constant 0 : i32
      %cond3A_230 = arith.cmpi ne, %convert_element_type3A_228, %cond3A_229 : i32
      scf.if %cond3A_230 {
        %add3A_334 = arith.constant 7 : i32
        %add3A_335 = arith.addi %add3A_214, %add3A_334 : i32
        %mul3A_336 = arith.constant 48 : i32
        %mul3A_337 = arith.muli %add3A_335, %mul3A_336 : i32
        %add3A_338 = arith.addi %mul3A_2, %mul3A_337 : i32
        %dma_start3A_339 = tpu.memref_slice %arg3[%add3A_338] : memref<331776xi32, #tpu.memory_space<hbm>> -> memref<48xi32, #tpu.memory_space<hbm>>
        %dma_start3A_340 = tpu.memref_slice %arg3[%add3A_338] : memref<331776xi32, #tpu.memory_space<hbm>> -> memref<48xi32, #tpu.memory_space<hbm>>
        tpu.enqueue_dma source(%dma_start3A_340 : memref<48xi32, #tpu.memory_space<hbm>>) target(%arg17 : memref<48xi32, #tpu.memory_space<vmem>>) target_semaphore(%arg31 : memref<!tpu.dma_semaphore, #tpu.memory_space<semaphore_mem>>)
      } else {
      }
      %add3A_231 = arith.constant 4 : i32
      %add3A_232 = arith.addi %mul3A_161, %add3A_231 : i32
      %dma_wait3A_233 = arith.constant 0 : i32
      %dma_wait3A_234 = arith.constant 0 : i32
      %dma_wait3A_235 = tpu.memref_slice %arg2[%dma_wait3A_233, %dma_wait3A_234] : memref<10112x128xf32, #tpu.memory_space<hbm>> -> memref<10112x128xf32, #tpu.memory_space<hbm>>
      tpu.wait_indirect_dma semaphore(%arg46 : memref<!tpu.dma_semaphore, #tpu.memory_space<semaphore_mem>>) src(%dma_wait3A_235 : memref<10112x128xf32, #tpu.memory_space<hbm>>) dst(%arg11 : memref<48x128xf32, #tpu.memory_space<vmem>>)
      %mul3A_236 = arith.constant 48 : i32
      %mul3A_237 = arith.muli %add3A_232, %mul3A_236 : i32
      %add3A_238 = arith.addi %mul3A_2, %mul3A_237 : i32
      %dma_wait3A_239 = tpu.memref_slice %arg4[%add3A_238] : memref<331776xi32, #tpu.memory_space<hbm>> -> memref<48xi32, #tpu.memory_space<hbm>>
      %dma_wait3A_240 = tpu.memref_slice %arg4[%add3A_238] : memref<331776xi32, #tpu.memory_space<hbm>> -> memref<48xi32, #tpu.memory_space<hbm>>
      tpu.wait_dma2 semaphore(%arg39 : memref<!tpu.dma_semaphore, #tpu.memory_space<semaphore_mem>>) src(%dma_wait3A_240 : memref<48xi32, #tpu.memory_space<hbm>>) dst(%arg25 : memref<48xi32, #tpu.memory_space<vmem>>)
      %dma_start3A_241 = arith.constant 0 : i32
      %dma_start3A_242 = arith.constant 0 : i32
      %dma_start3A_243 = tpu.memref_slice %arg6[%dma_start3A_241, %dma_start3A_242] : memref<10112x128xf32, #tpu.memory_space<vmem_shared>> -> memref<10112x128xf32, #tpu.memory_space<vmem_shared>>
      tpu.enqueue_indirect_dma source(%arg11 : memref<48x128xf32, #tpu.memory_space<vmem>>) target(%dma_start3A_243 : memref<10112x128xf32, #tpu.memory_space<vmem_shared>>) offsets(%arg25 : memref<48xi32, #tpu.memory_space<vmem>>) semaphore(%arg53 : memref<!tpu.dma_semaphore, #tpu.memory_space<semaphore_mem>>) {add = true}
      %lt3A_244 = arith.constant 29 : i32
      %lt3A_245 = arith.cmpi slt, %add3A_159, %lt3A_244 : i32
      %convert_element_type3A_246 = arith.extui %lt3A_245 : i1 to i32
      %cond3A_247 = arith.constant 0 : i32
      %cond3A_248 = arith.cmpi ne, %convert_element_type3A_246, %cond3A_247 : i32
      scf.if %cond3A_248 {
        %add3A_334 = arith.constant 7 : i32
        %add3A_335 = arith.addi %add3A_232, %add3A_334 : i32
        %mul3A_336 = arith.constant 48 : i32
        %mul3A_337 = arith.muli %add3A_335, %mul3A_336 : i32
        %add3A_338 = arith.addi %mul3A_2, %mul3A_337 : i32
        %dma_start3A_339 = tpu.memref_slice %arg3[%add3A_338] : memref<331776xi32, #tpu.memory_space<hbm>> -> memref<48xi32, #tpu.memory_space<hbm>>
        %dma_start3A_340 = tpu.memref_slice %arg3[%add3A_338] : memref<331776xi32, #tpu.memory_space<hbm>> -> memref<48xi32, #tpu.memory_space<hbm>>
        tpu.enqueue_dma source(%dma_start3A_340 : memref<48xi32, #tpu.memory_space<hbm>>) target(%arg18 : memref<48xi32, #tpu.memory_space<vmem>>) target_semaphore(%arg32 : memref<!tpu.dma_semaphore, #tpu.memory_space<semaphore_mem>>)
      } else {
      }
      %add3A_249 = arith.constant 5 : i32
      %add3A_250 = arith.addi %mul3A_161, %add3A_249 : i32
      %dma_wait3A_251 = arith.constant 0 : i32
      %dma_wait3A_252 = arith.constant 0 : i32
      %dma_wait3A_253 = tpu.memref_slice %arg2[%dma_wait3A_251, %dma_wait3A_252] : memref<10112x128xf32, #tpu.memory_space<hbm>> -> memref<10112x128xf32, #tpu.memory_space<hbm>>
      tpu.wait_indirect_dma semaphore(%arg47 : memref<!tpu.dma_semaphore, #tpu.memory_space<semaphore_mem>>) src(%dma_wait3A_253 : memref<10112x128xf32, #tpu.memory_space<hbm>>) dst(%arg12 : memref<48x128xf32, #tpu.memory_space<vmem>>)
      %mul3A_254 = arith.constant 48 : i32
      %mul3A_255 = arith.muli %add3A_250, %mul3A_254 : i32
      %add3A_256 = arith.addi %mul3A_2, %mul3A_255 : i32
      %dma_wait3A_257 = tpu.memref_slice %arg4[%add3A_256] : memref<331776xi32, #tpu.memory_space<hbm>> -> memref<48xi32, #tpu.memory_space<hbm>>
      %dma_wait3A_258 = tpu.memref_slice %arg4[%add3A_256] : memref<331776xi32, #tpu.memory_space<hbm>> -> memref<48xi32, #tpu.memory_space<hbm>>
      tpu.wait_dma2 semaphore(%arg40 : memref<!tpu.dma_semaphore, #tpu.memory_space<semaphore_mem>>) src(%dma_wait3A_258 : memref<48xi32, #tpu.memory_space<hbm>>) dst(%arg26 : memref<48xi32, #tpu.memory_space<vmem>>)
      %dma_start3A_259 = arith.constant 0 : i32
      %dma_start3A_260 = arith.constant 0 : i32
      %dma_start3A_261 = tpu.memref_slice %arg6[%dma_start3A_259, %dma_start3A_260] : memref<10112x128xf32, #tpu.memory_space<vmem_shared>> -> memref<10112x128xf32, #tpu.memory_space<vmem_shared>>
      tpu.enqueue_indirect_dma source(%arg12 : memref<48x128xf32, #tpu.memory_space<vmem>>) target(%dma_start3A_261 : memref<10112x128xf32, #tpu.memory_space<vmem_shared>>) offsets(%arg26 : memref<48xi32, #tpu.memory_space<vmem>>) semaphore(%arg54 : memref<!tpu.dma_semaphore, #tpu.memory_space<semaphore_mem>>) {add = true}
      %lt3A_262 = arith.constant 29 : i32
      %lt3A_263 = arith.cmpi slt, %add3A_159, %lt3A_262 : i32
      %convert_element_type3A_264 = arith.extui %lt3A_263 : i1 to i32
      %cond3A_265 = arith.constant 0 : i32
      %cond3A_266 = arith.cmpi ne, %convert_element_type3A_264, %cond3A_265 : i32
      scf.if %cond3A_266 {
        %add3A_334 = arith.constant 7 : i32
        %add3A_335 = arith.addi %add3A_250, %add3A_334 : i32
        %mul3A_336 = arith.constant 48 : i32
        %mul3A_337 = arith.muli %add3A_335, %mul3A_336 : i32
        %add3A_338 = arith.addi %mul3A_2, %mul3A_337 : i32
        %dma_start3A_339 = tpu.memref_slice %arg3[%add3A_338] : memref<331776xi32, #tpu.memory_space<hbm>> -> memref<48xi32, #tpu.memory_space<hbm>>
        %dma_start3A_340 = tpu.memref_slice %arg3[%add3A_338] : memref<331776xi32, #tpu.memory_space<hbm>> -> memref<48xi32, #tpu.memory_space<hbm>>
        tpu.enqueue_dma source(%dma_start3A_340 : memref<48xi32, #tpu.memory_space<hbm>>) target(%arg19 : memref<48xi32, #tpu.memory_space<vmem>>) target_semaphore(%arg33 : memref<!tpu.dma_semaphore, #tpu.memory_space<semaphore_mem>>)
      } else {
      }
      %add3A_267 = arith.constant 6 : i32
      %add3A_268 = arith.addi %mul3A_161, %add3A_267 : i32
      %dma_wait3A_269 = arith.constant 0 : i32
      %dma_wait3A_270 = arith.constant 0 : i32
      %dma_wait3A_271 = tpu.memref_slice %arg2[%dma_wait3A_269, %dma_wait3A_270] : memref<10112x128xf32, #tpu.memory_space<hbm>> -> memref<10112x128xf32, #tpu.memory_space<hbm>>
      tpu.wait_indirect_dma semaphore(%arg48 : memref<!tpu.dma_semaphore, #tpu.memory_space<semaphore_mem>>) src(%dma_wait3A_271 : memref<10112x128xf32, #tpu.memory_space<hbm>>) dst(%arg13 : memref<48x128xf32, #tpu.memory_space<vmem>>)
      %mul3A_272 = arith.constant 48 : i32
      %mul3A_273 = arith.muli %add3A_268, %mul3A_272 : i32
      %add3A_274 = arith.addi %mul3A_2, %mul3A_273 : i32
      %dma_wait3A_275 = tpu.memref_slice %arg4[%add3A_274] : memref<331776xi32, #tpu.memory_space<hbm>> -> memref<48xi32, #tpu.memory_space<hbm>>
      %dma_wait3A_276 = tpu.memref_slice %arg4[%add3A_274] : memref<331776xi32, #tpu.memory_space<hbm>> -> memref<48xi32, #tpu.memory_space<hbm>>
      tpu.wait_dma2 semaphore(%arg41 : memref<!tpu.dma_semaphore, #tpu.memory_space<semaphore_mem>>) src(%dma_wait3A_276 : memref<48xi32, #tpu.memory_space<hbm>>) dst(%arg27 : memref<48xi32, #tpu.memory_space<vmem>>)
      %dma_start3A_277 = arith.constant 0 : i32
      %dma_start3A_278 = arith.constant 0 : i32
      %dma_start3A_279 = tpu.memref_slice %arg6[%dma_start3A_277, %dma_start3A_278] : memref<10112x128xf32, #tpu.memory_space<vmem_shared>> -> memref<10112x128xf32, #tpu.memory_space<vmem_shared>>
      tpu.enqueue_indirect_dma source(%arg13 : memref<48x128xf32, #tpu.memory_space<vmem>>) target(%dma_start3A_279 : memref<10112x128xf32, #tpu.memory_space<vmem_shared>>) offsets(%arg27 : memref<48xi32, #tpu.memory_space<vmem>>) semaphore(%arg55 : memref<!tpu.dma_semaphore, #tpu.memory_space<semaphore_mem>>) {add = true}
      %lt3A_280 = arith.constant 29 : i32
      %lt3A_281 = arith.cmpi slt, %add3A_159, %lt3A_280 : i32
      %convert_element_type3A_282 = arith.extui %lt3A_281 : i1 to i32
      %cond3A_283 = arith.constant 0 : i32
      %cond3A_284 = arith.cmpi ne, %convert_element_type3A_282, %cond3A_283 : i32
      scf.if %cond3A_284 {
        %add3A_334 = arith.constant 7 : i32
        %add3A_335 = arith.addi %add3A_268, %add3A_334 : i32
        %mul3A_336 = arith.constant 48 : i32
        %mul3A_337 = arith.muli %add3A_335, %mul3A_336 : i32
        %add3A_338 = arith.addi %mul3A_2, %mul3A_337 : i32
        %dma_start3A_339 = tpu.memref_slice %arg3[%add3A_338] : memref<331776xi32, #tpu.memory_space<hbm>> -> memref<48xi32, #tpu.memory_space<hbm>>
        %dma_start3A_340 = tpu.memref_slice %arg3[%add3A_338] : memref<331776xi32, #tpu.memory_space<hbm>> -> memref<48xi32, #tpu.memory_space<hbm>>
        tpu.enqueue_dma source(%dma_start3A_340 : memref<48xi32, #tpu.memory_space<hbm>>) target(%arg20 : memref<48xi32, #tpu.memory_space<vmem>>) target_semaphore(%arg34 : memref<!tpu.dma_semaphore, #tpu.memory_space<semaphore_mem>>)
      } else {
      }
      %add3A_285 = arith.constant 0 : i32
      %add3A_286 = arith.addi %mul3A_161, %add3A_285 : i32
      %lt3A_287 = arith.constant 29 : i32
      %lt3A_288 = arith.cmpi slt, %add3A_159, %lt3A_287 : i32
      %convert_element_type3A_289 = arith.extui %lt3A_288 : i1 to i32
      %cond3A_290 = arith.constant 0 : i32
      %cond3A_291 = arith.cmpi ne, %convert_element_type3A_289, %cond3A_290 : i32
      scf.if %cond3A_291 {
        %dma_wait3A_334 = arith.constant 0 : i32
        %dma_wait3A_335 = arith.constant 0 : i32
        %dma_wait3A_336 = tpu.memref_slice %arg6[%dma_wait3A_334, %dma_wait3A_335] : memref<10112x128xf32, #tpu.memory_space<vmem_shared>> -> memref<10112x128xf32, #tpu.memory_space<vmem_shared>>
        tpu.wait_indirect_dma semaphore(%arg49 : memref<!tpu.dma_semaphore, #tpu.memory_space<semaphore_mem>>) src(%arg7 : memref<48x128xf32, #tpu.memory_space<vmem>>) dst(%dma_wait3A_336 : memref<10112x128xf32, #tpu.memory_space<vmem_shared>>)
        %add3A_337 = arith.constant 7 : i32
        %add3A_338 = arith.addi %add3A_286, %add3A_337 : i32
        %mul3A_339 = arith.constant 48 : i32
        %mul3A_340 = arith.muli %add3A_338, %mul3A_339 : i32
        %add3A_341 = arith.addi %mul3A_2, %mul3A_340 : i32
        %dma_start3A_342 = tpu.memref_slice %arg4[%add3A_341] : memref<331776xi32, #tpu.memory_space<hbm>> -> memref<48xi32, #tpu.memory_space<hbm>>
        %dma_start3A_343 = tpu.memref_slice %arg4[%add3A_341] : memref<331776xi32, #tpu.memory_space<hbm>> -> memref<48xi32, #tpu.memory_space<hbm>>
        tpu.enqueue_dma source(%dma_start3A_343 : memref<48xi32, #tpu.memory_space<hbm>>) target(%arg21 : memref<48xi32, #tpu.memory_space<vmem>>) target_semaphore(%arg35 : memref<!tpu.dma_semaphore, #tpu.memory_space<semaphore_mem>>)
        %add3A_344 = arith.constant 7 : i32
        %add3A_345 = arith.addi %add3A_286, %add3A_344 : i32
        %mul3A_346 = arith.constant 48 : i32
        %mul3A_347 = arith.muli %add3A_345, %mul3A_346 : i32
        %add3A_348 = arith.addi %mul3A_2, %mul3A_347 : i32
        %dma_wait3A_349 = tpu.memref_slice %arg3[%add3A_348] : memref<331776xi32, #tpu.memory_space<hbm>> -> memref<48xi32, #tpu.memory_space<hbm>>
        %dma_wait3A_350 = tpu.memref_slice %arg3[%add3A_348] : memref<331776xi32, #tpu.memory_space<hbm>> -> memref<48xi32, #tpu.memory_space<hbm>>
        tpu.wait_dma2 semaphore(%arg28 : memref<!tpu.dma_semaphore, #tpu.memory_space<semaphore_mem>>) src(%dma_wait3A_350 : memref<48xi32, #tpu.memory_space<hbm>>) dst(%arg14 : memref<48xi32, #tpu.memory_space<vmem>>)
        %dma_start3A_351 = arith.constant 0 : i32
        %dma_start3A_352 = arith.constant 0 : i32
        %dma_start3A_353 = tpu.memref_slice %arg2[%dma_start3A_351, %dma_start3A_352] : memref<10112x128xf32, #tpu.memory_space<hbm>> -> memref<10112x128xf32, #tpu.memory_space<hbm>>
        tpu.enqueue_indirect_dma source(%dma_start3A_353 : memref<10112x128xf32, #tpu.memory_space<hbm>>) target(%arg7 : memref<48x128xf32, #tpu.memory_space<vmem>>) offsets(%arg14 : memref<48xi32, #tpu.memory_space<vmem>>) semaphore(%arg42 : memref<!tpu.dma_semaphore, #tpu.memory_space<semaphore_mem>>)
      } else {
      }
      %add3A_292 = arith.constant 1 : i32
      %add3A_293 = arith.addi %mul3A_161, %add3A_292 : i32
      %lt3A_294 = arith.constant 29 : i32
      %lt3A_295 = arith.cmpi slt, %add3A_159, %lt3A_294 : i32
      %convert_element_type3A_296 = arith.extui %lt3A_295 : i1 to i32
      %cond3A_297 = arith.constant 0 : i32
      %cond3A_298 = arith.cmpi ne, %convert_element_type3A_296, %cond3A_297 : i32
      scf.if %cond3A_298 {
        %dma_wait3A_334 = arith.constant 0 : i32
        %dma_wait3A_335 = arith.constant 0 : i32
        %dma_wait3A_336 = tpu.memref_slice %arg6[%dma_wait3A_334, %dma_wait3A_335] : memref<10112x128xf32, #tpu.memory_space<vmem_shared>> -> memref<10112x128xf32, #tpu.memory_space<vmem_shared>>
        tpu.wait_indirect_dma semaphore(%arg50 : memref<!tpu.dma_semaphore, #tpu.memory_space<semaphore_mem>>) src(%arg8 : memref<48x128xf32, #tpu.memory_space<vmem>>) dst(%dma_wait3A_336 : memref<10112x128xf32, #tpu.memory_space<vmem_shared>>)
        %add3A_337 = arith.constant 7 : i32
        %add3A_338 = arith.addi %add3A_293, %add3A_337 : i32
        %mul3A_339 = arith.constant 48 : i32
        %mul3A_340 = arith.muli %add3A_338, %mul3A_339 : i32
        %add3A_341 = arith.addi %mul3A_2, %mul3A_340 : i32
        %dma_start3A_342 = tpu.memref_slice %arg4[%add3A_341] : memref<331776xi32, #tpu.memory_space<hbm>> -> memref<48xi32, #tpu.memory_space<hbm>>
        %dma_start3A_343 = tpu.memref_slice %arg4[%add3A_341] : memref<331776xi32, #tpu.memory_space<hbm>> -> memref<48xi32, #tpu.memory_space<hbm>>
        tpu.enqueue_dma source(%dma_start3A_343 : memref<48xi32, #tpu.memory_space<hbm>>) target(%arg22 : memref<48xi32, #tpu.memory_space<vmem>>) target_semaphore(%arg36 : memref<!tpu.dma_semaphore, #tpu.memory_space<semaphore_mem>>)
        %add3A_344 = arith.constant 7 : i32
        %add3A_345 = arith.addi %add3A_293, %add3A_344 : i32
        %mul3A_346 = arith.constant 48 : i32
        %mul3A_347 = arith.muli %add3A_345, %mul3A_346 : i32
        %add3A_348 = arith.addi %mul3A_2, %mul3A_347 : i32
        %dma_wait3A_349 = tpu.memref_slice %arg3[%add3A_348] : memref<331776xi32, #tpu.memory_space<hbm>> -> memref<48xi32, #tpu.memory_space<hbm>>
        %dma_wait3A_350 = tpu.memref_slice %arg3[%add3A_348] : memref<331776xi32, #tpu.memory_space<hbm>> -> memref<48xi32, #tpu.memory_space<hbm>>
        tpu.wait_dma2 semaphore(%arg29 : memref<!tpu.dma_semaphore, #tpu.memory_space<semaphore_mem>>) src(%dma_wait3A_350 : memref<48xi32, #tpu.memory_space<hbm>>) dst(%arg15 : memref<48xi32, #tpu.memory_space<vmem>>)
        %dma_start3A_351 = arith.constant 0 : i32
        %dma_start3A_352 = arith.constant 0 : i32
        %dma_start3A_353 = tpu.memref_slice %arg2[%dma_start3A_351, %dma_start3A_352] : memref<10112x128xf32, #tpu.memory_space<hbm>> -> memref<10112x128xf32, #tpu.memory_space<hbm>>
        tpu.enqueue_indirect_dma source(%dma_start3A_353 : memref<10112x128xf32, #tpu.memory_space<hbm>>) target(%arg8 : memref<48x128xf32, #tpu.memory_space<vmem>>) offsets(%arg15 : memref<48xi32, #tpu.memory_space<vmem>>) semaphore(%arg43 : memref<!tpu.dma_semaphore, #tpu.memory_space<semaphore_mem>>)
      } else {
      }
      %add3A_299 = arith.constant 2 : i32
      %add3A_300 = arith.addi %mul3A_161, %add3A_299 : i32
      %lt3A_301 = arith.constant 29 : i32
      %lt3A_302 = arith.cmpi slt, %add3A_159, %lt3A_301 : i32
      %convert_element_type3A_303 = arith.extui %lt3A_302 : i1 to i32
      %cond3A_304 = arith.constant 0 : i32
      %cond3A_305 = arith.cmpi ne, %convert_element_type3A_303, %cond3A_304 : i32
      scf.if %cond3A_305 {
        %dma_wait3A_334 = arith.constant 0 : i32
        %dma_wait3A_335 = arith.constant 0 : i32
        %dma_wait3A_336 = tpu.memref_slice %arg6[%dma_wait3A_334, %dma_wait3A_335] : memref<10112x128xf32, #tpu.memory_space<vmem_shared>> -> memref<10112x128xf32, #tpu.memory_space<vmem_shared>>
        tpu.wait_indirect_dma semaphore(%arg51 : memref<!tpu.dma_semaphore, #tpu.memory_space<semaphore_mem>>) src(%arg9 : memref<48x128xf32, #tpu.memory_space<vmem>>) dst(%dma_wait3A_336 : memref<10112x128xf32, #tpu.memory_space<vmem_shared>>)
        %add3A_337 = arith.constant 7 : i32
        %add3A_338 = arith.addi %add3A_300, %add3A_337 : i32
        %mul3A_339 = arith.constant 48 : i32
        %mul3A_340 = arith.muli %add3A_338, %mul3A_339 : i32
        %add3A_341 = arith.addi %mul3A_2, %mul3A_340 : i32
        %dma_start3A_342 = tpu.memref_slice %arg4[%add3A_341] : memref<331776xi32, #tpu.memory_space<hbm>> -> memref<48xi32, #tpu.memory_space<hbm>>
        %dma_start3A_343 = tpu.memref_slice %arg4[%add3A_341] : memref<331776xi32, #tpu.memory_space<hbm>> -> memref<48xi32, #tpu.memory_space<hbm>>
        tpu.enqueue_dma source(%dma_start3A_343 : memref<48xi32, #tpu.memory_space<hbm>>) target(%arg23 : memref<48xi32, #tpu.memory_space<vmem>>) target_semaphore(%arg37 : memref<!tpu.dma_semaphore, #tpu.memory_space<semaphore_mem>>)
        %add3A_344 = arith.constant 7 : i32
        %add3A_345 = arith.addi %add3A_300, %add3A_344 : i32
        %mul3A_346 = arith.constant 48 : i32
        %mul3A_347 = arith.muli %add3A_345, %mul3A_346 : i32
        %add3A_348 = arith.addi %mul3A_2, %mul3A_347 : i32
        %dma_wait3A_349 = tpu.memref_slice %arg3[%add3A_348] : memref<331776xi32, #tpu.memory_space<hbm>> -> memref<48xi32, #tpu.memory_space<hbm>>
        %dma_wait3A_350 = tpu.memref_slice %arg3[%add3A_348] : memref<331776xi32, #tpu.memory_space<hbm>> -> memref<48xi32, #tpu.memory_space<hbm>>
        tpu.wait_dma2 semaphore(%arg30 : memref<!tpu.dma_semaphore, #tpu.memory_space<semaphore_mem>>) src(%dma_wait3A_350 : memref<48xi32, #tpu.memory_space<hbm>>) dst(%arg16 : memref<48xi32, #tpu.memory_space<vmem>>)
        %dma_start3A_351 = arith.constant 0 : i32
        %dma_start3A_352 = arith.constant 0 : i32
        %dma_start3A_353 = tpu.memref_slice %arg2[%dma_start3A_351, %dma_start3A_352] : memref<10112x128xf32, #tpu.memory_space<hbm>> -> memref<10112x128xf32, #tpu.memory_space<hbm>>
        tpu.enqueue_indirect_dma source(%dma_start3A_353 : memref<10112x128xf32, #tpu.memory_space<hbm>>) target(%arg9 : memref<48x128xf32, #tpu.memory_space<vmem>>) offsets(%arg16 : memref<48xi32, #tpu.memory_space<vmem>>) semaphore(%arg44 : memref<!tpu.dma_semaphore, #tpu.memory_space<semaphore_mem>>)
      } else {
      }
      %add3A_306 = arith.constant 3 : i32
      %add3A_307 = arith.addi %mul3A_161, %add3A_306 : i32
      %lt3A_308 = arith.constant 29 : i32
      %lt3A_309 = arith.cmpi slt, %add3A_159, %lt3A_308 : i32
      %convert_element_type3A_310 = arith.extui %lt3A_309 : i1 to i32
      %cond3A_311 = arith.constant 0 : i32
      %cond3A_312 = arith.cmpi ne, %convert_element_type3A_310, %cond3A_311 : i32
      scf.if %cond3A_312 {
        %dma_wait3A_334 = arith.constant 0 : i32
        %dma_wait3A_335 = arith.constant 0 : i32
        %dma_wait3A_336 = tpu.memref_slice %arg6[%dma_wait3A_334, %dma_wait3A_335] : memref<10112x128xf32, #tpu.memory_space<vmem_shared>> -> memref<10112x128xf32, #tpu.memory_space<vmem_shared>>
        tpu.wait_indirect_dma semaphore(%arg52 : memref<!tpu.dma_semaphore, #tpu.memory_space<semaphore_mem>>) src(%arg10 : memref<48x128xf32, #tpu.memory_space<vmem>>) dst(%dma_wait3A_336 : memref<10112x128xf32, #tpu.memory_space<vmem_shared>>)
        %add3A_337 = arith.constant 7 : i32
        %add3A_338 = arith.addi %add3A_307, %add3A_337 : i32
        %mul3A_339 = arith.constant 48 : i32
        %mul3A_340 = arith.muli %add3A_338, %mul3A_339 : i32
        %add3A_341 = arith.addi %mul3A_2, %mul3A_340 : i32
        %dma_start3A_342 = tpu.memref_slice %arg4[%add3A_341] : memref<331776xi32, #tpu.memory_space<hbm>> -> memref<48xi32, #tpu.memory_space<hbm>>
        %dma_start3A_343 = tpu.memref_slice %arg4[%add3A_341] : memref<331776xi32, #tpu.memory_space<hbm>> -> memref<48xi32, #tpu.memory_space<hbm>>
        tpu.enqueue_dma source(%dma_start3A_343 : memref<48xi32, #tpu.memory_space<hbm>>) target(%arg24 : memref<48xi32, #tpu.memory_space<vmem>>) target_semaphore(%arg38 : memref<!tpu.dma_semaphore, #tpu.memory_space<semaphore_mem>>)
        %add3A_344 = arith.constant 7 : i32
        %add3A_345 = arith.addi %add3A_307, %add3A_344 : i32
        %mul3A_346 = arith.constant 48 : i32
        %mul3A_347 = arith.muli %add3A_345, %mul3A_346 : i32
        %add3A_348 = arith.addi %mul3A_2, %mul3A_347 : i32
        %dma_wait3A_349 = tpu.memref_slice %arg3[%add3A_348] : memref<331776xi32, #tpu.memory_space<hbm>> -> memref<48xi32, #tpu.memory_space<hbm>>
        %dma_wait3A_350 = tpu.memref_slice %arg3[%add3A_348] : memref<331776xi32, #tpu.memory_space<hbm>> -> memref<48xi32, #tpu.memory_space<hbm>>
        tpu.wait_dma2 semaphore(%arg31 : memref<!tpu.dma_semaphore, #tpu.memory_space<semaphore_mem>>) src(%dma_wait3A_350 : memref<48xi32, #tpu.memory_space<hbm>>) dst(%arg17 : memref<48xi32, #tpu.memory_space<vmem>>)
        %dma_start3A_351 = arith.constant 0 : i32
        %dma_start3A_352 = arith.constant 0 : i32
        %dma_start3A_353 = tpu.memref_slice %arg2[%dma_start3A_351, %dma_start3A_352] : memref<10112x128xf32, #tpu.memory_space<hbm>> -> memref<10112x128xf32, #tpu.memory_space<hbm>>
        tpu.enqueue_indirect_dma source(%dma_start3A_353 : memref<10112x128xf32, #tpu.memory_space<hbm>>) target(%arg10 : memref<48x128xf32, #tpu.memory_space<vmem>>) offsets(%arg17 : memref<48xi32, #tpu.memory_space<vmem>>) semaphore(%arg45 : memref<!tpu.dma_semaphore, #tpu.memory_space<semaphore_mem>>)
      } else {
      }
      %add3A_313 = arith.constant 4 : i32
      %add3A_314 = arith.addi %mul3A_161, %add3A_313 : i32
      %lt3A_315 = arith.constant 29 : i32
      %lt3A_316 = arith.cmpi slt, %add3A_159, %lt3A_315 : i32
      %convert_element_type3A_317 = arith.extui %lt3A_316 : i1 to i32
      %cond3A_318 = arith.constant 0 : i32
      %cond3A_319 = arith.cmpi ne, %convert_element_type3A_317, %cond3A_318 : i32
      scf.if %cond3A_319 {
        %dma_wait3A_334 = arith.constant 0 : i32
        %dma_wait3A_335 = arith.constant 0 : i32
        %dma_wait3A_336 = tpu.memref_slice %arg6[%dma_wait3A_334, %dma_wait3A_335] : memref<10112x128xf32, #tpu.memory_space<vmem_shared>> -> memref<10112x128xf32, #tpu.memory_space<vmem_shared>>
        tpu.wait_indirect_dma semaphore(%arg53 : memref<!tpu.dma_semaphore, #tpu.memory_space<semaphore_mem>>) src(%arg11 : memref<48x128xf32, #tpu.memory_space<vmem>>) dst(%dma_wait3A_336 : memref<10112x128xf32, #tpu.memory_space<vmem_shared>>)
        %add3A_337 = arith.constant 7 : i32
        %add3A_338 = arith.addi %add3A_314, %add3A_337 : i32
        %mul3A_339 = arith.constant 48 : i32
        %mul3A_340 = arith.muli %add3A_338, %mul3A_339 : i32
        %add3A_341 = arith.addi %mul3A_2, %mul3A_340 : i32
        %dma_start3A_342 = tpu.memref_slice %arg4[%add3A_341] : memref<331776xi32, #tpu.memory_space<hbm>> -> memref<48xi32, #tpu.memory_space<hbm>>
        %dma_start3A_343 = tpu.memref_slice %arg4[%add3A_341] : memref<331776xi32, #tpu.memory_space<hbm>> -> memref<48xi32, #tpu.memory_space<hbm>>
        tpu.enqueue_dma source(%dma_start3A_343 : memref<48xi32, #tpu.memory_space<hbm>>) target(%arg25 : memref<48xi32, #tpu.memory_space<vmem>>) target_semaphore(%arg39 : memref<!tpu.dma_semaphore, #tpu.memory_space<semaphore_mem>>)
        %add3A_344 = arith.constant 7 : i32
        %add3A_345 = arith.addi %add3A_314, %add3A_344 : i32
        %mul3A_346 = arith.constant 48 : i32
        %mul3A_347 = arith.muli %add3A_345, %mul3A_346 : i32
        %add3A_348 = arith.addi %mul3A_2, %mul3A_347 : i32
        %dma_wait3A_349 = tpu.memref_slice %arg3[%add3A_348] : memref<331776xi32, #tpu.memory_space<hbm>> -> memref<48xi32, #tpu.memory_space<hbm>>
        %dma_wait3A_350 = tpu.memref_slice %arg3[%add3A_348] : memref<331776xi32, #tpu.memory_space<hbm>> -> memref<48xi32, #tpu.memory_space<hbm>>
        tpu.wait_dma2 semaphore(%arg32 : memref<!tpu.dma_semaphore, #tpu.memory_space<semaphore_mem>>) src(%dma_wait3A_350 : memref<48xi32, #tpu.memory_space<hbm>>) dst(%arg18 : memref<48xi32, #tpu.memory_space<vmem>>)
        %dma_start3A_351 = arith.constant 0 : i32
        %dma_start3A_352 = arith.constant 0 : i32
        %dma_start3A_353 = tpu.memref_slice %arg2[%dma_start3A_351, %dma_start3A_352] : memref<10112x128xf32, #tpu.memory_space<hbm>> -> memref<10112x128xf32, #tpu.memory_space<hbm>>
        tpu.enqueue_indirect_dma source(%dma_start3A_353 : memref<10112x128xf32, #tpu.memory_space<hbm>>) target(%arg11 : memref<48x128xf32, #tpu.memory_space<vmem>>) offsets(%arg18 : memref<48xi32, #tpu.memory_space<vmem>>) semaphore(%arg46 : memref<!tpu.dma_semaphore, #tpu.memory_space<semaphore_mem>>)
      } else {
      }
      %add3A_320 = arith.constant 5 : i32
      %add3A_321 = arith.addi %mul3A_161, %add3A_320 : i32
      %lt3A_322 = arith.constant 29 : i32
      %lt3A_323 = arith.cmpi slt, %add3A_159, %lt3A_322 : i32
      %convert_element_type3A_324 = arith.extui %lt3A_323 : i1 to i32
      %cond3A_325 = arith.constant 0 : i32
      %cond3A_326 = arith.cmpi ne, %convert_element_type3A_324, %cond3A_325 : i32
      scf.if %cond3A_326 {
        %dma_wait3A_334 = arith.constant 0 : i32
        %dma_wait3A_335 = arith.constant 0 : i32
        %dma_wait3A_336 = tpu.memref_slice %arg6[%dma_wait3A_334, %dma_wait3A_335] : memref<10112x128xf32, #tpu.memory_space<vmem_shared>> -> memref<10112x128xf32, #tpu.memory_space<vmem_shared>>
        tpu.wait_indirect_dma semaphore(%arg54 : memref<!tpu.dma_semaphore, #tpu.memory_space<semaphore_mem>>) src(%arg12 : memref<48x128xf32, #tpu.memory_space<vmem>>) dst(%dma_wait3A_336 : memref<10112x128xf32, #tpu.memory_space<vmem_shared>>)
        %add3A_337 = arith.constant 7 : i32
        %add3A_338 = arith.addi %add3A_321, %add3A_337 : i32
        %mul3A_339 = arith.constant 48 : i32
        %mul3A_340 = arith.muli %add3A_338, %mul3A_339 : i32
        %add3A_341 = arith.addi %mul3A_2, %mul3A_340 : i32
        %dma_start3A_342 = tpu.memref_slice %arg4[%add3A_341] : memref<331776xi32, #tpu.memory_space<hbm>> -> memref<48xi32, #tpu.memory_space<hbm>>
        %dma_start3A_343 = tpu.memref_slice %arg4[%add3A_341] : memref<331776xi32, #tpu.memory_space<hbm>> -> memref<48xi32, #tpu.memory_space<hbm>>
        tpu.enqueue_dma source(%dma_start3A_343 : memref<48xi32, #tpu.memory_space<hbm>>) target(%arg26 : memref<48xi32, #tpu.memory_space<vmem>>) target_semaphore(%arg40 : memref<!tpu.dma_semaphore, #tpu.memory_space<semaphore_mem>>)
        %add3A_344 = arith.constant 7 : i32
        %add3A_345 = arith.addi %add3A_321, %add3A_344 : i32
        %mul3A_346 = arith.constant 48 : i32
        %mul3A_347 = arith.muli %add3A_345, %mul3A_346 : i32
        %add3A_348 = arith.addi %mul3A_2, %mul3A_347 : i32
        %dma_wait3A_349 = tpu.memref_slice %arg3[%add3A_348] : memref<331776xi32, #tpu.memory_space<hbm>> -> memref<48xi32, #tpu.memory_space<hbm>>
        %dma_wait3A_350 = tpu.memref_slice %arg3[%add3A_348] : memref<331776xi32, #tpu.memory_space<hbm>> -> memref<48xi32, #tpu.memory_space<hbm>>
        tpu.wait_dma2 semaphore(%arg33 : memref<!tpu.dma_semaphore, #tpu.memory_space<semaphore_mem>>) src(%dma_wait3A_350 : memref<48xi32, #tpu.memory_space<hbm>>) dst(%arg19 : memref<48xi32, #tpu.memory_space<vmem>>)
        %dma_start3A_351 = arith.constant 0 : i32
        %dma_start3A_352 = arith.constant 0 : i32
        %dma_start3A_353 = tpu.memref_slice %arg2[%dma_start3A_351, %dma_start3A_352] : memref<10112x128xf32, #tpu.memory_space<hbm>> -> memref<10112x128xf32, #tpu.memory_space<hbm>>
        tpu.enqueue_indirect_dma source(%dma_start3A_353 : memref<10112x128xf32, #tpu.memory_space<hbm>>) target(%arg12 : memref<48x128xf32, #tpu.memory_space<vmem>>) offsets(%arg19 : memref<48xi32, #tpu.memory_space<vmem>>) semaphore(%arg47 : memref<!tpu.dma_semaphore, #tpu.memory_space<semaphore_mem>>)
      } else {
      }
      %add3A_327 = arith.constant 6 : i32
      %add3A_328 = arith.addi %mul3A_161, %add3A_327 : i32
      %lt3A_329 = arith.constant 29 : i32
      %lt3A_330 = arith.cmpi slt, %add3A_159, %lt3A_329 : i32
      %convert_element_type3A_331 = arith.extui %lt3A_330 : i1 to i32
      %cond3A_332 = arith.constant 0 : i32
      %cond3A_333 = arith.cmpi ne, %convert_element_type3A_331, %cond3A_332 : i32
      scf.if %cond3A_333 {
        %dma_wait3A_334 = arith.constant 0 : i32
        %dma_wait3A_335 = arith.constant 0 : i32
        %dma_wait3A_336 = tpu.memref_slice %arg6[%dma_wait3A_334, %dma_wait3A_335] : memref<10112x128xf32, #tpu.memory_space<vmem_shared>> -> memref<10112x128xf32, #tpu.memory_space<vmem_shared>>
        tpu.wait_indirect_dma semaphore(%arg55 : memref<!tpu.dma_semaphore, #tpu.memory_space<semaphore_mem>>) src(%arg13 : memref<48x128xf32, #tpu.memory_space<vmem>>) dst(%dma_wait3A_336 : memref<10112x128xf32, #tpu.memory_space<vmem_shared>>)
        %add3A_337 = arith.constant 7 : i32
        %add3A_338 = arith.addi %add3A_328, %add3A_337 : i32
        %mul3A_339 = arith.constant 48 : i32
        %mul3A_340 = arith.muli %add3A_338, %mul3A_339 : i32
        %add3A_341 = arith.addi %mul3A_2, %mul3A_340 : i32
        %dma_start3A_342 = tpu.memref_slice %arg4[%add3A_341] : memref<331776xi32, #tpu.memory_space<hbm>> -> memref<48xi32, #tpu.memory_space<hbm>>
        %dma_start3A_343 = tpu.memref_slice %arg4[%add3A_341] : memref<331776xi32, #tpu.memory_space<hbm>> -> memref<48xi32, #tpu.memory_space<hbm>>
        tpu.enqueue_dma source(%dma_start3A_343 : memref<48xi32, #tpu.memory_space<hbm>>) target(%arg27 : memref<48xi32, #tpu.memory_space<vmem>>) target_semaphore(%arg41 : memref<!tpu.dma_semaphore, #tpu.memory_space<semaphore_mem>>)
        %add3A_344 = arith.constant 7 : i32
        %add3A_345 = arith.addi %add3A_328, %add3A_344 : i32
        %mul3A_346 = arith.constant 48 : i32
        %mul3A_347 = arith.muli %add3A_345, %mul3A_346 : i32
        %add3A_348 = arith.addi %mul3A_2, %mul3A_347 : i32
        %dma_wait3A_349 = tpu.memref_slice %arg3[%add3A_348] : memref<331776xi32, #tpu.memory_space<hbm>> -> memref<48xi32, #tpu.memory_space<hbm>>
        %dma_wait3A_350 = tpu.memref_slice %arg3[%add3A_348] : memref<331776xi32, #tpu.memory_space<hbm>> -> memref<48xi32, #tpu.memory_space<hbm>>
        tpu.wait_dma2 semaphore(%arg34 : memref<!tpu.dma_semaphore, #tpu.memory_space<semaphore_mem>>) src(%dma_wait3A_350 : memref<48xi32, #tpu.memory_space<hbm>>) dst(%arg20 : memref<48xi32, #tpu.memory_space<vmem>>)
        %dma_start3A_351 = arith.constant 0 : i32
        %dma_start3A_352 = arith.constant 0 : i32
        %dma_start3A_353 = tpu.memref_slice %arg2[%dma_start3A_351, %dma_start3A_352] : memref<10112x128xf32, #tpu.memory_space<hbm>> -> memref<10112x128xf32, #tpu.memory_space<hbm>>
        tpu.enqueue_indirect_dma source(%dma_start3A_353 : memref<10112x128xf32, #tpu.memory_space<hbm>>) target(%arg13 : memref<48x128xf32, #tpu.memory_space<vmem>>) offsets(%arg20 : memref<48xi32, #tpu.memory_space<vmem>>) semaphore(%arg48 : memref<!tpu.dma_semaphore, #tpu.memory_space<semaphore_mem>>)
      } else {
      }
    }
    %scan3A_123 = arith.constant 30 : i32
    %dma_wait3A_124 = arith.constant 0 : i32
    %dma_wait3A_125 = arith.constant 0 : i32
    %dma_wait3A_126 = tpu.memref_slice %arg6[%dma_wait3A_124, %dma_wait3A_125] : memref<10112x128xf32, #tpu.memory_space<vmem_shared>> -> memref<10112x128xf32, #tpu.memory_space<vmem_shared>>
    tpu.wait_indirect_dma semaphore(%arg49 : memref<!tpu.dma_semaphore, #tpu.memory_space<semaphore_mem>>) src(%arg7 : memref<48x128xf32, #tpu.memory_space<vmem>>) dst(%dma_wait3A_126 : memref<10112x128xf32, #tpu.memory_space<vmem_shared>>)
    %dma_wait3A_127 = arith.constant 0 : i32
    %dma_wait3A_128 = arith.constant 0 : i32
    %dma_wait3A_129 = tpu.memref_slice %arg6[%dma_wait3A_127, %dma_wait3A_128] : memref<10112x128xf32, #tpu.memory_space<vmem_shared>> -> memref<10112x128xf32, #tpu.memory_space<vmem_shared>>
    tpu.wait_indirect_dma semaphore(%arg50 : memref<!tpu.dma_semaphore, #tpu.memory_space<semaphore_mem>>) src(%arg8 : memref<48x128xf32, #tpu.memory_space<vmem>>) dst(%dma_wait3A_129 : memref<10112x128xf32, #tpu.memory_space<vmem_shared>>)
    %dma_wait3A_130 = arith.constant 0 : i32
    %dma_wait3A_131 = arith.constant 0 : i32
    %dma_wait3A_132 = tpu.memref_slice %arg6[%dma_wait3A_130, %dma_wait3A_131] : memref<10112x128xf32, #tpu.memory_space<vmem_shared>> -> memref<10112x128xf32, #tpu.memory_space<vmem_shared>>
    tpu.wait_indirect_dma semaphore(%arg51 : memref<!tpu.dma_semaphore, #tpu.memory_space<semaphore_mem>>) src(%arg9 : memref<48x128xf32, #tpu.memory_space<vmem>>) dst(%dma_wait3A_132 : memref<10112x128xf32, #tpu.memory_space<vmem_shared>>)
    %dma_wait3A_133 = arith.constant 0 : i32
    %dma_wait3A_134 = arith.constant 0 : i32
    %dma_wait3A_135 = tpu.memref_slice %arg6[%dma_wait3A_133, %dma_wait3A_134] : memref<10112x128xf32, #tpu.memory_space<vmem_shared>> -> memref<10112x128xf32, #tpu.memory_space<vmem_shared>>
    tpu.wait_indirect_dma semaphore(%arg52 : memref<!tpu.dma_semaphore, #tpu.memory_space<semaphore_mem>>) src(%arg10 : memref<48x128xf32, #tpu.memory_space<vmem>>) dst(%dma_wait3A_135 : memref<10112x128xf32, #tpu.memory_space<vmem_shared>>)
    %dma_wait3A_136 = arith.constant 0 : i32
    %dma_wait3A_137 = arith.constant 0 : i32
    %dma_wait3A_138 = tpu.memref_slice %arg6[%dma_wait3A_136, %dma_wait3A_137] : memref<10112x128xf32, #tpu.memory_space<vmem_shared>> -> memref<10112x128xf32, #tpu.memory_space<vmem_shared>>
    tpu.wait_indirect_dma semaphore(%arg53 : memref<!tpu.dma_semaphore, #tpu.memory_space<semaphore_mem>>) src(%arg11 : memref<48x128xf32, #tpu.memory_space<vmem>>) dst(%dma_wait3A_138 : memref<10112x128xf32, #tpu.memory_space<vmem_shared>>)
    %dma_wait3A_139 = arith.constant 0 : i32
    %dma_wait3A_140 = arith.constant 0 : i32
    %dma_wait3A_141 = tpu.memref_slice %arg6[%dma_wait3A_139, %dma_wait3A_140] : memref<10112x128xf32, #tpu.memory_space<vmem_shared>> -> memref<10112x128xf32, #tpu.memory_space<vmem_shared>>
    tpu.wait_indirect_dma semaphore(%arg54 : memref<!tpu.dma_semaphore, #tpu.memory_space<semaphore_mem>>) src(%arg12 : memref<48x128xf32, #tpu.memory_space<vmem>>) dst(%dma_wait3A_141 : memref<10112x128xf32, #tpu.memory_space<vmem_shared>>)
    %dma_wait3A_142 = arith.constant 0 : i32
    %dma_wait3A_143 = arith.constant 0 : i32
    %dma_wait3A_144 = tpu.memref_slice %arg6[%dma_wait3A_142, %dma_wait3A_143] : memref<10112x128xf32, #tpu.memory_space<vmem_shared>> -> memref<10112x128xf32, #tpu.memory_space<vmem_shared>>
    tpu.wait_indirect_dma semaphore(%arg55 : memref<!tpu.dma_semaphore, #tpu.memory_space<semaphore_mem>>) src(%arg13 : memref<48x128xf32, #tpu.memory_space<vmem>>) dst(%dma_wait3A_144 : memref<10112x128xf32, #tpu.memory_space<vmem_shared>>)
    %barrier3A_145 = arith.constant 0 : index
    tpu.barrier barrier_id(%barrier3A_145)
    %scan3A_146 = arith.constant 0 : i32
    %scan3A_147 = arith.constant 4 : i32
    %scan3A_148 = arith.addi %scan3A_146, %scan3A_147 : i32
    %scan3A_149 = arith.constant 1 : i32
    scf.for %scan3A_155 = %scan3A_146 to %scan3A_148 step %scan3A_149  : i32 {
      %mul3A_156 = arith.constant 1 : i32
      %mul3A_157 = arith.muli %scan3A_155, %mul3A_156 : i32
      %add3A_158 = arith.constant 0 : i32
      %add3A_159 = arith.addi %add3A_158, %mul3A_157 : i32
      %mul3A_160 = arith.constant 632 : i32
      %mul3A_161 = arith.muli %arg1, %mul3A_160 : i32
      %mul3A_162 = arith.constant 128 : i32
      %mul3A_163 = arith.muli %add3A_159, %mul3A_162 : i32
      %add3A_164 = arith.addi %mul3A_161, %mul3A_163 : i32
      "tpu.region"() ({
        %run_scoped3A = tpu.sem_alloc : memref<!tpu.dma_semaphore, #tpu.memory_space<semaphore_mem>>
        %dma_start3A_165 = arith.constant 0 : i32
        %dma_start3A_166 = tpu.memref_slice %arg5[%arg0, %add3A_164, %dma_start3A_165] : memref<2x10112x128xf32, #tpu.memory_space<hbm>> -> memref<1x128x128xf32, #tpu.memory_space<hbm>>
        %dma_start3A_167 = tpu.memref_squeeze %dma_start3A_166 : memref<1x128x128xf32, #tpu.memory_space<hbm>> -> memref<128x128xf32, #tpu.memory_space<hbm>>
        %dma_start3A_168 = arith.constant 0 : i32
        %dma_start3A_169 = tpu.memref_slice %arg6[%add3A_164, %dma_start3A_168] : memref<10112x128xf32, #tpu.memory_space<vmem_shared>> -> memref<128x128xf32, #tpu.memory_space<vmem_shared>>
        tpu.enqueue_dma source(%dma_start3A_169 : memref<128x128xf32, #tpu.memory_space<vmem_shared>>) target(%dma_start3A_167 : memref<128x128xf32, #tpu.memory_space<hbm>>) target_semaphore(%run_scoped3A : memref<!tpu.dma_semaphore, #tpu.memory_space<semaphore_mem>>)
        %dma_wait3A_170 = arith.constant 0 : i32
        %dma_wait3A_171 = tpu.memref_slice %arg5[%arg0, %add3A_164, %dma_wait3A_170] : memref<2x10112x128xf32, #tpu.memory_space<hbm>> -> memref<1x128x128xf32, #tpu.memory_space<hbm>>
        %dma_wait3A_172 = tpu.memref_squeeze %dma_wait3A_171 : memref<1x128x128xf32, #tpu.memory_space<hbm>> -> memref<128x128xf32, #tpu.memory_space<hbm>>
        %dma_wait3A_173 = arith.constant 0 : i32
        %dma_wait3A_174 = tpu.memref_slice %arg6[%add3A_164, %dma_wait3A_173] : memref<10112x128xf32, #tpu.memory_space<vmem_shared>> -> memref<128x128xf32, #tpu.memory_space<vmem_shared>>
        tpu.wait_dma2 semaphore(%run_scoped3A : memref<!tpu.dma_semaphore, #tpu.memory_space<semaphore_mem>>) src(%dma_wait3A_174 : memref<128x128xf32, #tpu.memory_space<vmem_shared>>) dst(%dma_wait3A_172 : memref<128x128xf32, #tpu.memory_space<hbm>>)
        tpu.yield
      }) : () -> ()
    }
    %scan3A_150 = arith.constant 4 : i32
    %mul3A_151 = arith.constant 632 : i32
    %mul3A_152 = arith.muli %arg1, %mul3A_151 : i32
    %add3A_153 = arith.constant 512 : i32
    %add3A_154 = arith.addi %mul3A_152, %add3A_153 : i32
    "tpu.region"() ({
      %run_scoped3A = tpu.sem_alloc : memref<!tpu.dma_semaphore, #tpu.memory_space<semaphore_mem>>
      %dma_start3A_155 = arith.constant 0 : i32
      %dma_start3A_156 = tpu.memref_slice %arg5[%arg0, %add3A_154, %dma_start3A_155] : memref<2x10112x128xf32, #tpu.memory_space<hbm>> -> memref<1x120x128xf32, #tpu.memory_space<hbm>>
      %dma_start3A_157 = tpu.memref_squeeze %dma_start3A_156 : memref<1x120x128xf32, #tpu.memory_space<hbm>> -> memref<120x128xf32, #tpu.memory_space<hbm>>
      %dma_start3A_158 = arith.constant 0 : i32
      %dma_start3A_159 = tpu.memref_slice %arg6[%add3A_154, %dma_start3A_158] : memref<10112x128xf32, #tpu.memory_space<vmem_shared>> -> memref<120x128xf32, #tpu.memory_space<vmem_shared>>
      tpu.enqueue_dma source(%dma_start3A_159 : memref<120x128xf32, #tpu.memory_space<vmem_shared>>) target(%dma_start3A_157 : memref<120x128xf32, #tpu.memory_space<hbm>>) target_semaphore(%run_scoped3A : memref<!tpu.dma_semaphore, #tpu.memory_space<semaphore_mem>>)
      %dma_wait3A_160 = arith.constant 0 : i32
      %dma_wait3A_161 = tpu.memref_slice %arg5[%arg0, %add3A_154, %dma_wait3A_160] : memref<2x10112x128xf32, #tpu.memory_space<hbm>> -> memref<1x120x128xf32, #tpu.memory_space<hbm>>
      %dma_wait3A_162 = tpu.memref_squeeze %dma_wait3A_161 : memref<1x120x128xf32, #tpu.memory_space<hbm>> -> memref<120x128xf32, #tpu.memory_space<hbm>>
      %dma_wait3A_163 = arith.constant 0 : i32
      %dma_wait3A_164 = tpu.memref_slice %arg6[%add3A_154, %dma_wait3A_163] : memref<10112x128xf32, #tpu.memory_space<vmem_shared>> -> memref<120x128xf32, #tpu.memory_space<vmem_shared>>
      tpu.wait_dma2 semaphore(%run_scoped3A : memref<!tpu.dma_semaphore, #tpu.memory_space<semaphore_mem>>) src(%dma_wait3A_164 : memref<120x128xf32, #tpu.memory_space<vmem_shared>>) dst(%dma_wait3A_162 : memref<120x128xf32, #tpu.memory_space<hbm>>)
      tpu.yield
    }) : () -> ()
    return
  }
}

module attributes {stable_mosaic.version = 14 : i64} {
  func.func @body(%arg0: memref<10112x128xf32, #tpu.memory_space<vmem>>, %arg1: memref<128x128xf32, #tpu.memory_space<vmem>>, %arg2: memref<10112x128xf32, #tpu.memory_space<vmem>>) attributes {dimension_semantics = [], scalar_prefetch = 0 : i64, scratch_operands = 0 : i64, tpu.core_type = #tpu.core_type<tc>} {
    %get3A = arith.constant 0 : index
    %get3A_0 = arith.constant 0 : index
    %get3A_1 = vector.load %arg0[%get3A, %get3A_0] : memref<10112x128xf32, #tpu.memory_space<vmem>>, vector<10112x128xf32>
    %get3A_2 = arith.constant 0 : index
    %get3A_3 = arith.constant 0 : index
    %get3A_4 = vector.load %arg1[%get3A_2, %get3A_3] : memref<128x128xf32, #tpu.memory_space<vmem>>, vector<128x128xf32>
    %dot_general3A = arith.constant dense<0.000000e+00> : vector<10112x128xf32>
    %dot_general3A_5 = tpu.matmul %get3A_1, %get3A_4, %dot_general3A {dimension_numbers = #tpu.dot_dimension_numbers<[1], [0], [0], [1], [0, 0, 1, 1], [], []>, transpose_lhs_hint = false} : vector<10112x128xf32>, vector<128x128xf32>, vector<10112x128xf32> -> vector<10112x128xf32>
    %swap3A = arith.constant 0 : index
    %swap3A_6 = arith.constant 0 : index
    %swap3A_7 = vector.load %arg2[%swap3A, %swap3A_6] : memref<10112x128xf32, #tpu.memory_space<vmem>>, vector<10112x128xf32>
    tpu.vector_store %arg2[%swap3A, %swap3A_6], %dot_general3A_5 {strides = array<i32>} : memref<10112x128xf32, #tpu.memory_space<vmem>>, vector<10112x128xf32>,
    return
  }
}

module attributes {stable_mosaic.version = 14 : i64} {
  func.func @body(%arg0: memref<10112x128xf32, #tpu.memory_space<vmem>>, %arg1: memref<2x10112x128xf32, #tpu.memory_space<vmem>>, %arg2: memref<10112x128xf32, #tpu.memory_space<vmem>>) attributes {dimension_semantics = [], scalar_prefetch = 0 : i64, scratch_operands = 0 : i64, tpu.core_type = #tpu.core_type<tc>} {
    %get3A = arith.constant 0 : index
    %get3A_0 = arith.constant 0 : index
    %get3A_1 = arith.constant 0 : index
    %get3A_2 = vector.load %arg1[%get3A, %get3A_0, %get3A_1] : memref<2x10112x128xf32, #tpu.memory_space<vmem>>, vector<1x10112x128xf32>
    %get3A_3 = vector.shape_cast %get3A_2 : vector<1x10112x128xf32> to vector<10112x128xf32>
    %get3A_4 = arith.constant 1 : index
    %get3A_5 = arith.constant 0 : index
    %get3A_6 = arith.constant 0 : index
    %get3A_7 = vector.load %arg1[%get3A_4, %get3A_5, %get3A_6] : memref<2x10112x128xf32, #tpu.memory_space<vmem>>, vector<1x10112x128xf32>
    %get3A_8 = vector.shape_cast %get3A_7 : vector<1x10112x128xf32> to vector<10112x128xf32>
    %add3A = arith.addf %get3A_3, %get3A_8 : vector<10112x128xf32>
    %reduce_sum3A = arith.constant dense<0.000000e+00> : vector<10112xf32>
    %reduce_sum3A_9 = vector.multi_reduction <add>, %add3A, %reduce_sum3A [1] : vector<10112x128xf32> to vector<10112xf32>
    %broadcast_in_dim3A = vector.shape_cast %reduce_sum3A_9 : vector<10112xf32> to vector<10112x1xf32>
    %add3A_10 = arith.constant 1.000000e+00 : f32
    %add3A_11 = vector.broadcast %add3A_10 : f32 to vector<10112x1xf32>
    %add3A_12 = arith.addf %broadcast_in_dim3A, %add3A_11 : vector<10112x1xf32>
    %rsqrt3A = math.rsqrt %add3A_12 : vector<10112x1xf32>
    %get3A_13 = arith.constant 0 : index
    %get3A_14 = arith.constant 0 : index
    %get3A_15 = vector.load %arg0[%get3A_13, %get3A_14] : memref<10112x128xf32, #tpu.memory_space<vmem>>, vector<10112x128xf32>
    %mul3A = vector.broadcast %rsqrt3A : vector<10112x1xf32> to vector<10112x128xf32>
    %mul3A_16 = arith.mulf %mul3A, %get3A_15 : vector<10112x128xf32>
    %swap3A = arith.constant 0 : index
    %swap3A_17 = arith.constant 0 : index
    %swap3A_18 = vector.load %arg2[%swap3A, %swap3A_17] : memref<10112x128xf32, #tpu.memory_space<vmem>>, vector<10112x128xf32>
    tpu.vector_store %arg2[%swap3A, %swap3A_17], %mul3A_16 {strides = array<i32>} : memref<10112x128xf32, #tpu.memory_space<vmem>>, vector<10112x128xf32>,
    return
  }
}

module attributes {stable_mosaic.version = 14 : i64} {
  func.func @body(%arg0: memref<2x10112x128xf32, #tpu.memory_space<vmem>>, %arg1: memref<10112x128xf32, #tpu.memory_space<vmem>>, %arg2: memref<2x10112x128xf32, #tpu.memory_space<vmem>>, %arg3: memref<1x128xf32, #tpu.memory_space<vmem>>, %arg4: memref<128x128xf32, #tpu.memory_space<vmem>>, %arg5: memref<10112x128xf32, #tpu.memory_space<vmem>>) attributes {dimension_semantics = [], scalar_prefetch = 0 : i64, scratch_operands = 0 : i64, tpu.core_type = #tpu.core_type<tc>} {
    %get3A = arith.constant 0 : index
    %get3A_0 = arith.constant 0 : index
    %get3A_1 = arith.constant 0 : index
    %get3A_2 = vector.load %arg2[%get3A, %get3A_0, %get3A_1] : memref<2x10112x128xf32, #tpu.memory_space<vmem>>, vector<1x10112x128xf32>
    %get3A_3 = vector.shape_cast %get3A_2 : vector<1x10112x128xf32> to vector<10112x128xf32>
    %get3A_4 = arith.constant 1 : index
    %get3A_5 = arith.constant 0 : index
    %get3A_6 = arith.constant 0 : index
    %get3A_7 = vector.load %arg2[%get3A_4, %get3A_5, %get3A_6] : memref<2x10112x128xf32, #tpu.memory_space<vmem>>, vector<1x10112x128xf32>
    %get3A_8 = vector.shape_cast %get3A_7 : vector<1x10112x128xf32> to vector<10112x128xf32>
    %add3A = arith.addf %get3A_3, %get3A_8 : vector<10112x128xf32>
    %reduce_sum3A = arith.constant dense<0.000000e+00> : vector<10112xf32>
    %reduce_sum3A_9 = vector.multi_reduction <add>, %add3A, %reduce_sum3A [1] : vector<10112x128xf32> to vector<10112xf32>
    %broadcast_in_dim3A = vector.shape_cast %reduce_sum3A_9 : vector<10112xf32> to vector<10112x1xf32>
    %add3A_10 = arith.constant 1.000000e+00 : f32
    %add3A_11 = vector.broadcast %add3A_10 : f32 to vector<10112x1xf32>
    %add3A_12 = arith.addf %broadcast_in_dim3A, %add3A_11 : vector<10112x1xf32>
    %rsqrt3A = math.rsqrt %add3A_12 : vector<10112x1xf32>
    %get3A_13 = arith.constant 0 : index
    %get3A_14 = arith.constant 0 : index
    %get3A_15 = arith.constant 0 : index
    %get3A_16 = vector.load %arg0[%get3A_13, %get3A_14, %get3A_15] : memref<2x10112x128xf32, #tpu.memory_space<vmem>>, vector<1x10112x128xf32>
    %get3A_17 = vector.shape_cast %get3A_16 : vector<1x10112x128xf32> to vector<10112x128xf32>
    %get3A_18 = arith.constant 1 : index
    %get3A_19 = arith.constant 0 : index
    %get3A_20 = arith.constant 0 : index
    %get3A_21 = vector.load %arg0[%get3A_18, %get3A_19, %get3A_20] : memref<2x10112x128xf32, #tpu.memory_space<vmem>>, vector<1x10112x128xf32>
    %get3A_22 = vector.shape_cast %get3A_21 : vector<1x10112x128xf32> to vector<10112x128xf32>
    %add3A_23 = arith.addf %get3A_17, %get3A_22 : vector<10112x128xf32>
    %get3A_24 = arith.constant 0 : index
    %get3A_25 = arith.constant 0 : index
    %get3A_26 = vector.load %arg1[%get3A_24, %get3A_25] : memref<10112x128xf32, #tpu.memory_space<vmem>>, vector<10112x128xf32>
    %add3A_27 = arith.addf %add3A_23, %get3A_26 : vector<10112x128xf32>
    %mul3A = vector.broadcast %rsqrt3A : vector<10112x1xf32> to vector<10112x128xf32>
    %mul3A_28 = arith.mulf %mul3A, %add3A_27 : vector<10112x128xf32>
    %get3A_29 = arith.constant 0 : index
    %get3A_30 = arith.constant 0 : index
    %get3A_31 = vector.load %arg3[%get3A_29, %get3A_30] : memref<1x128xf32, #tpu.memory_space<vmem>>, vector<1x128xf32>
    %add3A_32 = vector.broadcast %get3A_31 : vector<1x128xf32> to vector<10112x128xf32>
    %add3A_33 = arith.addf %mul3A_28, %add3A_32 : vector<10112x128xf32>
    %max3A = arith.constant 0.000000e+00 : f32
    %max3A_34 = vector.broadcast %max3A : f32 to vector<10112x128xf32>
    %max3A_35 = arith.maximumf %add3A_33, %max3A_34 : vector<10112x128xf32>
    %get3A_36 = arith.constant 0 : index
    %get3A_37 = arith.constant 0 : index
    %get3A_38 = vector.load %arg4[%get3A_36, %get3A_37] : memref<128x128xf32, #tpu.memory_space<vmem>>, vector<128x128xf32>
    %dot_general3A = arith.constant dense<0.000000e+00> : vector<10112x128xf32>
    %dot_general3A_39 = tpu.matmul %max3A_35, %get3A_38, %dot_general3A {dimension_numbers = #tpu.dot_dimension_numbers<[1], [0], [0], [1], [0, 0, 1, 1], [], []>, transpose_lhs_hint = false} : vector<10112x128xf32>, vector<128x128xf32>, vector<10112x128xf32> -> vector<10112x128xf32>
    %mul3A_40 = vector.broadcast %rsqrt3A : vector<10112x1xf32> to vector<10112x128xf32>
    %mul3A_41 = arith.mulf %mul3A_40, %dot_general3A_39 : vector<10112x128xf32>
    %swap3A = arith.constant 0 : index
    %swap3A_42 = arith.constant 0 : index
    %swap3A_43 = vector.load %arg5[%swap3A, %swap3A_42] : memref<10112x128xf32, #tpu.memory_space<vmem>>, vector<10112x128xf32>
    tpu.vector_store %arg5[%swap3A, %swap3A_42], %mul3A_41 {strides = array<i32>} : memref<10112x128xf32, #tpu.memory_space<vmem>>, vector<10112x128xf32>,
    return
  }
}

module attributes {stable_mosaic.version = 14 : i64} {
  func.func @body(%arg0: memref<2x10112x128xf32, #tpu.memory_space<vmem>>, %arg1: memref<10112x128xf32, #tpu.memory_space<vmem>>, %arg2: memref<2x10112x128xf32, #tpu.memory_space<vmem>>, %arg3: memref<1x128xf32, #tpu.memory_space<vmem>>, %arg4: memref<10112x128xf32, #tpu.memory_space<vmem>>) attributes {dimension_semantics = [], scalar_prefetch = 0 : i64, scratch_operands = 0 : i64, tpu.core_type = #tpu.core_type<tc>} {
    %get3A = arith.constant 0 : index
    %get3A_0 = arith.constant 0 : index
    %get3A_1 = arith.constant 0 : index
    %get3A_2 = vector.load %arg2[%get3A, %get3A_0, %get3A_1] : memref<2x10112x128xf32, #tpu.memory_space<vmem>>, vector<1x10112x128xf32>
    %get3A_3 = vector.shape_cast %get3A_2 : vector<1x10112x128xf32> to vector<10112x128xf32>
    %get3A_4 = arith.constant 1 : index
    %get3A_5 = arith.constant 0 : index
    %get3A_6 = arith.constant 0 : index
    %get3A_7 = vector.load %arg2[%get3A_4, %get3A_5, %get3A_6] : memref<2x10112x128xf32, #tpu.memory_space<vmem>>, vector<1x10112x128xf32>
    %get3A_8 = vector.shape_cast %get3A_7 : vector<1x10112x128xf32> to vector<10112x128xf32>
    %add3A = arith.addf %get3A_3, %get3A_8 : vector<10112x128xf32>
    %reduce_sum3A = arith.constant dense<0.000000e+00> : vector<10112xf32>
    %reduce_sum3A_9 = vector.multi_reduction <add>, %add3A, %reduce_sum3A [1] : vector<10112x128xf32> to vector<10112xf32>
    %broadcast_in_dim3A = vector.shape_cast %reduce_sum3A_9 : vector<10112xf32> to vector<10112x1xf32>
    %add3A_10 = arith.constant 1.000000e+00 : f32
    %add3A_11 = vector.broadcast %add3A_10 : f32 to vector<10112x1xf32>
    %add3A_12 = arith.addf %broadcast_in_dim3A, %add3A_11 : vector<10112x1xf32>
    %rsqrt3A = math.rsqrt %add3A_12 : vector<10112x1xf32>
    %get3A_13 = arith.constant 0 : index
    %get3A_14 = arith.constant 0 : index
    %get3A_15 = arith.constant 0 : index
    %get3A_16 = vector.load %arg0[%get3A_13, %get3A_14, %get3A_15] : memref<2x10112x128xf32, #tpu.memory_space<vmem>>, vector<1x10112x128xf32>
    %get3A_17 = vector.shape_cast %get3A_16 : vector<1x10112x128xf32> to vector<10112x128xf32>
    %get3A_18 = arith.constant 1 : index
    %get3A_19 = arith.constant 0 : index
    %get3A_20 = arith.constant 0 : index
    %get3A_21 = vector.load %arg0[%get3A_18, %get3A_19, %get3A_20] : memref<2x10112x128xf32, #tpu.memory_space<vmem>>, vector<1x10112x128xf32>
    %get3A_22 = vector.shape_cast %get3A_21 : vector<1x10112x128xf32> to vector<10112x128xf32>
    %add3A_23 = arith.addf %get3A_17, %get3A_22 : vector<10112x128xf32>
    %get3A_24 = arith.constant 0 : index
    %get3A_25 = arith.constant 0 : index
    %get3A_26 = vector.load %arg1[%get3A_24, %get3A_25] : memref<10112x128xf32, #tpu.memory_space<vmem>>, vector<10112x128xf32>
    %add3A_27 = arith.addf %add3A_23, %get3A_26 : vector<10112x128xf32>
    %mul3A = vector.broadcast %rsqrt3A : vector<10112x1xf32> to vector<10112x128xf32>
    %mul3A_28 = arith.mulf %mul3A, %add3A_27 : vector<10112x128xf32>
    %get3A_29 = arith.constant 0 : index
    %get3A_30 = arith.constant 0 : index
    %get3A_31 = vector.load %arg3[%get3A_29, %get3A_30] : memref<1x128xf32, #tpu.memory_space<vmem>>, vector<1x128xf32>
    %add3A_32 = vector.broadcast %get3A_31 : vector<1x128xf32> to vector<10112x128xf32>
    %add3A_33 = arith.addf %mul3A_28, %add3A_32 : vector<10112x128xf32>
    %swap3A = arith.constant 0 : index
    %swap3A_34 = arith.constant 0 : index
    %swap3A_35 = vector.load %arg4[%swap3A, %swap3A_34] : memref<10112x128xf32, #tpu.memory_space<vmem>>, vector<10112x128xf32>
    tpu.vector_store %arg4[%swap3A, %swap3A_34], %add3A_33 {strides = array<i32>} : memref<10112x128xf32, #tpu.memory_space<vmem>>, vector<10112x128xf32>,
    return
  }
}

</mosaic_0001>

<sc_bundles>
// kernel: kernel.12.cloned.1.call-start
scs
__scs_entry_jumppad:
0x0: {  	(pc) =	sbr.rel $0x88, $3  }
0x1: {  	(tag) =	ssettag $0x0;
	lr =	simm.s32 $0x1  }
0x2: {  	[smem:$0x3F9B] =	sst lr;
	_ =	strace $0xD0000000  }
0x3: {  	_ = 	snop  }
0x4: {  	_ = 	snop  }
0x5: {  	_ = 	snop  }
0x6: {  	_ = 	snop  }
0x7: {  	_ = 	snop  }
__scs_overlays_trampoline_lowered:
0x8: {  	[smem:$0x3FAA] =	sst s0  }
0x9: {  	[smem:$0x3FAB] =	sst s1  }
0xa: {  	[smem:$0x3FAC] =	sst s2  }
0xb: {  	[smem:$0x3FAD] =	sst s3  }
0xc: {  	[smem:$0x3FAE] =	sst s4  }
0xd: {  	[smem:$0x3FAF] =	sst s5  }
0xe: {  	[smem:$0x3FB0] =	sst s6  }
0xf: {  	[smem:$0x3FB1] =	sst s7  }
0x10: {  	[smem:$0x3FB2] =	sst s8  }
0x11: {  	[smem:$0x3FB3] =	sst s9;
	s0 =	simm.s32 @!p0 $0x0  }
0x12: {  	s1 =	sld [smem:$0x3F99];
	s0 =	simm.s32 @p0 $0x1  }
0x13: {  	[smem:$0x3FB4] =	sst s0;
	s0 =	simm.s32 @!p1 $0x0  }
0x14: {  	s2 =	sld [smem:$0x3F98];
	s0 =	simm.s32 @p1 $0x1  }
0x15: {  	[smem:$0x3FB5] =	sst s0;
	s0 =	simm.s32 @!p2 $0x0  }
0x16: {  	s3 =	sld [smem:$0x3FDB];
	s0 =	simm.s32 @p2 $0x1  }
0x17: {  	s4 =	simm.s32 $0x1BF5;
	[smem:$0x3FB7] =	sst s0  }
0x18: {  	s0 =	sld [smem:$0x3F9A];
	_ =	swait.ge [sflag:s4], $0x0  }
0x19: {  	s7 =	sld [smem:$0x3F9B]  }
0x1a: {  	s8 =	sadd.s32 $0xFFFFE003, lr  }
0x1b: {  	s9 =	sadd.s32 $0xFFFFFEF7, lr;
	s5 =	simm.s32 $0xFFFFFFFF;
	p2 =	slt.u32 s8, $0xFFFFF086  }
0x1c: {  	p1 =	slt.u32 s9, $0xF7A;
	s5 =	simm.s32 @!p2 $0x0  }
0x1d: {  	s5 =	simm.s32 @p1 $0x1;
	p0 =	seq.s32 s7, s2  }
0x1e: {  	s7 =	smul.u32 @!p0 $0xF7A, s2;
	p2 =	seq.s32 @!p0 s5, $0x0  }
0x1f: {  	s9 =	smul.u32 $0xF7A, s1;
	s8 =	simm.s32 @!p0 $0x1BF5;
	p2 =	por !p2, p0  }
0x20: {  	[sflag:s8] =	ssyncset.s32 @!p0 $0xFFFFF086;
	s6 =	sadd.s32 @!p0 s3, s7;
	s7 =	simm.s32 @!p0 $0x108  }
0x21: {  	s3 =	sadd.s32 s3, s9;
	s6 =	sadd.s32 @!p0 $0x88, s6;
	s7 =	simm.s32 @p2 $0x1082  }
0x22: {  	[simem:s7], [sflag:s8] =	dma.local @!p0 [hbm:s6], $0xF7A  }
0x23: {  	s9 =	sor.u32 $0xD0000000, s2;
	s6 =	simm.s32 $0x108;
	_ =	swait.ge @!p0 [sflag:s8], $0x0  }
0x24: {  	s3 =	sadd.s32 $0x88, s3;
	s6 =	simm.s32 @!p1 $0x1082;
	[sflag:s4] =	ssyncset.s32 $0xFFFFF086  }
0x25: {  	[simem:s6], [sflag:s4] =	dma.local [hbm:s3], $0xF7A  }
0x26: {  	[smem:$0x3F9B] =	sst s1;
	(tag) =	ssettag s2;
	_ =	strace s9  }
0x27: {  	s1 =	sld [smem:$0x3FAB]  }
0x28: {  	s2 =	sld [smem:$0x3FAC]  }
0x29: {  	s4 =	sld [smem:$0x3FAE]  }
0x2a: {  	p0 =	seq.s32 s5, $0x0;
	s5 =	sld [smem:$0x3FAF]  }
0x2b: {  	s6 =	sld [smem:$0x3FB0]  }
0x2c: {  	s7 =	sld [smem:$0x3FB1]  }
0x2d: {  	s3 =	simm.s32 $0x108;
	s8 =	sld [smem:$0x3FB2]  }
0x2e: {  	s3 =	simm.s32 @!p0 $0x1082;
	s9 =	sld [smem:$0x3FB3]  }
0x2f: {  	lr =	sadd.s32 s0, s3;
	s0 =	sld [smem:$0x3FAA]  }
0x30: {  	s3 =	sld [smem:$0x3FAD]  }
0x31: {  	[smem:$0x3FB6] =	sst s10  }
0x32: {  	s10 =	sld [smem:$0x3FB4];
	_ =	sdelay $0x3  }
0x33: {  	p0 =	seq.s32 s10, $0x1;
	s10 =	sld [smem:$0x3FB6];
	_ =	sdelay $0x3  }
0x34: {  	[smem:$0x3FB6] =	sst s10  }
0x35: {  	s10 =	sld [smem:$0x3FB5];
	_ =	sdelay $0x3  }
0x36: {  	p1 =	seq.s32 s10, $0x1;
	s10 =	sld [smem:$0x3FB6];
	_ =	sdelay $0x3  }
0x37: {  	[smem:$0x3FB6] =	sst s10  }
0x38: {  	s10 =	sld [smem:$0x3FB7]  }
0x39: {  	_ = 	snop;
	(pc) =	sbr.ind lr, $3  }
0x3a: {  	_ = 	snop  }
0x3b: {  	_ = 	snop  }
0x3c: {  	p2 =	seq.s32 s10, $0x1;
	s10 =	sld [smem:$0x3FB6]  }
0x3d: {  	_ =	shalt  }
0x3e: {  	_ =	shalt  }
0x3f: {  	_ =	shalt  }
0x40: {  	_ =	shalt  }
0x41: {  	_ =	shalt  }
0x42: {  	_ =	shalt  }
0x43: {  	_ =	shalt  }
0x44: {  	_ =	shalt  }
0x45: {  	_ =	shalt  }
0x46: {  	_ =	shalt  }
0x47: {  	_ =	shalt  }
0x48: {  	_ =	shalt  }
0x49: {  	_ =	shalt  }
0x4a: {  	_ =	shalt  }
0x4b: {  	_ =	shalt  }
0x4c: {  	_ =	shalt  }
0x4d: {  	_ =	shalt  }
0x4e: {  	_ =	shalt  }
0x4f: {  	_ =	shalt  }
0x50: {  	_ =	shalt  }
0x51: {  	_ =	shalt  }
0x52: {  	_ =	shalt  }
0x53: {  	_ =	shalt  }
0x54: {  	_ =	shalt  }
0x55: {  	_ =	shalt  }
0x56: {  	_ =	shalt  }
0x57: {  	_ =	shalt  }
0x58: {  	_ =	shalt  }
0x59: {  	_ =	shalt  }
0x5a: {  	_ =	shalt  }
0x5b: {  	_ =	shalt  }
0x5c: {  	_ =	shalt  }
0x5d: {  	_ =	shalt  }
0x5e: {  	_ =	shalt  }
0x5f: {  	_ =	shalt  }
0x60: {  	_ =	shalt  }
0x61: {  	_ =	shalt  }
0x62: {  	_ =	shalt  }
0x63: {  	_ =	shalt  }
0x64: {  	_ =	shalt  }
0x65: {  	_ =	shalt  }
0x66: {  	_ =	shalt  }
0x67: {  	_ =	shalt  }
0x68: {  	_ =	shalt  }
0x69: {  	_ =	shalt  }
0x6a: {  	_ =	shalt  }
0x6b: {  	_ =	shalt  }
0x6c: {  	_ =	shalt  }
0x6d: {  	_ =	shalt  }
0x6e: {  	_ =	shalt  }
0x6f: {  	_ =	shalt  }
0x70: {  	_ =	shalt  }
0x71: {  	_ =	shalt  }
0x72: {  	_ =	shalt  }
0x73: {  	_ =	shalt  }
0x74: {  	_ =	shalt  }
0x75: {  	_ =	shalt  }
0x76: {  	_ =	shalt  }
0x77: {  	_ =	shalt  }
0x78: {  	_ =	shalt  }
0x79: {  	_ =	shalt  }
0x7a: {  	_ =	shalt  }
0x7b: {  	_ =	shalt  }
0x7c: {  	_ =	shalt  }
0x7d: {  	_ =	shalt  }
0x7e: {  	_ =	shalt  }
0x7f: {  	_ =	shalt  }
0x80: {  	_ =	shalt  }
0x81: {  	_ =	shalt  }
0x82: {  	_ =	shalt  }
0x83: {  	_ =	shalt  }
0x84: {  	_ =	shalt  }
0x85: {  	_ =	shalt  }
0x86: {  	_ =	shalt  }
0x87: {  	_ =	shalt  }
.Lfunc_end0:
.L_simem_size_0:
called_computation.1_lowered:
.L_overlay_start_0:
0x88: {  	s2 =	sld [smem:$0x3FD9]  }
0x89: {  	s3 =	sld [smem:$0x3FFE];
	_ =	sdelay $0x1  }
0x8a: {  	s1 =	srdreg.scid  }
0x8b: {  	s0 =	sand.u32 $0x1, s1  }
0x8c: {  	s17 =	sshll.u32 s0, $0xA;
	s2 =	sadd.s32 s3, s2  }
0x8d: {  	s2 =	sadd.s32 s2, s17  }
0x8e: {  	[smem:$0x3FC2] =	sst s2  }
0x8f: {  	_ = 	snop  }
0x90: {  	s2 =	sld [smem:$0x3FD0];
	(tm) =	ssettm $0x1  }
0x91: {  	s18 =	sld [smem:$0x3FFB];
	_ =	sdelay $0x3  }
0x92: {  	_ =	strace s18  }
0x93: {  	s3 =	sld [smem:$0x3FFC];
	_ =	sdelay $0x3  }
0x94: {  	_ =	strace s3  }
0x95: {  	s3 =	sld [smem:$0x3FFD];
	_ =	sdelay $0x3  }
0x96: {  	_ =	strace s3  }
0x97: {  	_ =	strace $0x8FFFFFFF  }
0x98: {  	s19 =	sld [smem:$0x3FDB];
	_ =	sdelay $0x1  }
0x99: {  	s4 =	simm.s32 $_scs_section_size  }
0x9a: {  	s5 =	simm.s32 $_size__tile_overlayer_lowered;
	s6 =	simm.s32 $_tile_overlayer_lowered  }
0x9b: {  	s22 =	simm.s32 $0x1BFF;
	s21 =	sshll.u32 s6, $0x1;
	s3 =	sadd.s32 s4, s19  }
0x9c: {  	s7 =	simm.s32 $0x0;
	s20 =	sshll.u32 s5, $0x1;
	s5 =	sadd.s32 s21, s3  }
0x9d: {  	[timem:s7], [sflag:s22] =	dma.local [hbm:s5], s20  }
0x9e: {  	_ =	swait.ge [sflag:s22], s20  }
0x9f: {  	s4 =	ssub.s32 $0x0, s20;
	[sflag:s22] =	ssyncset.done $0x0  }
0xa0: {  	[sflag:s22] =	ssyncadd.s32 s4;
	_ =	sdelay $0x1  }
0xa1: {  	s23 =	simm.s32 $0x1B8B  }
0xa2: {  	_ =	swait.ge [sflag:s23], $0x1  }
0xa3: {  	[sflag:s23] =	ssyncset.done $0x0  }
0xa4: {  	s25 =	simm.s32 $0x1B8E;
	s24 =	sld [smem:$0x3FFE];
	[sflag:s23] =	ssyncadd.s32 $0xFFFFFFFF  }
0xa5: {  	s26 =	simm.s32 $execute0_lowered;
	[smem:$0x3FD2] =	sst s25  }
0xa6: {  	s5 =	sshll.u32 s26, $0x1;
	_ =	strace $0x80000049;
	[dreg:$0x1] =	wrdreg $0xFFFFFFFF  }
0xa7: {  	s28 =	simm.s32 $_size_execute0_lowered;
	s3 =	sadd.s32 s3, s5;
	[dreg:$0x0] =	wrdreg $0x0  }
0xa8: {  	s5 =	sshll.u32 s28, $0x1;
	[dreg:$0x2] =	wrdreg s3  }
0xa9: {  	[dreg:$0x3] =	wrdreg s5  }
0xaa: {  	[dreg:$0x4] =	wrdreg $0xC0  }
0xab: {  	_ =	task [dreg:s7], $0x5FFFF  }
0xac: {  	[dreg:$0x1] =	wrdreg $0xFFFFFFFF  }
0xad: {  	[dreg:$0x0] =	wrdreg $0x60  }
0xae: {  	[dreg:$0x2] =	wrdreg s24  }
0xaf: {  	[dreg:$0x3] =	wrdreg s2  }
0xb0: {  	[dreg:$0x4] =	wrdreg $0x0  }
0xb1: {  	[dreg:$0x5] =	wrdreg $0x9  }
0xb2: {  	_ =	task.clear_ibuf [dreg:s7], $0x6FFFF;
	_ =	strace $0x90000049  }
0xb3: {  	s29 =	simm.s32 $0x9;
	_ =	strace $0x8000004B  }
0xb4: {  	_ =	swait.ge [sflag:s29], $0x1  }
0xb5: {  	[sflag:s29] =	ssyncadd.s32 $0xFFFFFFFF  }
0xb6: {  	_ =	strace $0x9000004B  }
0xb7: {  	_ =	sfence  }
0xb8: {  	s30 =	sld [smem:$0x0];
	_ =	sdelay $0x2  }
0xb9: {  	s31 =	sshll.u32 s1, $0xD;
	s1 =	sshrl.u32 s1, $0x2  }
0xba: {  	s3 =	sand.u32 $0x4000, s31;
	s1 =	sadd.s32 s1, s30  }
0xbb: {  	s0 =	sor.u32 s3, s0;
	s1 =	sshll.u32 s1, $0x11  }
0xbc: {  	s0 =	sor.u32 s1, s0  }
0xbd: {  	s0 =	sadd.s32 $0x8F2B, s0  }
0xbe: {  	[sflag:s0] =	ssyncadd.remote.s32 $0x1  }
0xbf: {  	_ =	sfence.sel $0xFFFF  }
0xc0: {  	[dreg:$0x0] =	wrdreg $0xFFFFFFFF;
	(pc) =	sbr.abs _section_cstart, $3  }
0xc1: {  	[dreg:$0x1] =	wrdreg $0xFFFFFFFF  }
0xc2: {  	_ =	task.clear_ibuf [dreg:s7], $0x2FFFF;
	_ =	strace $0x9FFFFFFF  }
0xc3: {  	(tm) =	ssettm $0x7FFFFFFF  }
tec
execute0_lowered:
.L_overlay_start_1:
0x0: {  	(tag) =	ssettag $0x1  }
0x1: {  	s0 =	rddreg [dreg:$0x0]  }
0x2: {  	s17 =	rddreg [dreg:$0x1];
	s1 =	srdreg.scid  }
0x3: {  	s16 =	stileid.u32;
	s3 =	rddreg [dreg:$0x2];
	s4 =	simm.s32 $0x0  }
0x4: {  	s1 =	sand.u32 $0x1, s1;
	s2 =	sshll.u32 s16, $0x1;
	[smem:$0x7FF] =	sst s4  }
0x5: {  	s5 =	sadd.s32 $0x5B600, s0;
	s18 =	sadd.s32 $0x2400, s0;
	s21 =	smul.u32 $0x13C00, s16  }
0x6: {  	s0 =	sadd.s32 $0x82E00, s0;
	s15 =	smul.u32 $0x4EC0, s16;
	s2 =	sor.u32 s1, s2  }
0x7: {  	_ =	strace $0x8000004A;
	s6 =	ssub.s32 $0x2, s1;
	s9 =	smul.u32 $0x13C000, s1  }
0x8: {  	s1 =	smul.u32 $0x2760, s1;
	[dreg:$0x4] =	wrdreg s18;
	s7 =	sshrl.u32 s6, $0x1  }
0x9: {  	s2 =	smul.u32 $0x2760, s2;
	s13 =	sadd.s32 $0x4000, s21;
	s6 =	ssub.s32 s6, s7  }
0xa: {  	s12 =	sadd.s32 s9, s21;
	s25 =	sadd.s32 s9, s13;
	s7 =	sadd.s32 $0x8000, s21  }
0xb: {  	s2 =	sshrl.u32 s2, $0x3;
	s12 =	sshrl.u32 s12, $0x3;
	s6 =	smax.u32 s6, $0x1  }
0xc: {  	s8 =	sadd.s32 $0x6, s2;
	s24 =	sadd.s32 s0, s12;
	[dreg:$0x19] =	wrdreg s6  }
0xd: {  	s14 =	sadd.s32 s9, s7;
	s20 =	sadd.s32 s18, s8;
	[dreg:$0xa] =	wrdreg s24  }
0xe: {  	s22 =	sadd.s32 $0xC, s2;
	s8 =	sadd.s32 s17, s8;
	[dreg:$0x5] =	wrdreg s20  }
0xf: {  	s14 =	sshrl.u32 s14, $0x3;
	s10 =	sadd.s32 s18, s22;
	[dreg:$0x6] =	wrdreg s8  }
0x10: {  	s12 =	sadd.s32 $0xC000, s21;
	s26 =	sadd.s32 s0, s14;
	[dreg:$0x7] =	wrdreg s10  }
0x11: {  	s14 =	sadd.s32 $0x18, s2;
	s8 =	sadd.s32 s17, s22;
	[dreg:$0xc] =	wrdreg s26  }
0x12: {  	s19 =	sadd.s32 s18, s14;
	[dreg:$0x8] =	wrdreg s8;
	s8 =	sadd.s32 $0x10000, s21  }
0x13: {  	s20 =	sadd.s32 s18, s2;
	[dreg:$0x10] =	wrdreg s19;
	s11 =	sadd.s32 s9, s8  }
0x14: {  	s22 =	smul.u32 $0x4F000, s16;
	[dreg:$0x12] =	wrdreg s20;
	s11 =	sshrl.u32 s11, $0x3  }
0x15: {  	s21 =	sadd.s32 $0x1E, s2;
	s9 =	sadd.s32 s9, s12;
	s11 =	sadd.s32 s0, s11  }
0x16: {  	s24 =	sadd.s32 s18, s21;
	[dreg:$0x9] =	wrdreg s11;
	s11 =	sshrl.u32 s25, $0x3  }
0x17: {  	s9 =	sshrl.u32 s9, $0x3;
	[dreg:$0x14] =	wrdreg s24;
	s11 =	sadd.s32 s0, s11  }
0x18: {  	s25 =	sshrl.u32 s22, $0x2;
	s0 =	sadd.s32 s0, s9;
	[dreg:$0xb] =	wrdreg s11  }
0x19: {  	s23 =	sadd.s32 $0x12, s2;
	s19 =	sadd.s32 s25, s3;
	[dreg:$0xd] =	wrdreg s0  }
0x1a: {  	s11 =	sadd.s32 s18, s23;
	[dreg:$0x18] =	wrdreg s19  }
0x1b: {  	s0 =	sadd.s32 s1, s15;
	s15 =	sadd.s32 s17, s23;
	[dreg:$0xe] =	wrdreg s11  }
0x1c: {  	s1 =	sadd.s32 s17, s14;
	[dreg:$0xf] =	wrdreg s15  }
0x1d: {  	s6 =	sadd.s32 s7, s3;
	s23 =	sadd.s32 s17, s2;
	[dreg:$0x11] =	wrdreg s1  }
0x1e: {  	s2 =	sadd.s32 $0x24, s2;
	[dreg:$0x13] =	wrdreg s23;
	s1 =	sadd.s32 s17, s21  }
0x1f: {  	s26 =	sadd.s32 s18, s2;
	s2 =	sadd.s32 s17, s2;
	s21 =	sadd.s32 s12, s3  }
0x20: {  	s9 =	sadd.s32 $0x210, s0;
	s10 =	sadd.s32 $0x1E0, s0;
	[dreg:$0x15] =	wrdreg s1  }
0x21: {  	s11 =	sadd.s32 $0x1B0, s0;
	s12 =	sadd.s32 $0x270, s0;
	[dreg:$0x16] =	wrdreg s26  }
0x22: {  	[dreg:$0x17] =	wrdreg s2;
	s1 =	sadd.s32 s8, s3;
	s2 =	sadd.s32 s13, s3  }
0x23: {  	s8 =	sadd.s32 $0x240, s0;
	s13 =	sadd.s32 $0x180, s0;
	s0 =	sadd.s32 $0x150, s0  }
0x24: {  	[dreg:$0x1a] =	wrdreg s21;
	s7 =	sshrl.u32 s8, $0x3;
	s8 =	sshrl.u32 s9, $0x3  }
0x25: {  	s9 =	sshrl.u32 s10, $0x3;
	s10 =	sshrl.u32 s11, $0x3;
	s11 =	sshrl.u32 s12, $0x3  }
0x26: {  	s12 =	sshrl.u32 s13, $0x3;
	[dreg:$0x1b] =	wrdreg s0;
	s13 =	sadd.s32 $0x13800, s19  }
0x27: {  	s14 =	sadd.s32 s11, s17;
	[smem:$0x7F2] =	sst s13  }
0x28: {  	s15 =	sadd.s32 s11, s18;
	[dreg:$0x1c] =	wrdreg s14  }
0x29: {  	s16 =	sadd.s32 s7, s17;
	[dreg:$0x1d] =	wrdreg s15  }
0x2a: {  	s20 =	sadd.s32 s7, s18;
	[dreg:$0x1e] =	wrdreg s16  }
0x2b: {  	s22 =	sadd.s32 s8, s17;
	[dreg:$0x1f] =	wrdreg s20  }
0x2c: {  	s23 =	sadd.s32 s8, s18;
	[smem:$0x7E7] =	sst s22  }
0x2d: {  	s24 =	sadd.s32 s9, s17;
	[smem:$0x7E8] =	sst s23  }
0x2e: {  	s25 =	sadd.s32 s9, s18;
	[smem:$0x7E9] =	sst s24  }
0x2f: {  	s26 =	sadd.s32 s10, s17;
	[smem:$0x7EA] =	sst s25  }
0x30: {  	s7 =	sadd.s32 s10, s18;
	[smem:$0x7EB] =	sst s26  }
0x31: {  	s28 =	simm.s32 $0x1EA80;
	s8 =	sadd.s32 s12, s17;
	[smem:$0x7EC] =	sst s7  }
0x32: {  	s29 =	simm.s32 $0x1C;
	s9 =	sadd.s32 s12, s18;
	[smem:$0x7ED] =	sst s8  }
0x33: {  	s30 =	simm.s32 $0x1E980;
	s10 =	sshrl.u32 s2, $0x3;
	[smem:$0x7EE] =	sst s9  }
0x34: {  	s31 =	simm.s32 $0x13C00;
	s11 =	sshrl.u32 s6, $0x3;
	[smem:$0x7EF] =	sst s10  }
0x35: {  	s0 =	simm.s32 $0x16C00;
	s12 =	sshrl.u32 s1, $0x3;
	[smem:$0x7F0] =	sst s11  }
0x36: {  	s17 =	sadd.s32 $0x6000, s19;
	s18 =	sadd.s32 $0x7800, s19;
	[smem:$0x7F1] =	sst s12  }
0x37: {  	s6 =	simm.s32 $0x1D;
	s13 =	simm.s32 $0x17;
	[smem:$0x7F6] =	sst s17  }
0x38: {  	s2 =	simm.s32 $0x0;
	s14 =	sadd.s32 $0x1800, s19;
	[smem:$0x7F7] =	sst s18  }
0x39: {  	s15 =	sadd.s32 $0x3000, s19;
	s16 =	sadd.s32 $0x4800, s19;
	[smem:$0x7F3] =	sst s14  }
0x3a: {  	s20 =	sadd.s32 $0x9000, s19;
	s22 =	sadd.s32 $0xA800, s19;
	[smem:$0x7F4] =	sst s15  }
0x3b: {  	s23 =	sadd.s32 $0xD800, s19;
	s24 =	sadd.s32 $0xF000, s19;
	[smem:$0x7F5] =	sst s16  }
0x3c: {  	s25 =	sadd.s32 $0x10800, s19;
	s26 =	sadd.s32 $0x12000, s19;
	[smem:$0x7F8] =	sst s20  }
0x3d: {  	s17 =	simm.s32 $0x1E780;
	s18 =	simm.s32 $0x30;
	[smem:$0x7F9] =	sst s22  }
0x3e: {  	s10 =	simm.s32 $0xA;
	s12 =	simm.s32 $0x13;
	[smem:$0x7FA] =	sst s23  }
.Ltmp0:
0x3f: {  	s7 =	simm.s32 $0x15;
	[smem:$0x7FB] =	sst s24;
	(pc) =	sbr.rel .LBB2_1-.Ltmp0, $4  }
0x40: {  	s9 =	simm.s32 $0xE;
	s11 =	simm.s32 $0x16;
	[smem:$0x7FC] =	sst s25  }
0x41: {  	[smem:$0x7FD] =	sst s26;
	s23 =	simm.s32 $0x1E880;
	s25 =	simm.s32 $0x1E980  }
0x42: {  	s22 =	simm.s32 $0x19C00;
	s14 =	simm.s32 $0xC;
	s15 =	simm.s32 $0x18  }
0x43: {  	v0 =	vimm.f32 $0.0e+00;
	s20 =	simm.s32 $0x19;
	s24 =	simm.s32 $0x1A;
	s16 =	simm.s32 $0x1B  }
.LBB2_6:
0x44: {  	_ =	swait.ge [sflag:s11], $0x1800  }
0x45: {  	[sflag:s11] =	ssyncset.done $0x0  }
0x46: {  	[sflag:s11] =	ssyncadd.s32 $0xFFFFE800  }
0x47: {  	_ =	swait.ge [sflag:s13], $0x1800  }
0x48: {  	[sflag:s13] =	ssyncset.done $0x0  }
0x49: {  	[sflag:s13] =	ssyncadd.s32 $0xFFFFE800  }
0x4a: {  	_ =	swait.ge [sflag:s15], $0x1800  }
0x4b: {  	[sflag:s15] =	ssyncset.done $0x0  }
0x4c: {  	[sflag:s15] =	ssyncadd.s32 $0xFFFFE800  }
0x4d: {  	_ =	swait.ge [sflag:s20], $0x1800  }
0x4e: {  	[sflag:s20] =	ssyncset.done $0x0  }
0x4f: {  	[sflag:s20] =	ssyncadd.s32 $0xFFFFE800  }
0x50: {  	_ =	swait.ge [sflag:s24], $0x1800  }
0x51: {  	[sflag:s24] =	ssyncset.done $0x0  }
0x52: {  	[sflag:s24] =	ssyncadd.s32 $0xFFFFE800  }
0x53: {  	_ =	swait.ge [sflag:s16], $0x1800  }
0x54: {  	[sflag:s16] =	ssyncset.done $0x0  }
0x55: {  	[sflag:s16] =	ssyncadd.s32 $0xFFFFE800  }
0x56: {  	_ =	swait.ge [sflag:s29], $0x1800  }
0x57: {  	[sflag:s29] =	ssyncset.done $0x0  }
0x58: {  	[sflag:s29] =	ssyncadd.s32 $0xFFFFE800  }
0x59: {  	s1 =	stileid.u32;
	[bflag:$0x0] =	sbarrier.arrive $0xFFFF  }
0x5a: {  	s6 =	simm.s32 $0x1D;
	s1 =	sshll.u32 s1, $0x6;
	s19 =	rddreg [dreg:$0x18]  }
0x5b: {  	s1 =	sor.u32 $0x1C1D, s1;
	s17 =	rddreg [dreg:$0xa];
	s2 =	sshrl.u32 s19, $0x3  }
0x5c: {  	[hbm:s17], [sflag:s1] =	dma.local [spmem:s2], $0x800  }
0x5d: {  	_ =	swait.ge [sflag:s6], $0x800  }
0x5e: {  	s23 =	sld [smem:$0x7EF]  }
0x5f: {  	[sflag:s6] =	ssyncset.done $0x0  }
0x60: {  	s22 =	rddreg [dreg:$0xb];
	[sflag:s6] =	ssyncadd.s32 $0xFFFFF800  }
0x61: {  	[hbm:s22], [sflag:s1] =	dma.local [spmem:s23], $0x800  }
0x62: {  	_ =	swait.ge [sflag:s6], $0x800  }
0x63: {  	s26 =	sld [smem:$0x7F0]  }
0x64: {  	[sflag:s6] =	ssyncset.done $0x0  }
0x65: {  	s25 =	rddreg [dreg:$0xc];
	[sflag:s6] =	ssyncadd.s32 $0xFFFFF800  }
0x66: {  	[hbm:s25], [sflag:s1] =	dma.local [spmem:s26], $0x800  }
0x67: {  	_ =	swait.ge [sflag:s6], $0x800  }
0x68: {  	[sflag:s6] =	ssyncset.done $0x0;
	s21 =	rddreg [dreg:$0x1a]  }
0x69: {  	s8 =	rddreg [dreg:$0xd];
	[sflag:s6] =	ssyncadd.s32 $0xFFFFF800;
	s0 =	sshrl.u32 s21, $0x3  }
0x6a: {  	[hbm:s8], [sflag:s1] =	dma.local [spmem:s0], $0x800  }
0x6b: {  	_ =	swait.ge [sflag:s6], $0x800  }
0x6c: {  	s23 =	sld [smem:$0x7F1]  }
0x6d: {  	[sflag:s6] =	ssyncset.done $0x0  }
0x6e: {  	s22 =	rddreg [dreg:$0x9];
	[sflag:s6] =	ssyncadd.s32 $0xFFFFF800  }
0x6f: {  	[hbm:s22], [sflag:s1] =	dma.local [spmem:s23], $0x780  }
0x70: {  	_ =	swait.ge [sflag:s6], $0x780  }
0x71: {  	s25 =	sld [smem:$0x7E6];
	_ =	sdelay $0x2  }
0x72: {  	s26 =	rddreg [dreg:$0x19];
	s2 =	sadd.s32 $0x1, s25  }
0x73: {  	p0 =	sne.s32 s2, s26  }
.Ltmp1:
0x74: {  	_ = 	snop;
	(pc) =	sbr.rel @!p0 .LBB2_7-.Ltmp1, $4  }
0x75: {  	_ = 	snop  }
0x76: {  	s17 =	simm.s32 $0x1E780  }
0x77: {  	s0 =	simm.s32 $0x16C00;
	s23 =	simm.s32 $0x1E880;
	[sflag:s6] =	ssyncset.done $0x0  }
0x78: {  	s22 =	simm.s32 $0x19C00;
	[sflag:s6] =	ssyncadd.s32 $0xFFFFF880;
	s25 =	simm.s32 $0x1E980  }
.LBB2_1:
0x79: {  	[smem:$0x7E6] =	sst s2  }
0x7a: {  	s1 =	rddreg [dreg:$0x12];
	s26 =	simm.s32 $0x1E400  }
0x7b: {  	[tilespmem:s26], [sflag:$0x1] =	stream.linear.gather [hbm4b:s1+s4], $0x30, $0x38;
	[tilespmem:$0x1EB00] =	vst v63  }
0x7c: {  	s2 =	rddreg [dreg:$0x13]  }
0x7d: {  	[tilespmem:s17], [sflag:$0x8] =	stream.linear.gather [hbm4b:s2+s4], $0x30, $0x38;
	[tilespmem:$0x1EB00] =	vst v63  }
0x7e: {  	s8 =	rddreg [dreg:$0x5];
	s26 =	simm.s32 $0x1E480  }
0x7f: {  	[tilespmem:s26], [sflag:$0x2] =	stream.linear.gather [hbm4b:s8+s4], $0x30, $0x38;
	[tilespmem:$0x1EB00] =	vst v63  }
0x80: {  	s8 =	rddreg [dreg:$0x6];
	s26 =	simm.s32 $0x1E800  }
0x81: {  	[tilespmem:s26], [sflag:$0x9] =	stream.linear.gather [hbm4b:s8+s4], $0x30, $0x38;
	[tilespmem:$0x1EB00] =	vst v63  }
0x82: {  	s2 =	rddreg [dreg:$0x7];
	s8 =	simm.s32 $0x1E500  }
0x83: {  	[tilespmem:s8], [sflag:$0x3] =	stream.linear.gather [hbm4b:s2+s4], $0x30, $0x38;
	[tilespmem:$0x1EB00] =	vst v63  }
0x84: {  	s26 =	rddreg [dreg:$0x8]  }
0x85: {  	[tilespmem:s23], [sflag:$0xA] =	stream.linear.gather [hbm4b:s26+s4], $0x30, $0x38;
	[tilespmem:$0x1EB00] =	vst v63  }
0x86: {  	s2 =	rddreg [dreg:$0xe];
	s8 =	simm.s32 $0x1E580  }
0x87: {  	[tilespmem:s8], [sflag:$0x4] =	stream.linear.gather [hbm4b:s2+s4], $0x30, $0x38;
	[tilespmem:$0x1EB00] =	vst v63  }
0x88: {  	s23 =	rddreg [dreg:$0xf];
	s26 =	simm.s32 $0x1E900  }
0x89: {  	[tilespmem:s26], [sflag:$0xB] =	stream.linear.gather [hbm4b:s23+s4], $0x30, $0x38;
	[tilespmem:$0x1EB00] =	vst v63  }
0x8a: {  	s2 =	rddreg [dreg:$0x10];
	s8 =	simm.s32 $0x1E600  }
0x8b: {  	[tilespmem:s8], [sflag:$0x5] =	stream.linear.gather [hbm4b:s2+s4], $0x30, $0x38;
	[tilespmem:$0x1EB00] =	vst v63  }
0x8c: {  	s23 =	rddreg [dreg:$0x11]  }
0x8d: {  	[tilespmem:s25], [sflag:$0xC] =	stream.linear.gather [hbm4b:s23+s4], $0x30, $0x38;
	[tilespmem:$0x1EB00] =	vst v63  }
0x8e: {  	s26 =	simm.s32 $0x1E680;
	s25 =	rddreg [dreg:$0x14]  }
0x8f: {  	[tilespmem:s26], [sflag:$0x6] =	stream.linear.gather [hbm4b:s25+s4], $0x30, $0x38;
	[tilespmem:$0x1EB00] =	vst v63  }
0x90: {  	s2 =	rddreg [dreg:$0x15];
	s8 =	simm.s32 $0x1EA00  }
0x91: {  	[tilespmem:s8], [sflag:$0xD] =	stream.linear.gather [hbm4b:s2+s4], $0x30, $0x38;
	[tilespmem:$0x1EB00] =	vst v63  }
0x92: {  	s23 =	rddreg [dreg:$0x16];
	s25 =	simm.s32 $0x1E700  }
0x93: {  	[tilespmem:s25], [sflag:$0x7] =	stream.linear.gather [hbm4b:s23+s4], $0x30, $0x38;
	[tilespmem:$0x1EB00] =	vst v63  }
0x94: {  	s1 =	simm.s32 $0x70;
	s26 =	rddreg [dreg:$0x17];
	s2 =	simm.s32 $0x3C0  }
0x95: {  	[tilespmem:s28], [sflag:$0xE] =	stream.linear.gather [hbm4b:s26+s4], $0x30, $0x38;
	[tilespmem:$0x1EB00] =	vst v63  }
.LBB2_2:
0x96: {  	p0 =	sne.s32 s2, $0x5FC0;
	[tilespmem:s1+$0x13C00] =	vst v0  }
0x97: {  	[tilespmem:s1+$0x13B90] =	vst v0  }
0x98: {  	[tilespmem:s1+$0x13BA0] =	vst v0  }
.Ltmp2:
0x99: {  	[tilespmem:s1+$0x13BB0] =	vst v0;
	(pc) =	sbr.rel @p0 .LBB2_2-.Ltmp2, $4  }
0x9a: {  	[tilespmem:s1+$0x13BC0] =	vst v0  }
0x9b: {  	[tilespmem:s1+$0x13BD0] =	vst v0  }
0x9c: {  	[tilespmem:s1+$0x13BE0] =	vst v0  }
0x9d: {  	[tilespmem:s1+$0x13BF0] =	vst v0;
	s1 =	sshra.s32 s2, $0x2;
	s2 =	sadd.s32 $0x200, s2  }
0x9e: {  	[tilespmem:s1+$0x13C00] =	vst v0  }
0x9f: {  	[tilespmem:s1+$0x13B90] =	vst v0  }
0xa0: {  	[tilespmem:s1+$0x13BA0] =	vst v0  }
0xa1: {  	[tilespmem:s1+$0x13BB0] =	vst v0  }
0xa2: {  	[tilespmem:s1+$0x13BC0] =	vst v0  }
0xa3: {  	[tilespmem:s1+$0x13BD0] =	vst v0  }
0xa4: {  	[tilespmem:s1+$0x13BE0] =	vst v0  }
0xa5: {  	[tilespmem:s1+$0x13BF0] =	vst v0;
	s8 =	simm.s32 $0x13C00  }
0xa6: {  	[spmem:s19] =	stream.linear.scatter [tilespmem:s8], [sflag:$0x1D], $0x1800, $0x38;
	[tilespmem:$0x1EB00] =	vst v63  }
0xa7: {  	_ =	swait.ge [sflag:s6], $0x1800  }
0xa8: {  	s19 =	sld [smem:$0x7F3]  }
0xa9: {  	[sflag:s6] =	ssyncset.done $0x0  }
0xaa: {  	s2 =	simm.s32 $0x13C00;
	[sflag:s6] =	ssyncadd.s32 $0xFFFFE800  }
0xab: {  	[spmem:s19] =	stream.linear.scatter [tilespmem:s2], [sflag:$0x1D], $0x1800, $0x38;
	[tilespmem:$0x1EB00] =	vst v63  }
0xac: {  	_ =	swait.ge [sflag:s6], $0x1800  }
0xad: {  	s23 =	sld [smem:$0x7F4]  }
0xae: {  	[sflag:s6] =	ssyncset.done $0x0  }
0xaf: {  	[sflag:s6] =	ssyncadd.s32 $0xFFFFE800  }
0xb0: {  	[spmem:s23] =	stream.linear.scatter [tilespmem:s2], [sflag:$0x1D], $0x1800, $0x38;
	[tilespmem:$0x1EB00] =	vst v63  }
0xb1: {  	_ =	swait.ge [sflag:s6], $0x1800  }
0xb2: {  	s25 =	sld [smem:$0x7F5]  }
0xb3: {  	[sflag:s6] =	ssyncset.done $0x0  }
0xb4: {  	[sflag:s6] =	ssyncadd.s32 $0xFFFFE800  }
0xb5: {  	[spmem:s25] =	stream.linear.scatter [tilespmem:s2], [sflag:$0x1D], $0x1800, $0x38;
	[tilespmem:$0x1EB00] =	vst v63  }
0xb6: {  	_ =	swait.ge [sflag:s6], $0x1800  }
0xb7: {  	s26 =	sld [smem:$0x7F6]  }
0xb8: {  	[sflag:s6] =	ssyncset.done $0x0  }
0xb9: {  	[sflag:s6] =	ssyncadd.s32 $0xFFFFE800  }
0xba: {  	[spmem:s26] =	stream.linear.scatter [tilespmem:s2], [sflag:$0x1D], $0x1800, $0x38;
	[tilespmem:$0x1EB00] =	vst v63  }
0xbb: {  	_ =	swait.ge [sflag:s6], $0x1800  }
0xbc: {  	s28 =	sld [smem:$0x7F7]  }
0xbd: {  	[sflag:s6] =	ssyncset.done $0x0  }
0xbe: {  	[sflag:s6] =	ssyncadd.s32 $0xFFFFE800  }
0xbf: {  	[spmem:s28] =	stream.linear.scatter [tilespmem:s2], [sflag:$0x1D], $0x1800, $0x38;
	[tilespmem:$0x1EB00] =	vst v63  }
0xc0: {  	_ =	swait.ge [sflag:s6], $0x1800  }
0xc1: {  	s8 =	sld [smem:$0x7F8]  }
0xc2: {  	[sflag:s6] =	ssyncset.done $0x0  }
0xc3: {  	[sflag:s6] =	ssyncadd.s32 $0xFFFFE800  }
0xc4: {  	[spmem:s8] =	stream.linear.scatter [tilespmem:s2], [sflag:$0x1D], $0x1800, $0x38;
	[tilespmem:$0x1EB00] =	vst v63  }
0xc5: {  	_ =	swait.ge [sflag:s6], $0x1800  }
0xc6: {  	s19 =	sld [smem:$0x7F9]  }
0xc7: {  	[sflag:s6] =	ssyncset.done $0x0  }
0xc8: {  	[sflag:s6] =	ssyncadd.s32 $0xFFFFE800  }
0xc9: {  	[spmem:s19] =	stream.linear.scatter [tilespmem:s2], [sflag:$0x1D], $0x1800, $0x38;
	[tilespmem:$0x1EB00] =	vst v63  }
0xca: {  	_ =	swait.ge [sflag:s6], $0x1800  }
0xcb: {  	[sflag:s6] =	ssyncset.done $0x0  }
0xcc: {  	[sflag:s6] =	ssyncadd.s32 $0xFFFFE800  }
0xcd: {  	[spmem:s21] =	stream.linear.scatter [tilespmem:s2], [sflag:$0x1D], $0x1800, $0x38;
	[tilespmem:$0x1EB00] =	vst v63  }
0xce: {  	_ =	swait.ge [sflag:s6], $0x1800  }
0xcf: {  	s21 =	sld [smem:$0x7FA]  }
0xd0: {  	[sflag:s6] =	ssyncset.done $0x0  }
0xd1: {  	[sflag:s6] =	ssyncadd.s32 $0xFFFFE800  }
0xd2: {  	[spmem:s21] =	stream.linear.scatter [tilespmem:s2], [sflag:$0x1D], $0x1800, $0x38;
	[tilespmem:$0x1EB00] =	vst v63  }
0xd3: {  	_ =	swait.ge [sflag:s6], $0x1800  }
0xd4: {  	s23 =	sld [smem:$0x7FB]  }
0xd5: {  	[sflag:s6] =	ssyncset.done $0x0  }
0xd6: {  	[sflag:s6] =	ssyncadd.s32 $0xFFFFE800  }
0xd7: {  	[spmem:s23] =	stream.linear.scatter [tilespmem:s2], [sflag:$0x1D], $0x1800, $0x38;
	[tilespmem:$0x1EB00] =	vst v63  }
0xd8: {  	_ =	swait.ge [sflag:s6], $0x1800  }
0xd9: {  	s25 =	sld [smem:$0x7FC]  }
0xda: {  	[sflag:s6] =	ssyncset.done $0x0  }
0xdb: {  	[sflag:s6] =	ssyncadd.s32 $0xFFFFE800  }
0xdc: {  	[spmem:s25] =	stream.linear.scatter [tilespmem:s2], [sflag:$0x1D], $0x1800, $0x38;
	[tilespmem:$0x1EB00] =	vst v63  }
0xdd: {  	_ =	swait.ge [sflag:s6], $0x1800  }
0xde: {  	s26 =	sld [smem:$0x7FD]  }
0xdf: {  	[sflag:s6] =	ssyncset.done $0x0  }
0xe0: {  	[sflag:s6] =	ssyncadd.s32 $0xFFFFE800  }
0xe1: {  	[spmem:s26] =	stream.linear.scatter [tilespmem:s2], [sflag:$0x1D], $0x1800, $0x38;
	[tilespmem:$0x1EB00] =	vst v63  }
0xe2: {  	_ =	swait.ge [sflag:s6], $0x1800  }
0xe3: {  	s28 =	sld [smem:$0x7F2]  }
0xe4: {  	[sflag:s6] =	ssyncset.done $0x0  }
0xe5: {  	[sflag:s6] =	ssyncadd.s32 $0xFFFFE800  }
0xe6: {  	[spmem:s28] =	stream.linear.scatter [tilespmem:s2], [sflag:$0x1D], $0x400, $0x38;
	[tilespmem:$0x1EB00] =	vst v63  }
0xe7: {  	_ =	swait.ge [sflag:s6], $0x400  }
0xe8: {  	[sflag:s6] =	ssyncset.done $0x0  }
0xe9: {  	s8 =	simm.s32 $0x1;
	[sflag:s6] =	ssyncadd.s32 $0xFFFFFC00  }
0xea: {  	_ =	swait.ge [sflag:s8], $0x30  }
0xeb: {  	[sflag:s8] =	ssyncset.done $0x0  }
0xec: {  	s19 =	simm.s32 $0x1E400;
	s21 =	simm.s32 $0x2;
	[sflag:s8] =	ssyncadd.s32 $0xFFFFFFD0  }
0xed: {  	[tilespmem:s2], [sflag:$0xF] =	stream.indirect.gather [hbm4b:s5+s18], $0x80, s19, s18, $0xb8;
	[tilespmem:$0x1EB00] =	vst v63  }
0xee: {  	_ =	swait.ge [sflag:s21], $0x30  }
0xef: {  	s23 =	simm.s32 $0x1E480;
	[sflag:s21] =	ssyncset.done $0x0  }
0xf0: {  	s25 =	simm.s32 $0x15400;
	s26 =	simm.s32 $0x3;
	[sflag:s21] =	ssyncadd.s32 $0xFFFFFFD0  }
0xf1: {  	[tilespmem:s25], [sflag:$0x10] =	stream.indirect.gather [hbm4b:s5+s18], $0x80, s23, s18, $0xb8;
	[tilespmem:$0x1EB00] =	vst v63  }
0xf2: {  	_ =	swait.ge [sflag:s26], $0x30  }
0xf3: {  	[sflag:s26] =	ssyncset.done $0x0  }
0xf4: {  	s1 =	simm.s32 $0x4;
	s28 =	simm.s32 $0x1E500;
	[sflag:s26] =	ssyncadd.s32 $0xFFFFFFD0  }
0xf5: {  	[tilespmem:s0], [sflag:$0x11] =	stream.indirect.gather [hbm4b:s5+s18], $0x80, s28, s18, $0xb8;
	[tilespmem:$0x1EB00] =	vst v63  }
0xf6: {  	_ =	swait.ge [sflag:s1], $0x30  }
0xf7: {  	s6 =	simm.s32 $0x1E580;
	[sflag:s1] =	ssyncset.done $0x0  }
0xf8: {  	s8 =	simm.s32 $0x18400;
	s19 =	simm.s32 $0x5;
	[sflag:s1] =	ssyncadd.s32 $0xFFFFFFD0  }
0xf9: {  	[tilespmem:s8], [sflag:$0x12] =	stream.indirect.gather [hbm4b:s5+s18], $0x80, s6, s18, $0xb8;
	[tilespmem:$0x1EB00] =	vst v63  }
0xfa: {  	_ =	swait.ge [sflag:s19], $0x30  }
0xfb: {  	[sflag:s19] =	ssyncset.done $0x0  }
0xfc: {  	s21 =	simm.s32 $0x1E600;
	[sflag:s19] =	ssyncadd.s32 $0xFFFFFFD0  }
0xfd: {  	[tilespmem:s22], [sflag:$0x13] =	stream.indirect.gather [hbm4b:s5+s18], $0x80, s21, s18, $0xb8;
	[tilespmem:$0x1EB00] =	vst v63  }
0xfe: {  	s22 =	simm.s32 $0x6  }
0xff: {  	_ =	swait.ge [sflag:s22], $0x30  }
0x100: {  	s23 =	simm.s32 $0x1E680;
	[sflag:s22] =	ssyncset.done $0x0  }
0x101: {  	s25 =	simm.s32 $0x1B400;
	s26 =	simm.s32 $0x7;
	[sflag:s22] =	ssyncadd.s32 $0xFFFFFFD0  }
0x102: {  	[tilespmem:s25], [sflag:$0x14] =	stream.indirect.gather [hbm4b:s5+s18], $0x80, s23, s18, $0xb8;
	[tilespmem:$0x1EB00] =	vst v63  }
0x103: {  	_ =	swait.ge [sflag:s26], $0x30  }
0x104: {  	s28 =	simm.s32 $0x1E700;
	[sflag:s26] =	ssyncset.done $0x0  }
0x105: {  	s0 =	simm.s32 $0x16C00;
	s8 =	simm.s32 $0x1CC00;
	[sflag:s26] =	ssyncadd.s32 $0xFFFFFFD0  }
0x106: {  	[tilespmem:s8], [sflag:$0x15] =	stream.indirect.gather [hbm4b:s5+s18], $0x80, s28, s18, $0xb8;
	[tilespmem:$0x1EB00] =	vst v63  }
0x107: {  	s6 =	simm.s32 $0x1EA80;
	s22 =	simm.s32 $0x19C00;
	[bflag:$0x0] =	sbarrier.arrive $0xFFFF  }
0x108: {  	s25 =	simm.s32 $0x1E880;
	s26 =	simm.s32 $0x0;
	s21 =	rddreg [dreg:$0x1b]  }
.LBB2_4:
0x109: {  	s1 =	simm.s32 $0xF  }
0x10a: {  	_ =	swait.ge [sflag:s1], $0x1800  }
0x10b: {  	[sflag:s1] =	ssyncset.done $0x0  }
0x10c: {  	s23 =	simm.s32 $0x8;
	[sflag:s1] =	ssyncadd.s32 $0xFFFFE800  }
0x10d: {  	_ =	swait.ge [sflag:s23], $0x30  }
0x10e: {  	p0 =	seq.s32 s26, $0x4C2;
	[sflag:s23] =	ssyncset.done $0x0  }
0x10f: {  	s1 =	simm.s32 @p0 $0x10;
	[sflag:s23] =	ssyncadd.s32 $0xFFFFFFD0  }
0x110: {  	[spmem:s3] =	stream.indirect.scatter.add.f32 [tilespmem:s2], [sflag:$0x16], $0x80, s17, s18, $0xb8;
	[tilespmem:$0x1EB00] =	vst v63  }
0x111: {  	_ =	swait.ge @p0 [sflag:s1], $0x1800  }
0x112: {  	[sflag:s1] =	ssyncset.done @p0 $0x0  }
0x113: {  	[sflag:s1] =	ssyncadd.s32 @p0 $0xFFFFE800;
	s1 =	simm.s32 @p0 $0x9  }
0x114: {  	_ =	swait.ge @p0 [sflag:s1], $0x30  }
0x115: {  	s2 =	simm.s32 @p0 $0x1E800;
	[sflag:s1] =	ssyncset.done @p0 $0x0  }
0x116: {  	s17 =	simm.s32 @p0 $0x15400;
	[sflag:s1] =	ssyncadd.s32 @p0 $0xFFFFFFD0;
	s1 =	simm.s32 @p0 $0x30  }
0x117: {  	[spmem:s3] =	stream.indirect.scatter.add.f32 @p0 [tilespmem:s17], [sflag:$0x17], $0x80, s2, s1, $0xb8;
	[tilespmem:$0x1EB00] =	vst v63  }
0x118: {  	s2 =	sshrl.u32 @!p0 s21, $0x3;
	s17 =	rddreg [dreg:$0x4]  }
0x119: {  	s28 =	simm.s32 @!p0 $0x1E400;
	s2 =	sadd.s32 @!p0 s17, s2;
	s17 =	simm.s32 @!p0 $0x0  }
0x11a: {  	[tilespmem:s28], [sflag:$0x1] =	stream.linear.gather @!p0 [hbm4b:s2+s17], $0x30, $0x38;
	[tilespmem:$0x1EB00] =	vst v63  }
0x11b: {  	s2 =	simm.s32 @!p0 $0x10  }
0x11c: {  	_ =	swait.ge @!p0 [sflag:s2], $0x1800  }
0x11d: {  	[sflag:s2] =	ssyncset.done @!p0 $0x0  }
0x11e: {  	[sflag:s2] =	ssyncadd.s32 @!p0 $0xFFFFE800;
	s2 =	simm.s32 @!p0 $0x9  }
0x11f: {  	_ =	swait.ge @!p0 [sflag:s2], $0x30  }
0x120: {  	s19 =	simm.s32 @!p0 $0x15400;
	[sflag:s2] =	ssyncset.done @!p0 $0x0  }
0x121: {  	s28 =	simm.s32 @!p0 $0x1E800;
	[sflag:s2] =	ssyncadd.s32 @!p0 $0xFFFFFFD0;
	s2 =	simm.s32 @!p0 $0x30  }
0x122: {  	[spmem:s3] =	stream.indirect.scatter.add.f32 @!p0 [tilespmem:s19], [sflag:$0x17], $0x80, s28, s2, $0xb8;
	[tilespmem:$0x1EB00] =	vst v63  }
0x123: {  	s19 =	sld [smem:$0x7EE];
	_ =	sdelay $0x2  }
0x124: {  	s28 =	simm.s32 @!p0 $0x1E480;
	s19 =	sadd.s32 @!p0 s26, s19  }
0x125: {  	[tilespmem:s28], [sflag:$0x2] =	stream.linear.gather @!p0 [hbm4b:s19+s17], $0x30, $0x38;
	[tilespmem:$0x1EB00] =	vst v63  }
0x126: {  	s19 =	simm.s32 $0x11  }
0x127: {  	_ =	swait.ge [sflag:s19], $0x1800  }
0x128: {  	[sflag:s19] =	ssyncset.done $0x0  }
0x129: {  	[sflag:s19] =	ssyncadd.s32 $0xFFFFE800  }
0x12a: {  	_ =	swait.ge [sflag:s10], $0x30  }
0x12b: {  	[sflag:s10] =	ssyncset.done $0x0  }
0x12c: {  	s19 =	simm.s32 @p0 $0x12;
	[sflag:s10] =	ssyncadd.s32 $0xFFFFFFD0  }
0x12d: {  	[spmem:s3] =	stream.indirect.scatter.add.f32 [tilespmem:s0], [sflag:$0x18], $0x80, s25, s18, $0xb8;
	[tilespmem:$0x1EB00] =	vst v63  }
0x12e: {  	_ =	swait.ge @p0 [sflag:s19], $0x1800  }
0x12f: {  	[sflag:s19] =	ssyncset.done @p0 $0x0  }
0x130: {  	[sflag:s19] =	ssyncadd.s32 @p0 $0xFFFFE800;
	s19 =	simm.s32 @p0 $0xB  }
0x131: {  	_ =	swait.ge @p0 [sflag:s19], $0x30  }
0x132: {  	[sflag:s19] =	ssyncset.done @p0 $0x0  }
0x133: {  	s28 =	simm.s32 @p0 $0x18400;
	[sflag:s19] =	ssyncadd.s32 @p0 $0xFFFFFFD0;
	s19 =	simm.s32 @p0 $0x1E900  }
0x134: {  	[spmem:s3] =	stream.indirect.scatter.add.f32 @p0 [tilespmem:s28], [sflag:$0x19], $0x80, s19, s1, $0xb8;
	[tilespmem:$0x1EB00] =	vst v63  }
0x135: {  	s19 =	sld [smem:$0x7EC];
	_ =	sdelay $0x2  }
0x136: {  	s28 =	simm.s32 @!p0 $0x1E500;
	s19 =	sadd.s32 @!p0 s26, s19  }
0x137: {  	[tilespmem:s28], [sflag:$0x3] =	stream.linear.gather @!p0 [hbm4b:s19+s17], $0x30, $0x38;
	[tilespmem:$0x1EB00] =	vst v63  }
0x138: {  	s19 =	simm.s32 @!p0 $0x12  }
0x139: {  	_ =	swait.ge @!p0 [sflag:s19], $0x1800  }
0x13a: {  	[sflag:s19] =	ssyncset.done @!p0 $0x0  }
0x13b: {  	[sflag:s19] =	ssyncadd.s32 @!p0 $0xFFFFE800;
	s19 =	simm.s32 @!p0 $0xB  }
0x13c: {  	_ =	swait.ge @!p0 [sflag:s19], $0x30  }
0x13d: {  	[sflag:s19] =	ssyncset.done @!p0 $0x0  }
0x13e: {  	s28 =	simm.s32 @!p0 $0x18400;
	[sflag:s19] =	ssyncadd.s32 @!p0 $0xFFFFFFD0;
	s19 =	simm.s32 @!p0 $0x1E900  }
0x13f: {  	[spmem:s3] =	stream.indirect.scatter.add.f32 @!p0 [tilespmem:s28], [sflag:$0x19], $0x80, s19, s2, $0xb8;
	[tilespmem:$0x1EB00] =	vst v63  }
0x140: {  	s19 =	sld [smem:$0x7EA];
	_ =	sdelay $0x2  }
0x141: {  	s28 =	simm.s32 @!p0 $0x1E580;
	s19 =	sadd.s32 @!p0 s26, s19  }
0x142: {  	[tilespmem:s28], [sflag:$0x4] =	stream.linear.gather @!p0 [hbm4b:s19+s17], $0x30, $0x38;
	[tilespmem:$0x1EB00] =	vst v63  }
0x143: {  	_ =	swait.ge [sflag:s12], $0x1800  }
0x144: {  	[sflag:s12] =	ssyncset.done $0x0  }
0x145: {  	[sflag:s12] =	ssyncadd.s32 $0xFFFFE800  }
0x146: {  	_ =	swait.ge [sflag:s14], $0x30  }
0x147: {  	[sflag:s14] =	ssyncset.done $0x0  }
0x148: {  	s19 =	simm.s32 @p0 $0x14;
	[sflag:s14] =	ssyncadd.s32 $0xFFFFFFD0  }
0x149: {  	[spmem:s3] =	stream.indirect.scatter.add.f32 [tilespmem:s22], [sflag:$0x1A], $0x80, s30, s18, $0xb8;
	[tilespmem:$0x1EB00] =	vst v63  }
0x14a: {  	_ =	swait.ge @p0 [sflag:s19], $0x1800  }
0x14b: {  	[sflag:s19] =	ssyncset.done @p0 $0x0  }
0x14c: {  	[sflag:s19] =	ssyncadd.s32 @p0 $0xFFFFE800;
	s19 =	simm.s32 @p0 $0xD  }
0x14d: {  	_ =	swait.ge @p0 [sflag:s19], $0x30  }
0x14e: {  	[sflag:s19] =	ssyncset.done @p0 $0x0  }
0x14f: {  	s28 =	simm.s32 @p0 $0x1B400;
	[sflag:s19] =	ssyncadd.s32 @p0 $0xFFFFFFD0;
	s19 =	simm.s32 @p0 $0x1EA00  }
0x150: {  	[spmem:s3] =	stream.indirect.scatter.add.f32 @p0 [tilespmem:s28], [sflag:$0x1B], $0x80, s19, s1, $0xb8;
	[tilespmem:$0x1EB00] =	vst v63  }
0x151: {  	s1 =	sld [smem:$0x7E8];
	_ =	sdelay $0x2  }
0x152: {  	s19 =	simm.s32 @!p0 $0x1E600;
	s1 =	sadd.s32 @!p0 s26, s1  }
0x153: {  	[tilespmem:s19], [sflag:$0x5] =	stream.linear.gather @!p0 [hbm4b:s1+s17], $0x30, $0x38;
	[tilespmem:$0x1EB00] =	vst v63  }
0x154: {  	s1 =	simm.s32 @!p0 $0x14  }
0x155: {  	_ =	swait.ge @!p0 [sflag:s1], $0x1800  }
0x156: {  	[sflag:s1] =	ssyncset.done @!p0 $0x0  }
0x157: {  	[sflag:s1] =	ssyncadd.s32 @!p0 $0xFFFFE800;
	s1 =	simm.s32 @!p0 $0xD  }
0x158: {  	_ =	swait.ge @!p0 [sflag:s1], $0x30  }
0x159: {  	[sflag:s1] =	ssyncset.done @!p0 $0x0  }
0x15a: {  	s19 =	simm.s32 @!p0 $0x1B400;
	[sflag:s1] =	ssyncadd.s32 @!p0 $0xFFFFFFD0;
	s1 =	simm.s32 @!p0 $0x1EA00  }
0x15b: {  	[spmem:s3] =	stream.indirect.scatter.add.f32 @!p0 [tilespmem:s19], [sflag:$0x1B], $0x80, s1, s2, $0xb8;
	[tilespmem:$0x1EB00] =	vst v63  }
0x15c: {  	s1 =	rddreg [dreg:$0x1f]  }
0x15d: {  	s2 =	simm.s32 @!p0 $0x1E680;
	s1 =	sadd.s32 @!p0 s26, s1  }
0x15e: {  	[tilespmem:s2], [sflag:$0x6] =	stream.linear.gather @!p0 [hbm4b:s1+s17], $0x30, $0x38;
	[tilespmem:$0x1EB00] =	vst v63  }
0x15f: {  	_ =	swait.ge [sflag:s7], $0x1800  }
0x160: {  	[sflag:s7] =	ssyncset.done $0x0  }
0x161: {  	[sflag:s7] =	ssyncadd.s32 $0xFFFFE800  }
.Ltmp3:
0x162: {  	_ =	swait.ge [sflag:s9], $0x30;
	(pc) =	sbr.rel @p0 .LBB2_6-.Ltmp3, $4  }
0x163: {  	[sflag:s9] =	ssyncset.done $0x0  }
0x164: {  	[sflag:s9] =	ssyncadd.s32 $0xFFFFFFD0  }
0x165: {  	[spmem:s3] =	stream.indirect.scatter.add.f32 [tilespmem:s8], [sflag:$0x1C], $0x80, s6, s18, $0xb8;
	[tilespmem:$0x1EB00] =	vst v63  }
0x166: {  	s23 =	simm.s32 $0x1E780;
	s28 =	simm.s32 $0x1EA80;
	s6 =	simm.s32 $0x1CC00  }
0x167: {  	s1 =	rddreg [dreg:$0x1d]  }
0x168: {  	s17 =	simm.s32 $0x1E700;
	s1 =	sadd.s32 s26, s1  }
0x169: {  	[tilespmem:s17], [sflag:$0x7] =	stream.linear.gather [hbm4b:s1+s4], $0x30, $0x38;
	[tilespmem:$0x1EB00] =	vst v63  }
0x16a: {  	_ =	swait.ge [sflag:s11], $0x1800  }
0x16b: {  	[sflag:s11] =	ssyncset.done $0x0  }
0x16c: {  	[sflag:s11] =	ssyncadd.s32 $0xFFFFE800  }
0x16d: {  	s19 =	sshrl.u32 s21, $0x3;
	s2 =	rddreg [dreg:$0x1]  }
0x16e: {  	s1 =	sadd.s32 s2, s19;
	s2 =	simm.s32 $0x1  }
0x16f: {  	[tilespmem:s23], [sflag:$0x8] =	stream.linear.gather [hbm4b:s1+s4], $0x30, $0x38;
	[tilespmem:$0x1EB00] =	vst v63  }
0x170: {  	_ =	swait.ge [sflag:s2], $0x30  }
0x171: {  	[sflag:s2] =	ssyncset.done $0x0  }
0x172: {  	s8 =	simm.s32 $0x1E400;
	[sflag:s2] =	ssyncadd.s32 $0xFFFFFFD0  }
0x173: {  	[tilespmem:s31], [sflag:$0xF] =	stream.indirect.gather [hbm4b:s5+s18], $0x80, s8, s18, $0xb8;
	[tilespmem:$0x1EB00] =	vst v63  }
0x174: {  	_ =	swait.ge [sflag:s13], $0x1800  }
0x175: {  	s19 =	sld [smem:$0x7ED];
	_ =	sdelay $0x1  }
0x176: {  	s23 =	simm.s32 $0x1E800;
	[sflag:s13] =	ssyncset.done $0x0  }
0x177: {  	s2 =	simm.s32 $0x2;
	[sflag:s13] =	ssyncadd.s32 $0xFFFFE800;
	s1 =	sadd.s32 s26, s19  }
0x178: {  	[tilespmem:s23], [sflag:$0x9] =	stream.linear.gather [hbm4b:s1+s4], $0x30, $0x38;
	[tilespmem:$0x1EB00] =	vst v63  }
0x179: {  	_ =	swait.ge [sflag:s2], $0x30  }
0x17a: {  	[sflag:s2] =	ssyncset.done $0x0  }
0x17b: {  	s8 =	simm.s32 $0x1E480;
	s19 =	simm.s32 $0x15400;
	[sflag:s2] =	ssyncadd.s32 $0xFFFFFFD0  }
0x17c: {  	[tilespmem:s19], [sflag:$0x10] =	stream.indirect.gather [hbm4b:s5+s18], $0x80, s8, s18, $0xb8;
	[tilespmem:$0x1EB00] =	vst v63  }
0x17d: {  	_ =	swait.ge [sflag:s15], $0x1800  }
0x17e: {  	s23 =	sld [smem:$0x7EB];
	_ =	sdelay $0x1  }
0x17f: {  	[sflag:s15] =	ssyncset.done $0x0  }
0x180: {  	s2 =	simm.s32 $0x3;
	[sflag:s15] =	ssyncadd.s32 $0xFFFFE800;
	s1 =	sadd.s32 s26, s23  }
0x181: {  	[tilespmem:s25], [sflag:$0xA] =	stream.linear.gather [hbm4b:s1+s4], $0x30, $0x38;
	[tilespmem:$0x1EB00] =	vst v63  }
0x182: {  	_ =	swait.ge [sflag:s2], $0x30  }
0x183: {  	[sflag:s2] =	ssyncset.done $0x0  }
0x184: {  	s8 =	simm.s32 $0x1E500;
	[sflag:s2] =	ssyncadd.s32 $0xFFFFFFD0  }
0x185: {  	[tilespmem:s0], [sflag:$0x11] =	stream.indirect.gather [hbm4b:s5+s18], $0x80, s8, s18, $0xb8;
	[tilespmem:$0x1EB00] =	vst v63  }
0x186: {  	_ =	swait.ge [sflag:s20], $0x1800  }
0x187: {  	s19 =	sld [smem:$0x7E9];
	_ =	sdelay $0x1  }
0x188: {  	s23 =	simm.s32 $0x1E900;
	[sflag:s20] =	ssyncset.done $0x0  }
0x189: {  	s2 =	simm.s32 $0x4;
	[sflag:s20] =	ssyncadd.s32 $0xFFFFE800;
	s1 =	sadd.s32 s26, s19  }
0x18a: {  	[tilespmem:s23], [sflag:$0xB] =	stream.linear.gather [hbm4b:s1+s4], $0x30, $0x38;
	[tilespmem:$0x1EB00] =	vst v63  }
0x18b: {  	_ =	swait.ge [sflag:s2], $0x30  }
0x18c: {  	[sflag:s2] =	ssyncset.done $0x0  }
0x18d: {  	s8 =	simm.s32 $0x1E580;
	s19 =	simm.s32 $0x18400;
	[sflag:s2] =	ssyncadd.s32 $0xFFFFFFD0  }
0x18e: {  	[tilespmem:s19], [sflag:$0x12] =	stream.indirect.gather [hbm4b:s5+s18], $0x80, s8, s18, $0xb8;
	[tilespmem:$0x1EB00] =	vst v63  }
0x18f: {  	_ =	swait.ge [sflag:s24], $0x1800  }
0x190: {  	s23 =	sld [smem:$0x7E7];
	_ =	sdelay $0x1  }
0x191: {  	[sflag:s24] =	ssyncset.done $0x0  }
0x192: {  	s2 =	simm.s32 $0x5;
	[sflag:s24] =	ssyncadd.s32 $0xFFFFE800;
	s1 =	sadd.s32 s26, s23  }
0x193: {  	[tilespmem:s30], [sflag:$0xC] =	stream.linear.gather [hbm4b:s1+s4], $0x30, $0x38;
	[tilespmem:$0x1EB00] =	vst v63  }
0x194: {  	_ =	swait.ge [sflag:s2], $0x30  }
0x195: {  	[sflag:s2] =	ssyncset.done $0x0  }
0x196: {  	s8 =	simm.s32 $0x1E600;
	[sflag:s2] =	ssyncadd.s32 $0xFFFFFFD0  }
0x197: {  	[tilespmem:s22], [sflag:$0x13] =	stream.indirect.gather [hbm4b:s5+s18], $0x80, s8, s18, $0xb8;
	[tilespmem:$0x1EB00] =	vst v63  }
0x198: {  	_ =	swait.ge [sflag:s16], $0x1800  }
0x199: {  	s23 =	simm.s32 $0x1EA00;
	[sflag:s16] =	ssyncset.done $0x0;
	s19 =	rddreg [dreg:$0x1e]  }
0x19a: {  	s2 =	simm.s32 $0x6;
	[sflag:s16] =	ssyncadd.s32 $0xFFFFE800;
	s1 =	sadd.s32 s26, s19  }
0x19b: {  	[tilespmem:s23], [sflag:$0xD] =	stream.linear.gather [hbm4b:s1+s4], $0x30, $0x38;
	[tilespmem:$0x1EB00] =	vst v63  }
0x19c: {  	_ =	swait.ge [sflag:s2], $0x30  }
0x19d: {  	[sflag:s2] =	ssyncset.done $0x0  }
0x19e: {  	s8 =	simm.s32 $0x1E680;
	s19 =	simm.s32 $0x1B400;
	[sflag:s2] =	ssyncadd.s32 $0xFFFFFFD0  }
0x19f: {  	[tilespmem:s19], [sflag:$0x14] =	stream.indirect.gather [hbm4b:s5+s18], $0x80, s8, s18, $0xb8;
	[tilespmem:$0x1EB00] =	vst v63  }
0x1a0: {  	_ =	swait.ge [sflag:s29], $0x1800  }
0x1a1: {  	[sflag:s29] =	ssyncset.done $0x0;
	s23 =	rddreg [dreg:$0x1c]  }
0x1a2: {  	[sflag:s29] =	ssyncadd.s32 $0xFFFFE800;
	s1 =	sadd.s32 s26, s23  }
0x1a3: {  	[tilespmem:s28], [sflag:$0xE] =	stream.linear.gather [hbm4b:s1+s4], $0x30, $0x38;
	[tilespmem:$0x1EB00] =	vst v63  }
0x1a4: {  	s28 =	simm.s32 $0x7  }
.Ltmp4:
0x1a5: {  	_ =	swait.ge [sflag:s28], $0x30;
	(pc) =	sbr.rel .LBB2_4-.Ltmp4, $4  }
0x1a6: {  	s21 =	sadd.s32 $0x150, s21;
	[sflag:s28] =	ssyncset.done $0x0  }
0x1a7: {  	s2 =	simm.s32 $0x13C00;
	s8 =	simm.s32 $0x1CC00;
	[sflag:s28] =	ssyncadd.s32 $0xFFFFFFD0  }
0x1a8: {  	[tilespmem:s6], [sflag:$0x15] =	stream.indirect.gather [hbm4b:s5+s18], $0x80, s17, s18, $0xb8;
	[tilespmem:$0x1EB00] =	vst v63  }
0x1a9: {  	s26 =	sadd.s32 $0x2A, s26;
	s17 =	simm.s32 $0x1E780;
	s6 =	simm.s32 $0x1EA80  }
.LBB2_7:
0x1aa: {  	_ =	sfence.sel $0x180000  }
0x1ab: {  	[bflag:$0x0] =	sbarrier.arrive $0xFFFF  }
0x1ac: {  	_ =	strace $0x9000004A  }
0x1ad: {  	s0 =	stileid.u32;
	[bflag:$0x2] =	sbarrier.arrive $0xFFFF  }
0x1ae: {  	p0 =	sne.s32 s0, $0x0;
	s0 =	rddreg [dreg:$0x3]  }
0x1af: {  	s0 =	sadd.s32 @!p0 $0x100000, s0  }
0x1b0: {  	[sflag:s0] =	ssyncadd.tile.s32 @!p0 $0x1;
	_ =	shalt  }
.Lfunc_end2:
_tile_overlayer_lowered:
.L_overlay_start_2:
0x1b1: {  	(tag) =	ssettag $0x2  }
0x1b2: {  	s0 =	rddreg [dreg:$0x0];
	s2 =	stileid.u32  }
0x1b3: {  	s1 =	rddreg [dreg:$0x1];
	p0 =	sne.s32 s2, $0x0  }
0x1b4: {  	s3 =	rddreg [dreg:$0x2];
	[bflag:$0x3] =	sbarrier.arrive $0xFFFF;
	s2 =	simm.s32 @!p0 $0x1C1D  }
0x1b5: {  	[timem:s3], [sflag:s2] =	dma.local @!p0 [hbm:s0], s1  }
0x1b6: {  	s0 =	simm.s32 @!p0 $0x1D  }
0x1b7: {  	_ =	swait.ge @!p0 [sflag:s0], s1  }
0x1b8: {  	s1 =	ssub.s32 @!p0 $0x0, s1;
	[sflag:s0] =	ssyncset.done @!p0 $0x0  }
0x1b9: {  	[sflag:s0] =	ssyncadd.s32 @!p0 s1  }
0x1ba: {  	[bflag:$0x3] =	sbarrier.arrive $0xFFFF  }
0x1bb: {  	_ =	shalt  }

// kernel: kernel.15.cloned.1.call-start
scs
__scs_entry_jumppad:
0x0: {  	(pc) =	sbr.rel $0x88, $3  }
0x1: {  	(tag) =	ssettag $0x0;
	lr =	simm.s32 $0x1  }
0x2: {  	[smem:$0x3F9B] =	sst lr;
	_ =	strace $0xD0000000  }
0x3: {  	_ = 	snop  }
0x4: {  	_ = 	snop  }
0x5: {  	_ = 	snop  }
0x6: {  	_ = 	snop  }
0x7: {  	_ = 	snop  }
__scs_overlays_trampoline_lowered:
0x8: {  	[smem:$0x3FAA] =	sst s0  }
0x9: {  	[smem:$0x3FAB] =	sst s1  }
0xa: {  	[smem:$0x3FAC] =	sst s2  }
0xb: {  	[smem:$0x3FAD] =	sst s3  }
0xc: {  	[smem:$0x3FAE] =	sst s4  }
0xd: {  	[smem:$0x3FAF] =	sst s5  }
0xe: {  	[smem:$0x3FB0] =	sst s6  }
0xf: {  	[smem:$0x3FB1] =	sst s7  }
0x10: {  	[smem:$0x3FB2] =	sst s8  }
0x11: {  	[smem:$0x3FB3] =	sst s9;
	s0 =	simm.s32 @!p0 $0x0  }
0x12: {  	s1 =	sld [smem:$0x3F99];
	s0 =	simm.s32 @p0 $0x1  }
0x13: {  	[smem:$0x3FB4] =	sst s0;
	s0 =	simm.s32 @!p1 $0x0  }
0x14: {  	s2 =	sld [smem:$0x3F98];
	s0 =	simm.s32 @p1 $0x1  }
0x15: {  	[smem:$0x3FB5] =	sst s0;
	s0 =	simm.s32 @!p2 $0x0  }
0x16: {  	s3 =	sld [smem:$0x3FDB];
	s0 =	simm.s32 @p2 $0x1  }
0x17: {  	s4 =	simm.s32 $0x1BF5;
	[smem:$0x3FB7] =	sst s0  }
0x18: {  	s0 =	sld [smem:$0x3F9A];
	_ =	swait.ge [sflag:s4], $0x0  }
0x19: {  	s7 =	sld [smem:$0x3F9B]  }
0x1a: {  	s8 =	sadd.s32 $0xFFFFE003, lr  }
0x1b: {  	s9 =	sadd.s32 $0xFFFFFEF7, lr;
	s5 =	simm.s32 $0xFFFFFFFF;
	p2 =	slt.u32 s8, $0xFFFFF086  }
0x1c: {  	p1 =	slt.u32 s9, $0xF7A;
	s5 =	simm.s32 @!p2 $0x0  }
0x1d: {  	s5 =	simm.s32 @p1 $0x1;
	p0 =	seq.s32 s7, s2  }
0x1e: {  	s7 =	smul.u32 @!p0 $0xF7A, s2;
	p2 =	seq.s32 @!p0 s5, $0x0  }
0x1f: {  	s9 =	smul.u32 $0xF7A, s1;
	s8 =	simm.s32 @!p0 $0x1BF5;
	p2 =	por !p2, p0  }
0x20: {  	[sflag:s8] =	ssyncset.s32 @!p0 $0xFFFFF086;
	s6 =	sadd.s32 @!p0 s3, s7;
	s7 =	simm.s32 @!p0 $0x108  }
0x21: {  	s3 =	sadd.s32 s3, s9;
	s6 =	sadd.s32 @!p0 $0x88, s6;
	s7 =	simm.s32 @p2 $0x1082  }
0x22: {  	[simem:s7], [sflag:s8] =	dma.local @!p0 [hbm:s6], $0xF7A  }
0x23: {  	s9 =	sor.u32 $0xD0000000, s2;
	s6 =	simm.s32 $0x108;
	_ =	swait.ge @!p0 [sflag:s8], $0x0  }
0x24: {  	s3 =	sadd.s32 $0x88, s3;
	s6 =	simm.s32 @!p1 $0x1082;
	[sflag:s4] =	ssyncset.s32 $0xFFFFF086  }
0x25: {  	[simem:s6], [sflag:s4] =	dma.local [hbm:s3], $0xF7A  }
0x26: {  	[smem:$0x3F9B] =	sst s1;
	(tag) =	ssettag s2;
	_ =	strace s9  }
0x27: {  	s1 =	sld [smem:$0x3FAB]  }
0x28: {  	s2 =	sld [smem:$0x3FAC]  }
0x29: {  	s4 =	sld [smem:$0x3FAE]  }
0x2a: {  	p0 =	seq.s32 s5, $0x0;
	s5 =	sld [smem:$0x3FAF]  }
0x2b: {  	s6 =	sld [smem:$0x3FB0]  }
0x2c: {  	s7 =	sld [smem:$0x3FB1]  }
0x2d: {  	s3 =	simm.s32 $0x108;
	s8 =	sld [smem:$0x3FB2]  }
0x2e: {  	s3 =	simm.s32 @!p0 $0x1082;
	s9 =	sld [smem:$0x3FB3]  }
0x2f: {  	lr =	sadd.s32 s0, s3;
	s0 =	sld [smem:$0x3FAA]  }
0x30: {  	s3 =	sld [smem:$0x3FAD]  }
0x31: {  	[smem:$0x3FB6] =	sst s10  }
0x32: {  	s10 =	sld [smem:$0x3FB4];
	_ =	sdelay $0x3  }
0x33: {  	p0 =	seq.s32 s10, $0x1;
	s10 =	sld [smem:$0x3FB6];
	_ =	sdelay $0x3  }
0x34: {  	[smem:$0x3FB6] =	sst s10  }
0x35: {  	s10 =	sld [smem:$0x3FB5];
	_ =	sdelay $0x3  }
0x36: {  	p1 =	seq.s32 s10, $0x1;
	s10 =	sld [smem:$0x3FB6];
	_ =	sdelay $0x3  }
0x37: {  	[smem:$0x3FB6] =	sst s10  }
0x38: {  	s10 =	sld [smem:$0x3FB7]  }
0x39: {  	_ = 	snop;
	(pc) =	sbr.ind lr, $3  }
0x3a: {  	_ = 	snop  }
0x3b: {  	_ = 	snop  }
0x3c: {  	p2 =	seq.s32 s10, $0x1;
	s10 =	sld [smem:$0x3FB6]  }
0x3d: {  	_ =	shalt  }
0x3e: {  	_ =	shalt  }
0x3f: {  	_ =	shalt  }
0x40: {  	_ =	shalt  }
0x41: {  	_ =	shalt  }
0x42: {  	_ =	shalt  }
0x43: {  	_ =	shalt  }
0x44: {  	_ =	shalt  }
0x45: {  	_ =	shalt  }
0x46: {  	_ =	shalt  }
0x47: {  	_ =	shalt  }
0x48: {  	_ =	shalt  }
0x49: {  	_ =	shalt  }
0x4a: {  	_ =	shalt  }
0x4b: {  	_ =	shalt  }
0x4c: {  	_ =	shalt  }
0x4d: {  	_ =	shalt  }
0x4e: {  	_ =	shalt  }
0x4f: {  	_ =	shalt  }
0x50: {  	_ =	shalt  }
0x51: {  	_ =	shalt  }
0x52: {  	_ =	shalt  }
0x53: {  	_ =	shalt  }
0x54: {  	_ =	shalt  }
0x55: {  	_ =	shalt  }
0x56: {  	_ =	shalt  }
0x57: {  	_ =	shalt  }
0x58: {  	_ =	shalt  }
0x59: {  	_ =	shalt  }
0x5a: {  	_ =	shalt  }
0x5b: {  	_ =	shalt  }
0x5c: {  	_ =	shalt  }
0x5d: {  	_ =	shalt  }
0x5e: {  	_ =	shalt  }
0x5f: {  	_ =	shalt  }
0x60: {  	_ =	shalt  }
0x61: {  	_ =	shalt  }
0x62: {  	_ =	shalt  }
0x63: {  	_ =	shalt  }
0x64: {  	_ =	shalt  }
0x65: {  	_ =	shalt  }
0x66: {  	_ =	shalt  }
0x67: {  	_ =	shalt  }
0x68: {  	_ =	shalt  }
0x69: {  	_ =	shalt  }
0x6a: {  	_ =	shalt  }
0x6b: {  	_ =	shalt  }
0x6c: {  	_ =	shalt  }
0x6d: {  	_ =	shalt  }
0x6e: {  	_ =	shalt  }
0x6f: {  	_ =	shalt  }
0x70: {  	_ =	shalt  }
0x71: {  	_ =	shalt  }
0x72: {  	_ =	shalt  }
0x73: {  	_ =	shalt  }
0x74: {  	_ =	shalt  }
0x75: {  	_ =	shalt  }
0x76: {  	_ =	shalt  }
0x77: {  	_ =	shalt  }
0x78: {  	_ =	shalt  }
0x79: {  	_ =	shalt  }
0x7a: {  	_ =	shalt  }
0x7b: {  	_ =	shalt  }
0x7c: {  	_ =	shalt  }
0x7d: {  	_ =	shalt  }
0x7e: {  	_ =	shalt  }
0x7f: {  	_ =	shalt  }
0x80: {  	_ =	shalt  }
0x81: {  	_ =	shalt  }
0x82: {  	_ =	shalt  }
0x83: {  	_ =	shalt  }
0x84: {  	_ =	shalt  }
0x85: {  	_ =	shalt  }
0x86: {  	_ =	shalt  }
0x87: {  	_ =	shalt  }
.Lfunc_end0:
.L_simem_size_0:
called_computation.2_lowered:
.L_overlay_start_0:
0x88: {  	s2 =	sld [smem:$0x3FD9]  }
0x89: {  	s3 =	sld [smem:$0x3FFE];
	_ =	sdelay $0x1  }
0x8a: {  	s1 =	srdreg.scid  }
0x8b: {  	s0 =	sand.u32 $0x1, s1  }
0x8c: {  	s17 =	sshll.u32 s0, $0xA;
	s2 =	sadd.s32 s3, s2  }
0x8d: {  	s2 =	sadd.s32 s2, s17  }
0x8e: {  	[smem:$0x3FC2] =	sst s2  }
0x8f: {  	_ = 	snop  }
0x90: {  	s2 =	sld [smem:$0x3FD0];
	(tm) =	ssettm $0x1  }
0x91: {  	s18 =	sld [smem:$0x3FFB];
	_ =	sdelay $0x3  }
0x92: {  	_ =	strace s18  }
0x93: {  	s3 =	sld [smem:$0x3FFC];
	_ =	sdelay $0x3  }
0x94: {  	_ =	strace s3  }
0x95: {  	s3 =	sld [smem:$0x3FFD];
	_ =	sdelay $0x3  }
0x96: {  	_ =	strace s3  }
0x97: {  	_ =	strace $0x8FFFFFFF  }
0x98: {  	s19 =	sld [smem:$0x3FDB];
	_ =	sdelay $0x1  }
0x99: {  	s4 =	simm.s32 $_scs_section_size  }
0x9a: {  	s5 =	simm.s32 $_size__tile_overlayer_lowered;
	s6 =	simm.s32 $_tile_overlayer_lowered  }
0x9b: {  	s22 =	simm.s32 $0x1BFF;
	s21 =	sshll.u32 s6, $0x1;
	s3 =	sadd.s32 s4, s19  }
0x9c: {  	s7 =	simm.s32 $0x0;
	s20 =	sshll.u32 s5, $0x1;
	s5 =	sadd.s32 s21, s3  }
0x9d: {  	[timem:s7], [sflag:s22] =	dma.local [hbm:s5], s20  }
0x9e: {  	_ =	swait.ge [sflag:s22], s20  }
0x9f: {  	s4 =	ssub.s32 $0x0, s20;
	[sflag:s22] =	ssyncset.done $0x0  }
0xa0: {  	[sflag:s22] =	ssyncadd.s32 s4;
	_ =	sdelay $0x1  }
0xa1: {  	s23 =	simm.s32 $0x1B8B  }
0xa2: {  	_ =	swait.ge [sflag:s23], $0x1  }
0xa3: {  	[sflag:s23] =	ssyncset.done $0x0  }
0xa4: {  	s25 =	simm.s32 $0x1B8E;
	s24 =	sld [smem:$0x3FFE];
	[sflag:s23] =	ssyncadd.s32 $0xFFFFFFFF  }
0xa5: {  	s26 =	simm.s32 $execute0_lowered;
	[smem:$0x3FD2] =	sst s25  }
0xa6: {  	s5 =	sshll.u32 s26, $0x1;
	_ =	strace $0x8000004C;
	[dreg:$0x1] =	wrdreg $0xFFFFFFFF  }
0xa7: {  	s28 =	simm.s32 $_size_execute0_lowered;
	s3 =	sadd.s32 s3, s5;
	[dreg:$0x0] =	wrdreg $0x0  }
0xa8: {  	s5 =	sshll.u32 s28, $0x1;
	[dreg:$0x2] =	wrdreg s3  }
0xa9: {  	[dreg:$0x3] =	wrdreg s5  }
0xaa: {  	[dreg:$0x4] =	wrdreg $0xC0  }
0xab: {  	_ =	task [dreg:s7], $0x5FFFF  }
0xac: {  	[dreg:$0x1] =	wrdreg $0xFFFFFFFF  }
0xad: {  	[dreg:$0x0] =	wrdreg $0x60  }
0xae: {  	[dreg:$0x2] =	wrdreg s24  }
0xaf: {  	[dreg:$0x3] =	wrdreg s2  }
0xb0: {  	[dreg:$0x4] =	wrdreg $0x0  }
0xb1: {  	[dreg:$0x5] =	wrdreg $0x9  }
0xb2: {  	_ =	task.clear_ibuf [dreg:s7], $0x6FFFF;
	_ =	strace $0x9000004C  }
0xb3: {  	s29 =	simm.s32 $0x9;
	_ =	strace $0x8000004E  }
0xb4: {  	_ =	swait.ge [sflag:s29], $0x1  }
0xb5: {  	[sflag:s29] =	ssyncadd.s32 $0xFFFFFFFF  }
0xb6: {  	_ =	strace $0x9000004E  }
0xb7: {  	_ =	sfence  }
0xb8: {  	s30 =	sld [smem:$0x0];
	_ =	sdelay $0x2  }
0xb9: {  	s31 =	sshll.u32 s1, $0xD;
	s1 =	sshrl.u32 s1, $0x2  }
0xba: {  	s3 =	sand.u32 $0x4000, s31;
	s1 =	sadd.s32 s1, s30  }
0xbb: {  	s0 =	sor.u32 s3, s0;
	s1 =	sshll.u32 s1, $0x11  }
0xbc: {  	s0 =	sor.u32 s1, s0  }
0xbd: {  	s0 =	sadd.s32 $0x8F2B, s0  }
0xbe: {  	[sflag:s0] =	ssyncadd.remote.s32 $0x1  }
0xbf: {  	_ =	sfence.sel $0xFFFF  }
0xc0: {  	[dreg:$0x0] =	wrdreg $0xFFFFFFFF;
	(pc) =	sbr.abs _section_cstart, $3  }
0xc1: {  	[dreg:$0x1] =	wrdreg $0xFFFFFFFF  }
0xc2: {  	_ =	task.clear_ibuf [dreg:s7], $0x2FFFF;
	_ =	strace $0x9FFFFFFF  }
0xc3: {  	(tm) =	ssettm $0x7FFFFFFF  }
tec
execute0_lowered:
.L_overlay_start_1:
0x0: {  	(tag) =	ssettag $0x1  }
0x1: {  	s0 =	rddreg [dreg:$0x0]  }
0x2: {  	s17 =	rddreg [dreg:$0x1];
	s1 =	srdreg.scid  }
0x3: {  	s16 =	stileid.u32;
	s3 =	rddreg [dreg:$0x2];
	s4 =	simm.s32 $0x0  }
0x4: {  	s1 =	sand.u32 $0x1, s1;
	s2 =	sshll.u32 s16, $0x1;
	[smem:$0x7FF] =	sst s4  }
0x5: {  	s5 =	sadd.s32 $0x5B600, s0;
	s18 =	sadd.s32 $0x2400, s0;
	s21 =	smul.u32 $0x13C00, s16  }
0x6: {  	s0 =	sadd.s32 $0x82E00, s0;
	s15 =	smul.u32 $0x4EC0, s16;
	s2 =	sor.u32 s1, s2  }
0x7: {  	_ =	strace $0x8000004D;
	s6 =	ssub.s32 $0x2, s1;
	s9 =	smul.u32 $0x13C000, s1  }
0x8: {  	s1 =	smul.u32 $0x2760, s1;
	[dreg:$0x4] =	wrdreg s18;
	s7 =	sshrl.u32 s6, $0x1  }
0x9: {  	s2 =	smul.u32 $0x2760, s2;
	s13 =	sadd.s32 $0x4000, s21;
	s6 =	ssub.s32 s6, s7  }
0xa: {  	s12 =	sadd.s32 s9, s21;
	s25 =	sadd.s32 s9, s13;
	s7 =	sadd.s32 $0x8000, s21  }
0xb: {  	s2 =	sshrl.u32 s2, $0x3;
	s12 =	sshrl.u32 s12, $0x3;
	s6 =	smax.u32 s6, $0x1  }
0xc: {  	s8 =	sadd.s32 $0x6, s2;
	s24 =	sadd.s32 s0, s12;
	[dreg:$0x19] =	wrdreg s6  }
0xd: {  	s14 =	sadd.s32 s9, s7;
	s20 =	sadd.s32 s18, s8;
	[dreg:$0xa] =	wrdreg s24  }
0xe: {  	s22 =	sadd.s32 $0xC, s2;
	s8 =	sadd.s32 s17, s8;
	[dreg:$0x5] =	wrdreg s20  }
0xf: {  	s14 =	sshrl.u32 s14, $0x3;
	s10 =	sadd.s32 s18, s22;
	[dreg:$0x6] =	wrdreg s8  }
0x10: {  	s12 =	sadd.s32 $0xC000, s21;
	s26 =	sadd.s32 s0, s14;
	[dreg:$0x7] =	wrdreg s10  }
0x11: {  	s14 =	sadd.s32 $0x18, s2;
	s8 =	sadd.s32 s17, s22;
	[dreg:$0xc] =	wrdreg s26  }
0x12: {  	s19 =	sadd.s32 s18, s14;
	[dreg:$0x8] =	wrdreg s8;
	s8 =	sadd.s32 $0x10000, s21  }
0x13: {  	s20 =	sadd.s32 s18, s2;
	[dreg:$0x10] =	wrdreg s19;
	s11 =	sadd.s32 s9, s8  }
0x14: {  	s22 =	smul.u32 $0x4F000, s16;
	[dreg:$0x12] =	wrdreg s20;
	s11 =	sshrl.u32 s11, $0x3  }
0x15: {  	s21 =	sadd.s32 $0x1E, s2;
	s9 =	sadd.s32 s9, s12;
	s11 =	sadd.s32 s0, s11  }
0x16: {  	s24 =	sadd.s32 s18, s21;
	[dreg:$0x9] =	wrdreg s11;
	s11 =	sshrl.u32 s25, $0x3  }
0x17: {  	s9 =	sshrl.u32 s9, $0x3;
	[dreg:$0x14] =	wrdreg s24;
	s11 =	sadd.s32 s0, s11  }
0x18: {  	s25 =	sshrl.u32 s22, $0x2;
	s0 =	sadd.s32 s0, s9;
	[dreg:$0xb] =	wrdreg s11  }
0x19: {  	s23 =	sadd.s32 $0x12, s2;
	s19 =	sadd.s32 s25, s3;
	[dreg:$0xd] =	wrdreg s0  }
0x1a: {  	s11 =	sadd.s32 s18, s23;
	[dreg:$0x18] =	wrdreg s19  }
0x1b: {  	s0 =	sadd.s32 s1, s15;
	s15 =	sadd.s32 s17, s23;
	[dreg:$0xe] =	wrdreg s11  }
0x1c: {  	s1 =	sadd.s32 s17, s14;
	[dreg:$0xf] =	wrdreg s15  }
0x1d: {  	s6 =	sadd.s32 s7, s3;
	s23 =	sadd.s32 s17, s2;
	[dreg:$0x11] =	wrdreg s1  }
0x1e: {  	s2 =	sadd.s32 $0x24, s2;
	[dreg:$0x13] =	wrdreg s23;
	s1 =	sadd.s32 s17, s21  }
0x1f: {  	s26 =	sadd.s32 s18, s2;
	s2 =	sadd.s32 s17, s2;
	s21 =	sadd.s32 s12, s3  }
0x20: {  	s9 =	sadd.s32 $0x210, s0;
	s10 =	sadd.s32 $0x1E0, s0;
	[dreg:$0x15] =	wrdreg s1  }
0x21: {  	s11 =	sadd.s32 $0x1B0, s0;
	s12 =	sadd.s32 $0x270, s0;
	[dreg:$0x16] =	wrdreg s26  }
0x22: {  	[dreg:$0x17] =	wrdreg s2;
	s1 =	sadd.s32 s8, s3;
	s2 =	sadd.s32 s13, s3  }
0x23: {  	s8 =	sadd.s32 $0x240, s0;
	s13 =	sadd.s32 $0x180, s0;
	s0 =	sadd.s32 $0x150, s0  }
0x24: {  	[dreg:$0x1a] =	wrdreg s21;
	s7 =	sshrl.u32 s8, $0x3;
	s8 =	sshrl.u32 s9, $0x3  }
0x25: {  	s9 =	sshrl.u32 s10, $0x3;
	s10 =	sshrl.u32 s11, $0x3;
	s11 =	sshrl.u32 s12, $0x3  }
0x26: {  	s12 =	sshrl.u32 s13, $0x3;
	[dreg:$0x1b] =	wrdreg s0;
	s13 =	sadd.s32 $0x13800, s19  }
0x27: {  	s14 =	sadd.s32 s11, s17;
	[smem:$0x7F2] =	sst s13  }
0x28: {  	s15 =	sadd.s32 s11, s18;
	[dreg:$0x1c] =	wrdreg s14  }
0x29: {  	s16 =	sadd.s32 s7, s17;
	[dreg:$0x1d] =	wrdreg s15  }
0x2a: {  	s20 =	sadd.s32 s7, s18;
	[dreg:$0x1e] =	wrdreg s16  }
0x2b: {  	s22 =	sadd.s32 s8, s17;
	[dreg:$0x1f] =	wrdreg s20  }
0x2c: {  	s23 =	sadd.s32 s8, s18;
	[smem:$0x7E7] =	sst s22  }
0x2d: {  	s24 =	sadd.s32 s9, s17;
	[smem:$0x7E8] =	sst s23  }
0x2e: {  	s25 =	sadd.s32 s9, s18;
	[smem:$0x7E9] =	sst s24  }
0x2f: {  	s26 =	sadd.s32 s10, s17;
	[smem:$0x7EA] =	sst s25  }
0x30: {  	s7 =	sadd.s32 s10, s18;
	[smem:$0x7EB] =	sst s26  }
0x31: {  	s28 =	simm.s32 $0x1EA80;
	s8 =	sadd.s32 s12, s17;
	[smem:$0x7EC] =	sst s7  }
0x32: {  	s29 =	simm.s32 $0x1C;
	s9 =	sadd.s32 s12, s18;
	[smem:$0x7ED] =	sst s8  }
0x33: {  	s30 =	simm.s32 $0x1E980;
	s10 =	sshrl.u32 s2, $0x3;
	[smem:$0x7EE] =	sst s9  }
0x34: {  	s31 =	simm.s32 $0x13C00;
	s11 =	sshrl.u32 s6, $0x3;
	[smem:$0x7EF] =	sst s10  }
0x35: {  	s0 =	simm.s32 $0x16C00;
	s12 =	sshrl.u32 s1, $0x3;
	[smem:$0x7F0] =	sst s11  }
0x36: {  	s17 =	sadd.s32 $0x6000, s19;
	s18 =	sadd.s32 $0x7800, s19;
	[smem:$0x7F1] =	sst s12  }
0x37: {  	s6 =	simm.s32 $0x1D;
	s13 =	simm.s32 $0x17;
	[smem:$0x7F6] =	sst s17  }
0x38: {  	s2 =	simm.s32 $0x0;
	s14 =	sadd.s32 $0x1800, s19;
	[smem:$0x7F7] =	sst s18  }
0x39: {  	s15 =	sadd.s32 $0x3000, s19;
	s16 =	sadd.s32 $0x4800, s19;
	[smem:$0x7F3] =	sst s14  }
0x3a: {  	s20 =	sadd.s32 $0x9000, s19;
	s22 =	sadd.s32 $0xA800, s19;
	[smem:$0x7F4] =	sst s15  }
0x3b: {  	s23 =	sadd.s32 $0xD800, s19;
	s24 =	sadd.s32 $0xF000, s19;
	[smem:$0x7F5] =	sst s16  }
0x3c: {  	s25 =	sadd.s32 $0x10800, s19;
	s26 =	sadd.s32 $0x12000, s19;
	[smem:$0x7F8] =	sst s20  }
0x3d: {  	s17 =	simm.s32 $0x1E780;
	s18 =	simm.s32 $0x30;
	[smem:$0x7F9] =	sst s22  }
0x3e: {  	s10 =	simm.s32 $0xA;
	s12 =	simm.s32 $0x13;
	[smem:$0x7FA] =	sst s23  }
.Ltmp0:
0x3f: {  	s7 =	simm.s32 $0x15;
	[smem:$0x7FB] =	sst s24;
	(pc) =	sbr.rel .LBB2_1-.Ltmp0, $4  }
0x40: {  	s9 =	simm.s32 $0xE;
	s11 =	simm.s32 $0x16;
	[smem:$0x7FC] =	sst s25  }
0x41: {  	[smem:$0x7FD] =	sst s26;
	s23 =	simm.s32 $0x1E880;
	s25 =	simm.s32 $0x1E980  }
0x42: {  	s22 =	simm.s32 $0x19C00;
	s14 =	simm.s32 $0xC;
	s15 =	simm.s32 $0x18  }
0x43: {  	v0 =	vimm.f32 $0.0e+00;
	s20 =	simm.s32 $0x19;
	s24 =	simm.s32 $0x1A;
	s16 =	simm.s32 $0x1B  }
.LBB2_6:
0x44: {  	_ =	swait.ge [sflag:s11], $0x1800  }
0x45: {  	[sflag:s11] =	ssyncset.done $0x0  }
0x46: {  	[sflag:s11] =	ssyncadd.s32 $0xFFFFE800  }
0x47: {  	_ =	swait.ge [sflag:s13], $0x1800  }
0x48: {  	[sflag:s13] =	ssyncset.done $0x0  }
0x49: {  	[sflag:s13] =	ssyncadd.s32 $0xFFFFE800  }
0x4a: {  	_ =	swait.ge [sflag:s15], $0x1800  }
0x4b: {  	[sflag:s15] =	ssyncset.done $0x0  }
0x4c: {  	[sflag:s15] =	ssyncadd.s32 $0xFFFFE800  }
0x4d: {  	_ =	swait.ge [sflag:s20], $0x1800  }
0x4e: {  	[sflag:s20] =	ssyncset.done $0x0  }
0x4f: {  	[sflag:s20] =	ssyncadd.s32 $0xFFFFE800  }
0x50: {  	_ =	swait.ge [sflag:s24], $0x1800  }
0x51: {  	[sflag:s24] =	ssyncset.done $0x0  }
0x52: {  	[sflag:s24] =	ssyncadd.s32 $0xFFFFE800  }
0x53: {  	_ =	swait.ge [sflag:s16], $0x1800  }
0x54: {  	[sflag:s16] =	ssyncset.done $0x0  }
0x55: {  	[sflag:s16] =	ssyncadd.s32 $0xFFFFE800  }
0x56: {  	_ =	swait.ge [sflag:s29], $0x1800  }
0x57: {  	[sflag:s29] =	ssyncset.done $0x0  }
0x58: {  	[sflag:s29] =	ssyncadd.s32 $0xFFFFE800  }
0x59: {  	s1 =	stileid.u32;
	[bflag:$0x0] =	sbarrier.arrive $0xFFFF  }
0x5a: {  	s6 =	simm.s32 $0x1D;
	s1 =	sshll.u32 s1, $0x6;
	s19 =	rddreg [dreg:$0x18]  }
0x5b: {  	s1 =	sor.u32 $0x1C1D, s1;
	s17 =	rddreg [dreg:$0xa];
	s2 =	sshrl.u32 s19, $0x3  }
0x5c: {  	[hbm:s17], [sflag:s1] =	dma.local [spmem:s2], $0x800  }
0x5d: {  	_ =	swait.ge [sflag:s6], $0x800  }
0x5e: {  	s23 =	sld [smem:$0x7EF]  }
0x5f: {  	[sflag:s6] =	ssyncset.done $0x0  }
0x60: {  	s22 =	rddreg [dreg:$0xb];
	[sflag:s6] =	ssyncadd.s32 $0xFFFFF800  }
0x61: {  	[hbm:s22], [sflag:s1] =	dma.local [spmem:s23], $0x800  }
0x62: {  	_ =	swait.ge [sflag:s6], $0x800  }
0x63: {  	s26 =	sld [smem:$0x7F0]  }
0x64: {  	[sflag:s6] =	ssyncset.done $0x0  }
0x65: {  	s25 =	rddreg [dreg:$0xc];
	[sflag:s6] =	ssyncadd.s32 $0xFFFFF800  }
0x66: {  	[hbm:s25], [sflag:s1] =	dma.local [spmem:s26], $0x800  }
0x67: {  	_ =	swait.ge [sflag:s6], $0x800  }
0x68: {  	[sflag:s6] =	ssyncset.done $0x0;
	s21 =	rddreg [dreg:$0x1a]  }
0x69: {  	s8 =	rddreg [dreg:$0xd];
	[sflag:s6] =	ssyncadd.s32 $0xFFFFF800;
	s0 =	sshrl.u32 s21, $0x3  }
0x6a: {  	[hbm:s8], [sflag:s1] =	dma.local [spmem:s0], $0x800  }
0x6b: {  	_ =	swait.ge [sflag:s6], $0x800  }
0x6c: {  	s23 =	sld [smem:$0x7F1]  }
0x6d: {  	[sflag:s6] =	ssyncset.done $0x0  }
0x6e: {  	s22 =	rddreg [dreg:$0x9];
	[sflag:s6] =	ssyncadd.s32 $0xFFFFF800  }
0x6f: {  	[hbm:s22], [sflag:s1] =	dma.local [spmem:s23], $0x780  }
0x70: {  	_ =	swait.ge [sflag:s6], $0x780  }
0x71: {  	s25 =	sld [smem:$0x7E6];
	_ =	sdelay $0x2  }
0x72: {  	s26 =	rddreg [dreg:$0x19];
	s2 =	sadd.s32 $0x1, s25  }
0x73: {  	p0 =	sne.s32 s2, s26  }
.Ltmp1:
0x74: {  	_ = 	snop;
	(pc) =	sbr.rel @!p0 .LBB2_7-.Ltmp1, $4  }
0x75: {  	_ = 	snop  }
0x76: {  	s17 =	simm.s32 $0x1E780  }
0x77: {  	s0 =	simm.s32 $0x16C00;
	s23 =	simm.s32 $0x1E880;
	[sflag:s6] =	ssyncset.done $0x0  }
0x78: {  	s22 =	simm.s32 $0x19C00;
	[sflag:s6] =	ssyncadd.s32 $0xFFFFF880;
	s25 =	simm.s32 $0x1E980  }
.LBB2_1:
0x79: {  	[smem:$0x7E6] =	sst s2  }
0x7a: {  	s1 =	rddreg [dreg:$0x12];
	s26 =	simm.s32 $0x1E400  }
0x7b: {  	[tilespmem:s26], [sflag:$0x1] =	stream.linear.gather [hbm4b:s1+s4], $0x30, $0x38;
	[tilespmem:$0x1EB00] =	vst v63  }
0x7c: {  	s2 =	rddreg [dreg:$0x13]  }
0x7d: {  	[tilespmem:s17], [sflag:$0x8] =	stream.linear.gather [hbm4b:s2+s4], $0x30, $0x38;
	[tilespmem:$0x1EB00] =	vst v63  }
0x7e: {  	s8 =	rddreg [dreg:$0x5];
	s26 =	simm.s32 $0x1E480  }
0x7f: {  	[tilespmem:s26], [sflag:$0x2] =	stream.linear.gather [hbm4b:s8+s4], $0x30, $0x38;
	[tilespmem:$0x1EB00] =	vst v63  }
0x80: {  	s8 =	rddreg [dreg:$0x6];
	s26 =	simm.s32 $0x1E800  }
0x81: {  	[tilespmem:s26], [sflag:$0x9] =	stream.linear.gather [hbm4b:s8+s4], $0x30, $0x38;
	[tilespmem:$0x1EB00] =	vst v63  }
0x82: {  	s2 =	rddreg [dreg:$0x7];
	s8 =	simm.s32 $0x1E500  }
0x83: {  	[tilespmem:s8], [sflag:$0x3] =	stream.linear.gather [hbm4b:s2+s4], $0x30, $0x38;
	[tilespmem:$0x1EB00] =	vst v63  }
0x84: {  	s26 =	rddreg [dreg:$0x8]  }
0x85: {  	[tilespmem:s23], [sflag:$0xA] =	stream.linear.gather [hbm4b:s26+s4], $0x30, $0x38;
	[tilespmem:$0x1EB00] =	vst v63  }
0x86: {  	s2 =	rddreg [dreg:$0xe];
	s8 =	simm.s32 $0x1E580  }
0x87: {  	[tilespmem:s8], [sflag:$0x4] =	stream.linear.gather [hbm4b:s2+s4], $0x30, $0x38;
	[tilespmem:$0x1EB00] =	vst v63  }
0x88: {  	s23 =	rddreg [dreg:$0xf];
	s26 =	simm.s32 $0x1E900  }
0x89: {  	[tilespmem:s26], [sflag:$0xB] =	stream.linear.gather [hbm4b:s23+s4], $0x30, $0x38;
	[tilespmem:$0x1EB00] =	vst v63  }
0x8a: {  	s2 =	rddreg [dreg:$0x10];
	s8 =	simm.s32 $0x1E600  }
0x8b: {  	[tilespmem:s8], [sflag:$0x5] =	stream.linear.gather [hbm4b:s2+s4], $0x30, $0x38;
	[tilespmem:$0x1EB00] =	vst v63  }
0x8c: {  	s23 =	rddreg [dreg:$0x11]  }
0x8d: {  	[tilespmem:s25], [sflag:$0xC] =	stream.linear.gather [hbm4b:s23+s4], $0x30, $0x38;
	[tilespmem:$0x1EB00] =	vst v63  }
0x8e: {  	s26 =	simm.s32 $0x1E680;
	s25 =	rddreg [dreg:$0x14]  }
0x8f: {  	[tilespmem:s26], [sflag:$0x6] =	stream.linear.gather [hbm4b:s25+s4], $0x30, $0x38;
	[tilespmem:$0x1EB00] =	vst v63  }
0x90: {  	s2 =	rddreg [dreg:$0x15];
	s8 =	simm.s32 $0x1EA00  }
0x91: {  	[tilespmem:s8], [sflag:$0xD] =	stream.linear.gather [hbm4b:s2+s4], $0x30, $0x38;
	[tilespmem:$0x1EB00] =	vst v63  }
0x92: {  	s23 =	rddreg [dreg:$0x16];
	s25 =	simm.s32 $0x1E700  }
0x93: {  	[tilespmem:s25], [sflag:$0x7] =	stream.linear.gather [hbm4b:s23+s4], $0x30, $0x38;
	[tilespmem:$0x1EB00] =	vst v63  }
0x94: {  	s1 =	simm.s32 $0x70;
	s26 =	rddreg [dreg:$0x17];
	s2 =	simm.s32 $0x3C0  }
0x95: {  	[tilespmem:s28], [sflag:$0xE] =	stream.linear.gather [hbm4b:s26+s4], $0x30, $0x38;
	[tilespmem:$0x1EB00] =	vst v63  }
.LBB2_2:
0x96: {  	p0 =	sne.s32 s2, $0x5FC0;
	[tilespmem:s1+$0x13C00] =	vst v0  }
0x97: {  	[tilespmem:s1+$0x13B90] =	vst v0  }
0x98: {  	[tilespmem:s1+$0x13BA0] =	vst v0  }
.Ltmp2:
0x99: {  	[tilespmem:s1+$0x13BB0] =	vst v0;
	(pc) =	sbr.rel @p0 .LBB2_2-.Ltmp2, $4  }
0x9a: {  	[tilespmem:s1+$0x13BC0] =	vst v0  }
0x9b: {  	[tilespmem:s1+$0x13BD0] =	vst v0  }
0x9c: {  	[tilespmem:s1+$0x13BE0] =	vst v0  }
0x9d: {  	[tilespmem:s1+$0x13BF0] =	vst v0;
	s1 =	sshra.s32 s2, $0x2;
	s2 =	sadd.s32 $0x200, s2  }
0x9e: {  	[tilespmem:s1+$0x13C00] =	vst v0  }
0x9f: {  	[tilespmem:s1+$0x13B90] =	vst v0  }
0xa0: {  	[tilespmem:s1+$0x13BA0] =	vst v0  }
0xa1: {  	[tilespmem:s1+$0x13BB0] =	vst v0  }
0xa2: {  	[tilespmem:s1+$0x13BC0] =	vst v0  }
0xa3: {  	[tilespmem:s1+$0x13BD0] =	vst v0  }
0xa4: {  	[tilespmem:s1+$0x13BE0] =	vst v0  }
0xa5: {  	[tilespmem:s1+$0x13BF0] =	vst v0;
	s8 =	simm.s32 $0x13C00  }
0xa6: {  	[spmem:s19] =	stream.linear.scatter [tilespmem:s8], [sflag:$0x1D], $0x1800, $0x38;
	[tilespmem:$0x1EB00] =	vst v63  }
0xa7: {  	_ =	swait.ge [sflag:s6], $0x1800  }
0xa8: {  	s19 =	sld [smem:$0x7F3]  }
0xa9: {  	[sflag:s6] =	ssyncset.done $0x0  }
0xaa: {  	s2 =	simm.s32 $0x13C00;
	[sflag:s6] =	ssyncadd.s32 $0xFFFFE800  }
0xab: {  	[spmem:s19] =	stream.linear.scatter [tilespmem:s2], [sflag:$0x1D], $0x1800, $0x38;
	[tilespmem:$0x1EB00] =	vst v63  }
0xac: {  	_ =	swait.ge [sflag:s6], $0x1800  }
0xad: {  	s23 =	sld [smem:$0x7F4]  }
0xae: {  	[sflag:s6] =	ssyncset.done $0x0  }
0xaf: {  	[sflag:s6] =	ssyncadd.s32 $0xFFFFE800  }
0xb0: {  	[spmem:s23] =	stream.linear.scatter [tilespmem:s2], [sflag:$0x1D], $0x1800, $0x38;
	[tilespmem:$0x1EB00] =	vst v63  }
0xb1: {  	_ =	swait.ge [sflag:s6], $0x1800  }
0xb2: {  	s25 =	sld [smem:$0x7F5]  }
0xb3: {  	[sflag:s6] =	ssyncset.done $0x0  }
0xb4: {  	[sflag:s6] =	ssyncadd.s32 $0xFFFFE800  }
0xb5: {  	[spmem:s25] =	stream.linear.scatter [tilespmem:s2], [sflag:$0x1D], $0x1800, $0x38;
	[tilespmem:$0x1EB00] =	vst v63  }
0xb6: {  	_ =	swait.ge [sflag:s6], $0x1800  }
0xb7: {  	s26 =	sld [smem:$0x7F6]  }
0xb8: {  	[sflag:s6] =	ssyncset.done $0x0  }
0xb9: {  	[sflag:s6] =	ssyncadd.s32 $0xFFFFE800  }
0xba: {  	[spmem:s26] =	stream.linear.scatter [tilespmem:s2], [sflag:$0x1D], $0x1800, $0x38;
	[tilespmem:$0x1EB00] =	vst v63  }
0xbb: {  	_ =	swait.ge [sflag:s6], $0x1800  }
0xbc: {  	s28 =	sld [smem:$0x7F7]  }
0xbd: {  	[sflag:s6] =	ssyncset.done $0x0  }
0xbe: {  	[sflag:s6] =	ssyncadd.s32 $0xFFFFE800  }
0xbf: {  	[spmem:s28] =	stream.linear.scatter [tilespmem:s2], [sflag:$0x1D], $0x1800, $0x38;
	[tilespmem:$0x1EB00] =	vst v63  }
0xc0: {  	_ =	swait.ge [sflag:s6], $0x1800  }
0xc1: {  	s8 =	sld [smem:$0x7F8]  }
0xc2: {  	[sflag:s6] =	ssyncset.done $0x0  }
0xc3: {  	[sflag:s6] =	ssyncadd.s32 $0xFFFFE800  }
0xc4: {  	[spmem:s8] =	stream.linear.scatter [tilespmem:s2], [sflag:$0x1D], $0x1800, $0x38;
	[tilespmem:$0x1EB00] =	vst v63  }
0xc5: {  	_ =	swait.ge [sflag:s6], $0x1800  }
0xc6: {  	s19 =	sld [smem:$0x7F9]  }
0xc7: {  	[sflag:s6] =	ssyncset.done $0x0  }
0xc8: {  	[sflag:s6] =	ssyncadd.s32 $0xFFFFE800  }
0xc9: {  	[spmem:s19] =	stream.linear.scatter [tilespmem:s2], [sflag:$0x1D], $0x1800, $0x38;
	[tilespmem:$0x1EB00] =	vst v63  }
0xca: {  	_ =	swait.ge [sflag:s6], $0x1800  }
0xcb: {  	[sflag:s6] =	ssyncset.done $0x0  }
0xcc: {  	[sflag:s6] =	ssyncadd.s32 $0xFFFFE800  }
0xcd: {  	[spmem:s21] =	stream.linear.scatter [tilespmem:s2], [sflag:$0x1D], $0x1800, $0x38;
	[tilespmem:$0x1EB00] =	vst v63  }
0xce: {  	_ =	swait.ge [sflag:s6], $0x1800  }
0xcf: {  	s21 =	sld [smem:$0x7FA]  }
0xd0: {  	[sflag:s6] =	ssyncset.done $0x0  }
0xd1: {  	[sflag:s6] =	ssyncadd.s32 $0xFFFFE800  }
0xd2: {  	[spmem:s21] =	stream.linear.scatter [tilespmem:s2], [sflag:$0x1D], $0x1800, $0x38;
	[tilespmem:$0x1EB00] =	vst v63  }
0xd3: {  	_ =	swait.ge [sflag:s6], $0x1800  }
0xd4: {  	s23 =	sld [smem:$0x7FB]  }
0xd5: {  	[sflag:s6] =	ssyncset.done $0x0  }
0xd6: {  	[sflag:s6] =	ssyncadd.s32 $0xFFFFE800  }
0xd7: {  	[spmem:s23] =	stream.linear.scatter [tilespmem:s2], [sflag:$0x1D], $0x1800, $0x38;
	[tilespmem:$0x1EB00] =	vst v63  }
0xd8: {  	_ =	swait.ge [sflag:s6], $0x1800  }
0xd9: {  	s25 =	sld [smem:$0x7FC]  }
0xda: {  	[sflag:s6] =	ssyncset.done $0x0  }
0xdb: {  	[sflag:s6] =	ssyncadd.s32 $0xFFFFE800  }
0xdc: {  	[spmem:s25] =	stream.linear.scatter [tilespmem:s2], [sflag:$0x1D], $0x1800, $0x38;
	[tilespmem:$0x1EB00] =	vst v63  }
0xdd: {  	_ =	swait.ge [sflag:s6], $0x1800  }
0xde: {  	s26 =	sld [smem:$0x7FD]  }
0xdf: {  	[sflag:s6] =	ssyncset.done $0x0  }
0xe0: {  	[sflag:s6] =	ssyncadd.s32 $0xFFFFE800  }
0xe1: {  	[spmem:s26] =	stream.linear.scatter [tilespmem:s2], [sflag:$0x1D], $0x1800, $0x38;
	[tilespmem:$0x1EB00] =	vst v63  }
0xe2: {  	_ =	swait.ge [sflag:s6], $0x1800  }
0xe3: {  	s28 =	sld [smem:$0x7F2]  }
0xe4: {  	[sflag:s6] =	ssyncset.done $0x0  }
0xe5: {  	[sflag:s6] =	ssyncadd.s32 $0xFFFFE800  }
0xe6: {  	[spmem:s28] =	stream.linear.scatter [tilespmem:s2], [sflag:$0x1D], $0x400, $0x38;
	[tilespmem:$0x1EB00] =	vst v63  }
0xe7: {  	_ =	swait.ge [sflag:s6], $0x400  }
0xe8: {  	[sflag:s6] =	ssyncset.done $0x0  }
0xe9: {  	s8 =	simm.s32 $0x1;
	[sflag:s6] =	ssyncadd.s32 $0xFFFFFC00  }
0xea: {  	_ =	swait.ge [sflag:s8], $0x30  }
0xeb: {  	[sflag:s8] =	ssyncset.done $0x0  }
0xec: {  	s19 =	simm.s32 $0x1E400;
	s21 =	simm.s32 $0x2;
	[sflag:s8] =	ssyncadd.s32 $0xFFFFFFD0  }
0xed: {  	[tilespmem:s2], [sflag:$0xF] =	stream.indirect.gather [hbm4b:s5+s18], $0x80, s19, s18, $0xb8;
	[tilespmem:$0x1EB00] =	vst v63  }
0xee: {  	_ =	swait.ge [sflag:s21], $0x30  }
0xef: {  	s23 =	simm.s32 $0x1E480;
	[sflag:s21] =	ssyncset.done $0x0  }
0xf0: {  	s25 =	simm.s32 $0x15400;
	s26 =	simm.s32 $0x3;
	[sflag:s21] =	ssyncadd.s32 $0xFFFFFFD0  }
0xf1: {  	[tilespmem:s25], [sflag:$0x10] =	stream.indirect.gather [hbm4b:s5+s18], $0x80, s23, s18, $0xb8;
	[tilespmem:$0x1EB00] =	vst v63  }
0xf2: {  	_ =	swait.ge [sflag:s26], $0x30  }
0xf3: {  	[sflag:s26] =	ssyncset.done $0x0  }
0xf4: {  	s1 =	simm.s32 $0x4;
	s28 =	simm.s32 $0x1E500;
	[sflag:s26] =	ssyncadd.s32 $0xFFFFFFD0  }
0xf5: {  	[tilespmem:s0], [sflag:$0x11] =	stream.indirect.gather [hbm4b:s5+s18], $0x80, s28, s18, $0xb8;
	[tilespmem:$0x1EB00] =	vst v63  }
0xf6: {  	_ =	swait.ge [sflag:s1], $0x30  }
0xf7: {  	s6 =	simm.s32 $0x1E580;
	[sflag:s1] =	ssyncset.done $0x0  }
0xf8: {  	s8 =	simm.s32 $0x18400;
	s19 =	simm.s32 $0x5;
	[sflag:s1] =	ssyncadd.s32 $0xFFFFFFD0  }
0xf9: {  	[tilespmem:s8], [sflag:$0x12] =	stream.indirect.gather [hbm4b:s5+s18], $0x80, s6, s18, $0xb8;
	[tilespmem:$0x1EB00] =	vst v63  }
0xfa: {  	_ =	swait.ge [sflag:s19], $0x30  }
0xfb: {  	[sflag:s19] =	ssyncset.done $0x0  }
0xfc: {  	s21 =	simm.s32 $0x1E600;
	[sflag:s19] =	ssyncadd.s32 $0xFFFFFFD0  }
0xfd: {  	[tilespmem:s22], [sflag:$0x13] =	stream.indirect.gather [hbm4b:s5+s18], $0x80, s21, s18, $0xb8;
	[tilespmem:$0x1EB00] =	vst v63  }
0xfe: {  	s22 =	simm.s32 $0x6  }
0xff: {  	_ =	swait.ge [sflag:s22], $0x30  }
0x100: {  	s23 =	simm.s32 $0x1E680;
	[sflag:s22] =	ssyncset.done $0x0  }
0x101: {  	s25 =	simm.s32 $0x1B400;
	s26 =	simm.s32 $0x7;
	[sflag:s22] =	ssyncadd.s32 $0xFFFFFFD0  }
0x102: {  	[tilespmem:s25], [sflag:$0x14] =	stream.indirect.gather [hbm4b:s5+s18], $0x80, s23, s18, $0xb8;
	[tilespmem:$0x1EB00] =	vst v63  }
0x103: {  	_ =	swait.ge [sflag:s26], $0x30  }
0x104: {  	s28 =	simm.s32 $0x1E700;
	[sflag:s26] =	ssyncset.done $0x0  }
0x105: {  	s0 =	simm.s32 $0x16C00;
	s8 =	simm.s32 $0x1CC00;
	[sflag:s26] =	ssyncadd.s32 $0xFFFFFFD0  }
0x106: {  	[tilespmem:s8], [sflag:$0x15] =	stream.indirect.gather [hbm4b:s5+s18], $0x80, s28, s18, $0xb8;
	[tilespmem:$0x1EB00] =	vst v63  }
0x107: {  	s6 =	simm.s32 $0x1EA80;
	s22 =	simm.s32 $0x19C00;
	[bflag:$0x0] =	sbarrier.arrive $0xFFFF  }
0x108: {  	s25 =	simm.s32 $0x1E880;
	s26 =	simm.s32 $0x0;
	s21 =	rddreg [dreg:$0x1b]  }
.LBB2_4:
0x109: {  	s1 =	simm.s32 $0xF  }
0x10a: {  	_ =	swait.ge [sflag:s1], $0x1800  }
0x10b: {  	[sflag:s1] =	ssyncset.done $0x0  }
0x10c: {  	s23 =	simm.s32 $0x8;
	[sflag:s1] =	ssyncadd.s32 $0xFFFFE800  }
0x10d: {  	_ =	swait.ge [sflag:s23], $0x30  }
0x10e: {  	p0 =	seq.s32 s26, $0x4C2;
	[sflag:s23] =	ssyncset.done $0x0  }
0x10f: {  	s1 =	simm.s32 @p0 $0x10;
	[sflag:s23] =	ssyncadd.s32 $0xFFFFFFD0  }
0x110: {  	[spmem:s3] =	stream.indirect.scatter.add.f32 [tilespmem:s2], [sflag:$0x16], $0x80, s17, s18, $0xb8;
	[tilespmem:$0x1EB00] =	vst v63  }
0x111: {  	_ =	swait.ge @p0 [sflag:s1], $0x1800  }
0x112: {  	[sflag:s1] =	ssyncset.done @p0 $0x0  }
0x113: {  	[sflag:s1] =	ssyncadd.s32 @p0 $0xFFFFE800;
	s1 =	simm.s32 @p0 $0x9  }
0x114: {  	_ =	swait.ge @p0 [sflag:s1], $0x30  }
0x115: {  	s2 =	simm.s32 @p0 $0x1E800;
	[sflag:s1] =	ssyncset.done @p0 $0x0  }
0x116: {  	s17 =	simm.s32 @p0 $0x15400;
	[sflag:s1] =	ssyncadd.s32 @p0 $0xFFFFFFD0;
	s1 =	simm.s32 @p0 $0x30  }
0x117: {  	[spmem:s3] =	stream.indirect.scatter.add.f32 @p0 [tilespmem:s17], [sflag:$0x17], $0x80, s2, s1, $0xb8;
	[tilespmem:$0x1EB00] =	vst v63  }
0x118: {  	s2 =	sshrl.u32 @!p0 s21, $0x3;
	s17 =	rddreg [dreg:$0x4]  }
0x119: {  	s28 =	simm.s32 @!p0 $0x1E400;
	s2 =	sadd.s32 @!p0 s17, s2;
	s17 =	simm.s32 @!p0 $0x0  }
0x11a: {  	[tilespmem:s28], [sflag:$0x1] =	stream.linear.gather @!p0 [hbm4b:s2+s17], $0x30, $0x38;
	[tilespmem:$0x1EB00] =	vst v63  }
0x11b: {  	s2 =	simm.s32 @!p0 $0x10  }
0x11c: {  	_ =	swait.ge @!p0 [sflag:s2], $0x1800  }
0x11d: {  	[sflag:s2] =	ssyncset.done @!p0 $0x0  }
0x11e: {  	[sflag:s2] =	ssyncadd.s32 @!p0 $0xFFFFE800;
	s2 =	simm.s32 @!p0 $0x9  }
0x11f: {  	_ =	swait.ge @!p0 [sflag:s2], $0x30  }
0x120: {  	s19 =	simm.s32 @!p0 $0x15400;
	[sflag:s2] =	ssyncset.done @!p0 $0x0  }
0x121: {  	s28 =	simm.s32 @!p0 $0x1E800;
	[sflag:s2] =	ssyncadd.s32 @!p0 $0xFFFFFFD0;
	s2 =	simm.s32 @!p0 $0x30  }
0x122: {  	[spmem:s3] =	stream.indirect.scatter.add.f32 @!p0 [tilespmem:s19], [sflag:$0x17], $0x80, s28, s2, $0xb8;
	[tilespmem:$0x1EB00] =	vst v63  }
0x123: {  	s19 =	sld [smem:$0x7EE];
	_ =	sdelay $0x2  }
0x124: {  	s28 =	simm.s32 @!p0 $0x1E480;
	s19 =	sadd.s32 @!p0 s26, s19  }
0x125: {  	[tilespmem:s28], [sflag:$0x2] =	stream.linear.gather @!p0 [hbm4b:s19+s17], $0x30, $0x38;
	[tilespmem:$0x1EB00] =	vst v63  }
0x126: {  	s19 =	simm.s32 $0x11  }
0x127: {  	_ =	swait.ge [sflag:s19], $0x1800  }
0x128: {  	[sflag:s19] =	ssyncset.done $0x0  }
0x129: {  	[sflag:s19] =	ssyncadd.s32 $0xFFFFE800  }
0x12a: {  	_ =	swait.ge [sflag:s10], $0x30  }
0x12b: {  	[sflag:s10] =	ssyncset.done $0x0  }
0x12c: {  	s19 =	simm.s32 @p0 $0x12;
	[sflag:s10] =	ssyncadd.s32 $0xFFFFFFD0  }
0x12d: {  	[spmem:s3] =	stream.indirect.scatter.add.f32 [tilespmem:s0], [sflag:$0x18], $0x80, s25, s18, $0xb8;
	[tilespmem:$0x1EB00] =	vst v63  }
0x12e: {  	_ =	swait.ge @p0 [sflag:s19], $0x1800  }
0x12f: {  	[sflag:s19] =	ssyncset.done @p0 $0x0  }
0x130: {  	[sflag:s19] =	ssyncadd.s32 @p0 $0xFFFFE800;
	s19 =	simm.s32 @p0 $0xB  }
0x131: {  	_ =	swait.ge @p0 [sflag:s19], $0x30  }
0x132: {  	[sflag:s19] =	ssyncset.done @p0 $0x0  }
0x133: {  	s28 =	simm.s32 @p0 $0x18400;
	[sflag:s19] =	ssyncadd.s32 @p0 $0xFFFFFFD0;
	s19 =	simm.s32 @p0 $0x1E900  }
0x134: {  	[spmem:s3] =	stream.indirect.scatter.add.f32 @p0 [tilespmem:s28], [sflag:$0x19], $0x80, s19, s1, $0xb8;
	[tilespmem:$0x1EB00] =	vst v63  }
0x135: {  	s19 =	sld [smem:$0x7EC];
	_ =	sdelay $0x2  }
0x136: {  	s28 =	simm.s32 @!p0 $0x1E500;
	s19 =	sadd.s32 @!p0 s26, s19  }
0x137: {  	[tilespmem:s28], [sflag:$0x3] =	stream.linear.gather @!p0 [hbm4b:s19+s17], $0x30, $0x38;
	[tilespmem:$0x1EB00] =	vst v63  }
0x138: {  	s19 =	simm.s32 @!p0 $0x12  }
0x139: {  	_ =	swait.ge @!p0 [sflag:s19], $0x1800  }
0x13a: {  	[sflag:s19] =	ssyncset.done @!p0 $0x0  }
0x13b: {  	[sflag:s19] =	ssyncadd.s32 @!p0 $0xFFFFE800;
	s19 =	simm.s32 @!p0 $0xB  }
0x13c: {  	_ =	swait.ge @!p0 [sflag:s19], $0x30  }
0x13d: {  	[sflag:s19] =	ssyncset.done @!p0 $0x0  }
0x13e: {  	s28 =	simm.s32 @!p0 $0x18400;
	[sflag:s19] =	ssyncadd.s32 @!p0 $0xFFFFFFD0;
	s19 =	simm.s32 @!p0 $0x1E900  }
0x13f: {  	[spmem:s3] =	stream.indirect.scatter.add.f32 @!p0 [tilespmem:s28], [sflag:$0x19], $0x80, s19, s2, $0xb8;
	[tilespmem:$0x1EB00] =	vst v63  }
0x140: {  	s19 =	sld [smem:$0x7EA];
	_ =	sdelay $0x2  }
0x141: {  	s28 =	simm.s32 @!p0 $0x1E580;
	s19 =	sadd.s32 @!p0 s26, s19  }
0x142: {  	[tilespmem:s28], [sflag:$0x4] =	stream.linear.gather @!p0 [hbm4b:s19+s17], $0x30, $0x38;
	[tilespmem:$0x1EB00] =	vst v63  }
0x143: {  	_ =	swait.ge [sflag:s12], $0x1800  }
0x144: {  	[sflag:s12] =	ssyncset.done $0x0  }
0x145: {  	[sflag:s12] =	ssyncadd.s32 $0xFFFFE800  }
0x146: {  	_ =	swait.ge [sflag:s14], $0x30  }
0x147: {  	[sflag:s14] =	ssyncset.done $0x0  }
0x148: {  	s19 =	simm.s32 @p0 $0x14;
	[sflag:s14] =	ssyncadd.s32 $0xFFFFFFD0  }
0x149: {  	[spmem:s3] =	stream.indirect.scatter.add.f32 [tilespmem:s22], [sflag:$0x1A], $0x80, s30, s18, $0xb8;
	[tilespmem:$0x1EB00] =	vst v63  }
0x14a: {  	_ =	swait.ge @p0 [sflag:s19], $0x1800  }
0x14b: {  	[sflag:s19] =	ssyncset.done @p0 $0x0  }
0x14c: {  	[sflag:s19] =	ssyncadd.s32 @p0 $0xFFFFE800;
	s19 =	simm.s32 @p0 $0xD  }
0x14d: {  	_ =	swait.ge @p0 [sflag:s19], $0x30  }
0x14e: {  	[sflag:s19] =	ssyncset.done @p0 $0x0  }
0x14f: {  	s28 =	simm.s32 @p0 $0x1B400;
	[sflag:s19] =	ssyncadd.s32 @p0 $0xFFFFFFD0;
	s19 =	simm.s32 @p0 $0x1EA00  }
0x150: {  	[spmem:s3] =	stream.indirect.scatter.add.f32 @p0 [tilespmem:s28], [sflag:$0x1B], $0x80, s19, s1, $0xb8;
	[tilespmem:$0x1EB00] =	vst v63  }
0x151: {  	s1 =	sld [smem:$0x7E8];
	_ =	sdelay $0x2  }
0x152: {  	s19 =	simm.s32 @!p0 $0x1E600;
	s1 =	sadd.s32 @!p0 s26, s1  }
0x153: {  	[tilespmem:s19], [sflag:$0x5] =	stream.linear.gather @!p0 [hbm4b:s1+s17], $0x30, $0x38;
	[tilespmem:$0x1EB00] =	vst v63  }
0x154: {  	s1 =	simm.s32 @!p0 $0x14  }
0x155: {  	_ =	swait.ge @!p0 [sflag:s1], $0x1800  }
0x156: {  	[sflag:s1] =	ssyncset.done @!p0 $0x0  }
0x157: {  	[sflag:s1] =	ssyncadd.s32 @!p0 $0xFFFFE800;
	s1 =	simm.s32 @!p0 $0xD  }
0x158: {  	_ =	swait.ge @!p0 [sflag:s1], $0x30  }
0x159: {  	[sflag:s1] =	ssyncset.done @!p0 $0x0  }
0x15a: {  	s19 =	simm.s32 @!p0 $0x1B400;
	[sflag:s1] =	ssyncadd.s32 @!p0 $0xFFFFFFD0;
	s1 =	simm.s32 @!p0 $0x1EA00  }
0x15b: {  	[spmem:s3] =	stream.indirect.scatter.add.f32 @!p0 [tilespmem:s19], [sflag:$0x1B], $0x80, s1, s2, $0xb8;
	[tilespmem:$0x1EB00] =	vst v63  }
0x15c: {  	s1 =	rddreg [dreg:$0x1f]  }
0x15d: {  	s2 =	simm.s32 @!p0 $0x1E680;
	s1 =	sadd.s32 @!p0 s26, s1  }
0x15e: {  	[tilespmem:s2], [sflag:$0x6] =	stream.linear.gather @!p0 [hbm4b:s1+s17], $0x30, $0x38;
	[tilespmem:$0x1EB00] =	vst v63  }
0x15f: {  	_ =	swait.ge [sflag:s7], $0x1800  }
0x160: {  	[sflag:s7] =	ssyncset.done $0x0  }
0x161: {  	[sflag:s7] =	ssyncadd.s32 $0xFFFFE800  }
.Ltmp3:
0x162: {  	_ =	swait.ge [sflag:s9], $0x30;
	(pc) =	sbr.rel @p0 .LBB2_6-.Ltmp3, $4  }
0x163: {  	[sflag:s9] =	ssyncset.done $0x0  }
0x164: {  	[sflag:s9] =	ssyncadd.s32 $0xFFFFFFD0  }
0x165: {  	[spmem:s3] =	stream.indirect.scatter.add.f32 [tilespmem:s8], [sflag:$0x1C], $0x80, s6, s18, $0xb8;
	[tilespmem:$0x1EB00] =	vst v63  }
0x166: {  	s23 =	simm.s32 $0x1E780;
	s28 =	simm.s32 $0x1EA80;
	s6 =	simm.s32 $0x1CC00  }
0x167: {  	s1 =	rddreg [dreg:$0x1d]  }
0x168: {  	s17 =	simm.s32 $0x1E700;
	s1 =	sadd.s32 s26, s1  }
0x169: {  	[tilespmem:s17], [sflag:$0x7] =	stream.linear.gather [hbm4b:s1+s4], $0x30, $0x38;
	[tilespmem:$0x1EB00] =	vst v63  }
0x16a: {  	_ =	swait.ge [sflag:s11], $0x1800  }
0x16b: {  	[sflag:s11] =	ssyncset.done $0x0  }
0x16c: {  	[sflag:s11] =	ssyncadd.s32 $0xFFFFE800  }
0x16d: {  	s19 =	sshrl.u32 s21, $0x3;
	s2 =	rddreg [dreg:$0x1]  }
0x16e: {  	s1 =	sadd.s32 s2, s19;
	s2 =	simm.s32 $0x1  }
0x16f: {  	[tilespmem:s23], [sflag:$0x8] =	stream.linear.gather [hbm4b:s1+s4], $0x30, $0x38;
	[tilespmem:$0x1EB00] =	vst v63  }
0x170: {  	_ =	swait.ge [sflag:s2], $0x30  }
0x171: {  	[sflag:s2] =	ssyncset.done $0x0  }
0x172: {  	s8 =	simm.s32 $0x1E400;
	[sflag:s2] =	ssyncadd.s32 $0xFFFFFFD0  }
0x173: {  	[tilespmem:s31], [sflag:$0xF] =	stream.indirect.gather [hbm4b:s5+s18], $0x80, s8, s18, $0xb8;
	[tilespmem:$0x1EB00] =	vst v63  }
0x174: {  	_ =	swait.ge [sflag:s13], $0x1800  }
0x175: {  	s19 =	sld [smem:$0x7ED];
	_ =	sdelay $0x1  }
0x176: {  	s23 =	simm.s32 $0x1E800;
	[sflag:s13] =	ssyncset.done $0x0  }
0x177: {  	s2 =	simm.s32 $0x2;
	[sflag:s13] =	ssyncadd.s32 $0xFFFFE800;
	s1 =	sadd.s32 s26, s19  }
0x178: {  	[tilespmem:s23], [sflag:$0x9] =	stream.linear.gather [hbm4b:s1+s4], $0x30, $0x38;
	[tilespmem:$0x1EB00] =	vst v63  }
0x179: {  	_ =	swait.ge [sflag:s2], $0x30  }
0x17a: {  	[sflag:s2] =	ssyncset.done $0x0  }
0x17b: {  	s8 =	simm.s32 $0x1E480;
	s19 =	simm.s32 $0x15400;
	[sflag:s2] =	ssyncadd.s32 $0xFFFFFFD0  }
0x17c: {  	[tilespmem:s19], [sflag:$0x10] =	stream.indirect.gather [hbm4b:s5+s18], $0x80, s8, s18, $0xb8;
	[tilespmem:$0x1EB00] =	vst v63  }
0x17d: {  	_ =	swait.ge [sflag:s15], $0x1800  }
0x17e: {  	s23 =	sld [smem:$0x7EB];
	_ =	sdelay $0x1  }
0x17f: {  	[sflag:s15] =	ssyncset.done $0x0  }
0x180: {  	s2 =	simm.s32 $0x3;
	[sflag:s15] =	ssyncadd.s32 $0xFFFFE800;
	s1 =	sadd.s32 s26, s23  }
0x181: {  	[tilespmem:s25], [sflag:$0xA] =	stream.linear.gather [hbm4b:s1+s4], $0x30, $0x38;
	[tilespmem:$0x1EB00] =	vst v63  }
0x182: {  	_ =	swait.ge [sflag:s2], $0x30  }
0x183: {  	[sflag:s2] =	ssyncset.done $0x0  }
0x184: {  	s8 =	simm.s32 $0x1E500;
	[sflag:s2] =	ssyncadd.s32 $0xFFFFFFD0  }
0x185: {  	[tilespmem:s0], [sflag:$0x11] =	stream.indirect.gather [hbm4b:s5+s18], $0x80, s8, s18, $0xb8;
	[tilespmem:$0x1EB00] =	vst v63  }
0x186: {  	_ =	swait.ge [sflag:s20], $0x1800  }
0x187: {  	s19 =	sld [smem:$0x7E9];
	_ =	sdelay $0x1  }
0x188: {  	s23 =	simm.s32 $0x1E900;
	[sflag:s20] =	ssyncset.done $0x0  }
0x189: {  	s2 =	simm.s32 $0x4;
	[sflag:s20] =	ssyncadd.s32 $0xFFFFE800;
	s1 =	sadd.s32 s26, s19  }
0x18a: {  	[tilespmem:s23], [sflag:$0xB] =	stream.linear.gather [hbm4b:s1+s4], $0x30, $0x38;
	[tilespmem:$0x1EB00] =	vst v63  }
0x18b: {  	_ =	swait.ge [sflag:s2], $0x30  }
0x18c: {  	[sflag:s2] =	ssyncset.done $0x0  }
0x18d: {  	s8 =	simm.s32 $0x1E580;
	s19 =	simm.s32 $0x18400;
	[sflag:s2] =	ssyncadd.s32 $0xFFFFFFD0  }
0x18e: {  	[tilespmem:s19], [sflag:$0x12] =	stream.indirect.gather [hbm4b:s5+s18], $0x80, s8, s18, $0xb8;
	[tilespmem:$0x1EB00] =	vst v63  }
0x18f: {  	_ =	swait.ge [sflag:s24], $0x1800  }
0x190: {  	s23 =	sld [smem:$0x7E7];
	_ =	sdelay $0x1  }
0x191: {  	[sflag:s24] =	ssyncset.done $0x0  }
0x192: {  	s2 =	simm.s32 $0x5;
	[sflag:s24] =	ssyncadd.s32 $0xFFFFE800;
	s1 =	sadd.s32 s26, s23  }
0x193: {  	[tilespmem:s30], [sflag:$0xC] =	stream.linear.gather [hbm4b:s1+s4], $0x30, $0x38;
	[tilespmem:$0x1EB00] =	vst v63  }
0x194: {  	_ =	swait.ge [sflag:s2], $0x30  }
0x195: {  	[sflag:s2] =	ssyncset.done $0x0  }
0x196: {  	s8 =	simm.s32 $0x1E600;
	[sflag:s2] =	ssyncadd.s32 $0xFFFFFFD0  }
0x197: {  	[tilespmem:s22], [sflag:$0x13] =	stream.indirect.gather [hbm4b:s5+s18], $0x80, s8, s18, $0xb8;
	[tilespmem:$0x1EB00] =	vst v63  }
0x198: {  	_ =	swait.ge [sflag:s16], $0x1800  }
0x199: {  	s23 =	simm.s32 $0x1EA00;
	[sflag:s16] =	ssyncset.done $0x0;
	s19 =	rddreg [dreg:$0x1e]  }
0x19a: {  	s2 =	simm.s32 $0x6;
	[sflag:s16] =	ssyncadd.s32 $0xFFFFE800;
	s1 =	sadd.s32 s26, s19  }
0x19b: {  	[tilespmem:s23], [sflag:$0xD] =	stream.linear.gather [hbm4b:s1+s4], $0x30, $0x38;
	[tilespmem:$0x1EB00] =	vst v63  }
0x19c: {  	_ =	swait.ge [sflag:s2], $0x30  }
0x19d: {  	[sflag:s2] =	ssyncset.done $0x0  }
0x19e: {  	s8 =	simm.s32 $0x1E680;
	s19 =	simm.s32 $0x1B400;
	[sflag:s2] =	ssyncadd.s32 $0xFFFFFFD0  }
0x19f: {  	[tilespmem:s19], [sflag:$0x14] =	stream.indirect.gather [hbm4b:s5+s18], $0x80, s8, s18, $0xb8;
	[tilespmem:$0x1EB00] =	vst v63  }
0x1a0: {  	_ =	swait.ge [sflag:s29], $0x1800  }
0x1a1: {  	[sflag:s29] =	ssyncset.done $0x0;
	s23 =	rddreg [dreg:$0x1c]  }
0x1a2: {  	[sflag:s29] =	ssyncadd.s32 $0xFFFFE800;
	s1 =	sadd.s32 s26, s23  }
0x1a3: {  	[tilespmem:s28], [sflag:$0xE] =	stream.linear.gather [hbm4b:s1+s4], $0x30, $0x38;
	[tilespmem:$0x1EB00] =	vst v63  }
0x1a4: {  	s28 =	simm.s32 $0x7  }
.Ltmp4:
0x1a5: {  	_ =	swait.ge [sflag:s28], $0x30;
	(pc) =	sbr.rel .LBB2_4-.Ltmp4, $4  }
0x1a6: {  	s21 =	sadd.s32 $0x150, s21;
	[sflag:s28] =	ssyncset.done $0x0  }
0x1a7: {  	s2 =	simm.s32 $0x13C00;
	s8 =	simm.s32 $0x1CC00;
	[sflag:s28] =	ssyncadd.s32 $0xFFFFFFD0  }
0x1a8: {  	[tilespmem:s6], [sflag:$0x15] =	stream.indirect.gather [hbm4b:s5+s18], $0x80, s17, s18, $0xb8;
	[tilespmem:$0x1EB00] =	vst v63  }
0x1a9: {  	s26 =	sadd.s32 $0x2A, s26;
	s17 =	simm.s32 $0x1E780;
	s6 =	simm.s32 $0x1EA80  }
.LBB2_7:
0x1aa: {  	_ =	sfence.sel $0x180000  }
0x1ab: {  	[bflag:$0x0] =	sbarrier.arrive $0xFFFF  }
0x1ac: {  	_ =	strace $0x9000004D  }
0x1ad: {  	s0 =	stileid.u32;
	[bflag:$0x2] =	sbarrier.arrive $0xFFFF  }
0x1ae: {  	p0 =	sne.s32 s0, $0x0;
	s0 =	rddreg [dreg:$0x3]  }
0x1af: {  	s0 =	sadd.s32 @!p0 $0x100000, s0  }
0x1b0: {  	[sflag:s0] =	ssyncadd.tile.s32 @!p0 $0x1;
	_ =	shalt  }
.Lfunc_end2:
_tile_overlayer_lowered:
.L_overlay_start_2:
0x1b1: {  	(tag) =	ssettag $0x2  }
0x1b2: {  	s0 =	rddreg [dreg:$0x0];
	s2 =	stileid.u32  }
0x1b3: {  	s1 =	rddreg [dreg:$0x1];
	p0 =	sne.s32 s2, $0x0  }
0x1b4: {  	s3 =	rddreg [dreg:$0x2];
	[bflag:$0x3] =	sbarrier.arrive $0xFFFF;
	s2 =	simm.s32 @!p0 $0x1C1D  }
0x1b5: {  	[timem:s3], [sflag:s2] =	dma.local @!p0 [hbm:s0], s1  }
0x1b6: {  	s0 =	simm.s32 @!p0 $0x1D  }
0x1b7: {  	_ =	swait.ge @!p0 [sflag:s0], s1  }
0x1b8: {  	s1 =	ssub.s32 @!p0 $0x0, s1;
	[sflag:s0] =	ssyncset.done @!p0 $0x0  }
0x1b9: {  	[sflag:s0] =	ssyncadd.s32 @!p0 s1  }
0x1ba: {  	[bflag:$0x3] =	sbarrier.arrive $0xFFFF  }
0x1bb: {  	_ =	shalt  }

// kernel: kernel.9.cloned.1.call-start
scs
__scs_entry_jumppad:
0x0: {  	(pc) =	sbr.rel $0x88, $3  }
0x1: {  	(tag) =	ssettag $0x0;
	lr =	simm.s32 $0x1  }
0x2: {  	[smem:$0x3F9B] =	sst lr;
	_ =	strace $0xD0000000  }
0x3: {  	_ = 	snop  }
0x4: {  	_ = 	snop  }
0x5: {  	_ = 	snop  }
0x6: {  	_ = 	snop  }
0x7: {  	_ = 	snop  }
__scs_overlays_trampoline_lowered:
0x8: {  	[smem:$0x3FAA] =	sst s0  }
0x9: {  	[smem:$0x3FAB] =	sst s1  }
0xa: {  	[smem:$0x3FAC] =	sst s2  }
0xb: {  	[smem:$0x3FAD] =	sst s3  }
0xc: {  	[smem:$0x3FAE] =	sst s4  }
0xd: {  	[smem:$0x3FAF] =	sst s5  }
0xe: {  	[smem:$0x3FB0] =	sst s6  }
0xf: {  	[smem:$0x3FB1] =	sst s7  }
0x10: {  	[smem:$0x3FB2] =	sst s8  }
0x11: {  	[smem:$0x3FB3] =	sst s9;
	s0 =	simm.s32 @!p0 $0x0  }
0x12: {  	s1 =	sld [smem:$0x3F99];
	s0 =	simm.s32 @p0 $0x1  }
0x13: {  	[smem:$0x3FB4] =	sst s0;
	s0 =	simm.s32 @!p1 $0x0  }
0x14: {  	s2 =	sld [smem:$0x3F98];
	s0 =	simm.s32 @p1 $0x1  }
0x15: {  	[smem:$0x3FB5] =	sst s0;
	s0 =	simm.s32 @!p2 $0x0  }
0x16: {  	s3 =	sld [smem:$0x3FDB];
	s0 =	simm.s32 @p2 $0x1  }
0x17: {  	s4 =	simm.s32 $0x1BF5;
	[smem:$0x3FB7] =	sst s0  }
0x18: {  	s0 =	sld [smem:$0x3F9A];
	_ =	swait.ge [sflag:s4], $0x0  }
0x19: {  	s7 =	sld [smem:$0x3F9B]  }
0x1a: {  	s8 =	sadd.s32 $0xFFFFE003, lr  }
0x1b: {  	s9 =	sadd.s32 $0xFFFFFEF7, lr;
	s5 =	simm.s32 $0xFFFFFFFF;
	p2 =	slt.u32 s8, $0xFFFFF086  }
0x1c: {  	p1 =	slt.u32 s9, $0xF7A;
	s5 =	simm.s32 @!p2 $0x0  }
0x1d: {  	s5 =	simm.s32 @p1 $0x1;
	p0 =	seq.s32 s7, s2  }
0x1e: {  	s7 =	smul.u32 @!p0 $0xF7A, s2;
	p2 =	seq.s32 @!p0 s5, $0x0  }
0x1f: {  	s9 =	smul.u32 $0xF7A, s1;
	s8 =	simm.s32 @!p0 $0x1BF5;
	p2 =	por !p2, p0  }
0x20: {  	[sflag:s8] =	ssyncset.s32 @!p0 $0xFFFFF086;
	s6 =	sadd.s32 @!p0 s3, s7;
	s7 =	simm.s32 @!p0 $0x108  }
0x21: {  	s3 =	sadd.s32 s3, s9;
	s6 =	sadd.s32 @!p0 $0x88, s6;
	s7 =	simm.s32 @p2 $0x1082  }
0x22: {  	[simem:s7], [sflag:s8] =	dma.local @!p0 [hbm:s6], $0xF7A  }
0x23: {  	s9 =	sor.u32 $0xD0000000, s2;
	s6 =	simm.s32 $0x108;
	_ =	swait.ge @!p0 [sflag:s8], $0x0  }
0x24: {  	s3 =	sadd.s32 $0x88, s3;
	s6 =	simm.s32 @!p1 $0x1082;
	[sflag:s4] =	ssyncset.s32 $0xFFFFF086  }
0x25: {  	[simem:s6], [sflag:s4] =	dma.local [hbm:s3], $0xF7A  }
0x26: {  	[smem:$0x3F9B] =	sst s1;
	(tag) =	ssettag s2;
	_ =	strace s9  }
0x27: {  	s1 =	sld [smem:$0x3FAB]  }
0x28: {  	s2 =	sld [smem:$0x3FAC]  }
0x29: {  	s4 =	sld [smem:$0x3FAE]  }
0x2a: {  	p0 =	seq.s32 s5, $0x0;
	s5 =	sld [smem:$0x3FAF]  }
0x2b: {  	s6 =	sld [smem:$0x3FB0]  }
0x2c: {  	s7 =	sld [smem:$0x3FB1]  }
0x2d: {  	s3 =	simm.s32 $0x108;
	s8 =	sld [smem:$0x3FB2]  }
0x2e: {  	s3 =	simm.s32 @!p0 $0x1082;
	s9 =	sld [smem:$0x3FB3]  }
0x2f: {  	lr =	sadd.s32 s0, s3;
	s0 =	sld [smem:$0x3FAA]  }
0x30: {  	s3 =	sld [smem:$0x3FAD]  }
0x31: {  	[smem:$0x3FB6] =	sst s10  }
0x32: {  	s10 =	sld [smem:$0x3FB4];
	_ =	sdelay $0x3  }
0x33: {  	p0 =	seq.s32 s10, $0x1;
	s10 =	sld [smem:$0x3FB6];
	_ =	sdelay $0x3  }
0x34: {  	[smem:$0x3FB6] =	sst s10  }
0x35: {  	s10 =	sld [smem:$0x3FB5];
	_ =	sdelay $0x3  }
0x36: {  	p1 =	seq.s32 s10, $0x1;
	s10 =	sld [smem:$0x3FB6];
	_ =	sdelay $0x3  }
0x37: {  	[smem:$0x3FB6] =	sst s10  }
0x38: {  	s10 =	sld [smem:$0x3FB7]  }
0x39: {  	_ = 	snop;
	(pc) =	sbr.ind lr, $3  }
0x3a: {  	_ = 	snop  }
0x3b: {  	_ = 	snop  }
0x3c: {  	p2 =	seq.s32 s10, $0x1;
	s10 =	sld [smem:$0x3FB6]  }
0x3d: {  	_ =	shalt  }
0x3e: {  	_ =	shalt  }
0x3f: {  	_ =	shalt  }
0x40: {  	_ =	shalt  }
0x41: {  	_ =	shalt  }
0x42: {  	_ =	shalt  }
0x43: {  	_ =	shalt  }
0x44: {  	_ =	shalt  }
0x45: {  	_ =	shalt  }
0x46: {  	_ =	shalt  }
0x47: {  	_ =	shalt  }
0x48: {  	_ =	shalt  }
0x49: {  	_ =	shalt  }
0x4a: {  	_ =	shalt  }
0x4b: {  	_ =	shalt  }
0x4c: {  	_ =	shalt  }
0x4d: {  	_ =	shalt  }
0x4e: {  	_ =	shalt  }
0x4f: {  	_ =	shalt  }
0x50: {  	_ =	shalt  }
0x51: {  	_ =	shalt  }
0x52: {  	_ =	shalt  }
0x53: {  	_ =	shalt  }
0x54: {  	_ =	shalt  }
0x55: {  	_ =	shalt  }
0x56: {  	_ =	shalt  }
0x57: {  	_ =	shalt  }
0x58: {  	_ =	shalt  }
0x59: {  	_ =	shalt  }
0x5a: {  	_ =	shalt  }
0x5b: {  	_ =	shalt  }
0x5c: {  	_ =	shalt  }
0x5d: {  	_ =	shalt  }
0x5e: {  	_ =	shalt  }
0x5f: {  	_ =	shalt  }
0x60: {  	_ =	shalt  }
0x61: {  	_ =	shalt  }
0x62: {  	_ =	shalt  }
0x63: {  	_ =	shalt  }
0x64: {  	_ =	shalt  }
0x65: {  	_ =	shalt  }
0x66: {  	_ =	shalt  }
0x67: {  	_ =	shalt  }
0x68: {  	_ =	shalt  }
0x69: {  	_ =	shalt  }
0x6a: {  	_ =	shalt  }
0x6b: {  	_ =	shalt  }
0x6c: {  	_ =	shalt  }
0x6d: {  	_ =	shalt  }
0x6e: {  	_ =	shalt  }
0x6f: {  	_ =	shalt  }
0x70: {  	_ =	shalt  }
0x71: {  	_ =	shalt  }
0x72: {  	_ =	shalt  }
0x73: {  	_ =	shalt  }
0x74: {  	_ =	shalt  }
0x75: {  	_ =	shalt  }
0x76: {  	_ =	shalt  }
0x77: {  	_ =	shalt  }
0x78: {  	_ =	shalt  }
0x79: {  	_ =	shalt  }
0x7a: {  	_ =	shalt  }
0x7b: {  	_ =	shalt  }
0x7c: {  	_ =	shalt  }
0x7d: {  	_ =	shalt  }
0x7e: {  	_ =	shalt  }
0x7f: {  	_ =	shalt  }
0x80: {  	_ =	shalt  }
0x81: {  	_ =	shalt  }
0x82: {  	_ =	shalt  }
0x83: {  	_ =	shalt  }
0x84: {  	_ =	shalt  }
0x85: {  	_ =	shalt  }
0x86: {  	_ =	shalt  }
0x87: {  	_ =	shalt  }
.Lfunc_end0:
.L_simem_size_0:
called_computation_lowered:
.L_overlay_start_0:
0x88: {  	s2 =	sld [smem:$0x3FD9]  }
0x89: {  	s3 =	sld [smem:$0x3FFE];
	_ =	sdelay $0x1  }
0x8a: {  	s1 =	srdreg.scid  }
0x8b: {  	s0 =	sand.u32 $0x1, s1  }
0x8c: {  	s16 =	sshll.u32 s0, $0xA;
	s2 =	sadd.s32 s3, s2  }
0x8d: {  	s2 =	sadd.s32 s2, s16  }
0x8e: {  	[smem:$0x3FC2] =	sst s2  }
0x8f: {  	_ = 	snop  }
0x90: {  	(tm) =	ssettm $0x1  }
0x91: {  	s17 =	sld [smem:$0x3FFB];
	_ =	sdelay $0x3  }
0x92: {  	_ =	strace s17  }
0x93: {  	s2 =	sld [smem:$0x3FFC];
	_ =	sdelay $0x3  }
0x94: {  	_ =	strace s2  }
0x95: {  	s2 =	sld [smem:$0x3FFD];
	_ =	sdelay $0x3  }
0x96: {  	_ =	strace s2  }
0x97: {  	_ =	strace $0x8FFFFFFF  }
0x98: {  	s18 =	sld [smem:$0x3FDB];
	_ =	sdelay $0x1  }
0x99: {  	s19 =	simm.s32 $_scs_section_size  }
0x9a: {  	s4 =	simm.s32 $_size__tile_overlayer_lowered;
	s5 =	simm.s32 $_tile_overlayer_lowered  }
0x9b: {  	s22 =	simm.s32 $0x1BFF;
	s21 =	sshll.u32 s5, $0x1;
	s2 =	sadd.s32 s19, s18  }
0x9c: {  	s6 =	simm.s32 $0x0;
	s20 =	sshll.u32 s4, $0x1;
	s4 =	sadd.s32 s21, s2  }
0x9d: {  	[timem:s6], [sflag:s22] =	dma.local [hbm:s4], s20  }
0x9e: {  	_ =	swait.ge [sflag:s22], s20  }
0x9f: {  	s3 =	ssub.s32 $0x0, s20;
	[sflag:s22] =	ssyncset.done $0x0  }
0xa0: {  	[sflag:s22] =	ssyncadd.s32 s3;
	_ =	sdelay $0x1  }
0xa1: {  	s23 =	simm.s32 $0x1B8B  }
0xa2: {  	_ =	swait.ge [sflag:s23], $0x1  }
0xa3: {  	[sflag:s23] =	ssyncset.done $0x0  }
0xa4: {  	s25 =	simm.s32 $0x1B8E;
	s24 =	sld [smem:$0x3FFE];
	[sflag:s23] =	ssyncadd.s32 $0xFFFFFFFF  }
0xa5: {  	s26 =	simm.s32 $execute0_lowered;
	[smem:$0x3FD2] =	sst s25  }
0xa6: {  	s4 =	sshll.u32 s26, $0x1;
	_ =	strace $0x80000046;
	[dreg:$0x1] =	wrdreg $0xFFFFFFFF  }
0xa7: {  	s28 =	simm.s32 $_size_execute0_lowered;
	s2 =	sadd.s32 s2, s4;
	[dreg:$0x0] =	wrdreg $0x0  }
0xa8: {  	s4 =	sshll.u32 s28, $0x1;
	[dreg:$0x2] =	wrdreg s2  }
0xa9: {  	[dreg:$0x3] =	wrdreg s4  }
0xaa: {  	[dreg:$0x4] =	wrdreg $0xC0  }
0xab: {  	_ =	task [dreg:s6], $0x5FFFF  }
0xac: {  	[dreg:$0x1] =	wrdreg $0xFFFFFFFF  }
0xad: {  	[dreg:$0x0] =	wrdreg $0x60  }
0xae: {  	[dreg:$0x2] =	wrdreg s24  }
0xaf: {  	[dreg:$0x3] =	wrdreg $0x40000  }
0xb0: {  	[dreg:$0x4] =	wrdreg $0x9  }
0xb1: {  	_ =	task.clear_ibuf [dreg:s6], $0x5FFFF;
	_ =	strace $0x90000046  }
0xb2: {  	s29 =	simm.s32 $0x9;
	_ =	strace $0x80000048  }
0xb3: {  	_ =	swait.ge [sflag:s29], $0x1  }
0xb4: {  	[sflag:s29] =	ssyncadd.s32 $0xFFFFFFFF  }
0xb5: {  	_ =	strace $0x90000048  }
0xb6: {  	_ =	sfence  }
0xb7: {  	s30 =	sld [smem:$0x0];
	_ =	sdelay $0x2  }
0xb8: {  	s31 =	sshll.u32 s1, $0xD;
	s1 =	sshrl.u32 s1, $0x2  }
0xb9: {  	s3 =	sand.u32 $0x4000, s31;
	s1 =	sadd.s32 s1, s30  }
0xba: {  	s0 =	sor.u32 s3, s0;
	s1 =	sshll.u32 s1, $0x11  }
0xbb: {  	s0 =	sor.u32 s1, s0  }
0xbc: {  	s0 =	sadd.s32 $0x8F2B, s0  }
0xbd: {  	[sflag:s0] =	ssyncadd.remote.s32 $0x1  }
0xbe: {  	_ =	sfence.sel $0xFFFF  }
0xbf: {  	[dreg:$0x0] =	wrdreg $0xFFFFFFFF;
	(pc) =	sbr.abs _section_cstart, $3  }
0xc0: {  	[dreg:$0x1] =	wrdreg $0xFFFFFFFF  }
0xc1: {  	_ =	task.clear_ibuf [dreg:s6], $0x2FFFF;
	_ =	strace $0x9FFFFFFF  }
0xc2: {  	(tm) =	ssettm $0x7FFFFFFF  }
0xc3: {  	_ =	shalt  }
tec
execute0_lowered:
.L_overlay_start_1:
0x0: {  	(tag) =	ssettag $0x1  }
0x1: {  	s0 =	rddreg [dreg:$0x0]  }
0x2: {  	s2 =	rddreg [dreg:$0x1]  }
0x3: {  	s1 =	srdreg.scid;
	s13 =	stileid.u32  }
0x4: {  	s3 =	simm.s32 $0x0;
	s28 =	simm.s32 $0x17D00;
	s6 =	smul.u32 $0x4F000, s13  }
0x5: {  	s29 =	simm.s32 $0x7;
	s30 =	simm.s32 $0x1;
	s10 =	smul.u32 $0x13C00, s13  }
0x6: {  	s1 =	sand.u32 $0x1, s1;
	s4 =	sshll.u32 s13, $0x1;
	s13 =	smul.u32 $0x5100, s13  }
0x7: {  	s31 =	simm.s32 $0x80;
	[smem:$0x7FF] =	sst s3;
	s11 =	smul.u32 $0x13C000, s1  }
0x8: {  	s4 =	sor.u32 s1, s4;
	s7 =	ssub.s32 $0x2, s1;
	s1 =	smul.u32 $0x2880, s1  }
0x9: {  	_ =	strace $0x80000047;
	s5 =	smul.u32 $0x2880, s4;
	s4 =	sadd.s32 $0x2400, s0  }
0xa: {  	s0 =	sadd.s32 $0xC600, s0;
	s8 =	sshrl.u32 s7, $0x1;
	s9 =	sadd.s32 $0x10000, s10  }
0xb: {  	s6 =	sshrl.u32 s6, $0x2;
	s17 =	sadd.s32 $0x4000, s10;
	s21 =	sadd.s32 $0x8000, s10  }
0xc: {  	s7 =	ssub.s32 s7, s8;
	s12 =	sadd.s32 s11, s9;
	s8 =	sadd.s32 s6, s2  }
0xd: {  	s26 =	sadd.s32 s11, s10;
	s9 =	sadd.s32 s9, s2;
	s20 =	sadd.s32 s11, s17  }
0xe: {  	s22 =	sadd.s32 s11, s21;
	s10 =	sadd.s32 $0xC000, s10;
	s1 =	sadd.s32 s1, s13  }
0xf: {  	s5 =	sshrl.u32 s5, $0x3;
	s25 =	sshrl.u32 s12, $0x3;
	s14 =	sshrl.u32 s26, $0x3  }
0x10: {  	s16 =	smax.u32 s7, $0x1;
	s18 =	sadd.s32 $0x4000, s8;
	s19 =	sadd.s32 $0x8000, s8  }
0x11: {  	s7 =	sshrl.u32 s20, $0x3;
	s23 =	sadd.s32 s11, s10;
	s26 =	sadd.s32 $0x200, s1  }
0x12: {  	s10 =	sadd.s32 s10, s2;
	s11 =	simm.s32 $0x0;
	[dreg:$0x8] =	wrdreg s16  }
0x13: {  	s5 =	sadd.s32 s4, s5;
	s6 =	sadd.s32 s0, s25;
	[dreg:$0x9] =	wrdreg s18  }
0x14: {  	s15 =	sadd.s32 s0, s14;
	[dreg:$0xa] =	wrdreg s19;
	s16 =	sadd.s32 s0, s7  }
0x15: {  	s7 =	sshrl.u32 s22, $0x3;
	s25 =	sadd.s32 $0x280, s1;
	[dreg:$0x3] =	wrdreg s5  }
0x16: {  	s22 =	simm.s32 $0x17C00;
	s24 =	sadd.s32 $0x10, s5;
	[dreg:$0x6] =	wrdreg s6  }
0x17: {  	s5 =	sadd.s32 $0x20, s5;
	[dreg:$0x7] =	wrdreg s15;
	s15 =	sadd.s32 $0xC000, s8  }
0x18: {  	s6 =	sadd.s32 s17, s2;
	s17 =	sadd.s32 s0, s7;
	[dreg:$0x4] =	wrdreg s24  }
0x19: {  	s7 =	sshrl.u32 s23, $0x3;
	[dreg:$0x5] =	wrdreg s5;
	s24 =	sadd.s32 s21, s2  }
0x1a: {  	s18 =	sadd.s32 s0, s7;
	s0 =	sshrl.u32 s25, $0x3;
	s7 =	sshrl.u32 s26, $0x3  }
0x1b: {  	s21 =	sadd.s32 $0x180, s1;
	s23 =	sshrl.u32 s6, $0x3;
	s25 =	sshrl.u32 s10, $0x3  }
0x1c: {  	s26 =	simm.s32 $0x17C80;
	s1 =	simm.s32 $0x3;
	s6 =	simm.s32 $0x4  }
0x1d: {  	s10 =	simm.s32 $0x6;
	s19 =	sadd.s32 s0, s4;
	s20 =	sadd.s32 s7, s4  }
0x1e: {  	v0 =	vimm.f32 $0.0e+00;
	v1 =	vimm.f32 $7.812500000e-03;
	s24 =	sshrl.u32 s24, $0x3;
	s0 =	simm.s32 $0x2;
	s7 =	simm.s32 $0x5  }
.LBB2_1:
0x1f: {  	s5 =	rddreg [dreg:$0x3]  }
0x20: {  	[tilespmem:s22], [sflag:$0x1] =	stream.linear.gather [hbm4b:s5+s3], $0x80, $0x38;
	[tilespmem:$0x17D80] =	vst v63  }
0x21: {  	s13 =	rddreg [dreg:$0x4]  }
0x22: {  	[tilespmem:s26], [sflag:$0x2] =	stream.linear.gather [hbm4b:s13+s3], $0x80, $0x38;
	[tilespmem:$0x17D80] =	vst v63  }
0x23: {  	s14 =	rddreg [dreg:$0x5];
	s12 =	simm.s32 $0x0;
	s13 =	simm.s32 $0x200  }
0x24: {  	[tilespmem:s28], [sflag:$0x3] =	stream.linear.gather [hbm4b:s14+s3], $0x80, $0x38;
	[tilespmem:$0x17D80] =	vst v63  }
.LBB2_2:
0x25: {  	p0 =	sne.s32 s13, $0xFE00;
	[tilespmem:s12+$0x70] =	vst v0  }
0x26: {  	[tilespmem:s12+$0x0] =	vst v0  }
0x27: {  	[tilespmem:s12+$0x10] =	vst v0  }
.Ltmp0:
0x28: {  	[tilespmem:s12+$0x20] =	vst v0;
	(pc) =	sbr.rel @p0 .LBB2_2-.Ltmp0, $4  }
0x29: {  	[tilespmem:s12+$0x30] =	vst v0  }
0x2a: {  	[tilespmem:s12+$0x40] =	vst v0  }
0x2b: {  	[tilespmem:s12+$0x50] =	vst v0  }
0x2c: {  	[tilespmem:s12+$0x60] =	vst v0;
	s12 =	sshra.s32 s13, $0x2;
	s13 =	sadd.s32 $0x200, s13  }
0x2d: {  	[tilespmem:s12+$0x70] =	vst v0  }
0x2e: {  	[tilespmem:s12+$0x0] =	vst v0  }
0x2f: {  	[tilespmem:s12+$0x10] =	vst v0  }
0x30: {  	[tilespmem:s12+$0x20] =	vst v0  }
0x31: {  	[tilespmem:s12+$0x30] =	vst v0  }
0x32: {  	[tilespmem:s12+$0x40] =	vst v0  }
0x33: {  	[tilespmem:s12+$0x50] =	vst v0  }
0x34: {  	[tilespmem:s12+$0x60] =	vst v0;
	s13 =	simm.s32 $0x0  }
0x35: {  	[spmem:s8] =	stream.linear.scatter [tilespmem:s13], [sflag:$0x7], $0x4000, $0x38;
	[tilespmem:$0x17D80] =	vst v63  }
0x36: {  	_ =	swait.ge [sflag:s29], $0x4000  }
0x37: {  	[sflag:s29] =	ssyncset.done $0x0  }
0x38: {  	s5 =	rddreg [dreg:$0x9];
	[sflag:s29] =	ssyncadd.s32 $0xFFFFC000  }
0x39: {  	[spmem:s5] =	stream.linear.scatter [tilespmem:s13], [sflag:$0x7], $0x4000, $0x38;
	[tilespmem:$0x17D80] =	vst v63  }
0x3a: {  	_ =	swait.ge [sflag:s29], $0x4000  }
0x3b: {  	[sflag:s29] =	ssyncset.done $0x0  }
0x3c: {  	s14 =	rddreg [dreg:$0xa];
	[sflag:s29] =	ssyncadd.s32 $0xFFFFC000  }
0x3d: {  	[spmem:s14] =	stream.linear.scatter [tilespmem:s13], [sflag:$0x7], $0x4000, $0x38;
	[tilespmem:$0x17D80] =	vst v63  }
0x3e: {  	_ =	swait.ge [sflag:s29], $0x4000  }
0x3f: {  	[sflag:s29] =	ssyncset.done $0x0  }
0x40: {  	[sflag:s29] =	ssyncadd.s32 $0xFFFFC000  }
0x41: {  	[spmem:s15] =	stream.linear.scatter [tilespmem:s13], [sflag:$0x7], $0x4000, $0x38;
	[tilespmem:$0x17D80] =	vst v63  }
0x42: {  	_ =	swait.ge [sflag:s29], $0x4000  }
0x43: {  	[sflag:s29] =	ssyncset.done $0x0  }
0x44: {  	[sflag:s29] =	ssyncadd.s32 $0xFFFFC000  }
0x45: {  	[spmem:s9] =	stream.linear.scatter [tilespmem:s13], [sflag:$0x7], $0x3C00, $0x38;
	[tilespmem:$0x17D80] =	vst v63  }
0x46: {  	_ =	swait.ge [sflag:s29], $0x3C00  }
0x47: {  	[sflag:s29] =	ssyncset.done $0x0  }
0x48: {  	s12 =	simm.s32 $0x0;
	s13 =	simm.s32 $0x200;
	[sflag:s29] =	ssyncadd.s32 $0xFFFFC400  }
.LBB2_4:
0x49: {  	p0 =	sne.s32 s13, $0xFE00;
	[tilespmem:s12+$0x70] =	vst v1  }
0x4a: {  	[tilespmem:s12+$0x0] =	vst v1  }
0x4b: {  	[tilespmem:s12+$0x10] =	vst v1  }
.Ltmp1:
0x4c: {  	[tilespmem:s12+$0x20] =	vst v1;
	(pc) =	sbr.rel @p0 .LBB2_4-.Ltmp1, $4  }
0x4d: {  	[tilespmem:s12+$0x30] =	vst v1  }
0x4e: {  	[tilespmem:s12+$0x40] =	vst v1  }
0x4f: {  	[tilespmem:s12+$0x50] =	vst v1  }
0x50: {  	[tilespmem:s12+$0x60] =	vst v1;
	s12 =	sshra.s32 s13, $0x2;
	s13 =	sadd.s32 $0x200, s13  }
0x51: {  	[tilespmem:s12+$0x70] =	vst v1  }
0x52: {  	[tilespmem:s12+$0x0] =	vst v1  }
0x53: {  	[tilespmem:s12+$0x10] =	vst v1  }
0x54: {  	[tilespmem:s12+$0x20] =	vst v1  }
0x55: {  	[tilespmem:s12+$0x30] =	vst v1  }
0x56: {  	[tilespmem:s12+$0x40] =	vst v1  }
0x57: {  	[tilespmem:s12+$0x50] =	vst v1  }
0x58: {  	[tilespmem:s12+$0x60] =	vst v1  }
0x59: {  	[bflag:$0x0] =	sbarrier.arrive $0xFFFF  }
0x5a: {  	_ =	swait.ge [sflag:s30], $0x80  }
0x5b: {  	[sflag:s30] =	ssyncset.done $0x0  }
0x5c: {  	[sflag:s30] =	ssyncadd.s32 $0xFFFFFF80  }
0x5d: {  	[spmem:s2] =	stream.indirect.scatter.add.f32 [tilespmem:s3], [sflag:$0x4], $0x80, s22, s31, $0xb8;
	[tilespmem:$0x17D80] =	vst v63  }
0x5e: {  	_ =	swait.ge [sflag:s0], $0x80  }
0x5f: {  	[sflag:s0] =	ssyncset.done $0x0  }
0x60: {  	[sflag:s0] =	ssyncadd.s32 $0xFFFFFF80  }
0x61: {  	[spmem:s2] =	stream.indirect.scatter.add.f32 [tilespmem:s3], [sflag:$0x5], $0x80, s26, s31, $0xb8;
	[tilespmem:$0x17D80] =	vst v63  }
0x62: {  	_ =	swait.ge [sflag:s1], $0x80  }
0x63: {  	[sflag:s1] =	ssyncset.done $0x0  }
0x64: {  	[sflag:s1] =	ssyncadd.s32 $0xFFFFFF80  }
0x65: {  	[spmem:s2] =	stream.indirect.scatter.add.f32 [tilespmem:s3], [sflag:$0x6], $0x80, s28, s31, $0xb8;
	[tilespmem:$0x17D80] =	vst v63  }
0x66: {  	_ =	swait.ge [sflag:s6], $0x4000  }
0x67: {  	s13 =	sshrl.u32 s21, $0x3;
	[sflag:s6] =	ssyncset.done $0x0  }
0x68: {  	s12 =	sadd.s32 s4, s13;
	[sflag:s6] =	ssyncadd.s32 $0xFFFFC000  }
0x69: {  	[tilespmem:s22], [sflag:$0x1] =	stream.linear.gather [hbm4b:s12+s3], $0x80, $0x38;
	[tilespmem:$0x17D80] =	vst v63  }
0x6a: {  	_ =	swait.ge [sflag:s7], $0x4000  }
0x6b: {  	[sflag:s7] =	ssyncset.done $0x0  }
0x6c: {  	s14 =	sadd.s32 $0x0, s20;
	[sflag:s7] =	ssyncadd.s32 $0xFFFFC000  }
0x6d: {  	[tilespmem:s26], [sflag:$0x2] =	stream.linear.gather [hbm4b:s14+s3], $0x80, $0x38;
	[tilespmem:$0x17D80] =	vst v63  }
0x6e: {  	_ =	swait.ge [sflag:s10], $0x4000  }
0x6f: {  	s13 =	sadd.s32 $0x180, s21;
	[sflag:s10] =	ssyncset.done $0x0  }
0x70: {  	s12 =	simm.s32 $0x30;
	s14 =	sadd.s32 $0x0, s19;
	[sflag:s10] =	ssyncadd.s32 $0xFFFFC000  }
.LBB2_6:
0x71: {  	[tilespmem:s28], [sflag:$0x3] =	stream.linear.gather [hbm4b:s14+s3], $0x80, $0x38;
	[tilespmem:$0x17D80] =	vst v63  }
0x72: {  	s14 =	smov.u32 s12  }
0x73: {  	p0 =	sne.s32 s12, $0x4B0;
	s12 =	sadd.s32 $0x30, s12;
	_ =	swait.ge [sflag:s30], $0x80  }
0x74: {  	[sflag:s30] =	ssyncset.done $0x0  }
0x75: {  	[sflag:s30] =	ssyncadd.s32 $0xFFFFFF80  }
0x76: {  	[spmem:s2] =	stream.indirect.scatter.add.f32 [tilespmem:s3], [sflag:$0x4], $0x80, s22, s31, $0xb8;
	[tilespmem:$0x17D80] =	vst v63  }
0x77: {  	_ =	swait.ge [sflag:s0], $0x80  }
0x78: {  	[sflag:s0] =	ssyncset.done $0x0  }
0x79: {  	[sflag:s0] =	ssyncadd.s32 $0xFFFFFF80  }
0x7a: {  	[spmem:s2] =	stream.indirect.scatter.add.f32 [tilespmem:s3], [sflag:$0x5], $0x80, s26, s31, $0xb8;
	[tilespmem:$0x17D80] =	vst v63  }
0x7b: {  	_ =	swait.ge [sflag:s1], $0x80  }
0x7c: {  	[sflag:s1] =	ssyncset.done $0x0  }
0x7d: {  	[sflag:s1] =	ssyncadd.s32 $0xFFFFFF80  }
0x7e: {  	[spmem:s2] =	stream.indirect.scatter.add.f32 [tilespmem:s3], [sflag:$0x6], $0x80, s28, s31, $0xb8;
	[tilespmem:$0x17D80] =	vst v63  }
0x7f: {  	_ =	swait.ge [sflag:s6], $0x4000  }
0x80: {  	s5 =	sshrl.u32 s13, $0x3;
	[sflag:s6] =	ssyncset.done $0x0  }
0x81: {  	s5 =	sadd.s32 s4, s5;
	[sflag:s6] =	ssyncadd.s32 $0xFFFFC000  }
0x82: {  	[tilespmem:s22], [sflag:$0x1] =	stream.linear.gather [hbm4b:s5+s3], $0x80, $0x38;
	[tilespmem:$0x17D80] =	vst v63  }
0x83: {  	_ =	swait.ge [sflag:s7], $0x4000  }
0x84: {  	[sflag:s7] =	ssyncset.done $0x0  }
.Ltmp2:
0x85: {  	s5 =	sadd.s32 s14, s20;
	[sflag:s7] =	ssyncadd.s32 $0xFFFFC000;
	(pc) =	sbr.rel @p0 .LBB2_6-.Ltmp2, $4  }
0x86: {  	[tilespmem:s26], [sflag:$0x2] =	stream.linear.gather [hbm4b:s5+s3], $0x80, $0x38;
	[tilespmem:$0x17D80] =	vst v63  }
0x87: {  	_ =	swait.ge [sflag:s10], $0x4000  }
0x88: {  	[sflag:s10] =	ssyncset.done $0x0  }
0x89: {  	s13 =	sadd.s32 $0x180, s13;
	s14 =	sadd.s32 s14, s19;
	[sflag:s10] =	ssyncadd.s32 $0xFFFFC000  }
0x8a: {  	[tilespmem:s28], [sflag:$0x3] =	stream.linear.gather [hbm4b:s14+s3], $0x80, $0x38;
	[tilespmem:$0x17D80] =	vst v63  }
0x8b: {  	_ =	swait.ge [sflag:s30], $0x80  }
0x8c: {  	[sflag:s30] =	ssyncset.done $0x0  }
0x8d: {  	[sflag:s30] =	ssyncadd.s32 $0xFFFFFF80  }
0x8e: {  	[spmem:s2] =	stream.indirect.scatter.add.f32 [tilespmem:s3], [sflag:$0x4], $0x80, s22, s31, $0xb8;
	[tilespmem:$0x17D80] =	vst v63  }
0x8f: {  	_ =	swait.ge [sflag:s0], $0x80  }
0x90: {  	[sflag:s0] =	ssyncset.done $0x0  }
0x91: {  	[sflag:s0] =	ssyncadd.s32 $0xFFFFFF80  }
0x92: {  	[spmem:s2] =	stream.indirect.scatter.add.f32 [tilespmem:s3], [sflag:$0x5], $0x80, s26, s31, $0xb8;
	[tilespmem:$0x17D80] =	vst v63  }
0x93: {  	_ =	swait.ge [sflag:s1], $0x80  }
0x94: {  	[sflag:s1] =	ssyncset.done $0x0  }
0x95: {  	[sflag:s1] =	ssyncadd.s32 $0xFFFFFF80  }
0x96: {  	[spmem:s2] =	stream.indirect.scatter.add.f32 [tilespmem:s3], [sflag:$0x6], $0x80, s28, s31, $0xb8;
	[tilespmem:$0x17D80] =	vst v63  }
0x97: {  	_ =	swait.ge [sflag:s6], $0x4000  }
0x98: {  	[sflag:s6] =	ssyncset.done $0x0  }
0x99: {  	[sflag:s6] =	ssyncadd.s32 $0xFFFFC000  }
0x9a: {  	_ =	swait.ge [sflag:s7], $0x4000  }
0x9b: {  	[sflag:s7] =	ssyncset.done $0x0  }
0x9c: {  	[sflag:s7] =	ssyncadd.s32 $0xFFFFC000  }
0x9d: {  	_ =	swait.ge [sflag:s10], $0x4000  }
0x9e: {  	[sflag:s10] =	ssyncset.done $0x0  }
0x9f: {  	s5 =	stileid.u32;
	[sflag:s10] =	ssyncadd.s32 $0xFFFFC000  }
0xa0: {  	s5 =	sshll.u32 s5, $0x6;
	[bflag:$0x0] =	sbarrier.arrive $0xFFFF  }
0xa1: {  	s12 =	sshrl.u32 s8, $0x3;
	s5 =	sor.u32 $0x1C07, s5;
	s13 =	rddreg [dreg:$0x7]  }
0xa2: {  	[hbm:s13], [sflag:s5] =	dma.local [spmem:s12], $0x800  }
0xa3: {  	_ =	swait.ge [sflag:s29], $0x800  }
0xa4: {  	[sflag:s29] =	ssyncset.done $0x0  }
0xa5: {  	[sflag:s29] =	ssyncadd.s32 $0xFFFFF800  }
0xa6: {  	[hbm:s16], [sflag:s5] =	dma.local [spmem:s23], $0x800  }
0xa7: {  	_ =	swait.ge [sflag:s29], $0x800  }
0xa8: {  	[sflag:s29] =	ssyncset.done $0x0  }
0xa9: {  	[sflag:s29] =	ssyncadd.s32 $0xFFFFF800  }
0xaa: {  	[hbm:s17], [sflag:s5] =	dma.local [spmem:s24], $0x800  }
0xab: {  	_ =	swait.ge [sflag:s29], $0x800  }
0xac: {  	[sflag:s29] =	ssyncset.done $0x0  }
0xad: {  	[sflag:s29] =	ssyncadd.s32 $0xFFFFF800  }
0xae: {  	[hbm:s18], [sflag:s5] =	dma.local [spmem:s25], $0x800  }
0xaf: {  	_ =	swait.ge [sflag:s29], $0x800  }
0xb0: {  	[sflag:s29] =	ssyncset.done $0x0  }
0xb1: {  	s13 =	sshrl.u32 s9, $0x3;
	s14 =	rddreg [dreg:$0x6];
	[sflag:s29] =	ssyncadd.s32 $0xFFFFF800  }
0xb2: {  	[hbm:s14], [sflag:s5] =	dma.local [spmem:s13], $0x780  }
0xb3: {  	_ =	swait.ge [sflag:s29], $0x780  }
0xb4: {  	s11 =	sadd.s32 $0x1, s11;
	s14 =	rddreg [dreg:$0x8]  }
0xb5: {  	p0 =	sne.s32 s11, s14  }
.Ltmp3:
0xb6: {  	_ = 	snop;
	(pc) =	sbr.rel @p0 .LBB2_1-.Ltmp3, $3  }
0xb7: {  	_ =	sdelay $0x1  }
0xb8: {  	[sflag:s29] =	ssyncset.done $0x0  }
0xb9: {  	[sflag:s29] =	ssyncadd.s32 $0xFFFFF880  }
0xba: {  	_ =	sfence.sel $0x180000  }
0xbb: {  	[bflag:$0x0] =	sbarrier.arrive $0xFFFF  }
0xbc: {  	_ =	strace $0x90000047  }
0xbd: {  	s0 =	stileid.u32;
	[bflag:$0x2] =	sbarrier.arrive $0xFFFF  }
0xbe: {  	p0 =	sne.s32 s0, $0x0;
	s0 =	rddreg [dreg:$0x2]  }
0xbf: {  	s0 =	sadd.s32 @!p0 $0x100000, s0  }
0xc0: {  	[sflag:s0] =	ssyncadd.tile.s32 @!p0 $0x1;
	_ =	shalt  }
.Lfunc_end2:
_tile_overlayer_lowered:
.L_overlay_start_2:
0xc1: {  	(tag) =	ssettag $0x2  }
0xc2: {  	s0 =	rddreg [dreg:$0x0];
	s2 =	stileid.u32  }
0xc3: {  	s1 =	rddreg [dreg:$0x1];
	p0 =	sne.s32 s2, $0x0  }
0xc4: {  	s3 =	rddreg [dreg:$0x2];
	[bflag:$0x3] =	sbarrier.arrive $0xFFFF;
	s2 =	simm.s32 @!p0 $0x1C07  }
0xc5: {  	[timem:s3], [sflag:s2] =	dma.local @!p0 [hbm:s0], s1  }
0xc6: {  	s0 =	simm.s32 @!p0 $0x7  }
0xc7: {  	_ =	swait.ge @!p0 [sflag:s0], s1  }
0xc8: {  	s1 =	ssub.s32 @!p0 $0x0, s1;
	[sflag:s0] =	ssyncset.done @!p0 $0x0  }
0xc9: {  	[sflag:s0] =	ssyncadd.s32 @!p0 s1  }
0xca: {  	[bflag:$0x3] =	sbarrier.arrive $0xFFFF  }
0xcb: {  	_ =	shalt  }

</sc_bundles>
